<compile_context>
chip_gen: v7x
topology: tpu7x:2x2x1
jax: 0.10.2.dev20260603
libtpu: 0.0.44.dev20260713+nightly
codegen_flags: <defaults>
</compile_context>

<pallas_src>
import functools

import jax
import jax.numpy as jnp
from jax import lax
from jax.experimental import pallas as pl
from jax.experimental.pallas import tpu as pltpu
from jax.experimental.pallas import tpu_sc as plsc

EMB = 64
MAX_SEQ = 200
BATCH = 4096
N_FLAT = BATCH * MAX_SEQ
NC, NS = 2, 16
NW = NC * NS
SPAN = N_FLAT // NW
CHUNK = 256
N_CHUNKS = SPAN // CHUNK
IDXW = 128
N_STREAMS = CHUNK // IDXW
IDX_ROWS_PER_WORKER = SPAN // IDXW


def _combo_body(l_ref, p_ref, o_ref):
    pos = p_ref[...]
    o_ref[...] = jnp.concatenate(
        [pos + l_ref[l, :][None, :] for l in range(4)], axis=0)


def _make_combo(label_table, pos_table):
    return pl.pallas_call(
        _combo_body,
        out_shape=jax.ShapeDtypeStruct((4 * MAX_SEQ, EMB), jnp.float32),
    )(label_table, pos_table)


@functools.partial(
    pl.kernel,
    out_type=jax.ShapeDtypeStruct((N_FLAT, 2 * EMB), jnp.float32),
    mesh=plsc.VectorSubcoreMesh(core_axis_name="c", subcore_axis_name="s"),
    scratch_types=[
        pltpu.VMEM((N_STREAMS, IDXW), jnp.int32),
        pltpu.VMEM((N_STREAMS, IDXW), jnp.int32),
        pltpu.VMEM((N_STREAMS, IDXW), jnp.int32),
        pltpu.VMEM((N_STREAMS, IDXW), jnp.int32),
        pltpu.VMEM((CHUNK, EMB), jnp.float32),
        pltpu.VMEM((CHUNK, EMB), jnp.float32),
        pltpu.VMEM((CHUNK, EMB), jnp.float32),
        pltpu.VMEM((CHUNK, EMB), jnp.float32),
        pltpu.SemaphoreType.DMA,
        pltpu.SemaphoreType.DMA,
        pltpu.SemaphoreType.DMA,
        pltpu.SemaphoreType.DMA,
        pltpu.SemaphoreType.DMA,
        pltpu.SemaphoreType.DMA,
    ],
    compiler_params=pltpu.CompilerParams(use_tc_tiling_on_sc=False),
)
def _sc_lookup(ttab, combo, tidx, labl, out,
               ti0, ti1, ci0, ci1, a0, a1, b0, b1,
               si0, si1, sg0, sg1, so0, so1):
    wid = lax.axis_index("s") * NC + lax.axis_index("c")
    row0 = wid * IDX_ROWS_PER_WORKER
    base0 = wid * SPAN
    ti, ci, abuf, bbuf = (ti0, ti1), (ci0, ci1), (a0, a1), (b0, b1)
    si, sg, so = (si0, si1), (sg0, sg1), (so0, so1)

    def idx_rows(k):
        return pl.ds(row0 + k * N_STREAMS, N_STREAMS)

    def issue_idx(k, s):
        pltpu.async_copy(tidx.at[idx_rows(k)], ti[s], si[s])
        pltpu.async_copy(labl.at[idx_rows(k)], ci[s], si[s])

    def wait_idx(k, s):
        pltpu.make_async_copy(tidx.at[idx_rows(k)], ti[s], si[s]).wait()
        pltpu.make_async_copy(labl.at[idx_rows(k)], ci[s], si[s]).wait()

    def compute_cidx(k, s):
        base = base0 + k * CHUNK
        for j in range(N_STREAMS):
            for q in range(IDXW // 16):
                sl = pl.ds(q * 16, 16)
                off = base + j * IDXW + q * 16
                posv = (lax.iota(jnp.int32, 16) + off) % MAX_SEQ
                ci[s][j, sl] = ci[s][j, sl] * MAX_SEQ + posv

    def issue_gathers(k, s):
        for j in range(N_STREAMS):
            d = pl.ds(j * IDXW, IDXW)
            pltpu.async_copy(ttab.at[ti[s].at[j]], abuf[s].at[d], sg[s])
            pltpu.async_copy(combo.at[ci[s].at[j]], bbuf[s].at[d], sg[s])

    def wait_gathers(k, s):
        for j in range(N_STREAMS):
            d = pl.ds(j * IDXW, IDXW)
            pltpu.make_async_copy(ttab.at[ti[s].at[j]], abuf[s].at[d], sg[s]).wait()
            pltpu.make_async_copy(combo.at[ci[s].at[j]], bbuf[s].at[d], sg[s]).wait()

    def out_dst(k):
        return out.at[pl.ds(base0 + k * CHUNK, CHUNK), pl.ds(0, EMB)]

    def issue_out(k, s):
        pltpu.async_copy(abuf[s], out_dst(k), so[s])

    def wait_out(k, s):
        pltpu.make_async_copy(abuf[s], out_dst(k), so[s]).wait()

    def add_loop(s):
        a, b = abuf[s], bbuf[s]

        def row_body(r, _):
            for q in range(EMB // 16):
                sl = pl.ds(q * 16, 16)
                a[r, sl] = (a[r, sl] + b[r, sl]) * (1.0 / 3.0)
            return _

        lax.fori_loop(0, CHUNK, row_body, 0)

    issue_idx(0, 0)
    issue_idx(1, 1)
    wait_idx(0, 0)
    compute_cidx(0, 0)
    issue_gathers(0, 0)

    def steady(k, par):
        nxt = 1 - par
        wait_idx(k + 1, nxt)
        compute_cidx(k + 1, nxt)
        wait_gathers(k, par)
        issue_idx(k + 2, par)

        @pl.when(k >= 1)
        def _():
            wait_out(k - 1, nxt)

        issue_gathers(k + 1, nxt)
        add_loop(par)
        issue_out(k, par)

    def fori_body(c2, carry):
        for par in (0, 1):
            steady(2 * c2 + par, par)
        return carry

    lax.fori_loop(0, (N_CHUNKS - 2) // 2, fori_body, 0)

    k = N_CHUNKS - 2
    wait_gathers(k, 0)
    wait_idx(k + 1, 1)
    compute_cidx(k + 1, 1)
    wait_out(k - 1, 1)
    issue_gathers(k + 1, 1)
    add_loop(0)
    issue_out(k, 0)
    k = N_CHUNKS - 1
    wait_gathers(k, 1)
    add_loop(1)
    issue_out(k, 1)
    wait_out(k - 1, 0)
    wait_out(k, 1)


def kernel(label, time_idx, time_table, label_table, pos_table):
    tidx = time_idx.astype(jnp.int32).reshape(N_FLAT // IDXW, IDXW)
    labl32 = lax.optimization_barrier(label.astype(jnp.int32))
    labl = labl32.reshape(N_FLAT // IDXW, IDXW)
    combo = _make_combo(label_table, pos_table)
    out = _sc_lookup(time_table, combo, tidx, labl)
    return out[:, :EMB].reshape(BATCH, MAX_SEQ, EMB)

# --- scband reference (transcript-rebuilt; emitter-appended) ---
"""Pipeline reference for scband-decoder-embedding-80410377715797 (READ-ONLY COPY).

The authoritative reference and input builder live on the scoring server;
editing this copy changes nothing except your own understanding.
"""

import jax, jax.numpy as jnp
import numpy as np

EMB_DIM = 64
N_TIMES = 100000
MAX_SEQ = 200
BATCH = 4096


def setup_inputs(seed: int = 0) -> dict:
    key = jax.random.key(seed)
    k1, k2, k3, k4, k5 = jax.random.split(key, 5)
    label = jax.random.randint(k1, (BATCH, MAX_SEQ), 0, 4, dtype=jnp.int64) if jax.config.jax_enable_x64 else jax.random.randint(k1, (BATCH, MAX_SEQ), 0, 4, dtype=jnp.int32)
    time_idx = jax.random.randint(k2, (BATCH, MAX_SEQ), 0, N_TIMES + 1, dtype=jnp.int32)
    time_table = jax.random.normal(k3, (N_TIMES + 1, EMB_DIM), dtype=jnp.float32)
    time_table = time_table.at[0].set(0.0)  # padding_idx=0
    label_table = jax.random.normal(k4, (4, EMB_DIM), dtype=jnp.float32)
    label_table = label_table.at[0].set(0.0)  # padding_idx=0
    pos_table = jax.random.normal(k5, (MAX_SEQ, EMB_DIM), dtype=jnp.float32)
    return {
        "label": label,
        "time_idx": time_idx,
        "time_table": time_table,
        "label_table": label_table,
        "pos_table": pos_table,
    }


def reference(label, time_idx, time_table, label_table, pos_table):
    label_emb = jnp.take(label_table, label, axis=0)          # [B, S, D]
    time_emb = jnp.take(time_table, time_idx, axis=0)         # [B, S, D]
    pos = jnp.arange(MAX_SEQ)[None, :]                        # [1, S]
    pos_emb = jnp.take(pos_table, pos, axis=0)                # [1, S, D]
    dec_emb = (label_emb + time_emb + pos_emb) / 3.0
    return dec_emb

if __name__ == "__main__":
    import jax
    _d = setup_inputs()
    print(jax.jit(kernel)(*tuple(_d.values())))

</pallas_src>

<mosaic_0001>
#map = affine_map<(d0, d1) -> (0, 0)>
module attributes {stable_mosaic.version = 14 : i64} {
  func.func @_sc_lookup(%arg0: i32, %arg1: i32, %arg2: memref<100001x64xf32, #tpu.memory_space<hbm>>, %arg3: memref<800x64xf32, #tpu.memory_space<hbm>>, %arg4: memref<6400x128xi32, #tpu.memory_space<hbm>>, %arg5: memref<6400x128xi32, #tpu.memory_space<hbm>>, %arg6: memref<819200x128xf32, #tpu.memory_space<hbm>>, %arg7: memref<2x128xi32, #tpu.memory_space<vmem>>, %arg8: memref<2x128xi32, #tpu.memory_space<vmem>>, %arg9: memref<2x128xi32, #tpu.memory_space<vmem>>, %arg10: memref<2x128xi32, #tpu.memory_space<vmem>>, %arg11: memref<256x64xf32, #tpu.memory_space<vmem>>, %arg12: memref<256x64xf32, #tpu.memory_space<vmem>>, %arg13: memref<256x64xf32, #tpu.memory_space<vmem>>, %arg14: memref<256x64xf32, #tpu.memory_space<vmem>>, %arg15: memref<!tpu.dma_semaphore, #tpu.memory_space<semaphore_mem>>, %arg16: memref<!tpu.dma_semaphore, #tpu.memory_space<semaphore_mem>>, %arg17: memref<!tpu.dma_semaphore, #tpu.memory_space<semaphore_mem>>, %arg18: memref<!tpu.dma_semaphore, #tpu.memory_space<semaphore_mem>>, %arg19: memref<!tpu.dma_semaphore, #tpu.memory_space<semaphore_mem>>, %arg20: memref<!tpu.dma_semaphore, #tpu.memory_space<semaphore_mem>>) attributes {dimension_semantics = [#tpu.dimension_semantics<core_parallel>, #tpu.dimension_semantics<subcore_parallel>], iteration_bounds = array<i64: 2, 16>, scalar_prefetch = 0 : i64, scratch_operands = 14 : i64, tpu.core_type = #tpu.core_type<sc_vector_subcore>, window_params = [{transform_indices = #map}, {transform_indices = #map}, {transform_indices = #map}, {transform_indices = #map}, {transform_indices = #map}]} {
    %mul3A = arith.constant 2 : i32
    %mul3A_0 = arith.muli %arg1, %mul3A : i32
    %add3A = arith.addi %mul3A_0, %arg0 : i32
    %mul3A_1 = arith.constant 200 : i32
    %mul3A_2 = arith.muli %add3A, %mul3A_1 : i32
    %mul3A_3 = arith.constant 25600 : i32
    %mul3A_4 = arith.muli %add3A, %mul3A_3 : i32
    %add3A_5 = arith.constant 0 : i32
    %add3A_6 = arith.addi %mul3A_2, %add3A_5 : i32
    %dma_start3A = arith.constant 0 : i32
    %dma_start3A_7 = tpu.memref_slice %arg4[%add3A_6, %dma_start3A] : memref<6400x128xi32, #tpu.memory_space<hbm>> -> memref<2x128xi32, #tpu.memory_space<hbm>>
    %dma_start3A_8 = arith.constant 0 : i32
    %dma_start3A_9 = tpu.memref_slice %arg4[%add3A_6, %dma_start3A_8] : memref<6400x128xi32, #tpu.memory_space<hbm>> -> memref<2x128xi32, #tpu.memory_space<hbm>>
    tpu.enqueue_dma source(%dma_start3A_9 : memref<2x128xi32, #tpu.memory_space<hbm>>) target(%arg7 : memref<2x128xi32, #tpu.memory_space<vmem>>) target_semaphore(%arg15 : memref<!tpu.dma_semaphore, #tpu.memory_space<semaphore_mem>>)
    %add3A_10 = arith.constant 0 : i32
    %add3A_11 = arith.addi %mul3A_2, %add3A_10 : i32
    %dma_start3A_12 = arith.constant 0 : i32
    %dma_start3A_13 = tpu.memref_slice %arg5[%add3A_11, %dma_start3A_12] : memref<6400x128xi32, #tpu.memory_space<hbm>> -> memref<2x128xi32, #tpu.memory_space<hbm>>
    %dma_start3A_14 = arith.constant 0 : i32
    %dma_start3A_15 = tpu.memref_slice %arg5[%add3A_11, %dma_start3A_14] : memref<6400x128xi32, #tpu.memory_space<hbm>> -> memref<2x128xi32, #tpu.memory_space<hbm>>
    tpu.enqueue_dma source(%dma_start3A_15 : memref<2x128xi32, #tpu.memory_space<hbm>>) target(%arg9 : memref<2x128xi32, #tpu.memory_space<vmem>>) target_semaphore(%arg15 : memref<!tpu.dma_semaphore, #tpu.memory_space<semaphore_mem>>)
    %add3A_16 = arith.constant 2 : i32
    %add3A_17 = arith.addi %mul3A_2, %add3A_16 : i32
    %dma_start3A_18 = arith.constant 0 : i32
    %dma_start3A_19 = tpu.memref_slice %arg4[%add3A_17, %dma_start3A_18] : memref<6400x128xi32, #tpu.memory_space<hbm>> -> memref<2x128xi32, #tpu.memory_space<hbm>>
    %dma_start3A_20 = arith.constant 0 : i32
    %dma_start3A_21 = tpu.memref_slice %arg4[%add3A_17, %dma_start3A_20] : memref<6400x128xi32, #tpu.memory_space<hbm>> -> memref<2x128xi32, #tpu.memory_space<hbm>>
    tpu.enqueue_dma source(%dma_start3A_21 : memref<2x128xi32, #tpu.memory_space<hbm>>) target(%arg8 : memref<2x128xi32, #tpu.memory_space<vmem>>) target_semaphore(%arg16 : memref<!tpu.dma_semaphore, #tpu.memory_space<semaphore_mem>>)
    %add3A_22 = arith.constant 2 : i32
    %add3A_23 = arith.addi %mul3A_2, %add3A_22 : i32
    %dma_start3A_24 = arith.constant 0 : i32
    %dma_start3A_25 = tpu.memref_slice %arg5[%add3A_23, %dma_start3A_24] : memref<6400x128xi32, #tpu.memory_space<hbm>> -> memref<2x128xi32, #tpu.memory_space<hbm>>
    %dma_start3A_26 = arith.constant 0 : i32
    %dma_start3A_27 = tpu.memref_slice %arg5[%add3A_23, %dma_start3A_26] : memref<6400x128xi32, #tpu.memory_space<hbm>> -> memref<2x128xi32, #tpu.memory_space<hbm>>
    tpu.enqueue_dma source(%dma_start3A_27 : memref<2x128xi32, #tpu.memory_space<hbm>>) target(%arg10 : memref<2x128xi32, #tpu.memory_space<vmem>>) target_semaphore(%arg16 : memref<!tpu.dma_semaphore, #tpu.memory_space<semaphore_mem>>)
    %add3A_28 = arith.constant 0 : i32
    %add3A_29 = arith.addi %mul3A_2, %add3A_28 : i32
    %dma_wait3A = arith.constant 0 : i32
    %dma_wait3A_30 = tpu.memref_slice %arg4[%add3A_29, %dma_wait3A] : memref<6400x128xi32, #tpu.memory_space<hbm>> -> memref<2x128xi32, #tpu.memory_space<hbm>>
    %dma_wait3A_31 = arith.constant 0 : i32
    %dma_wait3A_32 = tpu.memref_slice %arg4[%add3A_29, %dma_wait3A_31] : memref<6400x128xi32, #tpu.memory_space<hbm>> -> memref<2x128xi32, #tpu.memory_space<hbm>>
    tpu.wait_dma2 semaphore(%arg15 : memref<!tpu.dma_semaphore, #tpu.memory_space<semaphore_mem>>) src(%dma_wait3A_32 : memref<2x128xi32, #tpu.memory_space<hbm>>) dst(%arg7 : memref<2x128xi32, #tpu.memory_space<vmem>>)
    %add3A_33 = arith.constant 0 : i32
    %add3A_34 = arith.addi %mul3A_2, %add3A_33 : i32
    %dma_wait3A_35 = arith.constant 0 : i32
    %dma_wait3A_36 = tpu.memref_slice %arg5[%add3A_34, %dma_wait3A_35] : memref<6400x128xi32, #tpu.memory_space<hbm>> -> memref<2x128xi32, #tpu.memory_space<hbm>>
    %dma_wait3A_37 = arith.constant 0 : i32
    %dma_wait3A_38 = tpu.memref_slice %arg5[%add3A_34, %dma_wait3A_37] : memref<6400x128xi32, #tpu.memory_space<hbm>> -> memref<2x128xi32, #tpu.memory_space<hbm>>
    tpu.wait_dma2 semaphore(%arg15 : memref<!tpu.dma_semaphore, #tpu.memory_space<semaphore_mem>>) src(%dma_wait3A_38 : memref<2x128xi32, #tpu.memory_space<hbm>>) dst(%arg9 : memref<2x128xi32, #tpu.memory_space<vmem>>)
    %add3A_39 = arith.constant 0 : i32
    %add3A_40 = arith.addi %mul3A_4, %add3A_39 : i32
    %add3A_41 = arith.constant 0 : i32
    %add3A_42 = arith.addi %add3A_40, %add3A_41 : i32
    %add3A_43 = arith.constant 0 : i32
    %add3A_44 = arith.addi %add3A_42, %add3A_43 : i32
    %iota3A = tpu.iota {dimensions = array<i32: 0>} : vector<16xi32>
    %add3A_45 = vector.broadcast %add3A_44 : i32 to vector<16xi32>
    %add3A_46 = arith.addi %iota3A, %add3A_45 : vector<16xi32>
    %jit3A = arith.constant 200 : i32
    %eq3A = arith.constant 0 : i32
    %eq3A_47 = arith.cmpi eq, %jit3A, %eq3A : i32
    %jit3A_48 = arith.constant 1 : i32
    %select_n3A = arith.select %eq3A_47, %jit3A_48, %jit3A : i32
    %rem3A = vector.broadcast %select_n3A : i32 to vector<16xi32>
    %rem3A_49 = arith.remsi %add3A_46, %rem3A : vector<16xi32>
    %ne3A = arith.constant 0 : i32
    %ne3A_50 = vector.broadcast %ne3A : i32 to vector<16xi32>
    %ne3A_51 = arith.cmpi ne, %rem3A_49, %ne3A_50 : vector<16xi32>
    %lt3A = arith.constant 0 : i32
    %lt3A_52 = vector.broadcast %lt3A : i32 to vector<16xi32>
    %lt3A_53 = arith.cmpi slt, %rem3A_49, %lt3A_52 : vector<16xi32>
    %lt3A_54 = arith.constant 0 : i32
    %lt3A_55 = arith.cmpi slt, %select_n3A, %lt3A_54 : i32
    %ne3A_56 = vector.broadcast %lt3A_55 : i1 to vector<16xi1>
    %ne3A_57 = vector.broadcast %ne3A_56 : vector<16xi1> to vector<16xi1>
    %ne3A_58 = arith.xori %lt3A_53, %ne3A_57 : vector<16xi1>
    %and3A = arith.andi %ne3A_58, %ne3A_51 : vector<16xi1>
    %add3A_59 = vector.broadcast %select_n3A : i32 to vector<16xi32>
    %add3A_60 = arith.addi %rem3A_49, %add3A_59 : vector<16xi32>
    %select_n3A_61 = arith.select %and3A, %add3A_60, %rem3A_49 : vector<16xi1>, vector<16xi32>
    %get3A = arith.constant 0 : i32
    %get3A_62 = arith.index_cast %get3A : i32 to index
    %get3A_63 = arith.constant 0 : index
    %get3A_64 = tpu.vector_load %arg9[%get3A_62, %get3A_63] {strides = array<i32>} : memref<2x128xi32, #tpu.memory_space<vmem>>, vector<1x16xi32>,
    %get3A_65 = vector.shape_cast %get3A_64 : vector<1x16xi32> to vector<16xi32>
    %mul3A_66 = arith.constant 200 : i32
    %mul3A_67 = vector.broadcast %mul3A_66 : i32 to vector<16xi32>
    %mul3A_68 = arith.muli %get3A_65, %mul3A_67 : vector<16xi32>
    %add3A_69 = arith.addi %mul3A_68, %select_n3A_61 : vector<16xi32>
    %swap3A = arith.constant 0 : i32
    %swap3A_70 = arith.index_cast %swap3A : i32 to index
    %swap3A_71 = arith.constant 0 : index
    %swap3A_72 = tpu.vector_load %arg9[%swap3A_70, %swap3A_71] {strides = array<i32>} : memref<2x128xi32, #tpu.memory_space<vmem>>, vector<1x16xi32>,
    %swap3A_73 = vector.shape_cast %swap3A_72 : vector<1x16xi32> to vector<16xi32>
    %swap3A_74 = vector.shape_cast %add3A_69 : vector<16xi32> to vector<1x16xi32>
    tpu.vector_store %arg9[%swap3A_70, %swap3A_71], %swap3A_74 {strides = array<i32>} : memref<2x128xi32, #tpu.memory_space<vmem>>, vector<1x16xi32>,
    %add3A_75 = arith.constant 0 : i32
    %add3A_76 = arith.addi %add3A_40, %add3A_75 : i32
    %add3A_77 = arith.constant 16 : i32
    %add3A_78 = arith.addi %add3A_76, %add3A_77 : i32
    %iota3A_79 = tpu.iota {dimensions = array<i32: 0>} : vector<16xi32>
    %add3A_80 = vector.broadcast %add3A_78 : i32 to vector<16xi32>
    %add3A_81 = arith.addi %iota3A_79, %add3A_80 : vector<16xi32>
    %jit3A_82 = arith.constant 200 : i32
    %eq3A_83 = arith.constant 0 : i32
    %eq3A_84 = arith.cmpi eq, %jit3A_82, %eq3A_83 : i32
    %jit3A_85 = arith.constant 1 : i32
    %select_n3A_86 = arith.select %eq3A_84, %jit3A_85, %jit3A_82 : i32
    %rem3A_87 = vector.broadcast %select_n3A_86 : i32 to vector<16xi32>
    %rem3A_88 = arith.remsi %add3A_81, %rem3A_87 : vector<16xi32>
    %ne3A_89 = arith.constant 0 : i32
    %ne3A_90 = vector.broadcast %ne3A_89 : i32 to vector<16xi32>
    %ne3A_91 = arith.cmpi ne, %rem3A_88, %ne3A_90 : vector<16xi32>
    %lt3A_92 = arith.constant 0 : i32
    %lt3A_93 = vector.broadcast %lt3A_92 : i32 to vector<16xi32>
    %lt3A_94 = arith.cmpi slt, %rem3A_88, %lt3A_93 : vector<16xi32>
    %lt3A_95 = arith.constant 0 : i32
    %lt3A_96 = arith.cmpi slt, %select_n3A_86, %lt3A_95 : i32
    %ne3A_97 = vector.broadcast %lt3A_96 : i1 to vector<16xi1>
    %ne3A_98 = vector.broadcast %ne3A_97 : vector<16xi1> to vector<16xi1>
    %ne3A_99 = arith.xori %lt3A_94, %ne3A_98 : vector<16xi1>
    %and3A_100 = arith.andi %ne3A_99, %ne3A_91 : vector<16xi1>
    %add3A_101 = vector.broadcast %select_n3A_86 : i32 to vector<16xi32>
    %add3A_102 = arith.addi %rem3A_88, %add3A_101 : vector<16xi32>
    %select_n3A_103 = arith.select %and3A_100, %add3A_102, %rem3A_88 : vector<16xi1>, vector<16xi32>
    %get3A_104 = arith.constant 0 : i32
    %get3A_105 = arith.index_cast %get3A_104 : i32 to index
    %get3A_106 = arith.constant 16 : index
    %get3A_107 = tpu.vector_load %arg9[%get3A_105, %get3A_106] {strides = array<i32>} : memref<2x128xi32, #tpu.memory_space<vmem>>, vector<1x16xi32>,
    %get3A_108 = vector.shape_cast %get3A_107 : vector<1x16xi32> to vector<16xi32>
    %mul3A_109 = arith.constant 200 : i32
    %mul3A_110 = vector.broadcast %mul3A_109 : i32 to vector<16xi32>
    %mul3A_111 = arith.muli %get3A_108, %mul3A_110 : vector<16xi32>
    %add3A_112 = arith.addi %mul3A_111, %select_n3A_103 : vector<16xi32>
    %swap3A_113 = arith.constant 0 : i32
    %swap3A_114 = arith.index_cast %swap3A_113 : i32 to index
    %swap3A_115 = arith.constant 16 : index
    %swap3A_116 = tpu.vector_load %arg9[%swap3A_114, %swap3A_115] {strides = array<i32>} : memref<2x128xi32, #tpu.memory_space<vmem>>, vector<1x16xi32>,
    %swap3A_117 = vector.shape_cast %swap3A_116 : vector<1x16xi32> to vector<16xi32>
    %swap3A_118 = vector.shape_cast %add3A_112 : vector<16xi32> to vector<1x16xi32>
    tpu.vector_store %arg9[%swap3A_114, %swap3A_115], %swap3A_118 {strides = array<i32>} : memref<2x128xi32, #tpu.memory_space<vmem>>, vector<1x16xi32>,
    %add3A_119 = arith.constant 0 : i32
    %add3A_120 = arith.addi %add3A_40, %add3A_119 : i32
    %add3A_121 = arith.constant 32 : i32
    %add3A_122 = arith.addi %add3A_120, %add3A_121 : i32
    %iota3A_123 = tpu.iota {dimensions = array<i32: 0>} : vector<16xi32>
    %add3A_124 = vector.broadcast %add3A_122 : i32 to vector<16xi32>
    %add3A_125 = arith.addi %iota3A_123, %add3A_124 : vector<16xi32>
    %jit3A_126 = arith.constant 200 : i32
    %eq3A_127 = arith.constant 0 : i32
    %eq3A_128 = arith.cmpi eq, %jit3A_126, %eq3A_127 : i32
    %jit3A_129 = arith.constant 1 : i32
    %select_n3A_130 = arith.select %eq3A_128, %jit3A_129, %jit3A_126 : i32
    %rem3A_131 = vector.broadcast %select_n3A_130 : i32 to vector<16xi32>
    %rem3A_132 = arith.remsi %add3A_125, %rem3A_131 : vector<16xi32>
    %ne3A_133 = arith.constant 0 : i32
    %ne3A_134 = vector.broadcast %ne3A_133 : i32 to vector<16xi32>
    %ne3A_135 = arith.cmpi ne, %rem3A_132, %ne3A_134 : vector<16xi32>
    %lt3A_136 = arith.constant 0 : i32
    %lt3A_137 = vector.broadcast %lt3A_136 : i32 to vector<16xi32>
    %lt3A_138 = arith.cmpi slt, %rem3A_132, %lt3A_137 : vector<16xi32>
    %lt3A_139 = arith.constant 0 : i32
    %lt3A_140 = arith.cmpi slt, %select_n3A_130, %lt3A_139 : i32
    %ne3A_141 = vector.broadcast %lt3A_140 : i1 to vector<16xi1>
    %ne3A_142 = vector.broadcast %ne3A_141 : vector<16xi1> to vector<16xi1>
    %ne3A_143 = arith.xori %lt3A_138, %ne3A_142 : vector<16xi1>
    %and3A_144 = arith.andi %ne3A_143, %ne3A_135 : vector<16xi1>
    %add3A_145 = vector.broadcast %select_n3A_130 : i32 to vector<16xi32>
    %add3A_146 = arith.addi %rem3A_132, %add3A_145 : vector<16xi32>
    %select_n3A_147 = arith.select %and3A_144, %add3A_146, %rem3A_132 : vector<16xi1>, vector<16xi32>
    %get3A_148 = arith.constant 0 : i32
    %get3A_149 = arith.index_cast %get3A_148 : i32 to index
    %get3A_150 = arith.constant 32 : index
    %get3A_151 = tpu.vector_load %arg9[%get3A_149, %get3A_150] {strides = array<i32>} : memref<2x128xi32, #tpu.memory_space<vmem>>, vector<1x16xi32>,
    %get3A_152 = vector.shape_cast %get3A_151 : vector<1x16xi32> to vector<16xi32>
    %mul3A_153 = arith.constant 200 : i32
    %mul3A_154 = vector.broadcast %mul3A_153 : i32 to vector<16xi32>
    %mul3A_155 = arith.muli %get3A_152, %mul3A_154 : vector<16xi32>
    %add3A_156 = arith.addi %mul3A_155, %select_n3A_147 : vector<16xi32>
    %swap3A_157 = arith.constant 0 : i32
    %swap3A_158 = arith.index_cast %swap3A_157 : i32 to index
    %swap3A_159 = arith.constant 32 : index
    %swap3A_160 = tpu.vector_load %arg9[%swap3A_158, %swap3A_159] {strides = array<i32>} : memref<2x128xi32, #tpu.memory_space<vmem>>, vector<1x16xi32>,
    %swap3A_161 = vector.shape_cast %swap3A_160 : vector<1x16xi32> to vector<16xi32>
    %swap3A_162 = vector.shape_cast %add3A_156 : vector<16xi32> to vector<1x16xi32>
    tpu.vector_store %arg9[%swap3A_158, %swap3A_159], %swap3A_162 {strides = array<i32>} : memref<2x128xi32, #tpu.memory_space<vmem>>, vector<1x16xi32>,
    %add3A_163 = arith.constant 0 : i32
    %add3A_164 = arith.addi %add3A_40, %add3A_163 : i32
    %add3A_165 = arith.constant 48 : i32
    %add3A_166 = arith.addi %add3A_164, %add3A_165 : i32
    %iota3A_167 = tpu.iota {dimensions = array<i32: 0>} : vector<16xi32>
    %add3A_168 = vector.broadcast %add3A_166 : i32 to vector<16xi32>
    %add3A_169 = arith.addi %iota3A_167, %add3A_168 : vector<16xi32>
    %jit3A_170 = arith.constant 200 : i32
    %eq3A_171 = arith.constant 0 : i32
    %eq3A_172 = arith.cmpi eq, %jit3A_170, %eq3A_171 : i32
    %jit3A_173 = arith.constant 1 : i32
    %select_n3A_174 = arith.select %eq3A_172, %jit3A_173, %jit3A_170 : i32
    %rem3A_175 = vector.broadcast %select_n3A_174 : i32 to vector<16xi32>
    %rem3A_176 = arith.remsi %add3A_169, %rem3A_175 : vector<16xi32>
    %ne3A_177 = arith.constant 0 : i32
    %ne3A_178 = vector.broadcast %ne3A_177 : i32 to vector<16xi32>
    %ne3A_179 = arith.cmpi ne, %rem3A_176, %ne3A_178 : vector<16xi32>
    %lt3A_180 = arith.constant 0 : i32
    %lt3A_181 = vector.broadcast %lt3A_180 : i32 to vector<16xi32>
    %lt3A_182 = arith.cmpi slt, %rem3A_176, %lt3A_181 : vector<16xi32>
    %lt3A_183 = arith.constant 0 : i32
    %lt3A_184 = arith.cmpi slt, %select_n3A_174, %lt3A_183 : i32
    %ne3A_185 = vector.broadcast %lt3A_184 : i1 to vector<16xi1>
    %ne3A_186 = vector.broadcast %ne3A_185 : vector<16xi1> to vector<16xi1>
    %ne3A_187 = arith.xori %lt3A_182, %ne3A_186 : vector<16xi1>
    %and3A_188 = arith.andi %ne3A_187, %ne3A_179 : vector<16xi1>
    %add3A_189 = vector.broadcast %select_n3A_174 : i32 to vector<16xi32>
    %add3A_190 = arith.addi %rem3A_176, %add3A_189 : vector<16xi32>
    %select_n3A_191 = arith.select %and3A_188, %add3A_190, %rem3A_176 : vector<16xi1>, vector<16xi32>
    %get3A_192 = arith.constant 0 : i32
    %get3A_193 = arith.index_cast %get3A_192 : i32 to index
    %get3A_194 = arith.constant 48 : index
    %get3A_195 = tpu.vector_load %arg9[%get3A_193, %get3A_194] {strides = array<i32>} : memref<2x128xi32, #tpu.memory_space<vmem>>, vector<1x16xi32>,
    %get3A_196 = vector.shape_cast %get3A_195 : vector<1x16xi32> to vector<16xi32>
    %mul3A_197 = arith.constant 200 : i32
    %mul3A_198 = vector.broadcast %mul3A_197 : i32 to vector<16xi32>
    %mul3A_199 = arith.muli %get3A_196, %mul3A_198 : vector<16xi32>
    %add3A_200 = arith.addi %mul3A_199, %select_n3A_191 : vector<16xi32>
    %swap3A_201 = arith.constant 0 : i32
    %swap3A_202 = arith.index_cast %swap3A_201 : i32 to index
    %swap3A_203 = arith.constant 48 : index
    %swap3A_204 = tpu.vector_load %arg9[%swap3A_202, %swap3A_203] {strides = array<i32>} : memref<2x128xi32, #tpu.memory_space<vmem>>, vector<1x16xi32>,
    %swap3A_205 = vector.shape_cast %swap3A_204 : vector<1x16xi32> to vector<16xi32>
    %swap3A_206 = vector.shape_cast %add3A_200 : vector<16xi32> to vector<1x16xi32>
    tpu.vector_store %arg9[%swap3A_202, %swap3A_203], %swap3A_206 {strides = array<i32>} : memref<2x128xi32, #tpu.memory_space<vmem>>, vector<1x16xi32>,
    %add3A_207 = arith.constant 0 : i32
    %add3A_208 = arith.addi %add3A_40, %add3A_207 : i32
    %add3A_209 = arith.constant 64 : i32
    %add3A_210 = arith.addi %add3A_208, %add3A_209 : i32
    %iota3A_211 = tpu.iota {dimensions = array<i32: 0>} : vector<16xi32>
    %add3A_212 = vector.broadcast %add3A_210 : i32 to vector<16xi32>
    %add3A_213 = arith.addi %iota3A_211, %add3A_212 : vector<16xi32>
    %jit3A_214 = arith.constant 200 : i32
    %eq3A_215 = arith.constant 0 : i32
    %eq3A_216 = arith.cmpi eq, %jit3A_214, %eq3A_215 : i32
    %jit3A_217 = arith.constant 1 : i32
    %select_n3A_218 = arith.select %eq3A_216, %jit3A_217, %jit3A_214 : i32
    %rem3A_219 = vector.broadcast %select_n3A_218 : i32 to vector<16xi32>
    %rem3A_220 = arith.remsi %add3A_213, %rem3A_219 : vector<16xi32>
    %ne3A_221 = arith.constant 0 : i32
    %ne3A_222 = vector.broadcast %ne3A_221 : i32 to vector<16xi32>
    %ne3A_223 = arith.cmpi ne, %rem3A_220, %ne3A_222 : vector<16xi32>
    %lt3A_224 = arith.constant 0 : i32
    %lt3A_225 = vector.broadcast %lt3A_224 : i32 to vector<16xi32>
    %lt3A_226 = arith.cmpi slt, %rem3A_220, %lt3A_225 : vector<16xi32>
    %lt3A_227 = arith.constant 0 : i32
    %lt3A_228 = arith.cmpi slt, %select_n3A_218, %lt3A_227 : i32
    %ne3A_229 = vector.broadcast %lt3A_228 : i1 to vector<16xi1>
    %ne3A_230 = vector.broadcast %ne3A_229 : vector<16xi1> to vector<16xi1>
    %ne3A_231 = arith.xori %lt3A_226, %ne3A_230 : vector<16xi1>
    %and3A_232 = arith.andi %ne3A_231, %ne3A_223 : vector<16xi1>
    %add3A_233 = vector.broadcast %select_n3A_218 : i32 to vector<16xi32>
    %add3A_234 = arith.addi %rem3A_220, %add3A_233 : vector<16xi32>
    %select_n3A_235 = arith.select %and3A_232, %add3A_234, %rem3A_220 : vector<16xi1>, vector<16xi32>
    %get3A_236 = arith.constant 0 : i32
    %get3A_237 = arith.index_cast %get3A_236 : i32 to index
    %get3A_238 = arith.constant 64 : index
    %get3A_239 = tpu.vector_load %arg9[%get3A_237, %get3A_238] {strides = array<i32>} : memref<2x128xi32, #tpu.memory_space<vmem>>, vector<1x16xi32>,
    %get3A_240 = vector.shape_cast %get3A_239 : vector<1x16xi32> to vector<16xi32>
    %mul3A_241 = arith.constant 200 : i32
    %mul3A_242 = vector.broadcast %mul3A_241 : i32 to vector<16xi32>
    %mul3A_243 = arith.muli %get3A_240, %mul3A_242 : vector<16xi32>
    %add3A_244 = arith.addi %mul3A_243, %select_n3A_235 : vector<16xi32>
    %swap3A_245 = arith.constant 0 : i32
    %swap3A_246 = arith.index_cast %swap3A_245 : i32 to index
    %swap3A_247 = arith.constant 64 : index
    %swap3A_248 = tpu.vector_load %arg9[%swap3A_246, %swap3A_247] {strides = array<i32>} : memref<2x128xi32, #tpu.memory_space<vmem>>, vector<1x16xi32>,
    %swap3A_249 = vector.shape_cast %swap3A_248 : vector<1x16xi32> to vector<16xi32>
    %swap3A_250 = vector.shape_cast %add3A_244 : vector<16xi32> to vector<1x16xi32>
    tpu.vector_store %arg9[%swap3A_246, %swap3A_247], %swap3A_250 {strides = array<i32>} : memref<2x128xi32, #tpu.memory_space<vmem>>, vector<1x16xi32>,
    %add3A_251 = arith.constant 0 : i32
    %add3A_252 = arith.addi %add3A_40, %add3A_251 : i32
    %add3A_253 = arith.constant 80 : i32
    %add3A_254 = arith.addi %add3A_252, %add3A_253 : i32
    %iota3A_255 = tpu.iota {dimensions = array<i32: 0>} : vector<16xi32>
    %add3A_256 = vector.broadcast %add3A_254 : i32 to vector<16xi32>
    %add3A_257 = arith.addi %iota3A_255, %add3A_256 : vector<16xi32>
    %jit3A_258 = arith.constant 200 : i32
    %eq3A_259 = arith.constant 0 : i32
    %eq3A_260 = arith.cmpi eq, %jit3A_258, %eq3A_259 : i32
    %jit3A_261 = arith.constant 1 : i32
    %select_n3A_262 = arith.select %eq3A_260, %jit3A_261, %jit3A_258 : i32
    %rem3A_263 = vector.broadcast %select_n3A_262 : i32 to vector<16xi32>
    %rem3A_264 = arith.remsi %add3A_257, %rem3A_263 : vector<16xi32>
    %ne3A_265 = arith.constant 0 : i32
    %ne3A_266 = vector.broadcast %ne3A_265 : i32 to vector<16xi32>
    %ne3A_267 = arith.cmpi ne, %rem3A_264, %ne3A_266 : vector<16xi32>
    %lt3A_268 = arith.constant 0 : i32
    %lt3A_269 = vector.broadcast %lt3A_268 : i32 to vector<16xi32>
    %lt3A_270 = arith.cmpi slt, %rem3A_264, %lt3A_269 : vector<16xi32>
    %lt3A_271 = arith.constant 0 : i32
    %lt3A_272 = arith.cmpi slt, %select_n3A_262, %lt3A_271 : i32
    %ne3A_273 = vector.broadcast %lt3A_272 : i1 to vector<16xi1>
    %ne3A_274 = vector.broadcast %ne3A_273 : vector<16xi1> to vector<16xi1>
    %ne3A_275 = arith.xori %lt3A_270, %ne3A_274 : vector<16xi1>
    %and3A_276 = arith.andi %ne3A_275, %ne3A_267 : vector<16xi1>
    %add3A_277 = vector.broadcast %select_n3A_262 : i32 to vector<16xi32>
    %add3A_278 = arith.addi %rem3A_264, %add3A_277 : vector<16xi32>
    %select_n3A_279 = arith.select %and3A_276, %add3A_278, %rem3A_264 : vector<16xi1>, vector<16xi32>
    %get3A_280 = arith.constant 0 : i32
    %get3A_281 = arith.index_cast %get3A_280 : i32 to index
    %get3A_282 = arith.constant 80 : index
    %get3A_283 = tpu.vector_load %arg9[%get3A_281, %get3A_282] {strides = array<i32>} : memref<2x128xi32, #tpu.memory_space<vmem>>, vector<1x16xi32>,
    %get3A_284 = vector.shape_cast %get3A_283 : vector<1x16xi32> to vector<16xi32>
    %mul3A_285 = arith.constant 200 : i32
    %mul3A_286 = vector.broadcast %mul3A_285 : i32 to vector<16xi32>
    %mul3A_287 = arith.muli %get3A_284, %mul3A_286 : vector<16xi32>
    %add3A_288 = arith.addi %mul3A_287, %select_n3A_279 : vector<16xi32>
    %swap3A_289 = arith.constant 0 : i32
    %swap3A_290 = arith.index_cast %swap3A_289 : i32 to index
    %swap3A_291 = arith.constant 80 : index
    %swap3A_292 = tpu.vector_load %arg9[%swap3A_290, %swap3A_291] {strides = array<i32>} : memref<2x128xi32, #tpu.memory_space<vmem>>, vector<1x16xi32>,
    %swap3A_293 = vector.shape_cast %swap3A_292 : vector<1x16xi32> to vector<16xi32>
    %swap3A_294 = vector.shape_cast %add3A_288 : vector<16xi32> to vector<1x16xi32>
    tpu.vector_store %arg9[%swap3A_290, %swap3A_291], %swap3A_294 {strides = array<i32>} : memref<2x128xi32, #tpu.memory_space<vmem>>, vector<1x16xi32>,
    %add3A_295 = arith.constant 0 : i32
    %add3A_296 = arith.addi %add3A_40, %add3A_295 : i32
    %add3A_297 = arith.constant 96 : i32
    %add3A_298 = arith.addi %add3A_296, %add3A_297 : i32
    %iota3A_299 = tpu.iota {dimensions = array<i32: 0>} : vector<16xi32>
    %add3A_300 = vector.broadcast %add3A_298 : i32 to vector<16xi32>
    %add3A_301 = arith.addi %iota3A_299, %add3A_300 : vector<16xi32>
    %jit3A_302 = arith.constant 200 : i32
    %eq3A_303 = arith.constant 0 : i32
    %eq3A_304 = arith.cmpi eq, %jit3A_302, %eq3A_303 : i32
    %jit3A_305 = arith.constant 1 : i32
    %select_n3A_306 = arith.select %eq3A_304, %jit3A_305, %jit3A_302 : i32
    %rem3A_307 = vector.broadcast %select_n3A_306 : i32 to vector<16xi32>
    %rem3A_308 = arith.remsi %add3A_301, %rem3A_307 : vector<16xi32>
    %ne3A_309 = arith.constant 0 : i32
    %ne3A_310 = vector.broadcast %ne3A_309 : i32 to vector<16xi32>
    %ne3A_311 = arith.cmpi ne, %rem3A_308, %ne3A_310 : vector<16xi32>
    %lt3A_312 = arith.constant 0 : i32
    %lt3A_313 = vector.broadcast %lt3A_312 : i32 to vector<16xi32>
    %lt3A_314 = arith.cmpi slt, %rem3A_308, %lt3A_313 : vector<16xi32>
    %lt3A_315 = arith.constant 0 : i32
    %lt3A_316 = arith.cmpi slt, %select_n3A_306, %lt3A_315 : i32
    %ne3A_317 = vector.broadcast %lt3A_316 : i1 to vector<16xi1>
    %ne3A_318 = vector.broadcast %ne3A_317 : vector<16xi1> to vector<16xi1>
    %ne3A_319 = arith.xori %lt3A_314, %ne3A_318 : vector<16xi1>
    %and3A_320 = arith.andi %ne3A_319, %ne3A_311 : vector<16xi1>
    %add3A_321 = vector.broadcast %select_n3A_306 : i32 to vector<16xi32>
    %add3A_322 = arith.addi %rem3A_308, %add3A_321 : vector<16xi32>
    %select_n3A_323 = arith.select %and3A_320, %add3A_322, %rem3A_308 : vector<16xi1>, vector<16xi32>
    %get3A_324 = arith.constant 0 : i32
    %get3A_325 = arith.index_cast %get3A_324 : i32 to index
    %get3A_326 = arith.constant 96 : index
    %get3A_327 = tpu.vector_load %arg9[%get3A_325, %get3A_326] {strides = array<i32>} : memref<2x128xi32, #tpu.memory_space<vmem>>, vector<1x16xi32>,
    %get3A_328 = vector.shape_cast %get3A_327 : vector<1x16xi32> to vector<16xi32>
    %mul3A_329 = arith.constant 200 : i32
    %mul3A_330 = vector.broadcast %mul3A_329 : i32 to vector<16xi32>
    %mul3A_331 = arith.muli %get3A_328, %mul3A_330 : vector<16xi32>
    %add3A_332 = arith.addi %mul3A_331, %select_n3A_323 : vector<16xi32>
    %swap3A_333 = arith.constant 0 : i32
    %swap3A_334 = arith.index_cast %swap3A_333 : i32 to index
    %swap3A_335 = arith.constant 96 : index
    %swap3A_336 = tpu.vector_load %arg9[%swap3A_334, %swap3A_335] {strides = array<i32>} : memref<2x128xi32, #tpu.memory_space<vmem>>, vector<1x16xi32>,
    %swap3A_337 = vector.shape_cast %swap3A_336 : vector<1x16xi32> to vector<16xi32>
    %swap3A_338 = vector.shape_cast %add3A_332 : vector<16xi32> to vector<1x16xi32>
    tpu.vector_store %arg9[%swap3A_334, %swap3A_335], %swap3A_338 {strides = array<i32>} : memref<2x128xi32, #tpu.memory_space<vmem>>, vector<1x16xi32>,
    %add3A_339 = arith.constant 0 : i32
    %add3A_340 = arith.addi %add3A_40, %add3A_339 : i32
    %add3A_341 = arith.constant 112 : i32
    %add3A_342 = arith.addi %add3A_340, %add3A_341 : i32
    %iota3A_343 = tpu.iota {dimensions = array<i32: 0>} : vector<16xi32>
    %add3A_344 = vector.broadcast %add3A_342 : i32 to vector<16xi32>
    %add3A_345 = arith.addi %iota3A_343, %add3A_344 : vector<16xi32>
    %jit3A_346 = arith.constant 200 : i32
    %eq3A_347 = arith.constant 0 : i32
    %eq3A_348 = arith.cmpi eq, %jit3A_346, %eq3A_347 : i32
    %jit3A_349 = arith.constant 1 : i32
    %select_n3A_350 = arith.select %eq3A_348, %jit3A_349, %jit3A_346 : i32
    %rem3A_351 = vector.broadcast %select_n3A_350 : i32 to vector<16xi32>
    %rem3A_352 = arith.remsi %add3A_345, %rem3A_351 : vector<16xi32>
    %ne3A_353 = arith.constant 0 : i32
    %ne3A_354 = vector.broadcast %ne3A_353 : i32 to vector<16xi32>
    %ne3A_355 = arith.cmpi ne, %rem3A_352, %ne3A_354 : vector<16xi32>
    %lt3A_356 = arith.constant 0 : i32
    %lt3A_357 = vector.broadcast %lt3A_356 : i32 to vector<16xi32>
    %lt3A_358 = arith.cmpi slt, %rem3A_352, %lt3A_357 : vector<16xi32>
    %lt3A_359 = arith.constant 0 : i32
    %lt3A_360 = arith.cmpi slt, %select_n3A_350, %lt3A_359 : i32
    %ne3A_361 = vector.broadcast %lt3A_360 : i1 to vector<16xi1>
    %ne3A_362 = vector.broadcast %ne3A_361 : vector<16xi1> to vector<16xi1>
    %ne3A_363 = arith.xori %lt3A_358, %ne3A_362 : vector<16xi1>
    %and3A_364 = arith.andi %ne3A_363, %ne3A_355 : vector<16xi1>
    %add3A_365 = vector.broadcast %select_n3A_350 : i32 to vector<16xi32>
    %add3A_366 = arith.addi %rem3A_352, %add3A_365 : vector<16xi32>
    %select_n3A_367 = arith.select %and3A_364, %add3A_366, %rem3A_352 : vector<16xi1>, vector<16xi32>
    %get3A_368 = arith.constant 0 : i32
    %get3A_369 = arith.index_cast %get3A_368 : i32 to index
    %get3A_370 = arith.constant 112 : index
    %get3A_371 = tpu.vector_load %arg9[%get3A_369, %get3A_370] {strides = array<i32>} : memref<2x128xi32, #tpu.memory_space<vmem>>, vector<1x16xi32>,
    %get3A_372 = vector.shape_cast %get3A_371 : vector<1x16xi32> to vector<16xi32>
    %mul3A_373 = arith.constant 200 : i32
    %mul3A_374 = vector.broadcast %mul3A_373 : i32 to vector<16xi32>
    %mul3A_375 = arith.muli %get3A_372, %mul3A_374 : vector<16xi32>
    %add3A_376 = arith.addi %mul3A_375, %select_n3A_367 : vector<16xi32>
    %swap3A_377 = arith.constant 0 : i32
    %swap3A_378 = arith.index_cast %swap3A_377 : i32 to index
    %swap3A_379 = arith.constant 112 : index
    %swap3A_380 = tpu.vector_load %arg9[%swap3A_378, %swap3A_379] {strides = array<i32>} : memref<2x128xi32, #tpu.memory_space<vmem>>, vector<1x16xi32>,
    %swap3A_381 = vector.shape_cast %swap3A_380 : vector<1x16xi32> to vector<16xi32>
    %swap3A_382 = vector.shape_cast %add3A_376 : vector<16xi32> to vector<1x16xi32>
    tpu.vector_store %arg9[%swap3A_378, %swap3A_379], %swap3A_382 {strides = array<i32>} : memref<2x128xi32, #tpu.memory_space<vmem>>, vector<1x16xi32>,
    %add3A_383 = arith.constant 128 : i32
    %add3A_384 = arith.addi %add3A_40, %add3A_383 : i32
    %add3A_385 = arith.constant 0 : i32
    %add3A_386 = arith.addi %add3A_384, %add3A_385 : i32
    %iota3A_387 = tpu.iota {dimensions = array<i32: 0>} : vector<16xi32>
    %add3A_388 = vector.broadcast %add3A_386 : i32 to vector<16xi32>
    %add3A_389 = arith.addi %iota3A_387, %add3A_388 : vector<16xi32>
    %jit3A_390 = arith.constant 200 : i32
    %eq3A_391 = arith.constant 0 : i32
    %eq3A_392 = arith.cmpi eq, %jit3A_390, %eq3A_391 : i32
    %jit3A_393 = arith.constant 1 : i32
    %select_n3A_394 = arith.select %eq3A_392, %jit3A_393, %jit3A_390 : i32
    %rem3A_395 = vector.broadcast %select_n3A_394 : i32 to vector<16xi32>
    %rem3A_396 = arith.remsi %add3A_389, %rem3A_395 : vector<16xi32>
    %ne3A_397 = arith.constant 0 : i32
    %ne3A_398 = vector.broadcast %ne3A_397 : i32 to vector<16xi32>
    %ne3A_399 = arith.cmpi ne, %rem3A_396, %ne3A_398 : vector<16xi32>
    %lt3A_400 = arith.constant 0 : i32
    %lt3A_401 = vector.broadcast %lt3A_400 : i32 to vector<16xi32>
    %lt3A_402 = arith.cmpi slt, %rem3A_396, %lt3A_401 : vector<16xi32>
    %lt3A_403 = arith.constant 0 : i32
    %lt3A_404 = arith.cmpi slt, %select_n3A_394, %lt3A_403 : i32
    %ne3A_405 = vector.broadcast %lt3A_404 : i1 to vector<16xi1>
    %ne3A_406 = vector.broadcast %ne3A_405 : vector<16xi1> to vector<16xi1>
    %ne3A_407 = arith.xori %lt3A_402, %ne3A_406 : vector<16xi1>
    %and3A_408 = arith.andi %ne3A_407, %ne3A_399 : vector<16xi1>
    %add3A_409 = vector.broadcast %select_n3A_394 : i32 to vector<16xi32>
    %add3A_410 = arith.addi %rem3A_396, %add3A_409 : vector<16xi32>
    %select_n3A_411 = arith.select %and3A_408, %add3A_410, %rem3A_396 : vector<16xi1>, vector<16xi32>
    %get3A_412 = arith.constant 1 : i32
    %get3A_413 = arith.index_cast %get3A_412 : i32 to index
    %get3A_414 = arith.constant 0 : index
    %get3A_415 = tpu.vector_load %arg9[%get3A_413, %get3A_414] {strides = array<i32>} : memref<2x128xi32, #tpu.memory_space<vmem>>, vector<1x16xi32>,
    %get3A_416 = vector.shape_cast %get3A_415 : vector<1x16xi32> to vector<16xi32>
    %mul3A_417 = arith.constant 200 : i32
    %mul3A_418 = vector.broadcast %mul3A_417 : i32 to vector<16xi32>
    %mul3A_419 = arith.muli %get3A_416, %mul3A_418 : vector<16xi32>
    %add3A_420 = arith.addi %mul3A_419, %select_n3A_411 : vector<16xi32>
    %swap3A_421 = arith.constant 1 : i32
    %swap3A_422 = arith.index_cast %swap3A_421 : i32 to index
    %swap3A_423 = arith.constant 0 : index
    %swap3A_424 = tpu.vector_load %arg9[%swap3A_422, %swap3A_423] {strides = array<i32>} : memref<2x128xi32, #tpu.memory_space<vmem>>, vector<1x16xi32>,
    %swap3A_425 = vector.shape_cast %swap3A_424 : vector<1x16xi32> to vector<16xi32>
    %swap3A_426 = vector.shape_cast %add3A_420 : vector<16xi32> to vector<1x16xi32>
    tpu.vector_store %arg9[%swap3A_422, %swap3A_423], %swap3A_426 {strides = array<i32>} : memref<2x128xi32, #tpu.memory_space<vmem>>, vector<1x16xi32>,
    %add3A_427 = arith.constant 128 : i32
    %add3A_428 = arith.addi %add3A_40, %add3A_427 : i32
    %add3A_429 = arith.constant 16 : i32
    %add3A_430 = arith.addi %add3A_428, %add3A_429 : i32
    %iota3A_431 = tpu.iota {dimensions = array<i32: 0>} : vector<16xi32>
    %add3A_432 = vector.broadcast %add3A_430 : i32 to vector<16xi32>
    %add3A_433 = arith.addi %iota3A_431, %add3A_432 : vector<16xi32>
    %jit3A_434 = arith.constant 200 : i32
    %eq3A_435 = arith.constant 0 : i32
    %eq3A_436 = arith.cmpi eq, %jit3A_434, %eq3A_435 : i32
    %jit3A_437 = arith.constant 1 : i32
    %select_n3A_438 = arith.select %eq3A_436, %jit3A_437, %jit3A_434 : i32
    %rem3A_439 = vector.broadcast %select_n3A_438 : i32 to vector<16xi32>
    %rem3A_440 = arith.remsi %add3A_433, %rem3A_439 : vector<16xi32>
    %ne3A_441 = arith.constant 0 : i32
    %ne3A_442 = vector.broadcast %ne3A_441 : i32 to vector<16xi32>
    %ne3A_443 = arith.cmpi ne, %rem3A_440, %ne3A_442 : vector<16xi32>
    %lt3A_444 = arith.constant 0 : i32
    %lt3A_445 = vector.broadcast %lt3A_444 : i32 to vector<16xi32>
    %lt3A_446 = arith.cmpi slt, %rem3A_440, %lt3A_445 : vector<16xi32>
    %lt3A_447 = arith.constant 0 : i32
    %lt3A_448 = arith.cmpi slt, %select_n3A_438, %lt3A_447 : i32
    %ne3A_449 = vector.broadcast %lt3A_448 : i1 to vector<16xi1>
    %ne3A_450 = vector.broadcast %ne3A_449 : vector<16xi1> to vector<16xi1>
    %ne3A_451 = arith.xori %lt3A_446, %ne3A_450 : vector<16xi1>
    %and3A_452 = arith.andi %ne3A_451, %ne3A_443 : vector<16xi1>
    %add3A_453 = vector.broadcast %select_n3A_438 : i32 to vector<16xi32>
    %add3A_454 = arith.addi %rem3A_440, %add3A_453 : vector<16xi32>
    %select_n3A_455 = arith.select %and3A_452, %add3A_454, %rem3A_440 : vector<16xi1>, vector<16xi32>
    %get3A_456 = arith.constant 1 : i32
    %get3A_457 = arith.index_cast %get3A_456 : i32 to index
    %get3A_458 = arith.constant 16 : index
    %get3A_459 = tpu.vector_load %arg9[%get3A_457, %get3A_458] {strides = array<i32>} : memref<2x128xi32, #tpu.memory_space<vmem>>, vector<1x16xi32>,
    %get3A_460 = vector.shape_cast %get3A_459 : vector<1x16xi32> to vector<16xi32>
    %mul3A_461 = arith.constant 200 : i32
    %mul3A_462 = vector.broadcast %mul3A_461 : i32 to vector<16xi32>
    %mul3A_463 = arith.muli %get3A_460, %mul3A_462 : vector<16xi32>
    %add3A_464 = arith.addi %mul3A_463, %select_n3A_455 : vector<16xi32>
    %swap3A_465 = arith.constant 1 : i32
    %swap3A_466 = arith.index_cast %swap3A_465 : i32 to index
    %swap3A_467 = arith.constant 16 : index
    %swap3A_468 = tpu.vector_load %arg9[%swap3A_466, %swap3A_467] {strides = array<i32>} : memref<2x128xi32, #tpu.memory_space<vmem>>, vector<1x16xi32>,
    %swap3A_469 = vector.shape_cast %swap3A_468 : vector<1x16xi32> to vector<16xi32>
    %swap3A_470 = vector.shape_cast %add3A_464 : vector<16xi32> to vector<1x16xi32>
    tpu.vector_store %arg9[%swap3A_466, %swap3A_467], %swap3A_470 {strides = array<i32>} : memref<2x128xi32, #tpu.memory_space<vmem>>, vector<1x16xi32>,
    %add3A_471 = arith.constant 128 : i32
    %add3A_472 = arith.addi %add3A_40, %add3A_471 : i32
    %add3A_473 = arith.constant 32 : i32
    %add3A_474 = arith.addi %add3A_472, %add3A_473 : i32
    %iota3A_475 = tpu.iota {dimensions = array<i32: 0>} : vector<16xi32>
    %add3A_476 = vector.broadcast %add3A_474 : i32 to vector<16xi32>
    %add3A_477 = arith.addi %iota3A_475, %add3A_476 : vector<16xi32>
    %jit3A_478 = arith.constant 200 : i32
    %eq3A_479 = arith.constant 0 : i32
    %eq3A_480 = arith.cmpi eq, %jit3A_478, %eq3A_479 : i32
    %jit3A_481 = arith.constant 1 : i32
    %select_n3A_482 = arith.select %eq3A_480, %jit3A_481, %jit3A_478 : i32
    %rem3A_483 = vector.broadcast %select_n3A_482 : i32 to vector<16xi32>
    %rem3A_484 = arith.remsi %add3A_477, %rem3A_483 : vector<16xi32>
    %ne3A_485 = arith.constant 0 : i32
    %ne3A_486 = vector.broadcast %ne3A_485 : i32 to vector<16xi32>
    %ne3A_487 = arith.cmpi ne, %rem3A_484, %ne3A_486 : vector<16xi32>
    %lt3A_488 = arith.constant 0 : i32
    %lt3A_489 = vector.broadcast %lt3A_488 : i32 to vector<16xi32>
    %lt3A_490 = arith.cmpi slt, %rem3A_484, %lt3A_489 : vector<16xi32>
    %lt3A_491 = arith.constant 0 : i32
    %lt3A_492 = arith.cmpi slt, %select_n3A_482, %lt3A_491 : i32
    %ne3A_493 = vector.broadcast %lt3A_492 : i1 to vector<16xi1>
    %ne3A_494 = vector.broadcast %ne3A_493 : vector<16xi1> to vector<16xi1>
    %ne3A_495 = arith.xori %lt3A_490, %ne3A_494 : vector<16xi1>
    %and3A_496 = arith.andi %ne3A_495, %ne3A_487 : vector<16xi1>
    %add3A_497 = vector.broadcast %select_n3A_482 : i32 to vector<16xi32>
    %add3A_498 = arith.addi %rem3A_484, %add3A_497 : vector<16xi32>
    %select_n3A_499 = arith.select %and3A_496, %add3A_498, %rem3A_484 : vector<16xi1>, vector<16xi32>
    %get3A_500 = arith.constant 1 : i32
    %get3A_501 = arith.index_cast %get3A_500 : i32 to index
    %get3A_502 = arith.constant 32 : index
    %get3A_503 = tpu.vector_load %arg9[%get3A_501, %get3A_502] {strides = array<i32>} : memref<2x128xi32, #tpu.memory_space<vmem>>, vector<1x16xi32>,
    %get3A_504 = vector.shape_cast %get3A_503 : vector<1x16xi32> to vector<16xi32>
    %mul3A_505 = arith.constant 200 : i32
    %mul3A_506 = vector.broadcast %mul3A_505 : i32 to vector<16xi32>
    %mul3A_507 = arith.muli %get3A_504, %mul3A_506 : vector<16xi32>
    %add3A_508 = arith.addi %mul3A_507, %select_n3A_499 : vector<16xi32>
    %swap3A_509 = arith.constant 1 : i32
    %swap3A_510 = arith.index_cast %swap3A_509 : i32 to index
    %swap3A_511 = arith.constant 32 : index
    %swap3A_512 = tpu.vector_load %arg9[%swap3A_510, %swap3A_511] {strides = array<i32>} : memref<2x128xi32, #tpu.memory_space<vmem>>, vector<1x16xi32>,
    %swap3A_513 = vector.shape_cast %swap3A_512 : vector<1x16xi32> to vector<16xi32>
    %swap3A_514 = vector.shape_cast %add3A_508 : vector<16xi32> to vector<1x16xi32>
    tpu.vector_store %arg9[%swap3A_510, %swap3A_511], %swap3A_514 {strides = array<i32>} : memref<2x128xi32, #tpu.memory_space<vmem>>, vector<1x16xi32>,
    %add3A_515 = arith.constant 128 : i32
    %add3A_516 = arith.addi %add3A_40, %add3A_515 : i32
    %add3A_517 = arith.constant 48 : i32
    %add3A_518 = arith.addi %add3A_516, %add3A_517 : i32
    %iota3A_519 = tpu.iota {dimensions = array<i32: 0>} : vector<16xi32>
    %add3A_520 = vector.broadcast %add3A_518 : i32 to vector<16xi32>
    %add3A_521 = arith.addi %iota3A_519, %add3A_520 : vector<16xi32>
    %jit3A_522 = arith.constant 200 : i32
    %eq3A_523 = arith.constant 0 : i32
    %eq3A_524 = arith.cmpi eq, %jit3A_522, %eq3A_523 : i32
    %jit3A_525 = arith.constant 1 : i32
    %select_n3A_526 = arith.select %eq3A_524, %jit3A_525, %jit3A_522 : i32
    %rem3A_527 = vector.broadcast %select_n3A_526 : i32 to vector<16xi32>
    %rem3A_528 = arith.remsi %add3A_521, %rem3A_527 : vector<16xi32>
    %ne3A_529 = arith.constant 0 : i32
    %ne3A_530 = vector.broadcast %ne3A_529 : i32 to vector<16xi32>
    %ne3A_531 = arith.cmpi ne, %rem3A_528, %ne3A_530 : vector<16xi32>
    %lt3A_532 = arith.constant 0 : i32
    %lt3A_533 = vector.broadcast %lt3A_532 : i32 to vector<16xi32>
    %lt3A_534 = arith.cmpi slt, %rem3A_528, %lt3A_533 : vector<16xi32>
    %lt3A_535 = arith.constant 0 : i32
    %lt3A_536 = arith.cmpi slt, %select_n3A_526, %lt3A_535 : i32
    %ne3A_537 = vector.broadcast %lt3A_536 : i1 to vector<16xi1>
    %ne3A_538 = vector.broadcast %ne3A_537 : vector<16xi1> to vector<16xi1>
    %ne3A_539 = arith.xori %lt3A_534, %ne3A_538 : vector<16xi1>
    %and3A_540 = arith.andi %ne3A_539, %ne3A_531 : vector<16xi1>
    %add3A_541 = vector.broadcast %select_n3A_526 : i32 to vector<16xi32>
    %add3A_542 = arith.addi %rem3A_528, %add3A_541 : vector<16xi32>
    %select_n3A_543 = arith.select %and3A_540, %add3A_542, %rem3A_528 : vector<16xi1>, vector<16xi32>
    %get3A_544 = arith.constant 1 : i32
    %get3A_545 = arith.index_cast %get3A_544 : i32 to index
    %get3A_546 = arith.constant 48 : index
    %get3A_547 = tpu.vector_load %arg9[%get3A_545, %get3A_546] {strides = array<i32>} : memref<2x128xi32, #tpu.memory_space<vmem>>, vector<1x16xi32>,
    %get3A_548 = vector.shape_cast %get3A_547 : vector<1x16xi32> to vector<16xi32>
    %mul3A_549 = arith.constant 200 : i32
    %mul3A_550 = vector.broadcast %mul3A_549 : i32 to vector<16xi32>
    %mul3A_551 = arith.muli %get3A_548, %mul3A_550 : vector<16xi32>
    %add3A_552 = arith.addi %mul3A_551, %select_n3A_543 : vector<16xi32>
    %swap3A_553 = arith.constant 1 : i32
    %swap3A_554 = arith.index_cast %swap3A_553 : i32 to index
    %swap3A_555 = arith.constant 48 : index
    %swap3A_556 = tpu.vector_load %arg9[%swap3A_554, %swap3A_555] {strides = array<i32>} : memref<2x128xi32, #tpu.memory_space<vmem>>, vector<1x16xi32>,
    %swap3A_557 = vector.shape_cast %swap3A_556 : vector<1x16xi32> to vector<16xi32>
    %swap3A_558 = vector.shape_cast %add3A_552 : vector<16xi32> to vector<1x16xi32>
    tpu.vector_store %arg9[%swap3A_554, %swap3A_555], %swap3A_558 {strides = array<i32>} : memref<2x128xi32, #tpu.memory_space<vmem>>, vector<1x16xi32>,
    %add3A_559 = arith.constant 128 : i32
    %add3A_560 = arith.addi %add3A_40, %add3A_559 : i32
    %add3A_561 = arith.constant 64 : i32
    %add3A_562 = arith.addi %add3A_560, %add3A_561 : i32
    %iota3A_563 = tpu.iota {dimensions = array<i32: 0>} : vector<16xi32>
    %add3A_564 = vector.broadcast %add3A_562 : i32 to vector<16xi32>
    %add3A_565 = arith.addi %iota3A_563, %add3A_564 : vector<16xi32>
    %jit3A_566 = arith.constant 200 : i32
    %eq3A_567 = arith.constant 0 : i32
    %eq3A_568 = arith.cmpi eq, %jit3A_566, %eq3A_567 : i32
    %jit3A_569 = arith.constant 1 : i32
    %select_n3A_570 = arith.select %eq3A_568, %jit3A_569, %jit3A_566 : i32
    %rem3A_571 = vector.broadcast %select_n3A_570 : i32 to vector<16xi32>
    %rem3A_572 = arith.remsi %add3A_565, %rem3A_571 : vector<16xi32>
    %ne3A_573 = arith.constant 0 : i32
    %ne3A_574 = vector.broadcast %ne3A_573 : i32 to vector<16xi32>
    %ne3A_575 = arith.cmpi ne, %rem3A_572, %ne3A_574 : vector<16xi32>
    %lt3A_576 = arith.constant 0 : i32
    %lt3A_577 = vector.broadcast %lt3A_576 : i32 to vector<16xi32>
    %lt3A_578 = arith.cmpi slt, %rem3A_572, %lt3A_577 : vector<16xi32>
    %lt3A_579 = arith.constant 0 : i32
    %lt3A_580 = arith.cmpi slt, %select_n3A_570, %lt3A_579 : i32
    %ne3A_581 = vector.broadcast %lt3A_580 : i1 to vector<16xi1>
    %ne3A_582 = vector.broadcast %ne3A_581 : vector<16xi1> to vector<16xi1>
    %ne3A_583 = arith.xori %lt3A_578, %ne3A_582 : vector<16xi1>
    %and3A_584 = arith.andi %ne3A_583, %ne3A_575 : vector<16xi1>
    %add3A_585 = vector.broadcast %select_n3A_570 : i32 to vector<16xi32>
    %add3A_586 = arith.addi %rem3A_572, %add3A_585 : vector<16xi32>
    %select_n3A_587 = arith.select %and3A_584, %add3A_586, %rem3A_572 : vector<16xi1>, vector<16xi32>
    %get3A_588 = arith.constant 1 : i32
    %get3A_589 = arith.index_cast %get3A_588 : i32 to index
    %get3A_590 = arith.constant 64 : index
    %get3A_591 = tpu.vector_load %arg9[%get3A_589, %get3A_590] {strides = array<i32>} : memref<2x128xi32, #tpu.memory_space<vmem>>, vector<1x16xi32>,
    %get3A_592 = vector.shape_cast %get3A_591 : vector<1x16xi32> to vector<16xi32>
    %mul3A_593 = arith.constant 200 : i32
    %mul3A_594 = vector.broadcast %mul3A_593 : i32 to vector<16xi32>
    %mul3A_595 = arith.muli %get3A_592, %mul3A_594 : vector<16xi32>
    %add3A_596 = arith.addi %mul3A_595, %select_n3A_587 : vector<16xi32>
    %swap3A_597 = arith.constant 1 : i32
    %swap3A_598 = arith.index_cast %swap3A_597 : i32 to index
    %swap3A_599 = arith.constant 64 : index
    %swap3A_600 = tpu.vector_load %arg9[%swap3A_598, %swap3A_599] {strides = array<i32>} : memref<2x128xi32, #tpu.memory_space<vmem>>, vector<1x16xi32>,
    %swap3A_601 = vector.shape_cast %swap3A_600 : vector<1x16xi32> to vector<16xi32>
    %swap3A_602 = vector.shape_cast %add3A_596 : vector<16xi32> to vector<1x16xi32>
    tpu.vector_store %arg9[%swap3A_598, %swap3A_599], %swap3A_602 {strides = array<i32>} : memref<2x128xi32, #tpu.memory_space<vmem>>, vector<1x16xi32>,
    %add3A_603 = arith.constant 128 : i32
    %add3A_604 = arith.addi %add3A_40, %add3A_603 : i32
    %add3A_605 = arith.constant 80 : i32
    %add3A_606 = arith.addi %add3A_604, %add3A_605 : i32
    %iota3A_607 = tpu.iota {dimensions = array<i32: 0>} : vector<16xi32>
    %add3A_608 = vector.broadcast %add3A_606 : i32 to vector<16xi32>
    %add3A_609 = arith.addi %iota3A_607, %add3A_608 : vector<16xi32>
    %jit3A_610 = arith.constant 200 : i32
    %eq3A_611 = arith.constant 0 : i32
    %eq3A_612 = arith.cmpi eq, %jit3A_610, %eq3A_611 : i32
    %jit3A_613 = arith.constant 1 : i32
    %select_n3A_614 = arith.select %eq3A_612, %jit3A_613, %jit3A_610 : i32
    %rem3A_615 = vector.broadcast %select_n3A_614 : i32 to vector<16xi32>
    %rem3A_616 = arith.remsi %add3A_609, %rem3A_615 : vector<16xi32>
    %ne3A_617 = arith.constant 0 : i32
    %ne3A_618 = vector.broadcast %ne3A_617 : i32 to vector<16xi32>
    %ne3A_619 = arith.cmpi ne, %rem3A_616, %ne3A_618 : vector<16xi32>
    %lt3A_620 = arith.constant 0 : i32
    %lt3A_621 = vector.broadcast %lt3A_620 : i32 to vector<16xi32>
    %lt3A_622 = arith.cmpi slt, %rem3A_616, %lt3A_621 : vector<16xi32>
    %lt3A_623 = arith.constant 0 : i32
    %lt3A_624 = arith.cmpi slt, %select_n3A_614, %lt3A_623 : i32
    %ne3A_625 = vector.broadcast %lt3A_624 : i1 to vector<16xi1>
    %ne3A_626 = vector.broadcast %ne3A_625 : vector<16xi1> to vector<16xi1>
    %ne3A_627 = arith.xori %lt3A_622, %ne3A_626 : vector<16xi1>
    %and3A_628 = arith.andi %ne3A_627, %ne3A_619 : vector<16xi1>
    %add3A_629 = vector.broadcast %select_n3A_614 : i32 to vector<16xi32>
    %add3A_630 = arith.addi %rem3A_616, %add3A_629 : vector<16xi32>
    %select_n3A_631 = arith.select %and3A_628, %add3A_630, %rem3A_616 : vector<16xi1>, vector<16xi32>
    %get3A_632 = arith.constant 1 : i32
    %get3A_633 = arith.index_cast %get3A_632 : i32 to index
    %get3A_634 = arith.constant 80 : index
    %get3A_635 = tpu.vector_load %arg9[%get3A_633, %get3A_634] {strides = array<i32>} : memref<2x128xi32, #tpu.memory_space<vmem>>, vector<1x16xi32>,
    %get3A_636 = vector.shape_cast %get3A_635 : vector<1x16xi32> to vector<16xi32>
    %mul3A_637 = arith.constant 200 : i32
    %mul3A_638 = vector.broadcast %mul3A_637 : i32 to vector<16xi32>
    %mul3A_639 = arith.muli %get3A_636, %mul3A_638 : vector<16xi32>
    %add3A_640 = arith.addi %mul3A_639, %select_n3A_631 : vector<16xi32>
    %swap3A_641 = arith.constant 1 : i32
    %swap3A_642 = arith.index_cast %swap3A_641 : i32 to index
    %swap3A_643 = arith.constant 80 : index
    %swap3A_644 = tpu.vector_load %arg9[%swap3A_642, %swap3A_643] {strides = array<i32>} : memref<2x128xi32, #tpu.memory_space<vmem>>, vector<1x16xi32>,
    %swap3A_645 = vector.shape_cast %swap3A_644 : vector<1x16xi32> to vector<16xi32>
    %swap3A_646 = vector.shape_cast %add3A_640 : vector<16xi32> to vector<1x16xi32>
    tpu.vector_store %arg9[%swap3A_642, %swap3A_643], %swap3A_646 {strides = array<i32>} : memref<2x128xi32, #tpu.memory_space<vmem>>, vector<1x16xi32>,
    %add3A_647 = arith.constant 128 : i32
    %add3A_648 = arith.addi %add3A_40, %add3A_647 : i32
    %add3A_649 = arith.constant 96 : i32
    %add3A_650 = arith.addi %add3A_648, %add3A_649 : i32
    %iota3A_651 = tpu.iota {dimensions = array<i32: 0>} : vector<16xi32>
    %add3A_652 = vector.broadcast %add3A_650 : i32 to vector<16xi32>
    %add3A_653 = arith.addi %iota3A_651, %add3A_652 : vector<16xi32>
    %jit3A_654 = arith.constant 200 : i32
    %eq3A_655 = arith.constant 0 : i32
    %eq3A_656 = arith.cmpi eq, %jit3A_654, %eq3A_655 : i32
    %jit3A_657 = arith.constant 1 : i32
    %select_n3A_658 = arith.select %eq3A_656, %jit3A_657, %jit3A_654 : i32
    %rem3A_659 = vector.broadcast %select_n3A_658 : i32 to vector<16xi32>
    %rem3A_660 = arith.remsi %add3A_653, %rem3A_659 : vector<16xi32>
    %ne3A_661 = arith.constant 0 : i32
    %ne3A_662 = vector.broadcast %ne3A_661 : i32 to vector<16xi32>
    %ne3A_663 = arith.cmpi ne, %rem3A_660, %ne3A_662 : vector<16xi32>
    %lt3A_664 = arith.constant 0 : i32
    %lt3A_665 = vector.broadcast %lt3A_664 : i32 to vector<16xi32>
    %lt3A_666 = arith.cmpi slt, %rem3A_660, %lt3A_665 : vector<16xi32>
    %lt3A_667 = arith.constant 0 : i32
    %lt3A_668 = arith.cmpi slt, %select_n3A_658, %lt3A_667 : i32
    %ne3A_669 = vector.broadcast %lt3A_668 : i1 to vector<16xi1>
    %ne3A_670 = vector.broadcast %ne3A_669 : vector<16xi1> to vector<16xi1>
    %ne3A_671 = arith.xori %lt3A_666, %ne3A_670 : vector<16xi1>
    %and3A_672 = arith.andi %ne3A_671, %ne3A_663 : vector<16xi1>
    %add3A_673 = vector.broadcast %select_n3A_658 : i32 to vector<16xi32>
    %add3A_674 = arith.addi %rem3A_660, %add3A_673 : vector<16xi32>
    %select_n3A_675 = arith.select %and3A_672, %add3A_674, %rem3A_660 : vector<16xi1>, vector<16xi32>
    %get3A_676 = arith.constant 1 : i32
    %get3A_677 = arith.index_cast %get3A_676 : i32 to index
    %get3A_678 = arith.constant 96 : index
    %get3A_679 = tpu.vector_load %arg9[%get3A_677, %get3A_678] {strides = array<i32>} : memref<2x128xi32, #tpu.memory_space<vmem>>, vector<1x16xi32>,
    %get3A_680 = vector.shape_cast %get3A_679 : vector<1x16xi32> to vector<16xi32>
    %mul3A_681 = arith.constant 200 : i32
    %mul3A_682 = vector.broadcast %mul3A_681 : i32 to vector<16xi32>
    %mul3A_683 = arith.muli %get3A_680, %mul3A_682 : vector<16xi32>
    %add3A_684 = arith.addi %mul3A_683, %select_n3A_675 : vector<16xi32>
    %swap3A_685 = arith.constant 1 : i32
    %swap3A_686 = arith.index_cast %swap3A_685 : i32 to index
    %swap3A_687 = arith.constant 96 : index
    %swap3A_688 = tpu.vector_load %arg9[%swap3A_686, %swap3A_687] {strides = array<i32>} : memref<2x128xi32, #tpu.memory_space<vmem>>, vector<1x16xi32>,
    %swap3A_689 = vector.shape_cast %swap3A_688 : vector<1x16xi32> to vector<16xi32>
    %swap3A_690 = vector.shape_cast %add3A_684 : vector<16xi32> to vector<1x16xi32>
    tpu.vector_store %arg9[%swap3A_686, %swap3A_687], %swap3A_690 {strides = array<i32>} : memref<2x128xi32, #tpu.memory_space<vmem>>, vector<1x16xi32>,
    %add3A_691 = arith.constant 128 : i32
    %add3A_692 = arith.addi %add3A_40, %add3A_691 : i32
    %add3A_693 = arith.constant 112 : i32
    %add3A_694 = arith.addi %add3A_692, %add3A_693 : i32
    %iota3A_695 = tpu.iota {dimensions = array<i32: 0>} : vector<16xi32>
    %add3A_696 = vector.broadcast %add3A_694 : i32 to vector<16xi32>
    %add3A_697 = arith.addi %iota3A_695, %add3A_696 : vector<16xi32>
    %jit3A_698 = arith.constant 200 : i32
    %eq3A_699 = arith.constant 0 : i32
    %eq3A_700 = arith.cmpi eq, %jit3A_698, %eq3A_699 : i32
    %jit3A_701 = arith.constant 1 : i32
    %select_n3A_702 = arith.select %eq3A_700, %jit3A_701, %jit3A_698 : i32
    %rem3A_703 = vector.broadcast %select_n3A_702 : i32 to vector<16xi32>
    %rem3A_704 = arith.remsi %add3A_697, %rem3A_703 : vector<16xi32>
    %ne3A_705 = arith.constant 0 : i32
    %ne3A_706 = vector.broadcast %ne3A_705 : i32 to vector<16xi32>
    %ne3A_707 = arith.cmpi ne, %rem3A_704, %ne3A_706 : vector<16xi32>
    %lt3A_708 = arith.constant 0 : i32
    %lt3A_709 = vector.broadcast %lt3A_708 : i32 to vector<16xi32>
    %lt3A_710 = arith.cmpi slt, %rem3A_704, %lt3A_709 : vector<16xi32>
    %lt3A_711 = arith.constant 0 : i32
    %lt3A_712 = arith.cmpi slt, %select_n3A_702, %lt3A_711 : i32
    %ne3A_713 = vector.broadcast %lt3A_712 : i1 to vector<16xi1>
    %ne3A_714 = vector.broadcast %ne3A_713 : vector<16xi1> to vector<16xi1>
    %ne3A_715 = arith.xori %lt3A_710, %ne3A_714 : vector<16xi1>
    %and3A_716 = arith.andi %ne3A_715, %ne3A_707 : vector<16xi1>
    %add3A_717 = vector.broadcast %select_n3A_702 : i32 to vector<16xi32>
    %add3A_718 = arith.addi %rem3A_704, %add3A_717 : vector<16xi32>
    %select_n3A_719 = arith.select %and3A_716, %add3A_718, %rem3A_704 : vector<16xi1>, vector<16xi32>
    %get3A_720 = arith.constant 1 : i32
    %get3A_721 = arith.index_cast %get3A_720 : i32 to index
    %get3A_722 = arith.constant 112 : index
    %get3A_723 = tpu.vector_load %arg9[%get3A_721, %get3A_722] {strides = array<i32>} : memref<2x128xi32, #tpu.memory_space<vmem>>, vector<1x16xi32>,
    %get3A_724 = vector.shape_cast %get3A_723 : vector<1x16xi32> to vector<16xi32>
    %mul3A_725 = arith.constant 200 : i32
    %mul3A_726 = vector.broadcast %mul3A_725 : i32 to vector<16xi32>
    %mul3A_727 = arith.muli %get3A_724, %mul3A_726 : vector<16xi32>
    %add3A_728 = arith.addi %mul3A_727, %select_n3A_719 : vector<16xi32>
    %swap3A_729 = arith.constant 1 : i32
    %swap3A_730 = arith.index_cast %swap3A_729 : i32 to index
    %swap3A_731 = arith.constant 112 : index
    %swap3A_732 = tpu.vector_load %arg9[%swap3A_730, %swap3A_731] {strides = array<i32>} : memref<2x128xi32, #tpu.memory_space<vmem>>, vector<1x16xi32>,
    %swap3A_733 = vector.shape_cast %swap3A_732 : vector<1x16xi32> to vector<16xi32>
    %swap3A_734 = vector.shape_cast %add3A_728 : vector<16xi32> to vector<1x16xi32>
    tpu.vector_store %arg9[%swap3A_730, %swap3A_731], %swap3A_734 {strides = array<i32>} : memref<2x128xi32, #tpu.memory_space<vmem>>, vector<1x16xi32>,
    %dma_start3A_735 = arith.constant 0 : i32
    %dma_start3A_736 = arith.constant 0 : i32
    %dma_start3A_737 = arith.constant 0 : i32
    %dma_start3A_738 = tpu.memref_slice %arg11[%dma_start3A_736, %dma_start3A_737] : memref<256x64xf32, #tpu.memory_space<vmem>> -> memref<128x64xf32, #tpu.memory_space<vmem>>
    %dma_start3A_739 = arith.constant 0 : i32
    %dma_start3A_740 = tpu.memref_slice %arg7[%dma_start3A_735, %dma_start3A_739] : memref<2x128xi32, #tpu.memory_space<vmem>> -> memref<1x128xi32, #tpu.memory_space<vmem>>
    %dma_start3A_741 = tpu.memref_squeeze %dma_start3A_740 : memref<1x128xi32, #tpu.memory_space<vmem>> -> memref<128xi32, #tpu.memory_space<vmem>>
    %dma_start3A_742 = arith.constant 0 : i32
    %dma_start3A_743 = arith.constant 0 : i32
    %dma_start3A_744 = tpu.memref_slice %arg2[%dma_start3A_742, %dma_start3A_743] : memref<100001x64xf32, #tpu.memory_space<hbm>> -> memref<100001x64xf32, #tpu.memory_space<hbm>>
    tpu.enqueue_indirect_dma source(%dma_start3A_744 : memref<100001x64xf32, #tpu.memory_space<hbm>>) target(%dma_start3A_738 : memref<128x64xf32, #tpu.memory_space<vmem>>) offsets(%dma_start3A_741 : memref<128xi32, #tpu.memory_space<vmem>>) semaphore(%arg17 : memref<!tpu.dma_semaphore, #tpu.memory_space<semaphore_mem>>)
    %dma_start3A_745 = arith.constant 0 : i32
    %dma_start3A_746 = arith.constant 0 : i32
    %dma_start3A_747 = arith.constant 0 : i32
    %dma_start3A_748 = tpu.memref_slice %arg13[%dma_start3A_746, %dma_start3A_747] : memref<256x64xf32, #tpu.memory_space<vmem>> -> memref<128x64xf32, #tpu.memory_space<vmem>>
    %dma_start3A_749 = arith.constant 0 : i32
    %dma_start3A_750 = tpu.memref_slice %arg9[%dma_start3A_745, %dma_start3A_749] : memref<2x128xi32, #tpu.memory_space<vmem>> -> memref<1x128xi32, #tpu.memory_space<vmem>>
    %dma_start3A_751 = tpu.memref_squeeze %dma_start3A_750 : memref<1x128xi32, #tpu.memory_space<vmem>> -> memref<128xi32, #tpu.memory_space<vmem>>
    %dma_start3A_752 = arith.constant 0 : i32
    %dma_start3A_753 = arith.constant 0 : i32
    %dma_start3A_754 = tpu.memref_slice %arg3[%dma_start3A_752, %dma_start3A_753] : memref<800x64xf32, #tpu.memory_space<hbm>> -> memref<800x64xf32, #tpu.memory_space<hbm>>
    tpu.enqueue_indirect_dma source(%dma_start3A_754 : memref<800x64xf32, #tpu.memory_space<hbm>>) target(%dma_start3A_748 : memref<128x64xf32, #tpu.memory_space<vmem>>) offsets(%dma_start3A_751 : memref<128xi32, #tpu.memory_space<vmem>>) semaphore(%arg17 : memref<!tpu.dma_semaphore, #tpu.memory_space<semaphore_mem>>)
    %dma_start3A_755 = arith.constant 1 : i32
    %dma_start3A_756 = arith.constant 128 : i32
    %dma_start3A_757 = arith.constant 0 : i32
    %dma_start3A_758 = tpu.memref_slice %arg11[%dma_start3A_756, %dma_start3A_757] : memref<256x64xf32, #tpu.memory_space<vmem>> -> memref<128x64xf32, #tpu.memory_space<vmem>>
    %dma_start3A_759 = arith.constant 0 : i32
    %dma_start3A_760 = tpu.memref_slice %arg7[%dma_start3A_755, %dma_start3A_759] : memref<2x128xi32, #tpu.memory_space<vmem>> -> memref<1x128xi32, #tpu.memory_space<vmem>>
    %dma_start3A_761 = tpu.memref_squeeze %dma_start3A_760 : memref<1x128xi32, #tpu.memory_space<vmem>> -> memref<128xi32, #tpu.memory_space<vmem>>
    %dma_start3A_762 = arith.constant 0 : i32
    %dma_start3A_763 = arith.constant 0 : i32
    %dma_start3A_764 = tpu.memref_slice %arg2[%dma_start3A_762, %dma_start3A_763] : memref<100001x64xf32, #tpu.memory_space<hbm>> -> memref<100001x64xf32, #tpu.memory_space<hbm>>
    tpu.enqueue_indirect_dma source(%dma_start3A_764 : memref<100001x64xf32, #tpu.memory_space<hbm>>) target(%dma_start3A_758 : memref<128x64xf32, #tpu.memory_space<vmem>>) offsets(%dma_start3A_761 : memref<128xi32, #tpu.memory_space<vmem>>) semaphore(%arg17 : memref<!tpu.dma_semaphore, #tpu.memory_space<semaphore_mem>>)
    %dma_start3A_765 = arith.constant 1 : i32
    %dma_start3A_766 = arith.constant 128 : i32
    %dma_start3A_767 = arith.constant 0 : i32
    %dma_start3A_768 = tpu.memref_slice %arg13[%dma_start3A_766, %dma_start3A_767] : memref<256x64xf32, #tpu.memory_space<vmem>> -> memref<128x64xf32, #tpu.memory_space<vmem>>
    %dma_start3A_769 = arith.constant 0 : i32
    %dma_start3A_770 = tpu.memref_slice %arg9[%dma_start3A_765, %dma_start3A_769] : memref<2x128xi32, #tpu.memory_space<vmem>> -> memref<1x128xi32, #tpu.memory_space<vmem>>
    %dma_start3A_771 = tpu.memref_squeeze %dma_start3A_770 : memref<1x128xi32, #tpu.memory_space<vmem>> -> memref<128xi32, #tpu.memory_space<vmem>>
    %dma_start3A_772 = arith.constant 0 : i32
    %dma_start3A_773 = arith.constant 0 : i32
    %dma_start3A_774 = tpu.memref_slice %arg3[%dma_start3A_772, %dma_start3A_773] : memref<800x64xf32, #tpu.memory_space<hbm>> -> memref<800x64xf32, #tpu.memory_space<hbm>>
    tpu.enqueue_indirect_dma source(%dma_start3A_774 : memref<800x64xf32, #tpu.memory_space<hbm>>) target(%dma_start3A_768 : memref<128x64xf32, #tpu.memory_space<vmem>>) offsets(%dma_start3A_771 : memref<128xi32, #tpu.memory_space<vmem>>) semaphore(%arg17 : memref<!tpu.dma_semaphore, #tpu.memory_space<semaphore_mem>>)
    %scan3A = arith.constant 0 : i32
    %scan3A_775 = arith.constant 0 : i32
    %scan3A_776 = arith.constant 49 : i32
    %scan3A_777 = arith.addi %scan3A_775, %scan3A_776 : i32
    %scan3A_778 = arith.constant 1 : i32
    scf.for %scan3A_1660 = %scan3A_775 to %scan3A_777 step %scan3A_778  : i32 {
      %mul3A_1661 = arith.constant 2 : i32
      %mul3A_1662 = arith.muli %mul3A_1661, %scan3A_1660 : i32
      %add3A_1663 = arith.constant 0 : i32
      %add3A_1664 = arith.addi %mul3A_1662, %add3A_1663 : i32
      %add3A_1665 = arith.constant 1 : i32
      %add3A_1666 = arith.addi %add3A_1664, %add3A_1665 : i32
      %mul3A_1667 = arith.constant 2 : i32
      %mul3A_1668 = arith.muli %add3A_1666, %mul3A_1667 : i32
      %add3A_1669 = arith.addi %mul3A_2, %mul3A_1668 : i32
      %dma_wait3A_1670 = arith.constant 0 : i32
      %dma_wait3A_1671 = tpu.memref_slice %arg4[%add3A_1669, %dma_wait3A_1670] : memref<6400x128xi32, #tpu.memory_space<hbm>> -> memref<2x128xi32, #tpu.memory_space<hbm>>
      %dma_wait3A_1672 = arith.constant 0 : i32
      %dma_wait3A_1673 = tpu.memref_slice %arg4[%add3A_1669, %dma_wait3A_1672] : memref<6400x128xi32, #tpu.memory_space<hbm>> -> memref<2x128xi32, #tpu.memory_space<hbm>>
      tpu.wait_dma2 semaphore(%arg16 : memref<!tpu.dma_semaphore, #tpu.memory_space<semaphore_mem>>) src(%dma_wait3A_1673 : memref<2x128xi32, #tpu.memory_space<hbm>>) dst(%arg8 : memref<2x128xi32, #tpu.memory_space<vmem>>)
      %mul3A_1674 = arith.constant 2 : i32
      %mul3A_1675 = arith.muli %add3A_1666, %mul3A_1674 : i32
      %add3A_1676 = arith.addi %mul3A_2, %mul3A_1675 : i32
      %dma_wait3A_1677 = arith.constant 0 : i32
      %dma_wait3A_1678 = tpu.memref_slice %arg5[%add3A_1676, %dma_wait3A_1677] : memref<6400x128xi32, #tpu.memory_space<hbm>> -> memref<2x128xi32, #tpu.memory_space<hbm>>
      %dma_wait3A_1679 = arith.constant 0 : i32
      %dma_wait3A_1680 = tpu.memref_slice %arg5[%add3A_1676, %dma_wait3A_1679] : memref<6400x128xi32, #tpu.memory_space<hbm>> -> memref<2x128xi32, #tpu.memory_space<hbm>>
      tpu.wait_dma2 semaphore(%arg16 : memref<!tpu.dma_semaphore, #tpu.memory_space<semaphore_mem>>) src(%dma_wait3A_1680 : memref<2x128xi32, #tpu.memory_space<hbm>>) dst(%arg10 : memref<2x128xi32, #tpu.memory_space<vmem>>)
      %add3A_1681 = arith.constant 1 : i32
      %add3A_1682 = arith.addi %add3A_1664, %add3A_1681 : i32
      %mul3A_1683 = arith.constant 256 : i32
      %mul3A_1684 = arith.muli %add3A_1682, %mul3A_1683 : i32
      %add3A_1685 = arith.addi %mul3A_4, %mul3A_1684 : i32
      %add3A_1686 = arith.constant 0 : i32
      %add3A_1687 = arith.addi %add3A_1685, %add3A_1686 : i32
      %add3A_1688 = arith.constant 0 : i32
      %add3A_1689 = arith.addi %add3A_1687, %add3A_1688 : i32
      %iota3A_1690 = tpu.iota {dimensions = array<i32: 0>} : vector<16xi32>
      %add3A_1691 = vector.broadcast %add3A_1689 : i32 to vector<16xi32>
      %add3A_1692 = arith.addi %iota3A_1690, %add3A_1691 : vector<16xi32>
      %jit3A_1693 = arith.constant 200 : i32
      %eq3A_1694 = arith.constant 0 : i32
      %eq3A_1695 = arith.cmpi eq, %jit3A_1693, %eq3A_1694 : i32
      %jit3A_1696 = arith.constant 1 : i32
      %select_n3A_1697 = arith.select %eq3A_1695, %jit3A_1696, %jit3A_1693 : i32
      %rem3A_1698 = vector.broadcast %select_n3A_1697 : i32 to vector<16xi32>
      %rem3A_1699 = arith.remsi %add3A_1692, %rem3A_1698 : vector<16xi32>
      %ne3A_1700 = arith.constant 0 : i32
      %ne3A_1701 = vector.broadcast %ne3A_1700 : i32 to vector<16xi32>
      %ne3A_1702 = arith.cmpi ne, %rem3A_1699, %ne3A_1701 : vector<16xi32>
      %lt3A_1703 = arith.constant 0 : i32
      %lt3A_1704 = vector.broadcast %lt3A_1703 : i32 to vector<16xi32>
      %lt3A_1705 = arith.cmpi slt, %rem3A_1699, %lt3A_1704 : vector<16xi32>
      %lt3A_1706 = arith.constant 0 : i32
      %lt3A_1707 = arith.cmpi slt, %select_n3A_1697, %lt3A_1706 : i32
      %ne3A_1708 = vector.broadcast %lt3A_1707 : i1 to vector<16xi1>
      %ne3A_1709 = vector.broadcast %ne3A_1708 : vector<16xi1> to vector<16xi1>
      %ne3A_1710 = arith.xori %lt3A_1705, %ne3A_1709 : vector<16xi1>
      %and3A_1711 = arith.andi %ne3A_1710, %ne3A_1702 : vector<16xi1>
      %add3A_1712 = vector.broadcast %select_n3A_1697 : i32 to vector<16xi32>
      %add3A_1713 = arith.addi %rem3A_1699, %add3A_1712 : vector<16xi32>
      %select_n3A_1714 = arith.select %and3A_1711, %add3A_1713, %rem3A_1699 : vector<16xi1>, vector<16xi32>
      %get3A_1715 = arith.constant 0 : i32
      %get3A_1716 = arith.index_cast %get3A_1715 : i32 to index
      %get3A_1717 = arith.constant 0 : index
      %get3A_1718 = tpu.vector_load %arg10[%get3A_1716, %get3A_1717] {strides = array<i32>} : memref<2x128xi32, #tpu.memory_space<vmem>>, vector<1x16xi32>,
      %get3A_1719 = vector.shape_cast %get3A_1718 : vector<1x16xi32> to vector<16xi32>
      %mul3A_1720 = arith.constant 200 : i32
      %mul3A_1721 = vector.broadcast %mul3A_1720 : i32 to vector<16xi32>
      %mul3A_1722 = arith.muli %get3A_1719, %mul3A_1721 : vector<16xi32>
      %add3A_1723 = arith.addi %mul3A_1722, %select_n3A_1714 : vector<16xi32>
      %swap3A_1724 = arith.constant 0 : i32
      %swap3A_1725 = arith.index_cast %swap3A_1724 : i32 to index
      %swap3A_1726 = arith.constant 0 : index
      %swap3A_1727 = tpu.vector_load %arg10[%swap3A_1725, %swap3A_1726] {strides = array<i32>} : memref<2x128xi32, #tpu.memory_space<vmem>>, vector<1x16xi32>,
      %swap3A_1728 = vector.shape_cast %swap3A_1727 : vector<1x16xi32> to vector<16xi32>
      %swap3A_1729 = vector.shape_cast %add3A_1723 : vector<16xi32> to vector<1x16xi32>
      tpu.vector_store %arg10[%swap3A_1725, %swap3A_1726], %swap3A_1729 {strides = array<i32>} : memref<2x128xi32, #tpu.memory_space<vmem>>, vector<1x16xi32>,
      %add3A_1730 = arith.constant 0 : i32
      %add3A_1731 = arith.addi %add3A_1685, %add3A_1730 : i32
      %add3A_1732 = arith.constant 16 : i32
      %add3A_1733 = arith.addi %add3A_1731, %add3A_1732 : i32
      %iota3A_1734 = tpu.iota {dimensions = array<i32: 0>} : vector<16xi32>
      %add3A_1735 = vector.broadcast %add3A_1733 : i32 to vector<16xi32>
      %add3A_1736 = arith.addi %iota3A_1734, %add3A_1735 : vector<16xi32>
      %jit3A_1737 = arith.constant 200 : i32
      %eq3A_1738 = arith.constant 0 : i32
      %eq3A_1739 = arith.cmpi eq, %jit3A_1737, %eq3A_1738 : i32
      %jit3A_1740 = arith.constant 1 : i32
      %select_n3A_1741 = arith.select %eq3A_1739, %jit3A_1740, %jit3A_1737 : i32
      %rem3A_1742 = vector.broadcast %select_n3A_1741 : i32 to vector<16xi32>
      %rem3A_1743 = arith.remsi %add3A_1736, %rem3A_1742 : vector<16xi32>
      %ne3A_1744 = arith.constant 0 : i32
      %ne3A_1745 = vector.broadcast %ne3A_1744 : i32 to vector<16xi32>
      %ne3A_1746 = arith.cmpi ne, %rem3A_1743, %ne3A_1745 : vector<16xi32>
      %lt3A_1747 = arith.constant 0 : i32
      %lt3A_1748 = vector.broadcast %lt3A_1747 : i32 to vector<16xi32>
      %lt3A_1749 = arith.cmpi slt, %rem3A_1743, %lt3A_1748 : vector<16xi32>
      %lt3A_1750 = arith.constant 0 : i32
      %lt3A_1751 = arith.cmpi slt, %select_n3A_1741, %lt3A_1750 : i32
      %ne3A_1752 = vector.broadcast %lt3A_1751 : i1 to vector<16xi1>
      %ne3A_1753 = vector.broadcast %ne3A_1752 : vector<16xi1> to vector<16xi1>
      %ne3A_1754 = arith.xori %lt3A_1749, %ne3A_1753 : vector<16xi1>
      %and3A_1755 = arith.andi %ne3A_1754, %ne3A_1746 : vector<16xi1>
      %add3A_1756 = vector.broadcast %select_n3A_1741 : i32 to vector<16xi32>
      %add3A_1757 = arith.addi %rem3A_1743, %add3A_1756 : vector<16xi32>
      %select_n3A_1758 = arith.select %and3A_1755, %add3A_1757, %rem3A_1743 : vector<16xi1>, vector<16xi32>
      %get3A_1759 = arith.constant 0 : i32
      %get3A_1760 = arith.index_cast %get3A_1759 : i32 to index
      %get3A_1761 = arith.constant 16 : index
      %get3A_1762 = tpu.vector_load %arg10[%get3A_1760, %get3A_1761] {strides = array<i32>} : memref<2x128xi32, #tpu.memory_space<vmem>>, vector<1x16xi32>,
      %get3A_1763 = vector.shape_cast %get3A_1762 : vector<1x16xi32> to vector<16xi32>
      %mul3A_1764 = arith.constant 200 : i32
      %mul3A_1765 = vector.broadcast %mul3A_1764 : i32 to vector<16xi32>
      %mul3A_1766 = arith.muli %get3A_1763, %mul3A_1765 : vector<16xi32>
      %add3A_1767 = arith.addi %mul3A_1766, %select_n3A_1758 : vector<16xi32>
      %swap3A_1768 = arith.constant 0 : i32
      %swap3A_1769 = arith.index_cast %swap3A_1768 : i32 to index
      %swap3A_1770 = arith.constant 16 : index
      %swap3A_1771 = tpu.vector_load %arg10[%swap3A_1769, %swap3A_1770] {strides = array<i32>} : memref<2x128xi32, #tpu.memory_space<vmem>>, vector<1x16xi32>,
      %swap3A_1772 = vector.shape_cast %swap3A_1771 : vector<1x16xi32> to vector<16xi32>
      %swap3A_1773 = vector.shape_cast %add3A_1767 : vector<16xi32> to vector<1x16xi32>
      tpu.vector_store %arg10[%swap3A_1769, %swap3A_1770], %swap3A_1773 {strides = array<i32>} : memref<2x128xi32, #tpu.memory_space<vmem>>, vector<1x16xi32>,
      %add3A_1774 = arith.constant 0 : i32
      %add3A_1775 = arith.addi %add3A_1685, %add3A_1774 : i32
      %add3A_1776 = arith.constant 32 : i32
      %add3A_1777 = arith.addi %add3A_1775, %add3A_1776 : i32
      %iota3A_1778 = tpu.iota {dimensions = array<i32: 0>} : vector<16xi32>
      %add3A_1779 = vector.broadcast %add3A_1777 : i32 to vector<16xi32>
      %add3A_1780 = arith.addi %iota3A_1778, %add3A_1779 : vector<16xi32>
      %jit3A_1781 = arith.constant 200 : i32
      %eq3A_1782 = arith.constant 0 : i32
      %eq3A_1783 = arith.cmpi eq, %jit3A_1781, %eq3A_1782 : i32
      %jit3A_1784 = arith.constant 1 : i32
      %select_n3A_1785 = arith.select %eq3A_1783, %jit3A_1784, %jit3A_1781 : i32
      %rem3A_1786 = vector.broadcast %select_n3A_1785 : i32 to vector<16xi32>
      %rem3A_1787 = arith.remsi %add3A_1780, %rem3A_1786 : vector<16xi32>
      %ne3A_1788 = arith.constant 0 : i32
      %ne3A_1789 = vector.broadcast %ne3A_1788 : i32 to vector<16xi32>
      %ne3A_1790 = arith.cmpi ne, %rem3A_1787, %ne3A_1789 : vector<16xi32>
      %lt3A_1791 = arith.constant 0 : i32
      %lt3A_1792 = vector.broadcast %lt3A_1791 : i32 to vector<16xi32>
      %lt3A_1793 = arith.cmpi slt, %rem3A_1787, %lt3A_1792 : vector<16xi32>
      %lt3A_1794 = arith.constant 0 : i32
      %lt3A_1795 = arith.cmpi slt, %select_n3A_1785, %lt3A_1794 : i32
      %ne3A_1796 = vector.broadcast %lt3A_1795 : i1 to vector<16xi1>
      %ne3A_1797 = vector.broadcast %ne3A_1796 : vector<16xi1> to vector<16xi1>
      %ne3A_1798 = arith.xori %lt3A_1793, %ne3A_1797 : vector<16xi1>
      %and3A_1799 = arith.andi %ne3A_1798, %ne3A_1790 : vector<16xi1>
      %add3A_1800 = vector.broadcast %select_n3A_1785 : i32 to vector<16xi32>
      %add3A_1801 = arith.addi %rem3A_1787, %add3A_1800 : vector<16xi32>
      %select_n3A_1802 = arith.select %and3A_1799, %add3A_1801, %rem3A_1787 : vector<16xi1>, vector<16xi32>
      %get3A_1803 = arith.constant 0 : i32
      %get3A_1804 = arith.index_cast %get3A_1803 : i32 to index
      %get3A_1805 = arith.constant 32 : index
      %get3A_1806 = tpu.vector_load %arg10[%get3A_1804, %get3A_1805] {strides = array<i32>} : memref<2x128xi32, #tpu.memory_space<vmem>>, vector<1x16xi32>,
      %get3A_1807 = vector.shape_cast %get3A_1806 : vector<1x16xi32> to vector<16xi32>
      %mul3A_1808 = arith.constant 200 : i32
      %mul3A_1809 = vector.broadcast %mul3A_1808 : i32 to vector<16xi32>
      %mul3A_1810 = arith.muli %get3A_1807, %mul3A_1809 : vector<16xi32>
      %add3A_1811 = arith.addi %mul3A_1810, %select_n3A_1802 : vector<16xi32>
      %swap3A_1812 = arith.constant 0 : i32
      %swap3A_1813 = arith.index_cast %swap3A_1812 : i32 to index
      %swap3A_1814 = arith.constant 32 : index
      %swap3A_1815 = tpu.vector_load %arg10[%swap3A_1813, %swap3A_1814] {strides = array<i32>} : memref<2x128xi32, #tpu.memory_space<vmem>>, vector<1x16xi32>,
      %swap3A_1816 = vector.shape_cast %swap3A_1815 : vector<1x16xi32> to vector<16xi32>
      %swap3A_1817 = vector.shape_cast %add3A_1811 : vector<16xi32> to vector<1x16xi32>
      tpu.vector_store %arg10[%swap3A_1813, %swap3A_1814], %swap3A_1817 {strides = array<i32>} : memref<2x128xi32, #tpu.memory_space<vmem>>, vector<1x16xi32>,
      %add3A_1818 = arith.constant 0 : i32
      %add3A_1819 = arith.addi %add3A_1685, %add3A_1818 : i32
      %add3A_1820 = arith.constant 48 : i32
      %add3A_1821 = arith.addi %add3A_1819, %add3A_1820 : i32
      %iota3A_1822 = tpu.iota {dimensions = array<i32: 0>} : vector<16xi32>
      %add3A_1823 = vector.broadcast %add3A_1821 : i32 to vector<16xi32>
      %add3A_1824 = arith.addi %iota3A_1822, %add3A_1823 : vector<16xi32>
      %jit3A_1825 = arith.constant 200 : i32
      %eq3A_1826 = arith.constant 0 : i32
      %eq3A_1827 = arith.cmpi eq, %jit3A_1825, %eq3A_1826 : i32
      %jit3A_1828 = arith.constant 1 : i32
      %select_n3A_1829 = arith.select %eq3A_1827, %jit3A_1828, %jit3A_1825 : i32
      %rem3A_1830 = vector.broadcast %select_n3A_1829 : i32 to vector<16xi32>
      %rem3A_1831 = arith.remsi %add3A_1824, %rem3A_1830 : vector<16xi32>
      %ne3A_1832 = arith.constant 0 : i32
      %ne3A_1833 = vector.broadcast %ne3A_1832 : i32 to vector<16xi32>
      %ne3A_1834 = arith.cmpi ne, %rem3A_1831, %ne3A_1833 : vector<16xi32>
      %lt3A_1835 = arith.constant 0 : i32
      %lt3A_1836 = vector.broadcast %lt3A_1835 : i32 to vector<16xi32>
      %lt3A_1837 = arith.cmpi slt, %rem3A_1831, %lt3A_1836 : vector<16xi32>
      %lt3A_1838 = arith.constant 0 : i32
      %lt3A_1839 = arith.cmpi slt, %select_n3A_1829, %lt3A_1838 : i32
      %ne3A_1840 = vector.broadcast %lt3A_1839 : i1 to vector<16xi1>
      %ne3A_1841 = vector.broadcast %ne3A_1840 : vector<16xi1> to vector<16xi1>
      %ne3A_1842 = arith.xori %lt3A_1837, %ne3A_1841 : vector<16xi1>
      %and3A_1843 = arith.andi %ne3A_1842, %ne3A_1834 : vector<16xi1>
      %add3A_1844 = vector.broadcast %select_n3A_1829 : i32 to vector<16xi32>
      %add3A_1845 = arith.addi %rem3A_1831, %add3A_1844 : vector<16xi32>
      %select_n3A_1846 = arith.select %and3A_1843, %add3A_1845, %rem3A_1831 : vector<16xi1>, vector<16xi32>
      %get3A_1847 = arith.constant 0 : i32
      %get3A_1848 = arith.index_cast %get3A_1847 : i32 to index
      %get3A_1849 = arith.constant 48 : index
      %get3A_1850 = tpu.vector_load %arg10[%get3A_1848, %get3A_1849] {strides = array<i32>} : memref<2x128xi32, #tpu.memory_space<vmem>>, vector<1x16xi32>,
      %get3A_1851 = vector.shape_cast %get3A_1850 : vector<1x16xi32> to vector<16xi32>
      %mul3A_1852 = arith.constant 200 : i32
      %mul3A_1853 = vector.broadcast %mul3A_1852 : i32 to vector<16xi32>
      %mul3A_1854 = arith.muli %get3A_1851, %mul3A_1853 : vector<16xi32>
      %add3A_1855 = arith.addi %mul3A_1854, %select_n3A_1846 : vector<16xi32>
      %swap3A_1856 = arith.constant 0 : i32
      %swap3A_1857 = arith.index_cast %swap3A_1856 : i32 to index
      %swap3A_1858 = arith.constant 48 : index
      %swap3A_1859 = tpu.vector_load %arg10[%swap3A_1857, %swap3A_1858] {strides = array<i32>} : memref<2x128xi32, #tpu.memory_space<vmem>>, vector<1x16xi32>,
      %swap3A_1860 = vector.shape_cast %swap3A_1859 : vector<1x16xi32> to vector<16xi32>
      %swap3A_1861 = vector.shape_cast %add3A_1855 : vector<16xi32> to vector<1x16xi32>
      tpu.vector_store %arg10[%swap3A_1857, %swap3A_1858], %swap3A_1861 {strides = array<i32>} : memref<2x128xi32, #tpu.memory_space<vmem>>, vector<1x16xi32>,
      %add3A_1862 = arith.constant 0 : i32
      %add3A_1863 = arith.addi %add3A_1685, %add3A_1862 : i32
      %add3A_1864 = arith.constant 64 : i32
      %add3A_1865 = arith.addi %add3A_1863, %add3A_1864 : i32
      %iota3A_1866 = tpu.iota {dimensions = array<i32: 0>} : vector<16xi32>
      %add3A_1867 = vector.broadcast %add3A_1865 : i32 to vector<16xi32>
      %add3A_1868 = arith.addi %iota3A_1866, %add3A_1867 : vector<16xi32>
      %jit3A_1869 = arith.constant 200 : i32
      %eq3A_1870 = arith.constant 0 : i32
      %eq3A_1871 = arith.cmpi eq, %jit3A_1869, %eq3A_1870 : i32
      %jit3A_1872 = arith.constant 1 : i32
      %select_n3A_1873 = arith.select %eq3A_1871, %jit3A_1872, %jit3A_1869 : i32
      %rem3A_1874 = vector.broadcast %select_n3A_1873 : i32 to vector<16xi32>
      %rem3A_1875 = arith.remsi %add3A_1868, %rem3A_1874 : vector<16xi32>
      %ne3A_1876 = arith.constant 0 : i32
      %ne3A_1877 = vector.broadcast %ne3A_1876 : i32 to vector<16xi32>
      %ne3A_1878 = arith.cmpi ne, %rem3A_1875, %ne3A_1877 : vector<16xi32>
      %lt3A_1879 = arith.constant 0 : i32
      %lt3A_1880 = vector.broadcast %lt3A_1879 : i32 to vector<16xi32>
      %lt3A_1881 = arith.cmpi slt, %rem3A_1875, %lt3A_1880 : vector<16xi32>
      %lt3A_1882 = arith.constant 0 : i32
      %lt3A_1883 = arith.cmpi slt, %select_n3A_1873, %lt3A_1882 : i32
      %ne3A_1884 = vector.broadcast %lt3A_1883 : i1 to vector<16xi1>
      %ne3A_1885 = vector.broadcast %ne3A_1884 : vector<16xi1> to vector<16xi1>
      %ne3A_1886 = arith.xori %lt3A_1881, %ne3A_1885 : vector<16xi1>
      %and3A_1887 = arith.andi %ne3A_1886, %ne3A_1878 : vector<16xi1>
      %add3A_1888 = vector.broadcast %select_n3A_1873 : i32 to vector<16xi32>
      %add3A_1889 = arith.addi %rem3A_1875, %add3A_1888 : vector<16xi32>
      %select_n3A_1890 = arith.select %and3A_1887, %add3A_1889, %rem3A_1875 : vector<16xi1>, vector<16xi32>
      %get3A_1891 = arith.constant 0 : i32
      %get3A_1892 = arith.index_cast %get3A_1891 : i32 to index
      %get3A_1893 = arith.constant 64 : index
      %get3A_1894 = tpu.vector_load %arg10[%get3A_1892, %get3A_1893] {strides = array<i32>} : memref<2x128xi32, #tpu.memory_space<vmem>>, vector<1x16xi32>,
      %get3A_1895 = vector.shape_cast %get3A_1894 : vector<1x16xi32> to vector<16xi32>
      %mul3A_1896 = arith.constant 200 : i32
      %mul3A_1897 = vector.broadcast %mul3A_1896 : i32 to vector<16xi32>
      %mul3A_1898 = arith.muli %get3A_1895, %mul3A_1897 : vector<16xi32>
      %add3A_1899 = arith.addi %mul3A_1898, %select_n3A_1890 : vector<16xi32>
      %swap3A_1900 = arith.constant 0 : i32
      %swap3A_1901 = arith.index_cast %swap3A_1900 : i32 to index
      %swap3A_1902 = arith.constant 64 : index
      %swap3A_1903 = tpu.vector_load %arg10[%swap3A_1901, %swap3A_1902] {strides = array<i32>} : memref<2x128xi32, #tpu.memory_space<vmem>>, vector<1x16xi32>,
      %swap3A_1904 = vector.shape_cast %swap3A_1903 : vector<1x16xi32> to vector<16xi32>
      %swap3A_1905 = vector.shape_cast %add3A_1899 : vector<16xi32> to vector<1x16xi32>
      tpu.vector_store %arg10[%swap3A_1901, %swap3A_1902], %swap3A_1905 {strides = array<i32>} : memref<2x128xi32, #tpu.memory_space<vmem>>, vector<1x16xi32>,
      %add3A_1906 = arith.constant 0 : i32
      %add3A_1907 = arith.addi %add3A_1685, %add3A_1906 : i32
      %add3A_1908 = arith.constant 80 : i32
      %add3A_1909 = arith.addi %add3A_1907, %add3A_1908 : i32
      %iota3A_1910 = tpu.iota {dimensions = array<i32: 0>} : vector<16xi32>
      %add3A_1911 = vector.broadcast %add3A_1909 : i32 to vector<16xi32>
      %add3A_1912 = arith.addi %iota3A_1910, %add3A_1911 : vector<16xi32>
      %jit3A_1913 = arith.constant 200 : i32
      %eq3A_1914 = arith.constant 0 : i32
      %eq3A_1915 = arith.cmpi eq, %jit3A_1913, %eq3A_1914 : i32
      %jit3A_1916 = arith.constant 1 : i32
      %select_n3A_1917 = arith.select %eq3A_1915, %jit3A_1916, %jit3A_1913 : i32
      %rem3A_1918 = vector.broadcast %select_n3A_1917 : i32 to vector<16xi32>
      %rem3A_1919 = arith.remsi %add3A_1912, %rem3A_1918 : vector<16xi32>
      %ne3A_1920 = arith.constant 0 : i32
      %ne3A_1921 = vector.broadcast %ne3A_1920 : i32 to vector<16xi32>
      %ne3A_1922 = arith.cmpi ne, %rem3A_1919, %ne3A_1921 : vector<16xi32>
      %lt3A_1923 = arith.constant 0 : i32
      %lt3A_1924 = vector.broadcast %lt3A_1923 : i32 to vector<16xi32>
      %lt3A_1925 = arith.cmpi slt, %rem3A_1919, %lt3A_1924 : vector<16xi32>
      %lt3A_1926 = arith.constant 0 : i32
      %lt3A_1927 = arith.cmpi slt, %select_n3A_1917, %lt3A_1926 : i32
      %ne3A_1928 = vector.broadcast %lt3A_1927 : i1 to vector<16xi1>
      %ne3A_1929 = vector.broadcast %ne3A_1928 : vector<16xi1> to vector<16xi1>
      %ne3A_1930 = arith.xori %lt3A_1925, %ne3A_1929 : vector<16xi1>
      %and3A_1931 = arith.andi %ne3A_1930, %ne3A_1922 : vector<16xi1>
      %add3A_1932 = vector.broadcast %select_n3A_1917 : i32 to vector<16xi32>
      %add3A_1933 = arith.addi %rem3A_1919, %add3A_1932 : vector<16xi32>
      %select_n3A_1934 = arith.select %and3A_1931, %add3A_1933, %rem3A_1919 : vector<16xi1>, vector<16xi32>
      %get3A_1935 = arith.constant 0 : i32
      %get3A_1936 = arith.index_cast %get3A_1935 : i32 to index
      %get3A_1937 = arith.constant 80 : index
      %get3A_1938 = tpu.vector_load %arg10[%get3A_1936, %get3A_1937] {strides = array<i32>} : memref<2x128xi32, #tpu.memory_space<vmem>>, vector<1x16xi32>,
      %get3A_1939 = vector.shape_cast %get3A_1938 : vector<1x16xi32> to vector<16xi32>
      %mul3A_1940 = arith.constant 200 : i32
      %mul3A_1941 = vector.broadcast %mul3A_1940 : i32 to vector<16xi32>
      %mul3A_1942 = arith.muli %get3A_1939, %mul3A_1941 : vector<16xi32>
      %add3A_1943 = arith.addi %mul3A_1942, %select_n3A_1934 : vector<16xi32>
      %swap3A_1944 = arith.constant 0 : i32
      %swap3A_1945 = arith.index_cast %swap3A_1944 : i32 to index
      %swap3A_1946 = arith.constant 80 : index
      %swap3A_1947 = tpu.vector_load %arg10[%swap3A_1945, %swap3A_1946] {strides = array<i32>} : memref<2x128xi32, #tpu.memory_space<vmem>>, vector<1x16xi32>,
      %swap3A_1948 = vector.shape_cast %swap3A_1947 : vector<1x16xi32> to vector<16xi32>
      %swap3A_1949 = vector.shape_cast %add3A_1943 : vector<16xi32> to vector<1x16xi32>
      tpu.vector_store %arg10[%swap3A_1945, %swap3A_1946], %swap3A_1949 {strides = array<i32>} : memref<2x128xi32, #tpu.memory_space<vmem>>, vector<1x16xi32>,
      %add3A_1950 = arith.constant 0 : i32
      %add3A_1951 = arith.addi %add3A_1685, %add3A_1950 : i32
      %add3A_1952 = arith.constant 96 : i32
      %add3A_1953 = arith.addi %add3A_1951, %add3A_1952 : i32
      %iota3A_1954 = tpu.iota {dimensions = array<i32: 0>} : vector<16xi32>
      %add3A_1955 = vector.broadcast %add3A_1953 : i32 to vector<16xi32>
      %add3A_1956 = arith.addi %iota3A_1954, %add3A_1955 : vector<16xi32>
      %jit3A_1957 = arith.constant 200 : i32
      %eq3A_1958 = arith.constant 0 : i32
      %eq3A_1959 = arith.cmpi eq, %jit3A_1957, %eq3A_1958 : i32
      %jit3A_1960 = arith.constant 1 : i32
      %select_n3A_1961 = arith.select %eq3A_1959, %jit3A_1960, %jit3A_1957 : i32
      %rem3A_1962 = vector.broadcast %select_n3A_1961 : i32 to vector<16xi32>
      %rem3A_1963 = arith.remsi %add3A_1956, %rem3A_1962 : vector<16xi32>
      %ne3A_1964 = arith.constant 0 : i32
      %ne3A_1965 = vector.broadcast %ne3A_1964 : i32 to vector<16xi32>
      %ne3A_1966 = arith.cmpi ne, %rem3A_1963, %ne3A_1965 : vector<16xi32>
      %lt3A_1967 = arith.constant 0 : i32
      %lt3A_1968 = vector.broadcast %lt3A_1967 : i32 to vector<16xi32>
      %lt3A_1969 = arith.cmpi slt, %rem3A_1963, %lt3A_1968 : vector<16xi32>
      %lt3A_1970 = arith.constant 0 : i32
      %lt3A_1971 = arith.cmpi slt, %select_n3A_1961, %lt3A_1970 : i32
      %ne3A_1972 = vector.broadcast %lt3A_1971 : i1 to vector<16xi1>
      %ne3A_1973 = vector.broadcast %ne3A_1972 : vector<16xi1> to vector<16xi1>
      %ne3A_1974 = arith.xori %lt3A_1969, %ne3A_1973 : vector<16xi1>
      %and3A_1975 = arith.andi %ne3A_1974, %ne3A_1966 : vector<16xi1>
      %add3A_1976 = vector.broadcast %select_n3A_1961 : i32 to vector<16xi32>
      %add3A_1977 = arith.addi %rem3A_1963, %add3A_1976 : vector<16xi32>
      %select_n3A_1978 = arith.select %and3A_1975, %add3A_1977, %rem3A_1963 : vector<16xi1>, vector<16xi32>
      %get3A_1979 = arith.constant 0 : i32
      %get3A_1980 = arith.index_cast %get3A_1979 : i32 to index
      %get3A_1981 = arith.constant 96 : index
      %get3A_1982 = tpu.vector_load %arg10[%get3A_1980, %get3A_1981] {strides = array<i32>} : memref<2x128xi32, #tpu.memory_space<vmem>>, vector<1x16xi32>,
      %get3A_1983 = vector.shape_cast %get3A_1982 : vector<1x16xi32> to vector<16xi32>
      %mul3A_1984 = arith.constant 200 : i32
      %mul3A_1985 = vector.broadcast %mul3A_1984 : i32 to vector<16xi32>
      %mul3A_1986 = arith.muli %get3A_1983, %mul3A_1985 : vector<16xi32>
      %add3A_1987 = arith.addi %mul3A_1986, %select_n3A_1978 : vector<16xi32>
      %swap3A_1988 = arith.constant 0 : i32
      %swap3A_1989 = arith.index_cast %swap3A_1988 : i32 to index
      %swap3A_1990 = arith.constant 96 : index
      %swap3A_1991 = tpu.vector_load %arg10[%swap3A_1989, %swap3A_1990] {strides = array<i32>} : memref<2x128xi32, #tpu.memory_space<vmem>>, vector<1x16xi32>,
      %swap3A_1992 = vector.shape_cast %swap3A_1991 : vector<1x16xi32> to vector<16xi32>
      %swap3A_1993 = vector.shape_cast %add3A_1987 : vector<16xi32> to vector<1x16xi32>
      tpu.vector_store %arg10[%swap3A_1989, %swap3A_1990], %swap3A_1993 {strides = array<i32>} : memref<2x128xi32, #tpu.memory_space<vmem>>, vector<1x16xi32>,
      %add3A_1994 = arith.constant 0 : i32
      %add3A_1995 = arith.addi %add3A_1685, %add3A_1994 : i32
      %add3A_1996 = arith.constant 112 : i32
      %add3A_1997 = arith.addi %add3A_1995, %add3A_1996 : i32
      %iota3A_1998 = tpu.iota {dimensions = array<i32: 0>} : vector<16xi32>
      %add3A_1999 = vector.broadcast %add3A_1997 : i32 to vector<16xi32>
      %add3A_2000 = arith.addi %iota3A_1998, %add3A_1999 : vector<16xi32>
      %jit3A_2001 = arith.constant 200 : i32
      %eq3A_2002 = arith.constant 0 : i32
      %eq3A_2003 = arith.cmpi eq, %jit3A_2001, %eq3A_2002 : i32
      %jit3A_2004 = arith.constant 1 : i32
      %select_n3A_2005 = arith.select %eq3A_2003, %jit3A_2004, %jit3A_2001 : i32
      %rem3A_2006 = vector.broadcast %select_n3A_2005 : i32 to vector<16xi32>
      %rem3A_2007 = arith.remsi %add3A_2000, %rem3A_2006 : vector<16xi32>
      %ne3A_2008 = arith.constant 0 : i32
      %ne3A_2009 = vector.broadcast %ne3A_2008 : i32 to vector<16xi32>
      %ne3A_2010 = arith.cmpi ne, %rem3A_2007, %ne3A_2009 : vector<16xi32>
      %lt3A_2011 = arith.constant 0 : i32
      %lt3A_2012 = vector.broadcast %lt3A_2011 : i32 to vector<16xi32>
      %lt3A_2013 = arith.cmpi slt, %rem3A_2007, %lt3A_2012 : vector<16xi32>
      %lt3A_2014 = arith.constant 0 : i32
      %lt3A_2015 = arith.cmpi slt, %select_n3A_2005, %lt3A_2014 : i32
      %ne3A_2016 = vector.broadcast %lt3A_2015 : i1 to vector<16xi1>
      %ne3A_2017 = vector.broadcast %ne3A_2016 : vector<16xi1> to vector<16xi1>
      %ne3A_2018 = arith.xori %lt3A_2013, %ne3A_2017 : vector<16xi1>
      %and3A_2019 = arith.andi %ne3A_2018, %ne3A_2010 : vector<16xi1>
      %add3A_2020 = vector.broadcast %select_n3A_2005 : i32 to vector<16xi32>
      %add3A_2021 = arith.addi %rem3A_2007, %add3A_2020 : vector<16xi32>
      %select_n3A_2022 = arith.select %and3A_2019, %add3A_2021, %rem3A_2007 : vector<16xi1>, vector<16xi32>
      %get3A_2023 = arith.constant 0 : i32
      %get3A_2024 = arith.index_cast %get3A_2023 : i32 to index
      %get3A_2025 = arith.constant 112 : index
      %get3A_2026 = tpu.vector_load %arg10[%get3A_2024, %get3A_2025] {strides = array<i32>} : memref<2x128xi32, #tpu.memory_space<vmem>>, vector<1x16xi32>,
      %get3A_2027 = vector.shape_cast %get3A_2026 : vector<1x16xi32> to vector<16xi32>
      %mul3A_2028 = arith.constant 200 : i32
      %mul3A_2029 = vector.broadcast %mul3A_2028 : i32 to vector<16xi32>
      %mul3A_2030 = arith.muli %get3A_2027, %mul3A_2029 : vector<16xi32>
      %add3A_2031 = arith.addi %mul3A_2030, %select_n3A_2022 : vector<16xi32>
      %swap3A_2032 = arith.constant 0 : i32
      %swap3A_2033 = arith.index_cast %swap3A_2032 : i32 to index
      %swap3A_2034 = arith.constant 112 : index
      %swap3A_2035 = tpu.vector_load %arg10[%swap3A_2033, %swap3A_2034] {strides = array<i32>} : memref<2x128xi32, #tpu.memory_space<vmem>>, vector<1x16xi32>,
      %swap3A_2036 = vector.shape_cast %swap3A_2035 : vector<1x16xi32> to vector<16xi32>
      %swap3A_2037 = vector.shape_cast %add3A_2031 : vector<16xi32> to vector<1x16xi32>
      tpu.vector_store %arg10[%swap3A_2033, %swap3A_2034], %swap3A_2037 {strides = array<i32>} : memref<2x128xi32, #tpu.memory_space<vmem>>, vector<1x16xi32>,
      %add3A_2038 = arith.constant 128 : i32
      %add3A_2039 = arith.addi %add3A_1685, %add3A_2038 : i32
      %add3A_2040 = arith.constant 0 : i32
      %add3A_2041 = arith.addi %add3A_2039, %add3A_2040 : i32
      %iota3A_2042 = tpu.iota {dimensions = array<i32: 0>} : vector<16xi32>
      %add3A_2043 = vector.broadcast %add3A_2041 : i32 to vector<16xi32>
      %add3A_2044 = arith.addi %iota3A_2042, %add3A_2043 : vector<16xi32>
      %jit3A_2045 = arith.constant 200 : i32
      %eq3A_2046 = arith.constant 0 : i32
      %eq3A_2047 = arith.cmpi eq, %jit3A_2045, %eq3A_2046 : i32
      %jit3A_2048 = arith.constant 1 : i32
      %select_n3A_2049 = arith.select %eq3A_2047, %jit3A_2048, %jit3A_2045 : i32
      %rem3A_2050 = vector.broadcast %select_n3A_2049 : i32 to vector<16xi32>
      %rem3A_2051 = arith.remsi %add3A_2044, %rem3A_2050 : vector<16xi32>
      %ne3A_2052 = arith.constant 0 : i32
      %ne3A_2053 = vector.broadcast %ne3A_2052 : i32 to vector<16xi32>
      %ne3A_2054 = arith.cmpi ne, %rem3A_2051, %ne3A_2053 : vector<16xi32>
      %lt3A_2055 = arith.constant 0 : i32
      %lt3A_2056 = vector.broadcast %lt3A_2055 : i32 to vector<16xi32>
      %lt3A_2057 = arith.cmpi slt, %rem3A_2051, %lt3A_2056 : vector<16xi32>
      %lt3A_2058 = arith.constant 0 : i32
      %lt3A_2059 = arith.cmpi slt, %select_n3A_2049, %lt3A_2058 : i32
      %ne3A_2060 = vector.broadcast %lt3A_2059 : i1 to vector<16xi1>
      %ne3A_2061 = vector.broadcast %ne3A_2060 : vector<16xi1> to vector<16xi1>
      %ne3A_2062 = arith.xori %lt3A_2057, %ne3A_2061 : vector<16xi1>
      %and3A_2063 = arith.andi %ne3A_2062, %ne3A_2054 : vector<16xi1>
      %add3A_2064 = vector.broadcast %select_n3A_2049 : i32 to vector<16xi32>
      %add3A_2065 = arith.addi %rem3A_2051, %add3A_2064 : vector<16xi32>
      %select_n3A_2066 = arith.select %and3A_2063, %add3A_2065, %rem3A_2051 : vector<16xi1>, vector<16xi32>
      %get3A_2067 = arith.constant 1 : i32
      %get3A_2068 = arith.index_cast %get3A_2067 : i32 to index
      %get3A_2069 = arith.constant 0 : index
      %get3A_2070 = tpu.vector_load %arg10[%get3A_2068, %get3A_2069] {strides = array<i32>} : memref<2x128xi32, #tpu.memory_space<vmem>>, vector<1x16xi32>,
      %get3A_2071 = vector.shape_cast %get3A_2070 : vector<1x16xi32> to vector<16xi32>
      %mul3A_2072 = arith.constant 200 : i32
      %mul3A_2073 = vector.broadcast %mul3A_2072 : i32 to vector<16xi32>
      %mul3A_2074 = arith.muli %get3A_2071, %mul3A_2073 : vector<16xi32>
      %add3A_2075 = arith.addi %mul3A_2074, %select_n3A_2066 : vector<16xi32>
      %swap3A_2076 = arith.constant 1 : i32
      %swap3A_2077 = arith.index_cast %swap3A_2076 : i32 to index
      %swap3A_2078 = arith.constant 0 : index
      %swap3A_2079 = tpu.vector_load %arg10[%swap3A_2077, %swap3A_2078] {strides = array<i32>} : memref<2x128xi32, #tpu.memory_space<vmem>>, vector<1x16xi32>,
      %swap3A_2080 = vector.shape_cast %swap3A_2079 : vector<1x16xi32> to vector<16xi32>
      %swap3A_2081 = vector.shape_cast %add3A_2075 : vector<16xi32> to vector<1x16xi32>
      tpu.vector_store %arg10[%swap3A_2077, %swap3A_2078], %swap3A_2081 {strides = array<i32>} : memref<2x128xi32, #tpu.memory_space<vmem>>, vector<1x16xi32>,
      %add3A_2082 = arith.constant 128 : i32
      %add3A_2083 = arith.addi %add3A_1685, %add3A_2082 : i32
      %add3A_2084 = arith.constant 16 : i32
      %add3A_2085 = arith.addi %add3A_2083, %add3A_2084 : i32
      %iota3A_2086 = tpu.iota {dimensions = array<i32: 0>} : vector<16xi32>
      %add3A_2087 = vector.broadcast %add3A_2085 : i32 to vector<16xi32>
      %add3A_2088 = arith.addi %iota3A_2086, %add3A_2087 : vector<16xi32>
      %jit3A_2089 = arith.constant 200 : i32
      %eq3A_2090 = arith.constant 0 : i32
      %eq3A_2091 = arith.cmpi eq, %jit3A_2089, %eq3A_2090 : i32
      %jit3A_2092 = arith.constant 1 : i32
      %select_n3A_2093 = arith.select %eq3A_2091, %jit3A_2092, %jit3A_2089 : i32
      %rem3A_2094 = vector.broadcast %select_n3A_2093 : i32 to vector<16xi32>
      %rem3A_2095 = arith.remsi %add3A_2088, %rem3A_2094 : vector<16xi32>
      %ne3A_2096 = arith.constant 0 : i32
      %ne3A_2097 = vector.broadcast %ne3A_2096 : i32 to vector<16xi32>
      %ne3A_2098 = arith.cmpi ne, %rem3A_2095, %ne3A_2097 : vector<16xi32>
      %lt3A_2099 = arith.constant 0 : i32
      %lt3A_2100 = vector.broadcast %lt3A_2099 : i32 to vector<16xi32>
      %lt3A_2101 = arith.cmpi slt, %rem3A_2095, %lt3A_2100 : vector<16xi32>
      %lt3A_2102 = arith.constant 0 : i32
      %lt3A_2103 = arith.cmpi slt, %select_n3A_2093, %lt3A_2102 : i32
      %ne3A_2104 = vector.broadcast %lt3A_2103 : i1 to vector<16xi1>
      %ne3A_2105 = vector.broadcast %ne3A_2104 : vector<16xi1> to vector<16xi1>
      %ne3A_2106 = arith.xori %lt3A_2101, %ne3A_2105 : vector<16xi1>
      %and3A_2107 = arith.andi %ne3A_2106, %ne3A_2098 : vector<16xi1>
      %add3A_2108 = vector.broadcast %select_n3A_2093 : i32 to vector<16xi32>
      %add3A_2109 = arith.addi %rem3A_2095, %add3A_2108 : vector<16xi32>
      %select_n3A_2110 = arith.select %and3A_2107, %add3A_2109, %rem3A_2095 : vector<16xi1>, vector<16xi32>
      %get3A_2111 = arith.constant 1 : i32
      %get3A_2112 = arith.index_cast %get3A_2111 : i32 to index
      %get3A_2113 = arith.constant 16 : index
      %get3A_2114 = tpu.vector_load %arg10[%get3A_2112, %get3A_2113] {strides = array<i32>} : memref<2x128xi32, #tpu.memory_space<vmem>>, vector<1x16xi32>,
      %get3A_2115 = vector.shape_cast %get3A_2114 : vector<1x16xi32> to vector<16xi32>
      %mul3A_2116 = arith.constant 200 : i32
      %mul3A_2117 = vector.broadcast %mul3A_2116 : i32 to vector<16xi32>
      %mul3A_2118 = arith.muli %get3A_2115, %mul3A_2117 : vector<16xi32>
      %add3A_2119 = arith.addi %mul3A_2118, %select_n3A_2110 : vector<16xi32>
      %swap3A_2120 = arith.constant 1 : i32
      %swap3A_2121 = arith.index_cast %swap3A_2120 : i32 to index
      %swap3A_2122 = arith.constant 16 : index
      %swap3A_2123 = tpu.vector_load %arg10[%swap3A_2121, %swap3A_2122] {strides = array<i32>} : memref<2x128xi32, #tpu.memory_space<vmem>>, vector<1x16xi32>,
      %swap3A_2124 = vector.shape_cast %swap3A_2123 : vector<1x16xi32> to vector<16xi32>
      %swap3A_2125 = vector.shape_cast %add3A_2119 : vector<16xi32> to vector<1x16xi32>
      tpu.vector_store %arg10[%swap3A_2121, %swap3A_2122], %swap3A_2125 {strides = array<i32>} : memref<2x128xi32, #tpu.memory_space<vmem>>, vector<1x16xi32>,
      %add3A_2126 = arith.constant 128 : i32
      %add3A_2127 = arith.addi %add3A_1685, %add3A_2126 : i32
      %add3A_2128 = arith.constant 32 : i32
      %add3A_2129 = arith.addi %add3A_2127, %add3A_2128 : i32
      %iota3A_2130 = tpu.iota {dimensions = array<i32: 0>} : vector<16xi32>
      %add3A_2131 = vector.broadcast %add3A_2129 : i32 to vector<16xi32>
      %add3A_2132 = arith.addi %iota3A_2130, %add3A_2131 : vector<16xi32>
      %jit3A_2133 = arith.constant 200 : i32
      %eq3A_2134 = arith.constant 0 : i32
      %eq3A_2135 = arith.cmpi eq, %jit3A_2133, %eq3A_2134 : i32
      %jit3A_2136 = arith.constant 1 : i32
      %select_n3A_2137 = arith.select %eq3A_2135, %jit3A_2136, %jit3A_2133 : i32
      %rem3A_2138 = vector.broadcast %select_n3A_2137 : i32 to vector<16xi32>
      %rem3A_2139 = arith.remsi %add3A_2132, %rem3A_2138 : vector<16xi32>
      %ne3A_2140 = arith.constant 0 : i32
      %ne3A_2141 = vector.broadcast %ne3A_2140 : i32 to vector<16xi32>
      %ne3A_2142 = arith.cmpi ne, %rem3A_2139, %ne3A_2141 : vector<16xi32>
      %lt3A_2143 = arith.constant 0 : i32
      %lt3A_2144 = vector.broadcast %lt3A_2143 : i32 to vector<16xi32>
      %lt3A_2145 = arith.cmpi slt, %rem3A_2139, %lt3A_2144 : vector<16xi32>
      %lt3A_2146 = arith.constant 0 : i32
      %lt3A_2147 = arith.cmpi slt, %select_n3A_2137, %lt3A_2146 : i32
      %ne3A_2148 = vector.broadcast %lt3A_2147 : i1 to vector<16xi1>
      %ne3A_2149 = vector.broadcast %ne3A_2148 : vector<16xi1> to vector<16xi1>
      %ne3A_2150 = arith.xori %lt3A_2145, %ne3A_2149 : vector<16xi1>
      %and3A_2151 = arith.andi %ne3A_2150, %ne3A_2142 : vector<16xi1>
      %add3A_2152 = vector.broadcast %select_n3A_2137 : i32 to vector<16xi32>
      %add3A_2153 = arith.addi %rem3A_2139, %add3A_2152 : vector<16xi32>
      %select_n3A_2154 = arith.select %and3A_2151, %add3A_2153, %rem3A_2139 : vector<16xi1>, vector<16xi32>
      %get3A_2155 = arith.constant 1 : i32
      %get3A_2156 = arith.index_cast %get3A_2155 : i32 to index
      %get3A_2157 = arith.constant 32 : index
      %get3A_2158 = tpu.vector_load %arg10[%get3A_2156, %get3A_2157] {strides = array<i32>} : memref<2x128xi32, #tpu.memory_space<vmem>>, vector<1x16xi32>,
      %get3A_2159 = vector.shape_cast %get3A_2158 : vector<1x16xi32> to vector<16xi32>
      %mul3A_2160 = arith.constant 200 : i32
      %mul3A_2161 = vector.broadcast %mul3A_2160 : i32 to vector<16xi32>
      %mul3A_2162 = arith.muli %get3A_2159, %mul3A_2161 : vector<16xi32>
      %add3A_2163 = arith.addi %mul3A_2162, %select_n3A_2154 : vector<16xi32>
      %swap3A_2164 = arith.constant 1 : i32
      %swap3A_2165 = arith.index_cast %swap3A_2164 : i32 to index
      %swap3A_2166 = arith.constant 32 : index
      %swap3A_2167 = tpu.vector_load %arg10[%swap3A_2165, %swap3A_2166] {strides = array<i32>} : memref<2x128xi32, #tpu.memory_space<vmem>>, vector<1x16xi32>,
      %swap3A_2168 = vector.shape_cast %swap3A_2167 : vector<1x16xi32> to vector<16xi32>
      %swap3A_2169 = vector.shape_cast %add3A_2163 : vector<16xi32> to vector<1x16xi32>
      tpu.vector_store %arg10[%swap3A_2165, %swap3A_2166], %swap3A_2169 {strides = array<i32>} : memref<2x128xi32, #tpu.memory_space<vmem>>, vector<1x16xi32>,
      %add3A_2170 = arith.constant 128 : i32
      %add3A_2171 = arith.addi %add3A_1685, %add3A_2170 : i32
      %add3A_2172 = arith.constant 48 : i32
      %add3A_2173 = arith.addi %add3A_2171, %add3A_2172 : i32
      %iota3A_2174 = tpu.iota {dimensions = array<i32: 0>} : vector<16xi32>
      %add3A_2175 = vector.broadcast %add3A_2173 : i32 to vector<16xi32>
      %add3A_2176 = arith.addi %iota3A_2174, %add3A_2175 : vector<16xi32>
      %jit3A_2177 = arith.constant 200 : i32
      %eq3A_2178 = arith.constant 0 : i32
      %eq3A_2179 = arith.cmpi eq, %jit3A_2177, %eq3A_2178 : i32
      %jit3A_2180 = arith.constant 1 : i32
      %select_n3A_2181 = arith.select %eq3A_2179, %jit3A_2180, %jit3A_2177 : i32
      %rem3A_2182 = vector.broadcast %select_n3A_2181 : i32 to vector<16xi32>
      %rem3A_2183 = arith.remsi %add3A_2176, %rem3A_2182 : vector<16xi32>
      %ne3A_2184 = arith.constant 0 : i32
      %ne3A_2185 = vector.broadcast %ne3A_2184 : i32 to vector<16xi32>
      %ne3A_2186 = arith.cmpi ne, %rem3A_2183, %ne3A_2185 : vector<16xi32>
      %lt3A_2187 = arith.constant 0 : i32
      %lt3A_2188 = vector.broadcast %lt3A_2187 : i32 to vector<16xi32>
      %lt3A_2189 = arith.cmpi slt, %rem3A_2183, %lt3A_2188 : vector<16xi32>
      %lt3A_2190 = arith.constant 0 : i32
      %lt3A_2191 = arith.cmpi slt, %select_n3A_2181, %lt3A_2190 : i32
      %ne3A_2192 = vector.broadcast %lt3A_2191 : i1 to vector<16xi1>
      %ne3A_2193 = vector.broadcast %ne3A_2192 : vector<16xi1> to vector<16xi1>
      %ne3A_2194 = arith.xori %lt3A_2189, %ne3A_2193 : vector<16xi1>
      %and3A_2195 = arith.andi %ne3A_2194, %ne3A_2186 : vector<16xi1>
      %add3A_2196 = vector.broadcast %select_n3A_2181 : i32 to vector<16xi32>
      %add3A_2197 = arith.addi %rem3A_2183, %add3A_2196 : vector<16xi32>
      %select_n3A_2198 = arith.select %and3A_2195, %add3A_2197, %rem3A_2183 : vector<16xi1>, vector<16xi32>
      %get3A_2199 = arith.constant 1 : i32
      %get3A_2200 = arith.index_cast %get3A_2199 : i32 to index
      %get3A_2201 = arith.constant 48 : index
      %get3A_2202 = tpu.vector_load %arg10[%get3A_2200, %get3A_2201] {strides = array<i32>} : memref<2x128xi32, #tpu.memory_space<vmem>>, vector<1x16xi32>,
      %get3A_2203 = vector.shape_cast %get3A_2202 : vector<1x16xi32> to vector<16xi32>
      %mul3A_2204 = arith.constant 200 : i32
      %mul3A_2205 = vector.broadcast %mul3A_2204 : i32 to vector<16xi32>
      %mul3A_2206 = arith.muli %get3A_2203, %mul3A_2205 : vector<16xi32>
      %add3A_2207 = arith.addi %mul3A_2206, %select_n3A_2198 : vector<16xi32>
      %swap3A_2208 = arith.constant 1 : i32
      %swap3A_2209 = arith.index_cast %swap3A_2208 : i32 to index
      %swap3A_2210 = arith.constant 48 : index
      %swap3A_2211 = tpu.vector_load %arg10[%swap3A_2209, %swap3A_2210] {strides = array<i32>} : memref<2x128xi32, #tpu.memory_space<vmem>>, vector<1x16xi32>,
      %swap3A_2212 = vector.shape_cast %swap3A_2211 : vector<1x16xi32> to vector<16xi32>
      %swap3A_2213 = vector.shape_cast %add3A_2207 : vector<16xi32> to vector<1x16xi32>
      tpu.vector_store %arg10[%swap3A_2209, %swap3A_2210], %swap3A_2213 {strides = array<i32>} : memref<2x128xi32, #tpu.memory_space<vmem>>, vector<1x16xi32>,
      %add3A_2214 = arith.constant 128 : i32
      %add3A_2215 = arith.addi %add3A_1685, %add3A_2214 : i32
      %add3A_2216 = arith.constant 64 : i32
      %add3A_2217 = arith.addi %add3A_2215, %add3A_2216 : i32
      %iota3A_2218 = tpu.iota {dimensions = array<i32: 0>} : vector<16xi32>
      %add3A_2219 = vector.broadcast %add3A_2217 : i32 to vector<16xi32>
      %add3A_2220 = arith.addi %iota3A_2218, %add3A_2219 : vector<16xi32>
      %jit3A_2221 = arith.constant 200 : i32
      %eq3A_2222 = arith.constant 0 : i32
      %eq3A_2223 = arith.cmpi eq, %jit3A_2221, %eq3A_2222 : i32
      %jit3A_2224 = arith.constant 1 : i32
      %select_n3A_2225 = arith.select %eq3A_2223, %jit3A_2224, %jit3A_2221 : i32
      %rem3A_2226 = vector.broadcast %select_n3A_2225 : i32 to vector<16xi32>
      %rem3A_2227 = arith.remsi %add3A_2220, %rem3A_2226 : vector<16xi32>
      %ne3A_2228 = arith.constant 0 : i32
      %ne3A_2229 = vector.broadcast %ne3A_2228 : i32 to vector<16xi32>
      %ne3A_2230 = arith.cmpi ne, %rem3A_2227, %ne3A_2229 : vector<16xi32>
      %lt3A_2231 = arith.constant 0 : i32
      %lt3A_2232 = vector.broadcast %lt3A_2231 : i32 to vector<16xi32>
      %lt3A_2233 = arith.cmpi slt, %rem3A_2227, %lt3A_2232 : vector<16xi32>
      %lt3A_2234 = arith.constant 0 : i32
      %lt3A_2235 = arith.cmpi slt, %select_n3A_2225, %lt3A_2234 : i32
      %ne3A_2236 = vector.broadcast %lt3A_2235 : i1 to vector<16xi1>
      %ne3A_2237 = vector.broadcast %ne3A_2236 : vector<16xi1> to vector<16xi1>
      %ne3A_2238 = arith.xori %lt3A_2233, %ne3A_2237 : vector<16xi1>
      %and3A_2239 = arith.andi %ne3A_2238, %ne3A_2230 : vector<16xi1>
      %add3A_2240 = vector.broadcast %select_n3A_2225 : i32 to vector<16xi32>
      %add3A_2241 = arith.addi %rem3A_2227, %add3A_2240 : vector<16xi32>
      %select_n3A_2242 = arith.select %and3A_2239, %add3A_2241, %rem3A_2227 : vector<16xi1>, vector<16xi32>
      %get3A_2243 = arith.constant 1 : i32
      %get3A_2244 = arith.index_cast %get3A_2243 : i32 to index
      %get3A_2245 = arith.constant 64 : index
      %get3A_2246 = tpu.vector_load %arg10[%get3A_2244, %get3A_2245] {strides = array<i32>} : memref<2x128xi32, #tpu.memory_space<vmem>>, vector<1x16xi32>,
      %get3A_2247 = vector.shape_cast %get3A_2246 : vector<1x16xi32> to vector<16xi32>
      %mul3A_2248 = arith.constant 200 : i32
      %mul3A_2249 = vector.broadcast %mul3A_2248 : i32 to vector<16xi32>
      %mul3A_2250 = arith.muli %get3A_2247, %mul3A_2249 : vector<16xi32>
      %add3A_2251 = arith.addi %mul3A_2250, %select_n3A_2242 : vector<16xi32>
      %swap3A_2252 = arith.constant 1 : i32
      %swap3A_2253 = arith.index_cast %swap3A_2252 : i32 to index
      %swap3A_2254 = arith.constant 64 : index
      %swap3A_2255 = tpu.vector_load %arg10[%swap3A_2253, %swap3A_2254] {strides = array<i32>} : memref<2x128xi32, #tpu.memory_space<vmem>>, vector<1x16xi32>,
      %swap3A_2256 = vector.shape_cast %swap3A_2255 : vector<1x16xi32> to vector<16xi32>
      %swap3A_2257 = vector.shape_cast %add3A_2251 : vector<16xi32> to vector<1x16xi32>
      tpu.vector_store %arg10[%swap3A_2253, %swap3A_2254], %swap3A_2257 {strides = array<i32>} : memref<2x128xi32, #tpu.memory_space<vmem>>, vector<1x16xi32>,
      %add3A_2258 = arith.constant 128 : i32
      %add3A_2259 = arith.addi %add3A_1685, %add3A_2258 : i32
      %add3A_2260 = arith.constant 80 : i32
      %add3A_2261 = arith.addi %add3A_2259, %add3A_2260 : i32
      %iota3A_2262 = tpu.iota {dimensions = array<i32: 0>} : vector<16xi32>
      %add3A_2263 = vector.broadcast %add3A_2261 : i32 to vector<16xi32>
      %add3A_2264 = arith.addi %iota3A_2262, %add3A_2263 : vector<16xi32>
      %jit3A_2265 = arith.constant 200 : i32
      %eq3A_2266 = arith.constant 0 : i32
      %eq3A_2267 = arith.cmpi eq, %jit3A_2265, %eq3A_2266 : i32
      %jit3A_2268 = arith.constant 1 : i32
      %select_n3A_2269 = arith.select %eq3A_2267, %jit3A_2268, %jit3A_2265 : i32
      %rem3A_2270 = vector.broadcast %select_n3A_2269 : i32 to vector<16xi32>
      %rem3A_2271 = arith.remsi %add3A_2264, %rem3A_2270 : vector<16xi32>
      %ne3A_2272 = arith.constant 0 : i32
      %ne3A_2273 = vector.broadcast %ne3A_2272 : i32 to vector<16xi32>
      %ne3A_2274 = arith.cmpi ne, %rem3A_2271, %ne3A_2273 : vector<16xi32>
      %lt3A_2275 = arith.constant 0 : i32
      %lt3A_2276 = vector.broadcast %lt3A_2275 : i32 to vector<16xi32>
      %lt3A_2277 = arith.cmpi slt, %rem3A_2271, %lt3A_2276 : vector<16xi32>
      %lt3A_2278 = arith.constant 0 : i32
      %lt3A_2279 = arith.cmpi slt, %select_n3A_2269, %lt3A_2278 : i32
      %ne3A_2280 = vector.broadcast %lt3A_2279 : i1 to vector<16xi1>
      %ne3A_2281 = vector.broadcast %ne3A_2280 : vector<16xi1> to vector<16xi1>
      %ne3A_2282 = arith.xori %lt3A_2277, %ne3A_2281 : vector<16xi1>
      %and3A_2283 = arith.andi %ne3A_2282, %ne3A_2274 : vector<16xi1>
      %add3A_2284 = vector.broadcast %select_n3A_2269 : i32 to vector<16xi32>
      %add3A_2285 = arith.addi %rem3A_2271, %add3A_2284 : vector<16xi32>
      %select_n3A_2286 = arith.select %and3A_2283, %add3A_2285, %rem3A_2271 : vector<16xi1>, vector<16xi32>
      %get3A_2287 = arith.constant 1 : i32
      %get3A_2288 = arith.index_cast %get3A_2287 : i32 to index
      %get3A_2289 = arith.constant 80 : index
      %get3A_2290 = tpu.vector_load %arg10[%get3A_2288, %get3A_2289] {strides = array<i32>} : memref<2x128xi32, #tpu.memory_space<vmem>>, vector<1x16xi32>,
      %get3A_2291 = vector.shape_cast %get3A_2290 : vector<1x16xi32> to vector<16xi32>
      %mul3A_2292 = arith.constant 200 : i32
      %mul3A_2293 = vector.broadcast %mul3A_2292 : i32 to vector<16xi32>
      %mul3A_2294 = arith.muli %get3A_2291, %mul3A_2293 : vector<16xi32>
      %add3A_2295 = arith.addi %mul3A_2294, %select_n3A_2286 : vector<16xi32>
      %swap3A_2296 = arith.constant 1 : i32
      %swap3A_2297 = arith.index_cast %swap3A_2296 : i32 to index
      %swap3A_2298 = arith.constant 80 : index
      %swap3A_2299 = tpu.vector_load %arg10[%swap3A_2297, %swap3A_2298] {strides = array<i32>} : memref<2x128xi32, #tpu.memory_space<vmem>>, vector<1x16xi32>,
      %swap3A_2300 = vector.shape_cast %swap3A_2299 : vector<1x16xi32> to vector<16xi32>
      %swap3A_2301 = vector.shape_cast %add3A_2295 : vector<16xi32> to vector<1x16xi32>
      tpu.vector_store %arg10[%swap3A_2297, %swap3A_2298], %swap3A_2301 {strides = array<i32>} : memref<2x128xi32, #tpu.memory_space<vmem>>, vector<1x16xi32>,
      %add3A_2302 = arith.constant 128 : i32
      %add3A_2303 = arith.addi %add3A_1685, %add3A_2302 : i32
      %add3A_2304 = arith.constant 96 : i32
      %add3A_2305 = arith.addi %add3A_2303, %add3A_2304 : i32
      %iota3A_2306 = tpu.iota {dimensions = array<i32: 0>} : vector<16xi32>
      %add3A_2307 = vector.broadcast %add3A_2305 : i32 to vector<16xi32>
      %add3A_2308 = arith.addi %iota3A_2306, %add3A_2307 : vector<16xi32>
      %jit3A_2309 = arith.constant 200 : i32
      %eq3A_2310 = arith.constant 0 : i32
      %eq3A_2311 = arith.cmpi eq, %jit3A_2309, %eq3A_2310 : i32
      %jit3A_2312 = arith.constant 1 : i32
      %select_n3A_2313 = arith.select %eq3A_2311, %jit3A_2312, %jit3A_2309 : i32
      %rem3A_2314 = vector.broadcast %select_n3A_2313 : i32 to vector<16xi32>
      %rem3A_2315 = arith.remsi %add3A_2308, %rem3A_2314 : vector<16xi32>
      %ne3A_2316 = arith.constant 0 : i32
      %ne3A_2317 = vector.broadcast %ne3A_2316 : i32 to vector<16xi32>
      %ne3A_2318 = arith.cmpi ne, %rem3A_2315, %ne3A_2317 : vector<16xi32>
      %lt3A_2319 = arith.constant 0 : i32
      %lt3A_2320 = vector.broadcast %lt3A_2319 : i32 to vector<16xi32>
      %lt3A_2321 = arith.cmpi slt, %rem3A_2315, %lt3A_2320 : vector<16xi32>
      %lt3A_2322 = arith.constant 0 : i32
      %lt3A_2323 = arith.cmpi slt, %select_n3A_2313, %lt3A_2322 : i32
      %ne3A_2324 = vector.broadcast %lt3A_2323 : i1 to vector<16xi1>
      %ne3A_2325 = vector.broadcast %ne3A_2324 : vector<16xi1> to vector<16xi1>
      %ne3A_2326 = arith.xori %lt3A_2321, %ne3A_2325 : vector<16xi1>
      %and3A_2327 = arith.andi %ne3A_2326, %ne3A_2318 : vector<16xi1>
      %add3A_2328 = vector.broadcast %select_n3A_2313 : i32 to vector<16xi32>
      %add3A_2329 = arith.addi %rem3A_2315, %add3A_2328 : vector<16xi32>
      %select_n3A_2330 = arith.select %and3A_2327, %add3A_2329, %rem3A_2315 : vector<16xi1>, vector<16xi32>
      %get3A_2331 = arith.constant 1 : i32
      %get3A_2332 = arith.index_cast %get3A_2331 : i32 to index
      %get3A_2333 = arith.constant 96 : index
      %get3A_2334 = tpu.vector_load %arg10[%get3A_2332, %get3A_2333] {strides = array<i32>} : memref<2x128xi32, #tpu.memory_space<vmem>>, vector<1x16xi32>,
      %get3A_2335 = vector.shape_cast %get3A_2334 : vector<1x16xi32> to vector<16xi32>
      %mul3A_2336 = arith.constant 200 : i32
      %mul3A_2337 = vector.broadcast %mul3A_2336 : i32 to vector<16xi32>
      %mul3A_2338 = arith.muli %get3A_2335, %mul3A_2337 : vector<16xi32>
      %add3A_2339 = arith.addi %mul3A_2338, %select_n3A_2330 : vector<16xi32>
      %swap3A_2340 = arith.constant 1 : i32
      %swap3A_2341 = arith.index_cast %swap3A_2340 : i32 to index
      %swap3A_2342 = arith.constant 96 : index
      %swap3A_2343 = tpu.vector_load %arg10[%swap3A_2341, %swap3A_2342] {strides = array<i32>} : memref<2x128xi32, #tpu.memory_space<vmem>>, vector<1x16xi32>,
      %swap3A_2344 = vector.shape_cast %swap3A_2343 : vector<1x16xi32> to vector<16xi32>
      %swap3A_2345 = vector.shape_cast %add3A_2339 : vector<16xi32> to vector<1x16xi32>
      tpu.vector_store %arg10[%swap3A_2341, %swap3A_2342], %swap3A_2345 {strides = array<i32>} : memref<2x128xi32, #tpu.memory_space<vmem>>, vector<1x16xi32>,
      %add3A_2346 = arith.constant 128 : i32
      %add3A_2347 = arith.addi %add3A_1685, %add3A_2346 : i32
      %add3A_2348 = arith.constant 112 : i32
      %add3A_2349 = arith.addi %add3A_2347, %add3A_2348 : i32
      %iota3A_2350 = tpu.iota {dimensions = array<i32: 0>} : vector<16xi32>
      %add3A_2351 = vector.broadcast %add3A_2349 : i32 to vector<16xi32>
      %add3A_2352 = arith.addi %iota3A_2350, %add3A_2351 : vector<16xi32>
      %jit3A_2353 = arith.constant 200 : i32
      %eq3A_2354 = arith.constant 0 : i32
      %eq3A_2355 = arith.cmpi eq, %jit3A_2353, %eq3A_2354 : i32
      %jit3A_2356 = arith.constant 1 : i32
      %select_n3A_2357 = arith.select %eq3A_2355, %jit3A_2356, %jit3A_2353 : i32
      %rem3A_2358 = vector.broadcast %select_n3A_2357 : i32 to vector<16xi32>
      %rem3A_2359 = arith.remsi %add3A_2352, %rem3A_2358 : vector<16xi32>
      %ne3A_2360 = arith.constant 0 : i32
      %ne3A_2361 = vector.broadcast %ne3A_2360 : i32 to vector<16xi32>
      %ne3A_2362 = arith.cmpi ne, %rem3A_2359, %ne3A_2361 : vector<16xi32>
      %lt3A_2363 = arith.constant 0 : i32
      %lt3A_2364 = vector.broadcast %lt3A_2363 : i32 to vector<16xi32>
      %lt3A_2365 = arith.cmpi slt, %rem3A_2359, %lt3A_2364 : vector<16xi32>
      %lt3A_2366 = arith.constant 0 : i32
      %lt3A_2367 = arith.cmpi slt, %select_n3A_2357, %lt3A_2366 : i32
      %ne3A_2368 = vector.broadcast %lt3A_2367 : i1 to vector<16xi1>
      %ne3A_2369 = vector.broadcast %ne3A_2368 : vector<16xi1> to vector<16xi1>
      %ne3A_2370 = arith.xori %lt3A_2365, %ne3A_2369 : vector<16xi1>
      %and3A_2371 = arith.andi %ne3A_2370, %ne3A_2362 : vector<16xi1>
      %add3A_2372 = vector.broadcast %select_n3A_2357 : i32 to vector<16xi32>
      %add3A_2373 = arith.addi %rem3A_2359, %add3A_2372 : vector<16xi32>
      %select_n3A_2374 = arith.select %and3A_2371, %add3A_2373, %rem3A_2359 : vector<16xi1>, vector<16xi32>
      %get3A_2375 = arith.constant 1 : i32
      %get3A_2376 = arith.index_cast %get3A_2375 : i32 to index
      %get3A_2377 = arith.constant 112 : index
      %get3A_2378 = tpu.vector_load %arg10[%get3A_2376, %get3A_2377] {strides = array<i32>} : memref<2x128xi32, #tpu.memory_space<vmem>>, vector<1x16xi32>,
      %get3A_2379 = vector.shape_cast %get3A_2378 : vector<1x16xi32> to vector<16xi32>
      %mul3A_2380 = arith.constant 200 : i32
      %mul3A_2381 = vector.broadcast %mul3A_2380 : i32 to vector<16xi32>
      %mul3A_2382 = arith.muli %get3A_2379, %mul3A_2381 : vector<16xi32>
      %add3A_2383 = arith.addi %mul3A_2382, %select_n3A_2374 : vector<16xi32>
      %swap3A_2384 = arith.constant 1 : i32
      %swap3A_2385 = arith.index_cast %swap3A_2384 : i32 to index
      %swap3A_2386 = arith.constant 112 : index
      %swap3A_2387 = tpu.vector_load %arg10[%swap3A_2385, %swap3A_2386] {strides = array<i32>} : memref<2x128xi32, #tpu.memory_space<vmem>>, vector<1x16xi32>,
      %swap3A_2388 = vector.shape_cast %swap3A_2387 : vector<1x16xi32> to vector<16xi32>
      %swap3A_2389 = vector.shape_cast %add3A_2383 : vector<16xi32> to vector<1x16xi32>
      tpu.vector_store %arg10[%swap3A_2385, %swap3A_2386], %swap3A_2389 {strides = array<i32>} : memref<2x128xi32, #tpu.memory_space<vmem>>, vector<1x16xi32>,
      %dma_wait3A_2390 = arith.constant 0 : i32
      %dma_wait3A_2391 = arith.constant 0 : i32
      %dma_wait3A_2392 = arith.constant 0 : i32
      %dma_wait3A_2393 = tpu.memref_slice %arg11[%dma_wait3A_2391, %dma_wait3A_2392] : memref<256x64xf32, #tpu.memory_space<vmem>> -> memref<128x64xf32, #tpu.memory_space<vmem>>
      %dma_wait3A_2394 = arith.constant 0 : i32
      %dma_wait3A_2395 = tpu.memref_slice %arg7[%dma_wait3A_2390, %dma_wait3A_2394] : memref<2x128xi32, #tpu.memory_space<vmem>> -> memref<1x128xi32, #tpu.memory_space<vmem>>
      %dma_wait3A_2396 = tpu.memref_squeeze %dma_wait3A_2395 : memref<1x128xi32, #tpu.memory_space<vmem>> -> memref<128xi32, #tpu.memory_space<vmem>>
      %dma_wait3A_2397 = arith.constant 0 : i32
      %dma_wait3A_2398 = arith.constant 0 : i32
      %dma_wait3A_2399 = tpu.memref_slice %arg2[%dma_wait3A_2397, %dma_wait3A_2398] : memref<100001x64xf32, #tpu.memory_space<hbm>> -> memref<100001x64xf32, #tpu.memory_space<hbm>>
      tpu.wait_indirect_dma semaphore(%arg17 : memref<!tpu.dma_semaphore, #tpu.memory_space<semaphore_mem>>) src(%dma_wait3A_2399 : memref<100001x64xf32, #tpu.memory_space<hbm>>) dst(%dma_wait3A_2393 : memref<128x64xf32, #tpu.memory_space<vmem>>)
      %dma_wait3A_2400 = arith.constant 0 : i32
      %dma_wait3A_2401 = arith.constant 0 : i32
      %dma_wait3A_2402 = arith.constant 0 : i32
      %dma_wait3A_2403 = tpu.memref_slice %arg13[%dma_wait3A_2401, %dma_wait3A_2402] : memref<256x64xf32, #tpu.memory_space<vmem>> -> memref<128x64xf32, #tpu.memory_space<vmem>>
      %dma_wait3A_2404 = arith.constant 0 : i32
      %dma_wait3A_2405 = tpu.memref_slice %arg9[%dma_wait3A_2400, %dma_wait3A_2404] : memref<2x128xi32, #tpu.memory_space<vmem>> -> memref<1x128xi32, #tpu.memory_space<vmem>>
      %dma_wait3A_2406 = tpu.memref_squeeze %dma_wait3A_2405 : memref<1x128xi32, #tpu.memory_space<vmem>> -> memref<128xi32, #tpu.memory_space<vmem>>
      %dma_wait3A_2407 = arith.constant 0 : i32
      %dma_wait3A_2408 = arith.constant 0 : i32
      %dma_wait3A_2409 = tpu.memref_slice %arg3[%dma_wait3A_2407, %dma_wait3A_2408] : memref<800x64xf32, #tpu.memory_space<hbm>> -> memref<800x64xf32, #tpu.memory_space<hbm>>
      tpu.wait_indirect_dma semaphore(%arg17 : memref<!tpu.dma_semaphore, #tpu.memory_space<semaphore_mem>>) src(%dma_wait3A_2409 : memref<800x64xf32, #tpu.memory_space<hbm>>) dst(%dma_wait3A_2403 : memref<128x64xf32, #tpu.memory_space<vmem>>)
      %dma_wait3A_2410 = arith.constant 1 : i32
      %dma_wait3A_2411 = arith.constant 128 : i32
      %dma_wait3A_2412 = arith.constant 0 : i32
      %dma_wait3A_2413 = tpu.memref_slice %arg11[%dma_wait3A_2411, %dma_wait3A_2412] : memref<256x64xf32, #tpu.memory_space<vmem>> -> memref<128x64xf32, #tpu.memory_space<vmem>>
      %dma_wait3A_2414 = arith.constant 0 : i32
      %dma_wait3A_2415 = tpu.memref_slice %arg7[%dma_wait3A_2410, %dma_wait3A_2414] : memref<2x128xi32, #tpu.memory_space<vmem>> -> memref<1x128xi32, #tpu.memory_space<vmem>>
      %dma_wait3A_2416 = tpu.memref_squeeze %dma_wait3A_2415 : memref<1x128xi32, #tpu.memory_space<vmem>> -> memref<128xi32, #tpu.memory_space<vmem>>
      %dma_wait3A_2417 = arith.constant 0 : i32
      %dma_wait3A_2418 = arith.constant 0 : i32
      %dma_wait3A_2419 = tpu.memref_slice %arg2[%dma_wait3A_2417, %dma_wait3A_2418] : memref<100001x64xf32, #tpu.memory_space<hbm>> -> memref<100001x64xf32, #tpu.memory_space<hbm>>
      tpu.wait_indirect_dma semaphore(%arg17 : memref<!tpu.dma_semaphore, #tpu.memory_space<semaphore_mem>>) src(%dma_wait3A_2419 : memref<100001x64xf32, #tpu.memory_space<hbm>>) dst(%dma_wait3A_2413 : memref<128x64xf32, #tpu.memory_space<vmem>>)
      %dma_wait3A_2420 = arith.constant 1 : i32
      %dma_wait3A_2421 = arith.constant 128 : i32
      %dma_wait3A_2422 = arith.constant 0 : i32
      %dma_wait3A_2423 = tpu.memref_slice %arg13[%dma_wait3A_2421, %dma_wait3A_2422] : memref<256x64xf32, #tpu.memory_space<vmem>> -> memref<128x64xf32, #tpu.memory_space<vmem>>
      %dma_wait3A_2424 = arith.constant 0 : i32
      %dma_wait3A_2425 = tpu.memref_slice %arg9[%dma_wait3A_2420, %dma_wait3A_2424] : memref<2x128xi32, #tpu.memory_space<vmem>> -> memref<1x128xi32, #tpu.memory_space<vmem>>
      %dma_wait3A_2426 = tpu.memref_squeeze %dma_wait3A_2425 : memref<1x128xi32, #tpu.memory_space<vmem>> -> memref<128xi32, #tpu.memory_space<vmem>>
      %dma_wait3A_2427 = arith.constant 0 : i32
      %dma_wait3A_2428 = arith.constant 0 : i32
      %dma_wait3A_2429 = tpu.memref_slice %arg3[%dma_wait3A_2427, %dma_wait3A_2428] : memref<800x64xf32, #tpu.memory_space<hbm>> -> memref<800x64xf32, #tpu.memory_space<hbm>>
      tpu.wait_indirect_dma semaphore(%arg17 : memref<!tpu.dma_semaphore, #tpu.memory_space<semaphore_mem>>) src(%dma_wait3A_2429 : memref<800x64xf32, #tpu.memory_space<hbm>>) dst(%dma_wait3A_2423 : memref<128x64xf32, #tpu.memory_space<vmem>>)
      %add3A_2430 = arith.constant 2 : i32
      %add3A_2431 = arith.addi %add3A_1664, %add3A_2430 : i32
      %mul3A_2432 = arith.constant 2 : i32
      %mul3A_2433 = arith.muli %add3A_2431, %mul3A_2432 : i32
      %add3A_2434 = arith.addi %mul3A_2, %mul3A_2433 : i32
      %dma_start3A_2435 = arith.constant 0 : i32
      %dma_start3A_2436 = tpu.memref_slice %arg4[%add3A_2434, %dma_start3A_2435] : memref<6400x128xi32, #tpu.memory_space<hbm>> -> memref<2x128xi32, #tpu.memory_space<hbm>>
      %dma_start3A_2437 = arith.constant 0 : i32
      %dma_start3A_2438 = tpu.memref_slice %arg4[%add3A_2434, %dma_start3A_2437] : memref<6400x128xi32, #tpu.memory_space<hbm>> -> memref<2x128xi32, #tpu.memory_space<hbm>>
      tpu.enqueue_dma source(%dma_start3A_2438 : memref<2x128xi32, #tpu.memory_space<hbm>>) target(%arg7 : memref<2x128xi32, #tpu.memory_space<vmem>>) target_semaphore(%arg15 : memref<!tpu.dma_semaphore, #tpu.memory_space<semaphore_mem>>)
      %mul3A_2439 = arith.constant 2 : i32
      %mul3A_2440 = arith.muli %add3A_2431, %mul3A_2439 : i32
      %add3A_2441 = arith.addi %mul3A_2, %mul3A_2440 : i32
      %dma_start3A_2442 = arith.constant 0 : i32
      %dma_start3A_2443 = tpu.memref_slice %arg5[%add3A_2441, %dma_start3A_2442] : memref<6400x128xi32, #tpu.memory_space<hbm>> -> memref<2x128xi32, #tpu.memory_space<hbm>>
      %dma_start3A_2444 = arith.constant 0 : i32
      %dma_start3A_2445 = tpu.memref_slice %arg5[%add3A_2441, %dma_start3A_2444] : memref<6400x128xi32, #tpu.memory_space<hbm>> -> memref<2x128xi32, #tpu.memory_space<hbm>>
      tpu.enqueue_dma source(%dma_start3A_2445 : memref<2x128xi32, #tpu.memory_space<hbm>>) target(%arg9 : memref<2x128xi32, #tpu.memory_space<vmem>>) target_semaphore(%arg15 : memref<!tpu.dma_semaphore, #tpu.memory_space<semaphore_mem>>)
      %ge3A = arith.constant 1 : i32
      %ge3A_2446 = arith.cmpi sge, %add3A_1664, %ge3A : i32
      %convert_element_type3A = arith.extui %ge3A_2446 : i1 to i32
      %cond3A = arith.constant 0 : i32
      %cond3A_2447 = arith.cmpi ne, %convert_element_type3A, %cond3A : i32
      scf.if %cond3A_2447 {
        %sub3A = arith.constant 1 : i32
        %sub3A_3348 = arith.subi %add3A_1664, %sub3A : i32
        %mul3A_3349 = arith.constant 256 : i32
        %mul3A_3350 = arith.muli %sub3A_3348, %mul3A_3349 : i32
        %add3A_3351 = arith.addi %mul3A_4, %mul3A_3350 : i32
        %dma_wait3A_3352 = arith.constant 0 : i32
        %dma_wait3A_3353 = tpu.memref_slice %arg6[%add3A_3351, %dma_wait3A_3352] : memref<819200x128xf32, #tpu.memory_space<hbm>> -> memref<256x64xf32, #tpu.memory_space<hbm>>
        %dma_wait3A_3354 = arith.constant 0 : i32
        %dma_wait3A_3355 = tpu.memref_slice %arg6[%add3A_3351, %dma_wait3A_3354] : memref<819200x128xf32, #tpu.memory_space<hbm>> -> memref<256x64xf32, #tpu.memory_space<hbm>>
        tpu.wait_dma2 semaphore(%arg20 : memref<!tpu.dma_semaphore, #tpu.memory_space<semaphore_mem>>) src(%arg12 : memref<256x64xf32, #tpu.memory_space<vmem>>) dst(%dma_wait3A_3355 : memref<256x64xf32, #tpu.memory_space<hbm>>)
      } else {
      }
      %add3A_2448 = arith.constant 1 : i32
      %add3A_2449 = arith.addi %add3A_1664, %add3A_2448 : i32
      %dma_start3A_2450 = arith.constant 0 : i32
      %dma_start3A_2451 = arith.constant 0 : i32
      %dma_start3A_2452 = arith.constant 0 : i32
      %dma_start3A_2453 = tpu.memref_slice %arg12[%dma_start3A_2451, %dma_start3A_2452] : memref<256x64xf32, #tpu.memory_space<vmem>> -> memref<128x64xf32, #tpu.memory_space<vmem>>
      %dma_start3A_2454 = arith.constant 0 : i32
      %dma_start3A_2455 = tpu.memref_slice %arg8[%dma_start3A_2450, %dma_start3A_2454] : memref<2x128xi32, #tpu.memory_space<vmem>> -> memref<1x128xi32, #tpu.memory_space<vmem>>
      %dma_start3A_2456 = tpu.memref_squeeze %dma_start3A_2455 : memref<1x128xi32, #tpu.memory_space<vmem>> -> memref<128xi32, #tpu.memory_space<vmem>>
      %dma_start3A_2457 = arith.constant 0 : i32
      %dma_start3A_2458 = arith.constant 0 : i32
      %dma_start3A_2459 = tpu.memref_slice %arg2[%dma_start3A_2457, %dma_start3A_2458] : memref<100001x64xf32, #tpu.memory_space<hbm>> -> memref<100001x64xf32, #tpu.memory_space<hbm>>
      tpu.enqueue_indirect_dma source(%dma_start3A_2459 : memref<100001x64xf32, #tpu.memory_space<hbm>>) target(%dma_start3A_2453 : memref<128x64xf32, #tpu.memory_space<vmem>>) offsets(%dma_start3A_2456 : memref<128xi32, #tpu.memory_space<vmem>>) semaphore(%arg18 : memref<!tpu.dma_semaphore, #tpu.memory_space<semaphore_mem>>)
      %dma_start3A_2460 = arith.constant 0 : i32
      %dma_start3A_2461 = arith.constant 0 : i32
      %dma_start3A_2462 = arith.constant 0 : i32
      %dma_start3A_2463 = tpu.memref_slice %arg14[%dma_start3A_2461, %dma_start3A_2462] : memref<256x64xf32, #tpu.memory_space<vmem>> -> memref<128x64xf32, #tpu.memory_space<vmem>>
      %dma_start3A_2464 = arith.constant 0 : i32
      %dma_start3A_2465 = tpu.memref_slice %arg10[%dma_start3A_2460, %dma_start3A_2464] : memref<2x128xi32, #tpu.memory_space<vmem>> -> memref<1x128xi32, #tpu.memory_space<vmem>>
      %dma_start3A_2466 = tpu.memref_squeeze %dma_start3A_2465 : memref<1x128xi32, #tpu.memory_space<vmem>> -> memref<128xi32, #tpu.memory_space<vmem>>
      %dma_start3A_2467 = arith.constant 0 : i32
      %dma_start3A_2468 = arith.constant 0 : i32
      %dma_start3A_2469 = tpu.memref_slice %arg3[%dma_start3A_2467, %dma_start3A_2468] : memref<800x64xf32, #tpu.memory_space<hbm>> -> memref<800x64xf32, #tpu.memory_space<hbm>>
      tpu.enqueue_indirect_dma source(%dma_start3A_2469 : memref<800x64xf32, #tpu.memory_space<hbm>>) target(%dma_start3A_2463 : memref<128x64xf32, #tpu.memory_space<vmem>>) offsets(%dma_start3A_2466 : memref<128xi32, #tpu.memory_space<vmem>>) semaphore(%arg18 : memref<!tpu.dma_semaphore, #tpu.memory_space<semaphore_mem>>)
      %dma_start3A_2470 = arith.constant 1 : i32
      %dma_start3A_2471 = arith.constant 128 : i32
      %dma_start3A_2472 = arith.constant 0 : i32
      %dma_start3A_2473 = tpu.memref_slice %arg12[%dma_start3A_2471, %dma_start3A_2472] : memref<256x64xf32, #tpu.memory_space<vmem>> -> memref<128x64xf32, #tpu.memory_space<vmem>>
      %dma_start3A_2474 = arith.constant 0 : i32
      %dma_start3A_2475 = tpu.memref_slice %arg8[%dma_start3A_2470, %dma_start3A_2474] : memref<2x128xi32, #tpu.memory_space<vmem>> -> memref<1x128xi32, #tpu.memory_space<vmem>>
      %dma_start3A_2476 = tpu.memref_squeeze %dma_start3A_2475 : memref<1x128xi32, #tpu.memory_space<vmem>> -> memref<128xi32, #tpu.memory_space<vmem>>
      %dma_start3A_2477 = arith.constant 0 : i32
      %dma_start3A_2478 = arith.constant 0 : i32
      %dma_start3A_2479 = tpu.memref_slice %arg2[%dma_start3A_2477, %dma_start3A_2478] : memref<100001x64xf32, #tpu.memory_space<hbm>> -> memref<100001x64xf32, #tpu.memory_space<hbm>>
      tpu.enqueue_indirect_dma source(%dma_start3A_2479 : memref<100001x64xf32, #tpu.memory_space<hbm>>) target(%dma_start3A_2473 : memref<128x64xf32, #tpu.memory_space<vmem>>) offsets(%dma_start3A_2476 : memref<128xi32, #tpu.memory_space<vmem>>) semaphore(%arg18 : memref<!tpu.dma_semaphore, #tpu.memory_space<semaphore_mem>>)
      %dma_start3A_2480 = arith.constant 1 : i32
      %dma_start3A_2481 = arith.constant 128 : i32
      %dma_start3A_2482 = arith.constant 0 : i32
      %dma_start3A_2483 = tpu.memref_slice %arg14[%dma_start3A_2481, %dma_start3A_2482] : memref<256x64xf32, #tpu.memory_space<vmem>> -> memref<128x64xf32, #tpu.memory_space<vmem>>
      %dma_start3A_2484 = arith.constant 0 : i32
      %dma_start3A_2485 = tpu.memref_slice %arg10[%dma_start3A_2480, %dma_start3A_2484] : memref<2x128xi32, #tpu.memory_space<vmem>> -> memref<1x128xi32, #tpu.memory_space<vmem>>
      %dma_start3A_2486 = tpu.memref_squeeze %dma_start3A_2485 : memref<1x128xi32, #tpu.memory_space<vmem>> -> memref<128xi32, #tpu.memory_space<vmem>>
      %dma_start3A_2487 = arith.constant 0 : i32
      %dma_start3A_2488 = arith.constant 0 : i32
      %dma_start3A_2489 = tpu.memref_slice %arg3[%dma_start3A_2487, %dma_start3A_2488] : memref<800x64xf32, #tpu.memory_space<hbm>> -> memref<800x64xf32, #tpu.memory_space<hbm>>
      tpu.enqueue_indirect_dma source(%dma_start3A_2489 : memref<800x64xf32, #tpu.memory_space<hbm>>) target(%dma_start3A_2483 : memref<128x64xf32, #tpu.memory_space<vmem>>) offsets(%dma_start3A_2486 : memref<128xi32, #tpu.memory_space<vmem>>) semaphore(%arg18 : memref<!tpu.dma_semaphore, #tpu.memory_space<semaphore_mem>>)
      %scan3A_2490 = arith.constant 0 : i32
      %scan3A_2491 = arith.constant 0 : i32
      %scan3A_2492 = arith.constant 256 : i32
      %scan3A_2493 = arith.addi %scan3A_2491, %scan3A_2492 : i32
      %scan3A_2494 = arith.constant 1 : i32
      scf.for %scan3A_3348 = %scan3A_2491 to %scan3A_2493 step %scan3A_2494  : i32 {
        %get3A_3349 = arith.index_cast %scan3A_3348 : i32 to index
        %get3A_3350 = arith.constant 0 : index
        %get3A_3351 = tpu.vector_load %arg11[%get3A_3349, %get3A_3350] {strides = array<i32>} : memref<256x64xf32, #tpu.memory_space<vmem>>, vector<1x16xf32>,
        %get3A_3352 = vector.shape_cast %get3A_3351 : vector<1x16xf32> to vector<16xf32>
        %get3A_3353 = arith.index_cast %scan3A_3348 : i32 to index
        %get3A_3354 = arith.constant 0 : index
        %get3A_3355 = tpu.vector_load %arg13[%get3A_3353, %get3A_3354] {strides = array<i32>} : memref<256x64xf32, #tpu.memory_space<vmem>>, vector<1x16xf32>,
        %get3A_3356 = vector.shape_cast %get3A_3355 : vector<1x16xf32> to vector<16xf32>
        %add3A_3357 = arith.addf %get3A_3352, %get3A_3356 : vector<16xf32>
        %mul3A_3358 = arith.constant 0.333333343 : f32
        %mul3A_3359 = vector.broadcast %mul3A_3358 : f32 to vector<16xf32>
        %mul3A_3360 = arith.mulf %add3A_3357, %mul3A_3359 : vector<16xf32>
        %swap3A_3361 = arith.index_cast %scan3A_3348 : i32 to index
        %swap3A_3362 = arith.constant 0 : index
        %swap3A_3363 = tpu.vector_load %arg11[%swap3A_3361, %swap3A_3362] {strides = array<i32>} : memref<256x64xf32, #tpu.memory_space<vmem>>, vector<1x16xf32>,
        %swap3A_3364 = vector.shape_cast %swap3A_3363 : vector<1x16xf32> to vector<16xf32>
        %swap3A_3365 = vector.shape_cast %mul3A_3360 : vector<16xf32> to vector<1x16xf32>
        tpu.vector_store %arg11[%swap3A_3361, %swap3A_3362], %swap3A_3365 {strides = array<i32>} : memref<256x64xf32, #tpu.memory_space<vmem>>, vector<1x16xf32>,
        %get3A_3366 = arith.index_cast %scan3A_3348 : i32 to index
        %get3A_3367 = arith.constant 16 : index
        %get3A_3368 = tpu.vector_load %arg11[%get3A_3366, %get3A_3367] {strides = array<i32>} : memref<256x64xf32, #tpu.memory_space<vmem>>, vector<1x16xf32>,
        %get3A_3369 = vector.shape_cast %get3A_3368 : vector<1x16xf32> to vector<16xf32>
        %get3A_3370 = arith.index_cast %scan3A_3348 : i32 to index
        %get3A_3371 = arith.constant 16 : index
        %get3A_3372 = tpu.vector_load %arg13[%get3A_3370, %get3A_3371] {strides = array<i32>} : memref<256x64xf32, #tpu.memory_space<vmem>>, vector<1x16xf32>,
        %get3A_3373 = vector.shape_cast %get3A_3372 : vector<1x16xf32> to vector<16xf32>
        %add3A_3374 = arith.addf %get3A_3369, %get3A_3373 : vector<16xf32>
        %mul3A_3375 = arith.constant 0.333333343 : f32
        %mul3A_3376 = vector.broadcast %mul3A_3375 : f32 to vector<16xf32>
        %mul3A_3377 = arith.mulf %add3A_3374, %mul3A_3376 : vector<16xf32>
        %swap3A_3378 = arith.index_cast %scan3A_3348 : i32 to index
        %swap3A_3379 = arith.constant 16 : index
        %swap3A_3380 = tpu.vector_load %arg11[%swap3A_3378, %swap3A_3379] {strides = array<i32>} : memref<256x64xf32, #tpu.memory_space<vmem>>, vector<1x16xf32>,
        %swap3A_3381 = vector.shape_cast %swap3A_3380 : vector<1x16xf32> to vector<16xf32>
        %swap3A_3382 = vector.shape_cast %mul3A_3377 : vector<16xf32> to vector<1x16xf32>
        tpu.vector_store %arg11[%swap3A_3378, %swap3A_3379], %swap3A_3382 {strides = array<i32>} : memref<256x64xf32, #tpu.memory_space<vmem>>, vector<1x16xf32>,
        %get3A_3383 = arith.index_cast %scan3A_3348 : i32 to index
        %get3A_3384 = arith.constant 32 : index
        %get3A_3385 = tpu.vector_load %arg11[%get3A_3383, %get3A_3384] {strides = array<i32>} : memref<256x64xf32, #tpu.memory_space<vmem>>, vector<1x16xf32>,
        %get3A_3386 = vector.shape_cast %get3A_3385 : vector<1x16xf32> to vector<16xf32>
        %get3A_3387 = arith.index_cast %scan3A_3348 : i32 to index
        %get3A_3388 = arith.constant 32 : index
        %get3A_3389 = tpu.vector_load %arg13[%get3A_3387, %get3A_3388] {strides = array<i32>} : memref<256x64xf32, #tpu.memory_space<vmem>>, vector<1x16xf32>,
        %get3A_3390 = vector.shape_cast %get3A_3389 : vector<1x16xf32> to vector<16xf32>
        %add3A_3391 = arith.addf %get3A_3386, %get3A_3390 : vector<16xf32>
        %mul3A_3392 = arith.constant 0.333333343 : f32
        %mul3A_3393 = vector.broadcast %mul3A_3392 : f32 to vector<16xf32>
        %mul3A_3394 = arith.mulf %add3A_3391, %mul3A_3393 : vector<16xf32>
        %swap3A_3395 = arith.index_cast %scan3A_3348 : i32 to index
        %swap3A_3396 = arith.constant 32 : index
        %swap3A_3397 = tpu.vector_load %arg11[%swap3A_3395, %swap3A_3396] {strides = array<i32>} : memref<256x64xf32, #tpu.memory_space<vmem>>, vector<1x16xf32>,
        %swap3A_3398 = vector.shape_cast %swap3A_3397 : vector<1x16xf32> to vector<16xf32>
        %swap3A_3399 = vector.shape_cast %mul3A_3394 : vector<16xf32> to vector<1x16xf32>
        tpu.vector_store %arg11[%swap3A_3395, %swap3A_3396], %swap3A_3399 {strides = array<i32>} : memref<256x64xf32, #tpu.memory_space<vmem>>, vector<1x16xf32>,
        %get3A_3400 = arith.index_cast %scan3A_3348 : i32 to index
        %get3A_3401 = arith.constant 48 : index
        %get3A_3402 = tpu.vector_load %arg11[%get3A_3400, %get3A_3401] {strides = array<i32>} : memref<256x64xf32, #tpu.memory_space<vmem>>, vector<1x16xf32>,
        %get3A_3403 = vector.shape_cast %get3A_3402 : vector<1x16xf32> to vector<16xf32>
        %get3A_3404 = arith.index_cast %scan3A_3348 : i32 to index
        %get3A_3405 = arith.constant 48 : index
        %get3A_3406 = tpu.vector_load %arg13[%get3A_3404, %get3A_3405] {strides = array<i32>} : memref<256x64xf32, #tpu.memory_space<vmem>>, vector<1x16xf32>,
        %get3A_3407 = vector.shape_cast %get3A_3406 : vector<1x16xf32> to vector<16xf32>
        %add3A_3408 = arith.addf %get3A_3403, %get3A_3407 : vector<16xf32>
        %mul3A_3409 = arith.constant 0.333333343 : f32
        %mul3A_3410 = vector.broadcast %mul3A_3409 : f32 to vector<16xf32>
        %mul3A_3411 = arith.mulf %add3A_3408, %mul3A_3410 : vector<16xf32>
        %swap3A_3412 = arith.index_cast %scan3A_3348 : i32 to index
        %swap3A_3413 = arith.constant 48 : index
        %swap3A_3414 = tpu.vector_load %arg11[%swap3A_3412, %swap3A_3413] {strides = array<i32>} : memref<256x64xf32, #tpu.memory_space<vmem>>, vector<1x16xf32>,
        %swap3A_3415 = vector.shape_cast %swap3A_3414 : vector<1x16xf32> to vector<16xf32>
        %swap3A_3416 = vector.shape_cast %mul3A_3411 : vector<16xf32> to vector<1x16xf32>
        tpu.vector_store %arg11[%swap3A_3412, %swap3A_3413], %swap3A_3416 {strides = array<i32>} : memref<256x64xf32, #tpu.memory_space<vmem>>, vector<1x16xf32>,
      }
      %scan3A_2495 = arith.constant 256 : i32
      %mul3A_2496 = arith.constant 256 : i32
      %mul3A_2497 = arith.muli %add3A_1664, %mul3A_2496 : i32
      %add3A_2498 = arith.addi %mul3A_4, %mul3A_2497 : i32
      %dma_start3A_2499 = arith.constant 0 : i32
      %dma_start3A_2500 = tpu.memref_slice %arg6[%add3A_2498, %dma_start3A_2499] : memref<819200x128xf32, #tpu.memory_space<hbm>> -> memref<256x64xf32, #tpu.memory_space<hbm>>
      %dma_start3A_2501 = arith.constant 0 : i32
      %dma_start3A_2502 = tpu.memref_slice %arg6[%add3A_2498, %dma_start3A_2501] : memref<819200x128xf32, #tpu.memory_space<hbm>> -> memref<256x64xf32, #tpu.memory_space<hbm>>
      tpu.enqueue_dma source(%arg11 : memref<256x64xf32, #tpu.memory_space<vmem>>) target(%dma_start3A_2502 : memref<256x64xf32, #tpu.memory_space<hbm>>) target_semaphore(%arg19 : memref<!tpu.dma_semaphore, #tpu.memory_space<semaphore_mem>>)
      %mul3A_2503 = arith.constant 2 : i32
      %mul3A_2504 = arith.muli %mul3A_2503, %scan3A_1660 : i32
      %add3A_2505 = arith.constant 1 : i32
      %add3A_2506 = arith.addi %mul3A_2504, %add3A_2505 : i32
      %add3A_2507 = arith.constant 1 : i32
      %add3A_2508 = arith.addi %add3A_2506, %add3A_2507 : i32
      %mul3A_2509 = arith.constant 2 : i32
      %mul3A_2510 = arith.muli %add3A_2508, %mul3A_2509 : i32
      %add3A_2511 = arith.addi %mul3A_2, %mul3A_2510 : i32
      %dma_wait3A_2512 = arith.constant 0 : i32
      %dma_wait3A_2513 = tpu.memref_slice %arg4[%add3A_2511, %dma_wait3A_2512] : memref<6400x128xi32, #tpu.memory_space<hbm>> -> memref<2x128xi32, #tpu.memory_space<hbm>>
      %dma_wait3A_2514 = arith.constant 0 : i32
      %dma_wait3A_2515 = tpu.memref_slice %arg4[%add3A_2511, %dma_wait3A_2514] : memref<6400x128xi32, #tpu.memory_space<hbm>> -> memref<2x128xi32, #tpu.memory_space<hbm>>
      tpu.wait_dma2 semaphore(%arg15 : memref<!tpu.dma_semaphore, #tpu.memory_space<semaphore_mem>>) src(%dma_wait3A_2515 : memref<2x128xi32, #tpu.memory_space<hbm>>) dst(%arg7 : memref<2x128xi32, #tpu.memory_space<vmem>>)
      %mul3A_2516 = arith.constant 2 : i32
      %mul3A_2517 = arith.muli %add3A_2508, %mul3A_2516 : i32
      %add3A_2518 = arith.addi %mul3A_2, %mul3A_2517 : i32
      %dma_wait3A_2519 = arith.constant 0 : i32
      %dma_wait3A_2520 = tpu.memref_slice %arg5[%add3A_2518, %dma_wait3A_2519] : memref<6400x128xi32, #tpu.memory_space<hbm>> -> memref<2x128xi32, #tpu.memory_space<hbm>>
      %dma_wait3A_2521 = arith.constant 0 : i32
      %dma_wait3A_2522 = tpu.memref_slice %arg5[%add3A_2518, %dma_wait3A_2521] : memref<6400x128xi32, #tpu.memory_space<hbm>> -> memref<2x128xi32, #tpu.memory_space<hbm>>
      tpu.wait_dma2 semaphore(%arg15 : memref<!tpu.dma_semaphore, #tpu.memory_space<semaphore_mem>>) src(%dma_wait3A_2522 : memref<2x128xi32, #tpu.memory_space<hbm>>) dst(%arg9 : memref<2x128xi32, #tpu.memory_space<vmem>>)
      %add3A_2523 = arith.constant 1 : i32
      %add3A_2524 = arith.addi %add3A_2506, %add3A_2523 : i32
      %mul3A_2525 = arith.constant 256 : i32
      %mul3A_2526 = arith.muli %add3A_2524, %mul3A_2525 : i32
      %add3A_2527 = arith.addi %mul3A_4, %mul3A_2526 : i32
      %add3A_2528 = arith.constant 0 : i32
      %add3A_2529 = arith.addi %add3A_2527, %add3A_2528 : i32
      %add3A_2530 = arith.constant 0 : i32
      %add3A_2531 = arith.addi %add3A_2529, %add3A_2530 : i32
      %iota3A_2532 = tpu.iota {dimensions = array<i32: 0>} : vector<16xi32>
      %add3A_2533 = vector.broadcast %add3A_2531 : i32 to vector<16xi32>
      %add3A_2534 = arith.addi %iota3A_2532, %add3A_2533 : vector<16xi32>
      %jit3A_2535 = arith.constant 200 : i32
      %eq3A_2536 = arith.constant 0 : i32
      %eq3A_2537 = arith.cmpi eq, %jit3A_2535, %eq3A_2536 : i32
      %jit3A_2538 = arith.constant 1 : i32
      %select_n3A_2539 = arith.select %eq3A_2537, %jit3A_2538, %jit3A_2535 : i32
      %rem3A_2540 = vector.broadcast %select_n3A_2539 : i32 to vector<16xi32>
      %rem3A_2541 = arith.remsi %add3A_2534, %rem3A_2540 : vector<16xi32>
      %ne3A_2542 = arith.constant 0 : i32
      %ne3A_2543 = vector.broadcast %ne3A_2542 : i32 to vector<16xi32>
      %ne3A_2544 = arith.cmpi ne, %rem3A_2541, %ne3A_2543 : vector<16xi32>
      %lt3A_2545 = arith.constant 0 : i32
      %lt3A_2546 = vector.broadcast %lt3A_2545 : i32 to vector<16xi32>
      %lt3A_2547 = arith.cmpi slt, %rem3A_2541, %lt3A_2546 : vector<16xi32>
      %lt3A_2548 = arith.constant 0 : i32
      %lt3A_2549 = arith.cmpi slt, %select_n3A_2539, %lt3A_2548 : i32
      %ne3A_2550 = vector.broadcast %lt3A_2549 : i1 to vector<16xi1>
      %ne3A_2551 = vector.broadcast %ne3A_2550 : vector<16xi1> to vector<16xi1>
      %ne3A_2552 = arith.xori %lt3A_2547, %ne3A_2551 : vector<16xi1>
      %and3A_2553 = arith.andi %ne3A_2552, %ne3A_2544 : vector<16xi1>
      %add3A_2554 = vector.broadcast %select_n3A_2539 : i32 to vector<16xi32>
      %add3A_2555 = arith.addi %rem3A_2541, %add3A_2554 : vector<16xi32>
      %select_n3A_2556 = arith.select %and3A_2553, %add3A_2555, %rem3A_2541 : vector<16xi1>, vector<16xi32>
      %get3A_2557 = arith.constant 0 : i32
      %get3A_2558 = arith.index_cast %get3A_2557 : i32 to index
      %get3A_2559 = arith.constant 0 : index
      %get3A_2560 = tpu.vector_load %arg9[%get3A_2558, %get3A_2559] {strides = array<i32>} : memref<2x128xi32, #tpu.memory_space<vmem>>, vector<1x16xi32>,
      %get3A_2561 = vector.shape_cast %get3A_2560 : vector<1x16xi32> to vector<16xi32>
      %mul3A_2562 = arith.constant 200 : i32
      %mul3A_2563 = vector.broadcast %mul3A_2562 : i32 to vector<16xi32>
      %mul3A_2564 = arith.muli %get3A_2561, %mul3A_2563 : vector<16xi32>
      %add3A_2565 = arith.addi %mul3A_2564, %select_n3A_2556 : vector<16xi32>
      %swap3A_2566 = arith.constant 0 : i32
      %swap3A_2567 = arith.index_cast %swap3A_2566 : i32 to index
      %swap3A_2568 = arith.constant 0 : index
      %swap3A_2569 = tpu.vector_load %arg9[%swap3A_2567, %swap3A_2568] {strides = array<i32>} : memref<2x128xi32, #tpu.memory_space<vmem>>, vector<1x16xi32>,
      %swap3A_2570 = vector.shape_cast %swap3A_2569 : vector<1x16xi32> to vector<16xi32>
      %swap3A_2571 = vector.shape_cast %add3A_2565 : vector<16xi32> to vector<1x16xi32>
      tpu.vector_store %arg9[%swap3A_2567, %swap3A_2568], %swap3A_2571 {strides = array<i32>} : memref<2x128xi32, #tpu.memory_space<vmem>>, vector<1x16xi32>,
      %add3A_2572 = arith.constant 0 : i32
      %add3A_2573 = arith.addi %add3A_2527, %add3A_2572 : i32
      %add3A_2574 = arith.constant 16 : i32
      %add3A_2575 = arith.addi %add3A_2573, %add3A_2574 : i32
      %iota3A_2576 = tpu.iota {dimensions = array<i32: 0>} : vector<16xi32>
      %add3A_2577 = vector.broadcast %add3A_2575 : i32 to vector<16xi32>
      %add3A_2578 = arith.addi %iota3A_2576, %add3A_2577 : vector<16xi32>
      %jit3A_2579 = arith.constant 200 : i32
      %eq3A_2580 = arith.constant 0 : i32
      %eq3A_2581 = arith.cmpi eq, %jit3A_2579, %eq3A_2580 : i32
      %jit3A_2582 = arith.constant 1 : i32
      %select_n3A_2583 = arith.select %eq3A_2581, %jit3A_2582, %jit3A_2579 : i32
      %rem3A_2584 = vector.broadcast %select_n3A_2583 : i32 to vector<16xi32>
      %rem3A_2585 = arith.remsi %add3A_2578, %rem3A_2584 : vector<16xi32>
      %ne3A_2586 = arith.constant 0 : i32
      %ne3A_2587 = vector.broadcast %ne3A_2586 : i32 to vector<16xi32>
      %ne3A_2588 = arith.cmpi ne, %rem3A_2585, %ne3A_2587 : vector<16xi32>
      %lt3A_2589 = arith.constant 0 : i32
      %lt3A_2590 = vector.broadcast %lt3A_2589 : i32 to vector<16xi32>
      %lt3A_2591 = arith.cmpi slt, %rem3A_2585, %lt3A_2590 : vector<16xi32>
      %lt3A_2592 = arith.constant 0 : i32
      %lt3A_2593 = arith.cmpi slt, %select_n3A_2583, %lt3A_2592 : i32
      %ne3A_2594 = vector.broadcast %lt3A_2593 : i1 to vector<16xi1>
      %ne3A_2595 = vector.broadcast %ne3A_2594 : vector<16xi1> to vector<16xi1>
      %ne3A_2596 = arith.xori %lt3A_2591, %ne3A_2595 : vector<16xi1>
      %and3A_2597 = arith.andi %ne3A_2596, %ne3A_2588 : vector<16xi1>
      %add3A_2598 = vector.broadcast %select_n3A_2583 : i32 to vector<16xi32>
      %add3A_2599 = arith.addi %rem3A_2585, %add3A_2598 : vector<16xi32>
      %select_n3A_2600 = arith.select %and3A_2597, %add3A_2599, %rem3A_2585 : vector<16xi1>, vector<16xi32>
      %get3A_2601 = arith.constant 0 : i32
      %get3A_2602 = arith.index_cast %get3A_2601 : i32 to index
      %get3A_2603 = arith.constant 16 : index
      %get3A_2604 = tpu.vector_load %arg9[%get3A_2602, %get3A_2603] {strides = array<i32>} : memref<2x128xi32, #tpu.memory_space<vmem>>, vector<1x16xi32>,
      %get3A_2605 = vector.shape_cast %get3A_2604 : vector<1x16xi32> to vector<16xi32>
      %mul3A_2606 = arith.constant 200 : i32
      %mul3A_2607 = vector.broadcast %mul3A_2606 : i32 to vector<16xi32>
      %mul3A_2608 = arith.muli %get3A_2605, %mul3A_2607 : vector<16xi32>
      %add3A_2609 = arith.addi %mul3A_2608, %select_n3A_2600 : vector<16xi32>
      %swap3A_2610 = arith.constant 0 : i32
      %swap3A_2611 = arith.index_cast %swap3A_2610 : i32 to index
      %swap3A_2612 = arith.constant 16 : index
      %swap3A_2613 = tpu.vector_load %arg9[%swap3A_2611, %swap3A_2612] {strides = array<i32>} : memref<2x128xi32, #tpu.memory_space<vmem>>, vector<1x16xi32>,
      %swap3A_2614 = vector.shape_cast %swap3A_2613 : vector<1x16xi32> to vector<16xi32>
      %swap3A_2615 = vector.shape_cast %add3A_2609 : vector<16xi32> to vector<1x16xi32>
      tpu.vector_store %arg9[%swap3A_2611, %swap3A_2612], %swap3A_2615 {strides = array<i32>} : memref<2x128xi32, #tpu.memory_space<vmem>>, vector<1x16xi32>,
      %add3A_2616 = arith.constant 0 : i32
      %add3A_2617 = arith.addi %add3A_2527, %add3A_2616 : i32
      %add3A_2618 = arith.constant 32 : i32
      %add3A_2619 = arith.addi %add3A_2617, %add3A_2618 : i32
      %iota3A_2620 = tpu.iota {dimensions = array<i32: 0>} : vector<16xi32>
      %add3A_2621 = vector.broadcast %add3A_2619 : i32 to vector<16xi32>
      %add3A_2622 = arith.addi %iota3A_2620, %add3A_2621 : vector<16xi32>
      %jit3A_2623 = arith.constant 200 : i32
      %eq3A_2624 = arith.constant 0 : i32
      %eq3A_2625 = arith.cmpi eq, %jit3A_2623, %eq3A_2624 : i32
      %jit3A_2626 = arith.constant 1 : i32
      %select_n3A_2627 = arith.select %eq3A_2625, %jit3A_2626, %jit3A_2623 : i32
      %rem3A_2628 = vector.broadcast %select_n3A_2627 : i32 to vector<16xi32>
      %rem3A_2629 = arith.remsi %add3A_2622, %rem3A_2628 : vector<16xi32>
      %ne3A_2630 = arith.constant 0 : i32
      %ne3A_2631 = vector.broadcast %ne3A_2630 : i32 to vector<16xi32>
      %ne3A_2632 = arith.cmpi ne, %rem3A_2629, %ne3A_2631 : vector<16xi32>
      %lt3A_2633 = arith.constant 0 : i32
      %lt3A_2634 = vector.broadcast %lt3A_2633 : i32 to vector<16xi32>
      %lt3A_2635 = arith.cmpi slt, %rem3A_2629, %lt3A_2634 : vector<16xi32>
      %lt3A_2636 = arith.constant 0 : i32
      %lt3A_2637 = arith.cmpi slt, %select_n3A_2627, %lt3A_2636 : i32
      %ne3A_2638 = vector.broadcast %lt3A_2637 : i1 to vector<16xi1>
      %ne3A_2639 = vector.broadcast %ne3A_2638 : vector<16xi1> to vector<16xi1>
      %ne3A_2640 = arith.xori %lt3A_2635, %ne3A_2639 : vector<16xi1>
      %and3A_2641 = arith.andi %ne3A_2640, %ne3A_2632 : vector<16xi1>
      %add3A_2642 = vector.broadcast %select_n3A_2627 : i32 to vector<16xi32>
      %add3A_2643 = arith.addi %rem3A_2629, %add3A_2642 : vector<16xi32>
      %select_n3A_2644 = arith.select %and3A_2641, %add3A_2643, %rem3A_2629 : vector<16xi1>, vector<16xi32>
      %get3A_2645 = arith.constant 0 : i32
      %get3A_2646 = arith.index_cast %get3A_2645 : i32 to index
      %get3A_2647 = arith.constant 32 : index
      %get3A_2648 = tpu.vector_load %arg9[%get3A_2646, %get3A_2647] {strides = array<i32>} : memref<2x128xi32, #tpu.memory_space<vmem>>, vector<1x16xi32>,
      %get3A_2649 = vector.shape_cast %get3A_2648 : vector<1x16xi32> to vector<16xi32>
      %mul3A_2650 = arith.constant 200 : i32
      %mul3A_2651 = vector.broadcast %mul3A_2650 : i32 to vector<16xi32>
      %mul3A_2652 = arith.muli %get3A_2649, %mul3A_2651 : vector<16xi32>
      %add3A_2653 = arith.addi %mul3A_2652, %select_n3A_2644 : vector<16xi32>
      %swap3A_2654 = arith.constant 0 : i32
      %swap3A_2655 = arith.index_cast %swap3A_2654 : i32 to index
      %swap3A_2656 = arith.constant 32 : index
      %swap3A_2657 = tpu.vector_load %arg9[%swap3A_2655, %swap3A_2656] {strides = array<i32>} : memref<2x128xi32, #tpu.memory_space<vmem>>, vector<1x16xi32>,
      %swap3A_2658 = vector.shape_cast %swap3A_2657 : vector<1x16xi32> to vector<16xi32>
      %swap3A_2659 = vector.shape_cast %add3A_2653 : vector<16xi32> to vector<1x16xi32>
      tpu.vector_store %arg9[%swap3A_2655, %swap3A_2656], %swap3A_2659 {strides = array<i32>} : memref<2x128xi32, #tpu.memory_space<vmem>>, vector<1x16xi32>,
      %add3A_2660 = arith.constant 0 : i32
      %add3A_2661 = arith.addi %add3A_2527, %add3A_2660 : i32
      %add3A_2662 = arith.constant 48 : i32
      %add3A_2663 = arith.addi %add3A_2661, %add3A_2662 : i32
      %iota3A_2664 = tpu.iota {dimensions = array<i32: 0>} : vector<16xi32>
      %add3A_2665 = vector.broadcast %add3A_2663 : i32 to vector<16xi32>
      %add3A_2666 = arith.addi %iota3A_2664, %add3A_2665 : vector<16xi32>
      %jit3A_2667 = arith.constant 200 : i32
      %eq3A_2668 = arith.constant 0 : i32
      %eq3A_2669 = arith.cmpi eq, %jit3A_2667, %eq3A_2668 : i32
      %jit3A_2670 = arith.constant 1 : i32
      %select_n3A_2671 = arith.select %eq3A_2669, %jit3A_2670, %jit3A_2667 : i32
      %rem3A_2672 = vector.broadcast %select_n3A_2671 : i32 to vector<16xi32>
      %rem3A_2673 = arith.remsi %add3A_2666, %rem3A_2672 : vector<16xi32>
      %ne3A_2674 = arith.constant 0 : i32
      %ne3A_2675 = vector.broadcast %ne3A_2674 : i32 to vector<16xi32>
      %ne3A_2676 = arith.cmpi ne, %rem3A_2673, %ne3A_2675 : vector<16xi32>
      %lt3A_2677 = arith.constant 0 : i32
      %lt3A_2678 = vector.broadcast %lt3A_2677 : i32 to vector<16xi32>
      %lt3A_2679 = arith.cmpi slt, %rem3A_2673, %lt3A_2678 : vector<16xi32>
      %lt3A_2680 = arith.constant 0 : i32
      %lt3A_2681 = arith.cmpi slt, %select_n3A_2671, %lt3A_2680 : i32
      %ne3A_2682 = vector.broadcast %lt3A_2681 : i1 to vector<16xi1>
      %ne3A_2683 = vector.broadcast %ne3A_2682 : vector<16xi1> to vector<16xi1>
      %ne3A_2684 = arith.xori %lt3A_2679, %ne3A_2683 : vector<16xi1>
      %and3A_2685 = arith.andi %ne3A_2684, %ne3A_2676 : vector<16xi1>
      %add3A_2686 = vector.broadcast %select_n3A_2671 : i32 to vector<16xi32>
      %add3A_2687 = arith.addi %rem3A_2673, %add3A_2686 : vector<16xi32>
      %select_n3A_2688 = arith.select %and3A_2685, %add3A_2687, %rem3A_2673 : vector<16xi1>, vector<16xi32>
      %get3A_2689 = arith.constant 0 : i32
      %get3A_2690 = arith.index_cast %get3A_2689 : i32 to index
      %get3A_2691 = arith.constant 48 : index
      %get3A_2692 = tpu.vector_load %arg9[%get3A_2690, %get3A_2691] {strides = array<i32>} : memref<2x128xi32, #tpu.memory_space<vmem>>, vector<1x16xi32>,
      %get3A_2693 = vector.shape_cast %get3A_2692 : vector<1x16xi32> to vector<16xi32>
      %mul3A_2694 = arith.constant 200 : i32
      %mul3A_2695 = vector.broadcast %mul3A_2694 : i32 to vector<16xi32>
      %mul3A_2696 = arith.muli %get3A_2693, %mul3A_2695 : vector<16xi32>
      %add3A_2697 = arith.addi %mul3A_2696, %select_n3A_2688 : vector<16xi32>
      %swap3A_2698 = arith.constant 0 : i32
      %swap3A_2699 = arith.index_cast %swap3A_2698 : i32 to index
      %swap3A_2700 = arith.constant 48 : index
      %swap3A_2701 = tpu.vector_load %arg9[%swap3A_2699, %swap3A_2700] {strides = array<i32>} : memref<2x128xi32, #tpu.memory_space<vmem>>, vector<1x16xi32>,
      %swap3A_2702 = vector.shape_cast %swap3A_2701 : vector<1x16xi32> to vector<16xi32>
      %swap3A_2703 = vector.shape_cast %add3A_2697 : vector<16xi32> to vector<1x16xi32>
      tpu.vector_store %arg9[%swap3A_2699, %swap3A_2700], %swap3A_2703 {strides = array<i32>} : memref<2x128xi32, #tpu.memory_space<vmem>>, vector<1x16xi32>,
      %add3A_2704 = arith.constant 0 : i32
      %add3A_2705 = arith.addi %add3A_2527, %add3A_2704 : i32
      %add3A_2706 = arith.constant 64 : i32
      %add3A_2707 = arith.addi %add3A_2705, %add3A_2706 : i32
      %iota3A_2708 = tpu.iota {dimensions = array<i32: 0>} : vector<16xi32>
      %add3A_2709 = vector.broadcast %add3A_2707 : i32 to vector<16xi32>
      %add3A_2710 = arith.addi %iota3A_2708, %add3A_2709 : vector<16xi32>
      %jit3A_2711 = arith.constant 200 : i32
      %eq3A_2712 = arith.constant 0 : i32
      %eq3A_2713 = arith.cmpi eq, %jit3A_2711, %eq3A_2712 : i32
      %jit3A_2714 = arith.constant 1 : i32
      %select_n3A_2715 = arith.select %eq3A_2713, %jit3A_2714, %jit3A_2711 : i32
      %rem3A_2716 = vector.broadcast %select_n3A_2715 : i32 to vector<16xi32>
      %rem3A_2717 = arith.remsi %add3A_2710, %rem3A_2716 : vector<16xi32>
      %ne3A_2718 = arith.constant 0 : i32
      %ne3A_2719 = vector.broadcast %ne3A_2718 : i32 to vector<16xi32>
      %ne3A_2720 = arith.cmpi ne, %rem3A_2717, %ne3A_2719 : vector<16xi32>
      %lt3A_2721 = arith.constant 0 : i32
      %lt3A_2722 = vector.broadcast %lt3A_2721 : i32 to vector<16xi32>
      %lt3A_2723 = arith.cmpi slt, %rem3A_2717, %lt3A_2722 : vector<16xi32>
      %lt3A_2724 = arith.constant 0 : i32
      %lt3A_2725 = arith.cmpi slt, %select_n3A_2715, %lt3A_2724 : i32
      %ne3A_2726 = vector.broadcast %lt3A_2725 : i1 to vector<16xi1>
      %ne3A_2727 = vector.broadcast %ne3A_2726 : vector<16xi1> to vector<16xi1>
      %ne3A_2728 = arith.xori %lt3A_2723, %ne3A_2727 : vector<16xi1>
      %and3A_2729 = arith.andi %ne3A_2728, %ne3A_2720 : vector<16xi1>
      %add3A_2730 = vector.broadcast %select_n3A_2715 : i32 to vector<16xi32>
      %add3A_2731 = arith.addi %rem3A_2717, %add3A_2730 : vector<16xi32>
      %select_n3A_2732 = arith.select %and3A_2729, %add3A_2731, %rem3A_2717 : vector<16xi1>, vector<16xi32>
      %get3A_2733 = arith.constant 0 : i32
      %get3A_2734 = arith.index_cast %get3A_2733 : i32 to index
      %get3A_2735 = arith.constant 64 : index
      %get3A_2736 = tpu.vector_load %arg9[%get3A_2734, %get3A_2735] {strides = array<i32>} : memref<2x128xi32, #tpu.memory_space<vmem>>, vector<1x16xi32>,
      %get3A_2737 = vector.shape_cast %get3A_2736 : vector<1x16xi32> to vector<16xi32>
      %mul3A_2738 = arith.constant 200 : i32
      %mul3A_2739 = vector.broadcast %mul3A_2738 : i32 to vector<16xi32>
      %mul3A_2740 = arith.muli %get3A_2737, %mul3A_2739 : vector<16xi32>
      %add3A_2741 = arith.addi %mul3A_2740, %select_n3A_2732 : vector<16xi32>
      %swap3A_2742 = arith.constant 0 : i32
      %swap3A_2743 = arith.index_cast %swap3A_2742 : i32 to index
      %swap3A_2744 = arith.constant 64 : index
      %swap3A_2745 = tpu.vector_load %arg9[%swap3A_2743, %swap3A_2744] {strides = array<i32>} : memref<2x128xi32, #tpu.memory_space<vmem>>, vector<1x16xi32>,
      %swap3A_2746 = vector.shape_cast %swap3A_2745 : vector<1x16xi32> to vector<16xi32>
      %swap3A_2747 = vector.shape_cast %add3A_2741 : vector<16xi32> to vector<1x16xi32>
      tpu.vector_store %arg9[%swap3A_2743, %swap3A_2744], %swap3A_2747 {strides = array<i32>} : memref<2x128xi32, #tpu.memory_space<vmem>>, vector<1x16xi32>,
      %add3A_2748 = arith.constant 0 : i32
      %add3A_2749 = arith.addi %add3A_2527, %add3A_2748 : i32
      %add3A_2750 = arith.constant 80 : i32
      %add3A_2751 = arith.addi %add3A_2749, %add3A_2750 : i32
      %iota3A_2752 = tpu.iota {dimensions = array<i32: 0>} : vector<16xi32>
      %add3A_2753 = vector.broadcast %add3A_2751 : i32 to vector<16xi32>
      %add3A_2754 = arith.addi %iota3A_2752, %add3A_2753 : vector<16xi32>
      %jit3A_2755 = arith.constant 200 : i32
      %eq3A_2756 = arith.constant 0 : i32
      %eq3A_2757 = arith.cmpi eq, %jit3A_2755, %eq3A_2756 : i32
      %jit3A_2758 = arith.constant 1 : i32
      %select_n3A_2759 = arith.select %eq3A_2757, %jit3A_2758, %jit3A_2755 : i32
      %rem3A_2760 = vector.broadcast %select_n3A_2759 : i32 to vector<16xi32>
      %rem3A_2761 = arith.remsi %add3A_2754, %rem3A_2760 : vector<16xi32>
      %ne3A_2762 = arith.constant 0 : i32
      %ne3A_2763 = vector.broadcast %ne3A_2762 : i32 to vector<16xi32>
      %ne3A_2764 = arith.cmpi ne, %rem3A_2761, %ne3A_2763 : vector<16xi32>
      %lt3A_2765 = arith.constant 0 : i32
      %lt3A_2766 = vector.broadcast %lt3A_2765 : i32 to vector<16xi32>
      %lt3A_2767 = arith.cmpi slt, %rem3A_2761, %lt3A_2766 : vector<16xi32>
      %lt3A_2768 = arith.constant 0 : i32
      %lt3A_2769 = arith.cmpi slt, %select_n3A_2759, %lt3A_2768 : i32
      %ne3A_2770 = vector.broadcast %lt3A_2769 : i1 to vector<16xi1>
      %ne3A_2771 = vector.broadcast %ne3A_2770 : vector<16xi1> to vector<16xi1>
      %ne3A_2772 = arith.xori %lt3A_2767, %ne3A_2771 : vector<16xi1>
      %and3A_2773 = arith.andi %ne3A_2772, %ne3A_2764 : vector<16xi1>
      %add3A_2774 = vector.broadcast %select_n3A_2759 : i32 to vector<16xi32>
      %add3A_2775 = arith.addi %rem3A_2761, %add3A_2774 : vector<16xi32>
      %select_n3A_2776 = arith.select %and3A_2773, %add3A_2775, %rem3A_2761 : vector<16xi1>, vector<16xi32>
      %get3A_2777 = arith.constant 0 : i32
      %get3A_2778 = arith.index_cast %get3A_2777 : i32 to index
      %get3A_2779 = arith.constant 80 : index
      %get3A_2780 = tpu.vector_load %arg9[%get3A_2778, %get3A_2779] {strides = array<i32>} : memref<2x128xi32, #tpu.memory_space<vmem>>, vector<1x16xi32>,
      %get3A_2781 = vector.shape_cast %get3A_2780 : vector<1x16xi32> to vector<16xi32>
      %mul3A_2782 = arith.constant 200 : i32
      %mul3A_2783 = vector.broadcast %mul3A_2782 : i32 to vector<16xi32>
      %mul3A_2784 = arith.muli %get3A_2781, %mul3A_2783 : vector<16xi32>
      %add3A_2785 = arith.addi %mul3A_2784, %select_n3A_2776 : vector<16xi32>
      %swap3A_2786 = arith.constant 0 : i32
      %swap3A_2787 = arith.index_cast %swap3A_2786 : i32 to index
      %swap3A_2788 = arith.constant 80 : index
      %swap3A_2789 = tpu.vector_load %arg9[%swap3A_2787, %swap3A_2788] {strides = array<i32>} : memref<2x128xi32, #tpu.memory_space<vmem>>, vector<1x16xi32>,
      %swap3A_2790 = vector.shape_cast %swap3A_2789 : vector<1x16xi32> to vector<16xi32>
      %swap3A_2791 = vector.shape_cast %add3A_2785 : vector<16xi32> to vector<1x16xi32>
      tpu.vector_store %arg9[%swap3A_2787, %swap3A_2788], %swap3A_2791 {strides = array<i32>} : memref<2x128xi32, #tpu.memory_space<vmem>>, vector<1x16xi32>,
      %add3A_2792 = arith.constant 0 : i32
      %add3A_2793 = arith.addi %add3A_2527, %add3A_2792 : i32
      %add3A_2794 = arith.constant 96 : i32
      %add3A_2795 = arith.addi %add3A_2793, %add3A_2794 : i32
      %iota3A_2796 = tpu.iota {dimensions = array<i32: 0>} : vector<16xi32>
      %add3A_2797 = vector.broadcast %add3A_2795 : i32 to vector<16xi32>
      %add3A_2798 = arith.addi %iota3A_2796, %add3A_2797 : vector<16xi32>
      %jit3A_2799 = arith.constant 200 : i32
      %eq3A_2800 = arith.constant 0 : i32
      %eq3A_2801 = arith.cmpi eq, %jit3A_2799, %eq3A_2800 : i32
      %jit3A_2802 = arith.constant 1 : i32
      %select_n3A_2803 = arith.select %eq3A_2801, %jit3A_2802, %jit3A_2799 : i32
      %rem3A_2804 = vector.broadcast %select_n3A_2803 : i32 to vector<16xi32>
      %rem3A_2805 = arith.remsi %add3A_2798, %rem3A_2804 : vector<16xi32>
      %ne3A_2806 = arith.constant 0 : i32
      %ne3A_2807 = vector.broadcast %ne3A_2806 : i32 to vector<16xi32>
      %ne3A_2808 = arith.cmpi ne, %rem3A_2805, %ne3A_2807 : vector<16xi32>
      %lt3A_2809 = arith.constant 0 : i32
      %lt3A_2810 = vector.broadcast %lt3A_2809 : i32 to vector<16xi32>
      %lt3A_2811 = arith.cmpi slt, %rem3A_2805, %lt3A_2810 : vector<16xi32>
      %lt3A_2812 = arith.constant 0 : i32
      %lt3A_2813 = arith.cmpi slt, %select_n3A_2803, %lt3A_2812 : i32
      %ne3A_2814 = vector.broadcast %lt3A_2813 : i1 to vector<16xi1>
      %ne3A_2815 = vector.broadcast %ne3A_2814 : vector<16xi1> to vector<16xi1>
      %ne3A_2816 = arith.xori %lt3A_2811, %ne3A_2815 : vector<16xi1>
      %and3A_2817 = arith.andi %ne3A_2816, %ne3A_2808 : vector<16xi1>
      %add3A_2818 = vector.broadcast %select_n3A_2803 : i32 to vector<16xi32>
      %add3A_2819 = arith.addi %rem3A_2805, %add3A_2818 : vector<16xi32>
      %select_n3A_2820 = arith.select %and3A_2817, %add3A_2819, %rem3A_2805 : vector<16xi1>, vector<16xi32>
      %get3A_2821 = arith.constant 0 : i32
      %get3A_2822 = arith.index_cast %get3A_2821 : i32 to index
      %get3A_2823 = arith.constant 96 : index
      %get3A_2824 = tpu.vector_load %arg9[%get3A_2822, %get3A_2823] {strides = array<i32>} : memref<2x128xi32, #tpu.memory_space<vmem>>, vector<1x16xi32>,
      %get3A_2825 = vector.shape_cast %get3A_2824 : vector<1x16xi32> to vector<16xi32>
      %mul3A_2826 = arith.constant 200 : i32
      %mul3A_2827 = vector.broadcast %mul3A_2826 : i32 to vector<16xi32>
      %mul3A_2828 = arith.muli %get3A_2825, %mul3A_2827 : vector<16xi32>
      %add3A_2829 = arith.addi %mul3A_2828, %select_n3A_2820 : vector<16xi32>
      %swap3A_2830 = arith.constant 0 : i32
      %swap3A_2831 = arith.index_cast %swap3A_2830 : i32 to index
      %swap3A_2832 = arith.constant 96 : index
      %swap3A_2833 = tpu.vector_load %arg9[%swap3A_2831, %swap3A_2832] {strides = array<i32>} : memref<2x128xi32, #tpu.memory_space<vmem>>, vector<1x16xi32>,
      %swap3A_2834 = vector.shape_cast %swap3A_2833 : vector<1x16xi32> to vector<16xi32>
      %swap3A_2835 = vector.shape_cast %add3A_2829 : vector<16xi32> to vector<1x16xi32>
      tpu.vector_store %arg9[%swap3A_2831, %swap3A_2832], %swap3A_2835 {strides = array<i32>} : memref<2x128xi32, #tpu.memory_space<vmem>>, vector<1x16xi32>,
      %add3A_2836 = arith.constant 0 : i32
      %add3A_2837 = arith.addi %add3A_2527, %add3A_2836 : i32
      %add3A_2838 = arith.constant 112 : i32
      %add3A_2839 = arith.addi %add3A_2837, %add3A_2838 : i32
      %iota3A_2840 = tpu.iota {dimensions = array<i32: 0>} : vector<16xi32>
      %add3A_2841 = vector.broadcast %add3A_2839 : i32 to vector<16xi32>
      %add3A_2842 = arith.addi %iota3A_2840, %add3A_2841 : vector<16xi32>
      %jit3A_2843 = arith.constant 200 : i32
      %eq3A_2844 = arith.constant 0 : i32
      %eq3A_2845 = arith.cmpi eq, %jit3A_2843, %eq3A_2844 : i32
      %jit3A_2846 = arith.constant 1 : i32
      %select_n3A_2847 = arith.select %eq3A_2845, %jit3A_2846, %jit3A_2843 : i32
      %rem3A_2848 = vector.broadcast %select_n3A_2847 : i32 to vector<16xi32>
      %rem3A_2849 = arith.remsi %add3A_2842, %rem3A_2848 : vector<16xi32>
      %ne3A_2850 = arith.constant 0 : i32
      %ne3A_2851 = vector.broadcast %ne3A_2850 : i32 to vector<16xi32>
      %ne3A_2852 = arith.cmpi ne, %rem3A_2849, %ne3A_2851 : vector<16xi32>
      %lt3A_2853 = arith.constant 0 : i32
      %lt3A_2854 = vector.broadcast %lt3A_2853 : i32 to vector<16xi32>
      %lt3A_2855 = arith.cmpi slt, %rem3A_2849, %lt3A_2854 : vector<16xi32>
      %lt3A_2856 = arith.constant 0 : i32
      %lt3A_2857 = arith.cmpi slt, %select_n3A_2847, %lt3A_2856 : i32
      %ne3A_2858 = vector.broadcast %lt3A_2857 : i1 to vector<16xi1>
      %ne3A_2859 = vector.broadcast %ne3A_2858 : vector<16xi1> to vector<16xi1>
      %ne3A_2860 = arith.xori %lt3A_2855, %ne3A_2859 : vector<16xi1>
      %and3A_2861 = arith.andi %ne3A_2860, %ne3A_2852 : vector<16xi1>
      %add3A_2862 = vector.broadcast %select_n3A_2847 : i32 to vector<16xi32>
      %add3A_2863 = arith.addi %rem3A_2849, %add3A_2862 : vector<16xi32>
      %select_n3A_2864 = arith.select %and3A_2861, %add3A_2863, %rem3A_2849 : vector<16xi1>, vector<16xi32>
      %get3A_2865 = arith.constant 0 : i32
      %get3A_2866 = arith.index_cast %get3A_2865 : i32 to index
      %get3A_2867 = arith.constant 112 : index
      %get3A_2868 = tpu.vector_load %arg9[%get3A_2866, %get3A_2867] {strides = array<i32>} : memref<2x128xi32, #tpu.memory_space<vmem>>, vector<1x16xi32>,
      %get3A_2869 = vector.shape_cast %get3A_2868 : vector<1x16xi32> to vector<16xi32>
      %mul3A_2870 = arith.constant 200 : i32
      %mul3A_2871 = vector.broadcast %mul3A_2870 : i32 to vector<16xi32>
      %mul3A_2872 = arith.muli %get3A_2869, %mul3A_2871 : vector<16xi32>
      %add3A_2873 = arith.addi %mul3A_2872, %select_n3A_2864 : vector<16xi32>
      %swap3A_2874 = arith.constant 0 : i32
      %swap3A_2875 = arith.index_cast %swap3A_2874 : i32 to index
      %swap3A_2876 = arith.constant 112 : index
      %swap3A_2877 = tpu.vector_load %arg9[%swap3A_2875, %swap3A_2876] {strides = array<i32>} : memref<2x128xi32, #tpu.memory_space<vmem>>, vector<1x16xi32>,
      %swap3A_2878 = vector.shape_cast %swap3A_2877 : vector<1x16xi32> to vector<16xi32>
      %swap3A_2879 = vector.shape_cast %add3A_2873 : vector<16xi32> to vector<1x16xi32>
      tpu.vector_store %arg9[%swap3A_2875, %swap3A_2876], %swap3A_2879 {strides = array<i32>} : memref<2x128xi32, #tpu.memory_space<vmem>>, vector<1x16xi32>,
      %add3A_2880 = arith.constant 128 : i32
      %add3A_2881 = arith.addi %add3A_2527, %add3A_2880 : i32
      %add3A_2882 = arith.constant 0 : i32
      %add3A_2883 = arith.addi %add3A_2881, %add3A_2882 : i32
      %iota3A_2884 = tpu.iota {dimensions = array<i32: 0>} : vector<16xi32>
      %add3A_2885 = vector.broadcast %add3A_2883 : i32 to vector<16xi32>
      %add3A_2886 = arith.addi %iota3A_2884, %add3A_2885 : vector<16xi32>
      %jit3A_2887 = arith.constant 200 : i32
      %eq3A_2888 = arith.constant 0 : i32
      %eq3A_2889 = arith.cmpi eq, %jit3A_2887, %eq3A_2888 : i32
      %jit3A_2890 = arith.constant 1 : i32
      %select_n3A_2891 = arith.select %eq3A_2889, %jit3A_2890, %jit3A_2887 : i32
      %rem3A_2892 = vector.broadcast %select_n3A_2891 : i32 to vector<16xi32>
      %rem3A_2893 = arith.remsi %add3A_2886, %rem3A_2892 : vector<16xi32>
      %ne3A_2894 = arith.constant 0 : i32
      %ne3A_2895 = vector.broadcast %ne3A_2894 : i32 to vector<16xi32>
      %ne3A_2896 = arith.cmpi ne, %rem3A_2893, %ne3A_2895 : vector<16xi32>
      %lt3A_2897 = arith.constant 0 : i32
      %lt3A_2898 = vector.broadcast %lt3A_2897 : i32 to vector<16xi32>
      %lt3A_2899 = arith.cmpi slt, %rem3A_2893, %lt3A_2898 : vector<16xi32>
      %lt3A_2900 = arith.constant 0 : i32
      %lt3A_2901 = arith.cmpi slt, %select_n3A_2891, %lt3A_2900 : i32
      %ne3A_2902 = vector.broadcast %lt3A_2901 : i1 to vector<16xi1>
      %ne3A_2903 = vector.broadcast %ne3A_2902 : vector<16xi1> to vector<16xi1>
      %ne3A_2904 = arith.xori %lt3A_2899, %ne3A_2903 : vector<16xi1>
      %and3A_2905 = arith.andi %ne3A_2904, %ne3A_2896 : vector<16xi1>
      %add3A_2906 = vector.broadcast %select_n3A_2891 : i32 to vector<16xi32>
      %add3A_2907 = arith.addi %rem3A_2893, %add3A_2906 : vector<16xi32>
      %select_n3A_2908 = arith.select %and3A_2905, %add3A_2907, %rem3A_2893 : vector<16xi1>, vector<16xi32>
      %get3A_2909 = arith.constant 1 : i32
      %get3A_2910 = arith.index_cast %get3A_2909 : i32 to index
      %get3A_2911 = arith.constant 0 : index
      %get3A_2912 = tpu.vector_load %arg9[%get3A_2910, %get3A_2911] {strides = array<i32>} : memref<2x128xi32, #tpu.memory_space<vmem>>, vector<1x16xi32>,
      %get3A_2913 = vector.shape_cast %get3A_2912 : vector<1x16xi32> to vector<16xi32>
      %mul3A_2914 = arith.constant 200 : i32
      %mul3A_2915 = vector.broadcast %mul3A_2914 : i32 to vector<16xi32>
      %mul3A_2916 = arith.muli %get3A_2913, %mul3A_2915 : vector<16xi32>
      %add3A_2917 = arith.addi %mul3A_2916, %select_n3A_2908 : vector<16xi32>
      %swap3A_2918 = arith.constant 1 : i32
      %swap3A_2919 = arith.index_cast %swap3A_2918 : i32 to index
      %swap3A_2920 = arith.constant 0 : index
      %swap3A_2921 = tpu.vector_load %arg9[%swap3A_2919, %swap3A_2920] {strides = array<i32>} : memref<2x128xi32, #tpu.memory_space<vmem>>, vector<1x16xi32>,
      %swap3A_2922 = vector.shape_cast %swap3A_2921 : vector<1x16xi32> to vector<16xi32>
      %swap3A_2923 = vector.shape_cast %add3A_2917 : vector<16xi32> to vector<1x16xi32>
      tpu.vector_store %arg9[%swap3A_2919, %swap3A_2920], %swap3A_2923 {strides = array<i32>} : memref<2x128xi32, #tpu.memory_space<vmem>>, vector<1x16xi32>,
      %add3A_2924 = arith.constant 128 : i32
      %add3A_2925 = arith.addi %add3A_2527, %add3A_2924 : i32
      %add3A_2926 = arith.constant 16 : i32
      %add3A_2927 = arith.addi %add3A_2925, %add3A_2926 : i32
      %iota3A_2928 = tpu.iota {dimensions = array<i32: 0>} : vector<16xi32>
      %add3A_2929 = vector.broadcast %add3A_2927 : i32 to vector<16xi32>
      %add3A_2930 = arith.addi %iota3A_2928, %add3A_2929 : vector<16xi32>
      %jit3A_2931 = arith.constant 200 : i32
      %eq3A_2932 = arith.constant 0 : i32
      %eq3A_2933 = arith.cmpi eq, %jit3A_2931, %eq3A_2932 : i32
      %jit3A_2934 = arith.constant 1 : i32
      %select_n3A_2935 = arith.select %eq3A_2933, %jit3A_2934, %jit3A_2931 : i32
      %rem3A_2936 = vector.broadcast %select_n3A_2935 : i32 to vector<16xi32>
      %rem3A_2937 = arith.remsi %add3A_2930, %rem3A_2936 : vector<16xi32>
      %ne3A_2938 = arith.constant 0 : i32
      %ne3A_2939 = vector.broadcast %ne3A_2938 : i32 to vector<16xi32>
      %ne3A_2940 = arith.cmpi ne, %rem3A_2937, %ne3A_2939 : vector<16xi32>
      %lt3A_2941 = arith.constant 0 : i32
      %lt3A_2942 = vector.broadcast %lt3A_2941 : i32 to vector<16xi32>
      %lt3A_2943 = arith.cmpi slt, %rem3A_2937, %lt3A_2942 : vector<16xi32>
      %lt3A_2944 = arith.constant 0 : i32
      %lt3A_2945 = arith.cmpi slt, %select_n3A_2935, %lt3A_2944 : i32
      %ne3A_2946 = vector.broadcast %lt3A_2945 : i1 to vector<16xi1>
      %ne3A_2947 = vector.broadcast %ne3A_2946 : vector<16xi1> to vector<16xi1>
      %ne3A_2948 = arith.xori %lt3A_2943, %ne3A_2947 : vector<16xi1>
      %and3A_2949 = arith.andi %ne3A_2948, %ne3A_2940 : vector<16xi1>
      %add3A_2950 = vector.broadcast %select_n3A_2935 : i32 to vector<16xi32>
      %add3A_2951 = arith.addi %rem3A_2937, %add3A_2950 : vector<16xi32>
      %select_n3A_2952 = arith.select %and3A_2949, %add3A_2951, %rem3A_2937 : vector<16xi1>, vector<16xi32>
      %get3A_2953 = arith.constant 1 : i32
      %get3A_2954 = arith.index_cast %get3A_2953 : i32 to index
      %get3A_2955 = arith.constant 16 : index
      %get3A_2956 = tpu.vector_load %arg9[%get3A_2954, %get3A_2955] {strides = array<i32>} : memref<2x128xi32, #tpu.memory_space<vmem>>, vector<1x16xi32>,
      %get3A_2957 = vector.shape_cast %get3A_2956 : vector<1x16xi32> to vector<16xi32>
      %mul3A_2958 = arith.constant 200 : i32
      %mul3A_2959 = vector.broadcast %mul3A_2958 : i32 to vector<16xi32>
      %mul3A_2960 = arith.muli %get3A_2957, %mul3A_2959 : vector<16xi32>
      %add3A_2961 = arith.addi %mul3A_2960, %select_n3A_2952 : vector<16xi32>
      %swap3A_2962 = arith.constant 1 : i32
      %swap3A_2963 = arith.index_cast %swap3A_2962 : i32 to index
      %swap3A_2964 = arith.constant 16 : index
      %swap3A_2965 = tpu.vector_load %arg9[%swap3A_2963, %swap3A_2964] {strides = array<i32>} : memref<2x128xi32, #tpu.memory_space<vmem>>, vector<1x16xi32>,
      %swap3A_2966 = vector.shape_cast %swap3A_2965 : vector<1x16xi32> to vector<16xi32>
      %swap3A_2967 = vector.shape_cast %add3A_2961 : vector<16xi32> to vector<1x16xi32>
      tpu.vector_store %arg9[%swap3A_2963, %swap3A_2964], %swap3A_2967 {strides = array<i32>} : memref<2x128xi32, #tpu.memory_space<vmem>>, vector<1x16xi32>,
      %add3A_2968 = arith.constant 128 : i32
      %add3A_2969 = arith.addi %add3A_2527, %add3A_2968 : i32
      %add3A_2970 = arith.constant 32 : i32
      %add3A_2971 = arith.addi %add3A_2969, %add3A_2970 : i32
      %iota3A_2972 = tpu.iota {dimensions = array<i32: 0>} : vector<16xi32>
      %add3A_2973 = vector.broadcast %add3A_2971 : i32 to vector<16xi32>
      %add3A_2974 = arith.addi %iota3A_2972, %add3A_2973 : vector<16xi32>
      %jit3A_2975 = arith.constant 200 : i32
      %eq3A_2976 = arith.constant 0 : i32
      %eq3A_2977 = arith.cmpi eq, %jit3A_2975, %eq3A_2976 : i32
      %jit3A_2978 = arith.constant 1 : i32
      %select_n3A_2979 = arith.select %eq3A_2977, %jit3A_2978, %jit3A_2975 : i32
      %rem3A_2980 = vector.broadcast %select_n3A_2979 : i32 to vector<16xi32>
      %rem3A_2981 = arith.remsi %add3A_2974, %rem3A_2980 : vector<16xi32>
      %ne3A_2982 = arith.constant 0 : i32
      %ne3A_2983 = vector.broadcast %ne3A_2982 : i32 to vector<16xi32>
      %ne3A_2984 = arith.cmpi ne, %rem3A_2981, %ne3A_2983 : vector<16xi32>
      %lt3A_2985 = arith.constant 0 : i32
      %lt3A_2986 = vector.broadcast %lt3A_2985 : i32 to vector<16xi32>
      %lt3A_2987 = arith.cmpi slt, %rem3A_2981, %lt3A_2986 : vector<16xi32>
      %lt3A_2988 = arith.constant 0 : i32
      %lt3A_2989 = arith.cmpi slt, %select_n3A_2979, %lt3A_2988 : i32
      %ne3A_2990 = vector.broadcast %lt3A_2989 : i1 to vector<16xi1>
      %ne3A_2991 = vector.broadcast %ne3A_2990 : vector<16xi1> to vector<16xi1>
      %ne3A_2992 = arith.xori %lt3A_2987, %ne3A_2991 : vector<16xi1>
      %and3A_2993 = arith.andi %ne3A_2992, %ne3A_2984 : vector<16xi1>
      %add3A_2994 = vector.broadcast %select_n3A_2979 : i32 to vector<16xi32>
      %add3A_2995 = arith.addi %rem3A_2981, %add3A_2994 : vector<16xi32>
      %select_n3A_2996 = arith.select %and3A_2993, %add3A_2995, %rem3A_2981 : vector<16xi1>, vector<16xi32>
      %get3A_2997 = arith.constant 1 : i32
      %get3A_2998 = arith.index_cast %get3A_2997 : i32 to index
      %get3A_2999 = arith.constant 32 : index
      %get3A_3000 = tpu.vector_load %arg9[%get3A_2998, %get3A_2999] {strides = array<i32>} : memref<2x128xi32, #tpu.memory_space<vmem>>, vector<1x16xi32>,
      %get3A_3001 = vector.shape_cast %get3A_3000 : vector<1x16xi32> to vector<16xi32>
      %mul3A_3002 = arith.constant 200 : i32
      %mul3A_3003 = vector.broadcast %mul3A_3002 : i32 to vector<16xi32>
      %mul3A_3004 = arith.muli %get3A_3001, %mul3A_3003 : vector<16xi32>
      %add3A_3005 = arith.addi %mul3A_3004, %select_n3A_2996 : vector<16xi32>
      %swap3A_3006 = arith.constant 1 : i32
      %swap3A_3007 = arith.index_cast %swap3A_3006 : i32 to index
      %swap3A_3008 = arith.constant 32 : index
      %swap3A_3009 = tpu.vector_load %arg9[%swap3A_3007, %swap3A_3008] {strides = array<i32>} : memref<2x128xi32, #tpu.memory_space<vmem>>, vector<1x16xi32>,
      %swap3A_3010 = vector.shape_cast %swap3A_3009 : vector<1x16xi32> to vector<16xi32>
      %swap3A_3011 = vector.shape_cast %add3A_3005 : vector<16xi32> to vector<1x16xi32>
      tpu.vector_store %arg9[%swap3A_3007, %swap3A_3008], %swap3A_3011 {strides = array<i32>} : memref<2x128xi32, #tpu.memory_space<vmem>>, vector<1x16xi32>,
      %add3A_3012 = arith.constant 128 : i32
      %add3A_3013 = arith.addi %add3A_2527, %add3A_3012 : i32
      %add3A_3014 = arith.constant 48 : i32
      %add3A_3015 = arith.addi %add3A_3013, %add3A_3014 : i32
      %iota3A_3016 = tpu.iota {dimensions = array<i32: 0>} : vector<16xi32>
      %add3A_3017 = vector.broadcast %add3A_3015 : i32 to vector<16xi32>
      %add3A_3018 = arith.addi %iota3A_3016, %add3A_3017 : vector<16xi32>
      %jit3A_3019 = arith.constant 200 : i32
      %eq3A_3020 = arith.constant 0 : i32
      %eq3A_3021 = arith.cmpi eq, %jit3A_3019, %eq3A_3020 : i32
      %jit3A_3022 = arith.constant 1 : i32
      %select_n3A_3023 = arith.select %eq3A_3021, %jit3A_3022, %jit3A_3019 : i32
      %rem3A_3024 = vector.broadcast %select_n3A_3023 : i32 to vector<16xi32>
      %rem3A_3025 = arith.remsi %add3A_3018, %rem3A_3024 : vector<16xi32>
      %ne3A_3026 = arith.constant 0 : i32
      %ne3A_3027 = vector.broadcast %ne3A_3026 : i32 to vector<16xi32>
      %ne3A_3028 = arith.cmpi ne, %rem3A_3025, %ne3A_3027 : vector<16xi32>
      %lt3A_3029 = arith.constant 0 : i32
      %lt3A_3030 = vector.broadcast %lt3A_3029 : i32 to vector<16xi32>
      %lt3A_3031 = arith.cmpi slt, %rem3A_3025, %lt3A_3030 : vector<16xi32>
      %lt3A_3032 = arith.constant 0 : i32
      %lt3A_3033 = arith.cmpi slt, %select_n3A_3023, %lt3A_3032 : i32
      %ne3A_3034 = vector.broadcast %lt3A_3033 : i1 to vector<16xi1>
      %ne3A_3035 = vector.broadcast %ne3A_3034 : vector<16xi1> to vector<16xi1>
      %ne3A_3036 = arith.xori %lt3A_3031, %ne3A_3035 : vector<16xi1>
      %and3A_3037 = arith.andi %ne3A_3036, %ne3A_3028 : vector<16xi1>
      %add3A_3038 = vector.broadcast %select_n3A_3023 : i32 to vector<16xi32>
      %add3A_3039 = arith.addi %rem3A_3025, %add3A_3038 : vector<16xi32>
      %select_n3A_3040 = arith.select %and3A_3037, %add3A_3039, %rem3A_3025 : vector<16xi1>, vector<16xi32>
      %get3A_3041 = arith.constant 1 : i32
      %get3A_3042 = arith.index_cast %get3A_3041 : i32 to index
      %get3A_3043 = arith.constant 48 : index
      %get3A_3044 = tpu.vector_load %arg9[%get3A_3042, %get3A_3043] {strides = array<i32>} : memref<2x128xi32, #tpu.memory_space<vmem>>, vector<1x16xi32>,
      %get3A_3045 = vector.shape_cast %get3A_3044 : vector<1x16xi32> to vector<16xi32>
      %mul3A_3046 = arith.constant 200 : i32
      %mul3A_3047 = vector.broadcast %mul3A_3046 : i32 to vector<16xi32>
      %mul3A_3048 = arith.muli %get3A_3045, %mul3A_3047 : vector<16xi32>
      %add3A_3049 = arith.addi %mul3A_3048, %select_n3A_3040 : vector<16xi32>
      %swap3A_3050 = arith.constant 1 : i32
      %swap3A_3051 = arith.index_cast %swap3A_3050 : i32 to index
      %swap3A_3052 = arith.constant 48 : index
      %swap3A_3053 = tpu.vector_load %arg9[%swap3A_3051, %swap3A_3052] {strides = array<i32>} : memref<2x128xi32, #tpu.memory_space<vmem>>, vector<1x16xi32>,
      %swap3A_3054 = vector.shape_cast %swap3A_3053 : vector<1x16xi32> to vector<16xi32>
      %swap3A_3055 = vector.shape_cast %add3A_3049 : vector<16xi32> to vector<1x16xi32>
      tpu.vector_store %arg9[%swap3A_3051, %swap3A_3052], %swap3A_3055 {strides = array<i32>} : memref<2x128xi32, #tpu.memory_space<vmem>>, vector<1x16xi32>,
      %add3A_3056 = arith.constant 128 : i32
      %add3A_3057 = arith.addi %add3A_2527, %add3A_3056 : i32
      %add3A_3058 = arith.constant 64 : i32
      %add3A_3059 = arith.addi %add3A_3057, %add3A_3058 : i32
      %iota3A_3060 = tpu.iota {dimensions = array<i32: 0>} : vector<16xi32>
      %add3A_3061 = vector.broadcast %add3A_3059 : i32 to vector<16xi32>
      %add3A_3062 = arith.addi %iota3A_3060, %add3A_3061 : vector<16xi32>
      %jit3A_3063 = arith.constant 200 : i32
      %eq3A_3064 = arith.constant 0 : i32
      %eq3A_3065 = arith.cmpi eq, %jit3A_3063, %eq3A_3064 : i32
      %jit3A_3066 = arith.constant 1 : i32
      %select_n3A_3067 = arith.select %eq3A_3065, %jit3A_3066, %jit3A_3063 : i32
      %rem3A_3068 = vector.broadcast %select_n3A_3067 : i32 to vector<16xi32>
      %rem3A_3069 = arith.remsi %add3A_3062, %rem3A_3068 : vector<16xi32>
      %ne3A_3070 = arith.constant 0 : i32
      %ne3A_3071 = vector.broadcast %ne3A_3070 : i32 to vector<16xi32>
      %ne3A_3072 = arith.cmpi ne, %rem3A_3069, %ne3A_3071 : vector<16xi32>
      %lt3A_3073 = arith.constant 0 : i32
      %lt3A_3074 = vector.broadcast %lt3A_3073 : i32 to vector<16xi32>
      %lt3A_3075 = arith.cmpi slt, %rem3A_3069, %lt3A_3074 : vector<16xi32>
      %lt3A_3076 = arith.constant 0 : i32
      %lt3A_3077 = arith.cmpi slt, %select_n3A_3067, %lt3A_3076 : i32
      %ne3A_3078 = vector.broadcast %lt3A_3077 : i1 to vector<16xi1>
      %ne3A_3079 = vector.broadcast %ne3A_3078 : vector<16xi1> to vector<16xi1>
      %ne3A_3080 = arith.xori %lt3A_3075, %ne3A_3079 : vector<16xi1>
      %and3A_3081 = arith.andi %ne3A_3080, %ne3A_3072 : vector<16xi1>
      %add3A_3082 = vector.broadcast %select_n3A_3067 : i32 to vector<16xi32>
      %add3A_3083 = arith.addi %rem3A_3069, %add3A_3082 : vector<16xi32>
      %select_n3A_3084 = arith.select %and3A_3081, %add3A_3083, %rem3A_3069 : vector<16xi1>, vector<16xi32>
      %get3A_3085 = arith.constant 1 : i32
      %get3A_3086 = arith.index_cast %get3A_3085 : i32 to index
      %get3A_3087 = arith.constant 64 : index
      %get3A_3088 = tpu.vector_load %arg9[%get3A_3086, %get3A_3087] {strides = array<i32>} : memref<2x128xi32, #tpu.memory_space<vmem>>, vector<1x16xi32>,
      %get3A_3089 = vector.shape_cast %get3A_3088 : vector<1x16xi32> to vector<16xi32>
      %mul3A_3090 = arith.constant 200 : i32
      %mul3A_3091 = vector.broadcast %mul3A_3090 : i32 to vector<16xi32>
      %mul3A_3092 = arith.muli %get3A_3089, %mul3A_3091 : vector<16xi32>
      %add3A_3093 = arith.addi %mul3A_3092, %select_n3A_3084 : vector<16xi32>
      %swap3A_3094 = arith.constant 1 : i32
      %swap3A_3095 = arith.index_cast %swap3A_3094 : i32 to index
      %swap3A_3096 = arith.constant 64 : index
      %swap3A_3097 = tpu.vector_load %arg9[%swap3A_3095, %swap3A_3096] {strides = array<i32>} : memref<2x128xi32, #tpu.memory_space<vmem>>, vector<1x16xi32>,
      %swap3A_3098 = vector.shape_cast %swap3A_3097 : vector<1x16xi32> to vector<16xi32>
      %swap3A_3099 = vector.shape_cast %add3A_3093 : vector<16xi32> to vector<1x16xi32>
      tpu.vector_store %arg9[%swap3A_3095, %swap3A_3096], %swap3A_3099 {strides = array<i32>} : memref<2x128xi32, #tpu.memory_space<vmem>>, vector<1x16xi32>,
      %add3A_3100 = arith.constant 128 : i32
      %add3A_3101 = arith.addi %add3A_2527, %add3A_3100 : i32
      %add3A_3102 = arith.constant 80 : i32
      %add3A_3103 = arith.addi %add3A_3101, %add3A_3102 : i32
      %iota3A_3104 = tpu.iota {dimensions = array<i32: 0>} : vector<16xi32>
      %add3A_3105 = vector.broadcast %add3A_3103 : i32 to vector<16xi32>
      %add3A_3106 = arith.addi %iota3A_3104, %add3A_3105 : vector<16xi32>
      %jit3A_3107 = arith.constant 200 : i32
      %eq3A_3108 = arith.constant 0 : i32
      %eq3A_3109 = arith.cmpi eq, %jit3A_3107, %eq3A_3108 : i32
      %jit3A_3110 = arith.constant 1 : i32
      %select_n3A_3111 = arith.select %eq3A_3109, %jit3A_3110, %jit3A_3107 : i32
      %rem3A_3112 = vector.broadcast %select_n3A_3111 : i32 to vector<16xi32>
      %rem3A_3113 = arith.remsi %add3A_3106, %rem3A_3112 : vector<16xi32>
      %ne3A_3114 = arith.constant 0 : i32
      %ne3A_3115 = vector.broadcast %ne3A_3114 : i32 to vector<16xi32>
      %ne3A_3116 = arith.cmpi ne, %rem3A_3113, %ne3A_3115 : vector<16xi32>
      %lt3A_3117 = arith.constant 0 : i32
      %lt3A_3118 = vector.broadcast %lt3A_3117 : i32 to vector<16xi32>
      %lt3A_3119 = arith.cmpi slt, %rem3A_3113, %lt3A_3118 : vector<16xi32>
      %lt3A_3120 = arith.constant 0 : i32
      %lt3A_3121 = arith.cmpi slt, %select_n3A_3111, %lt3A_3120 : i32
      %ne3A_3122 = vector.broadcast %lt3A_3121 : i1 to vector<16xi1>
      %ne3A_3123 = vector.broadcast %ne3A_3122 : vector<16xi1> to vector<16xi1>
      %ne3A_3124 = arith.xori %lt3A_3119, %ne3A_3123 : vector<16xi1>
      %and3A_3125 = arith.andi %ne3A_3124, %ne3A_3116 : vector<16xi1>
      %add3A_3126 = vector.broadcast %select_n3A_3111 : i32 to vector<16xi32>
      %add3A_3127 = arith.addi %rem3A_3113, %add3A_3126 : vector<16xi32>
      %select_n3A_3128 = arith.select %and3A_3125, %add3A_3127, %rem3A_3113 : vector<16xi1>, vector<16xi32>
      %get3A_3129 = arith.constant 1 : i32
      %get3A_3130 = arith.index_cast %get3A_3129 : i32 to index
      %get3A_3131 = arith.constant 80 : index
      %get3A_3132 = tpu.vector_load %arg9[%get3A_3130, %get3A_3131] {strides = array<i32>} : memref<2x128xi32, #tpu.memory_space<vmem>>, vector<1x16xi32>,
      %get3A_3133 = vector.shape_cast %get3A_3132 : vector<1x16xi32> to vector<16xi32>
      %mul3A_3134 = arith.constant 200 : i32
      %mul3A_3135 = vector.broadcast %mul3A_3134 : i32 to vector<16xi32>
      %mul3A_3136 = arith.muli %get3A_3133, %mul3A_3135 : vector<16xi32>
      %add3A_3137 = arith.addi %mul3A_3136, %select_n3A_3128 : vector<16xi32>
      %swap3A_3138 = arith.constant 1 : i32
      %swap3A_3139 = arith.index_cast %swap3A_3138 : i32 to index
      %swap3A_3140 = arith.constant 80 : index
      %swap3A_3141 = tpu.vector_load %arg9[%swap3A_3139, %swap3A_3140] {strides = array<i32>} : memref<2x128xi32, #tpu.memory_space<vmem>>, vector<1x16xi32>,
      %swap3A_3142 = vector.shape_cast %swap3A_3141 : vector<1x16xi32> to vector<16xi32>
      %swap3A_3143 = vector.shape_cast %add3A_3137 : vector<16xi32> to vector<1x16xi32>
      tpu.vector_store %arg9[%swap3A_3139, %swap3A_3140], %swap3A_3143 {strides = array<i32>} : memref<2x128xi32, #tpu.memory_space<vmem>>, vector<1x16xi32>,
      %add3A_3144 = arith.constant 128 : i32
      %add3A_3145 = arith.addi %add3A_2527, %add3A_3144 : i32
      %add3A_3146 = arith.constant 96 : i32
      %add3A_3147 = arith.addi %add3A_3145, %add3A_3146 : i32
      %iota3A_3148 = tpu.iota {dimensions = array<i32: 0>} : vector<16xi32>
      %add3A_3149 = vector.broadcast %add3A_3147 : i32 to vector<16xi32>
      %add3A_3150 = arith.addi %iota3A_3148, %add3A_3149 : vector<16xi32>
      %jit3A_3151 = arith.constant 200 : i32
      %eq3A_3152 = arith.constant 0 : i32
      %eq3A_3153 = arith.cmpi eq, %jit3A_3151, %eq3A_3152 : i32
      %jit3A_3154 = arith.constant 1 : i32
      %select_n3A_3155 = arith.select %eq3A_3153, %jit3A_3154, %jit3A_3151 : i32
      %rem3A_3156 = vector.broadcast %select_n3A_3155 : i32 to vector<16xi32>
      %rem3A_3157 = arith.remsi %add3A_3150, %rem3A_3156 : vector<16xi32>
      %ne3A_3158 = arith.constant 0 : i32
      %ne3A_3159 = vector.broadcast %ne3A_3158 : i32 to vector<16xi32>
      %ne3A_3160 = arith.cmpi ne, %rem3A_3157, %ne3A_3159 : vector<16xi32>
      %lt3A_3161 = arith.constant 0 : i32
      %lt3A_3162 = vector.broadcast %lt3A_3161 : i32 to vector<16xi32>
      %lt3A_3163 = arith.cmpi slt, %rem3A_3157, %lt3A_3162 : vector<16xi32>
      %lt3A_3164 = arith.constant 0 : i32
      %lt3A_3165 = arith.cmpi slt, %select_n3A_3155, %lt3A_3164 : i32
      %ne3A_3166 = vector.broadcast %lt3A_3165 : i1 to vector<16xi1>
      %ne3A_3167 = vector.broadcast %ne3A_3166 : vector<16xi1> to vector<16xi1>
      %ne3A_3168 = arith.xori %lt3A_3163, %ne3A_3167 : vector<16xi1>
      %and3A_3169 = arith.andi %ne3A_3168, %ne3A_3160 : vector<16xi1>
      %add3A_3170 = vector.broadcast %select_n3A_3155 : i32 to vector<16xi32>
      %add3A_3171 = arith.addi %rem3A_3157, %add3A_3170 : vector<16xi32>
      %select_n3A_3172 = arith.select %and3A_3169, %add3A_3171, %rem3A_3157 : vector<16xi1>, vector<16xi32>
      %get3A_3173 = arith.constant 1 : i32
      %get3A_3174 = arith.index_cast %get3A_3173 : i32 to index
      %get3A_3175 = arith.constant 96 : index
      %get3A_3176 = tpu.vector_load %arg9[%get3A_3174, %get3A_3175] {strides = array<i32>} : memref<2x128xi32, #tpu.memory_space<vmem>>, vector<1x16xi32>,
      %get3A_3177 = vector.shape_cast %get3A_3176 : vector<1x16xi32> to vector<16xi32>
      %mul3A_3178 = arith.constant 200 : i32
      %mul3A_3179 = vector.broadcast %mul3A_3178 : i32 to vector<16xi32>
      %mul3A_3180 = arith.muli %get3A_3177, %mul3A_3179 : vector<16xi32>
      %add3A_3181 = arith.addi %mul3A_3180, %select_n3A_3172 : vector<16xi32>
      %swap3A_3182 = arith.constant 1 : i32
      %swap3A_3183 = arith.index_cast %swap3A_3182 : i32 to index
      %swap3A_3184 = arith.constant 96 : index
      %swap3A_3185 = tpu.vector_load %arg9[%swap3A_3183, %swap3A_3184] {strides = array<i32>} : memref<2x128xi32, #tpu.memory_space<vmem>>, vector<1x16xi32>,
      %swap3A_3186 = vector.shape_cast %swap3A_3185 : vector<1x16xi32> to vector<16xi32>
      %swap3A_3187 = vector.shape_cast %add3A_3181 : vector<16xi32> to vector<1x16xi32>
      tpu.vector_store %arg9[%swap3A_3183, %swap3A_3184], %swap3A_3187 {strides = array<i32>} : memref<2x128xi32, #tpu.memory_space<vmem>>, vector<1x16xi32>,
      %add3A_3188 = arith.constant 128 : i32
      %add3A_3189 = arith.addi %add3A_2527, %add3A_3188 : i32
      %add3A_3190 = arith.constant 112 : i32
      %add3A_3191 = arith.addi %add3A_3189, %add3A_3190 : i32
      %iota3A_3192 = tpu.iota {dimensions = array<i32: 0>} : vector<16xi32>
      %add3A_3193 = vector.broadcast %add3A_3191 : i32 to vector<16xi32>
      %add3A_3194 = arith.addi %iota3A_3192, %add3A_3193 : vector<16xi32>
      %jit3A_3195 = arith.constant 200 : i32
      %eq3A_3196 = arith.constant 0 : i32
      %eq3A_3197 = arith.cmpi eq, %jit3A_3195, %eq3A_3196 : i32
      %jit3A_3198 = arith.constant 1 : i32
      %select_n3A_3199 = arith.select %eq3A_3197, %jit3A_3198, %jit3A_3195 : i32
      %rem3A_3200 = vector.broadcast %select_n3A_3199 : i32 to vector<16xi32>
      %rem3A_3201 = arith.remsi %add3A_3194, %rem3A_3200 : vector<16xi32>
      %ne3A_3202 = arith.constant 0 : i32
      %ne3A_3203 = vector.broadcast %ne3A_3202 : i32 to vector<16xi32>
      %ne3A_3204 = arith.cmpi ne, %rem3A_3201, %ne3A_3203 : vector<16xi32>
      %lt3A_3205 = arith.constant 0 : i32
      %lt3A_3206 = vector.broadcast %lt3A_3205 : i32 to vector<16xi32>
      %lt3A_3207 = arith.cmpi slt, %rem3A_3201, %lt3A_3206 : vector<16xi32>
      %lt3A_3208 = arith.constant 0 : i32
      %lt3A_3209 = arith.cmpi slt, %select_n3A_3199, %lt3A_3208 : i32
      %ne3A_3210 = vector.broadcast %lt3A_3209 : i1 to vector<16xi1>
      %ne3A_3211 = vector.broadcast %ne3A_3210 : vector<16xi1> to vector<16xi1>
      %ne3A_3212 = arith.xori %lt3A_3207, %ne3A_3211 : vector<16xi1>
      %and3A_3213 = arith.andi %ne3A_3212, %ne3A_3204 : vector<16xi1>
      %add3A_3214 = vector.broadcast %select_n3A_3199 : i32 to vector<16xi32>
      %add3A_3215 = arith.addi %rem3A_3201, %add3A_3214 : vector<16xi32>
      %select_n3A_3216 = arith.select %and3A_3213, %add3A_3215, %rem3A_3201 : vector<16xi1>, vector<16xi32>
      %get3A_3217 = arith.constant 1 : i32
      %get3A_3218 = arith.index_cast %get3A_3217 : i32 to index
      %get3A_3219 = arith.constant 112 : index
      %get3A_3220 = tpu.vector_load %arg9[%get3A_3218, %get3A_3219] {strides = array<i32>} : memref<2x128xi32, #tpu.memory_space<vmem>>, vector<1x16xi32>,
      %get3A_3221 = vector.shape_cast %get3A_3220 : vector<1x16xi32> to vector<16xi32>
      %mul3A_3222 = arith.constant 200 : i32
      %mul3A_3223 = vector.broadcast %mul3A_3222 : i32 to vector<16xi32>
      %mul3A_3224 = arith.muli %get3A_3221, %mul3A_3223 : vector<16xi32>
      %add3A_3225 = arith.addi %mul3A_3224, %select_n3A_3216 : vector<16xi32>
      %swap3A_3226 = arith.constant 1 : i32
      %swap3A_3227 = arith.index_cast %swap3A_3226 : i32 to index
      %swap3A_3228 = arith.constant 112 : index
      %swap3A_3229 = tpu.vector_load %arg9[%swap3A_3227, %swap3A_3228] {strides = array<i32>} : memref<2x128xi32, #tpu.memory_space<vmem>>, vector<1x16xi32>,
      %swap3A_3230 = vector.shape_cast %swap3A_3229 : vector<1x16xi32> to vector<16xi32>
      %swap3A_3231 = vector.shape_cast %add3A_3225 : vector<16xi32> to vector<1x16xi32>
      tpu.vector_store %arg9[%swap3A_3227, %swap3A_3228], %swap3A_3231 {strides = array<i32>} : memref<2x128xi32, #tpu.memory_space<vmem>>, vector<1x16xi32>,
      %dma_wait3A_3232 = arith.constant 0 : i32
      %dma_wait3A_3233 = arith.constant 0 : i32
      %dma_wait3A_3234 = arith.constant 0 : i32
      %dma_wait3A_3235 = tpu.memref_slice %arg12[%dma_wait3A_3233, %dma_wait3A_3234] : memref<256x64xf32, #tpu.memory_space<vmem>> -> memref<128x64xf32, #tpu.memory_space<vmem>>
      %dma_wait3A_3236 = arith.constant 0 : i32
      %dma_wait3A_3237 = tpu.memref_slice %arg8[%dma_wait3A_3232, %dma_wait3A_3236] : memref<2x128xi32, #tpu.memory_space<vmem>> -> memref<1x128xi32, #tpu.memory_space<vmem>>
      %dma_wait3A_3238 = tpu.memref_squeeze %dma_wait3A_3237 : memref<1x128xi32, #tpu.memory_space<vmem>> -> memref<128xi32, #tpu.memory_space<vmem>>
      %dma_wait3A_3239 = arith.constant 0 : i32
      %dma_wait3A_3240 = arith.constant 0 : i32
      %dma_wait3A_3241 = tpu.memref_slice %arg2[%dma_wait3A_3239, %dma_wait3A_3240] : memref<100001x64xf32, #tpu.memory_space<hbm>> -> memref<100001x64xf32, #tpu.memory_space<hbm>>
      tpu.wait_indirect_dma semaphore(%arg18 : memref<!tpu.dma_semaphore, #tpu.memory_space<semaphore_mem>>) src(%dma_wait3A_3241 : memref<100001x64xf32, #tpu.memory_space<hbm>>) dst(%dma_wait3A_3235 : memref<128x64xf32, #tpu.memory_space<vmem>>)
      %dma_wait3A_3242 = arith.constant 0 : i32
      %dma_wait3A_3243 = arith.constant 0 : i32
      %dma_wait3A_3244 = arith.constant 0 : i32
      %dma_wait3A_3245 = tpu.memref_slice %arg14[%dma_wait3A_3243, %dma_wait3A_3244] : memref<256x64xf32, #tpu.memory_space<vmem>> -> memref<128x64xf32, #tpu.memory_space<vmem>>
      %dma_wait3A_3246 = arith.constant 0 : i32
      %dma_wait3A_3247 = tpu.memref_slice %arg10[%dma_wait3A_3242, %dma_wait3A_3246] : memref<2x128xi32, #tpu.memory_space<vmem>> -> memref<1x128xi32, #tpu.memory_space<vmem>>
      %dma_wait3A_3248 = tpu.memref_squeeze %dma_wait3A_3247 : memref<1x128xi32, #tpu.memory_space<vmem>> -> memref<128xi32, #tpu.memory_space<vmem>>
      %dma_wait3A_3249 = arith.constant 0 : i32
      %dma_wait3A_3250 = arith.constant 0 : i32
      %dma_wait3A_3251 = tpu.memref_slice %arg3[%dma_wait3A_3249, %dma_wait3A_3250] : memref<800x64xf32, #tpu.memory_space<hbm>> -> memref<800x64xf32, #tpu.memory_space<hbm>>
      tpu.wait_indirect_dma semaphore(%arg18 : memref<!tpu.dma_semaphore, #tpu.memory_space<semaphore_mem>>) src(%dma_wait3A_3251 : memref<800x64xf32, #tpu.memory_space<hbm>>) dst(%dma_wait3A_3245 : memref<128x64xf32, #tpu.memory_space<vmem>>)
      %dma_wait3A_3252 = arith.constant 1 : i32
      %dma_wait3A_3253 = arith.constant 128 : i32
      %dma_wait3A_3254 = arith.constant 0 : i32
      %dma_wait3A_3255 = tpu.memref_slice %arg12[%dma_wait3A_3253, %dma_wait3A_3254] : memref<256x64xf32, #tpu.memory_space<vmem>> -> memref<128x64xf32, #tpu.memory_space<vmem>>
      %dma_wait3A_3256 = arith.constant 0 : i32
      %dma_wait3A_3257 = tpu.memref_slice %arg8[%dma_wait3A_3252, %dma_wait3A_3256] : memref<2x128xi32, #tpu.memory_space<vmem>> -> memref<1x128xi32, #tpu.memory_space<vmem>>
      %dma_wait3A_3258 = tpu.memref_squeeze %dma_wait3A_3257 : memref<1x128xi32, #tpu.memory_space<vmem>> -> memref<128xi32, #tpu.memory_space<vmem>>
      %dma_wait3A_3259 = arith.constant 0 : i32
      %dma_wait3A_3260 = arith.constant 0 : i32
      %dma_wait3A_3261 = tpu.memref_slice %arg2[%dma_wait3A_3259, %dma_wait3A_3260] : memref<100001x64xf32, #tpu.memory_space<hbm>> -> memref<100001x64xf32, #tpu.memory_space<hbm>>
      tpu.wait_indirect_dma semaphore(%arg18 : memref<!tpu.dma_semaphore, #tpu.memory_space<semaphore_mem>>) src(%dma_wait3A_3261 : memref<100001x64xf32, #tpu.memory_space<hbm>>) dst(%dma_wait3A_3255 : memref<128x64xf32, #tpu.memory_space<vmem>>)
      %dma_wait3A_3262 = arith.constant 1 : i32
      %dma_wait3A_3263 = arith.constant 128 : i32
      %dma_wait3A_3264 = arith.constant 0 : i32
      %dma_wait3A_3265 = tpu.memref_slice %arg14[%dma_wait3A_3263, %dma_wait3A_3264] : memref<256x64xf32, #tpu.memory_space<vmem>> -> memref<128x64xf32, #tpu.memory_space<vmem>>
      %dma_wait3A_3266 = arith.constant 0 : i32
      %dma_wait3A_3267 = tpu.memref_slice %arg10[%dma_wait3A_3262, %dma_wait3A_3266] : memref<2x128xi32, #tpu.memory_space<vmem>> -> memref<1x128xi32, #tpu.memory_space<vmem>>
      %dma_wait3A_3268 = tpu.memref_squeeze %dma_wait3A_3267 : memref<1x128xi32, #tpu.memory_space<vmem>> -> memref<128xi32, #tpu.memory_space<vmem>>
      %dma_wait3A_3269 = arith.constant 0 : i32
      %dma_wait3A_3270 = arith.constant 0 : i32
      %dma_wait3A_3271 = tpu.memref_slice %arg3[%dma_wait3A_3269, %dma_wait3A_3270] : memref<800x64xf32, #tpu.memory_space<hbm>> -> memref<800x64xf32, #tpu.memory_space<hbm>>
      tpu.wait_indirect_dma semaphore(%arg18 : memref<!tpu.dma_semaphore, #tpu.memory_space<semaphore_mem>>) src(%dma_wait3A_3271 : memref<800x64xf32, #tpu.memory_space<hbm>>) dst(%dma_wait3A_3265 : memref<128x64xf32, #tpu.memory_space<vmem>>)
      %add3A_3272 = arith.constant 2 : i32
      %add3A_3273 = arith.addi %add3A_2506, %add3A_3272 : i32
      %mul3A_3274 = arith.constant 2 : i32
      %mul3A_3275 = arith.muli %add3A_3273, %mul3A_3274 : i32
      %add3A_3276 = arith.addi %mul3A_2, %mul3A_3275 : i32
      %dma_start3A_3277 = arith.constant 0 : i32
      %dma_start3A_3278 = tpu.memref_slice %arg4[%add3A_3276, %dma_start3A_3277] : memref<6400x128xi32, #tpu.memory_space<hbm>> -> memref<2x128xi32, #tpu.memory_space<hbm>>
      %dma_start3A_3279 = arith.constant 0 : i32
      %dma_start3A_3280 = tpu.memref_slice %arg4[%add3A_3276, %dma_start3A_3279] : memref<6400x128xi32, #tpu.memory_space<hbm>> -> memref<2x128xi32, #tpu.memory_space<hbm>>
      tpu.enqueue_dma source(%dma_start3A_3280 : memref<2x128xi32, #tpu.memory_space<hbm>>) target(%arg8 : memref<2x128xi32, #tpu.memory_space<vmem>>) target_semaphore(%arg16 : memref<!tpu.dma_semaphore, #tpu.memory_space<semaphore_mem>>)
      %mul3A_3281 = arith.constant 2 : i32
      %mul3A_3282 = arith.muli %add3A_3273, %mul3A_3281 : i32
      %add3A_3283 = arith.addi %mul3A_2, %mul3A_3282 : i32
      %dma_start3A_3284 = arith.constant 0 : i32
      %dma_start3A_3285 = tpu.memref_slice %arg5[%add3A_3283, %dma_start3A_3284] : memref<6400x128xi32, #tpu.memory_space<hbm>> -> memref<2x128xi32, #tpu.memory_space<hbm>>
      %dma_start3A_3286 = arith.constant 0 : i32
      %dma_start3A_3287 = tpu.memref_slice %arg5[%add3A_3283, %dma_start3A_3286] : memref<6400x128xi32, #tpu.memory_space<hbm>> -> memref<2x128xi32, #tpu.memory_space<hbm>>
      tpu.enqueue_dma source(%dma_start3A_3287 : memref<2x128xi32, #tpu.memory_space<hbm>>) target(%arg10 : memref<2x128xi32, #tpu.memory_space<vmem>>) target_semaphore(%arg16 : memref<!tpu.dma_semaphore, #tpu.memory_space<semaphore_mem>>)
      %ge3A_3288 = arith.constant 1 : i32
      %ge3A_3289 = arith.cmpi sge, %add3A_2506, %ge3A_3288 : i32
      %convert_element_type3A_3290 = arith.extui %ge3A_3289 : i1 to i32
      %cond3A_3291 = arith.constant 0 : i32
      %cond3A_3292 = arith.cmpi ne, %convert_element_type3A_3290, %cond3A_3291 : i32
      scf.if %cond3A_3292 {
        %sub3A = arith.constant 1 : i32
        %sub3A_3348 = arith.subi %add3A_2506, %sub3A : i32
        %mul3A_3349 = arith.constant 256 : i32
        %mul3A_3350 = arith.muli %sub3A_3348, %mul3A_3349 : i32
        %add3A_3351 = arith.addi %mul3A_4, %mul3A_3350 : i32
        %dma_wait3A_3352 = arith.constant 0 : i32
        %dma_wait3A_3353 = tpu.memref_slice %arg6[%add3A_3351, %dma_wait3A_3352] : memref<819200x128xf32, #tpu.memory_space<hbm>> -> memref<256x64xf32, #tpu.memory_space<hbm>>
        %dma_wait3A_3354 = arith.constant 0 : i32
        %dma_wait3A_3355 = tpu.memref_slice %arg6[%add3A_3351, %dma_wait3A_3354] : memref<819200x128xf32, #tpu.memory_space<hbm>> -> memref<256x64xf32, #tpu.memory_space<hbm>>
        tpu.wait_dma2 semaphore(%arg19 : memref<!tpu.dma_semaphore, #tpu.memory_space<semaphore_mem>>) src(%arg11 : memref<256x64xf32, #tpu.memory_space<vmem>>) dst(%dma_wait3A_3355 : memref<256x64xf32, #tpu.memory_space<hbm>>)
      } else {
      }
      %add3A_3293 = arith.constant 1 : i32
      %add3A_3294 = arith.addi %add3A_2506, %add3A_3293 : i32
      %dma_start3A_3295 = arith.constant 0 : i32
      %dma_start3A_3296 = arith.constant 0 : i32
      %dma_start3A_3297 = arith.constant 0 : i32
      %dma_start3A_3298 = tpu.memref_slice %arg11[%dma_start3A_3296, %dma_start3A_3297] : memref<256x64xf32, #tpu.memory_space<vmem>> -> memref<128x64xf32, #tpu.memory_space<vmem>>
      %dma_start3A_3299 = arith.constant 0 : i32
      %dma_start3A_3300 = tpu.memref_slice %arg7[%dma_start3A_3295, %dma_start3A_3299] : memref<2x128xi32, #tpu.memory_space<vmem>> -> memref<1x128xi32, #tpu.memory_space<vmem>>
      %dma_start3A_3301 = tpu.memref_squeeze %dma_start3A_3300 : memref<1x128xi32, #tpu.memory_space<vmem>> -> memref<128xi32, #tpu.memory_space<vmem>>
      %dma_start3A_3302 = arith.constant 0 : i32
      %dma_start3A_3303 = arith.constant 0 : i32
      %dma_start3A_3304 = tpu.memref_slice %arg2[%dma_start3A_3302, %dma_start3A_3303] : memref<100001x64xf32, #tpu.memory_space<hbm>> -> memref<100001x64xf32, #tpu.memory_space<hbm>>
      tpu.enqueue_indirect_dma source(%dma_start3A_3304 : memref<100001x64xf32, #tpu.memory_space<hbm>>) target(%dma_start3A_3298 : memref<128x64xf32, #tpu.memory_space<vmem>>) offsets(%dma_start3A_3301 : memref<128xi32, #tpu.memory_space<vmem>>) semaphore(%arg17 : memref<!tpu.dma_semaphore, #tpu.memory_space<semaphore_mem>>)
      %dma_start3A_3305 = arith.constant 0 : i32
      %dma_start3A_3306 = arith.constant 0 : i32
      %dma_start3A_3307 = arith.constant 0 : i32
      %dma_start3A_3308 = tpu.memref_slice %arg13[%dma_start3A_3306, %dma_start3A_3307] : memref<256x64xf32, #tpu.memory_space<vmem>> -> memref<128x64xf32, #tpu.memory_space<vmem>>
      %dma_start3A_3309 = arith.constant 0 : i32
      %dma_start3A_3310 = tpu.memref_slice %arg9[%dma_start3A_3305, %dma_start3A_3309] : memref<2x128xi32, #tpu.memory_space<vmem>> -> memref<1x128xi32, #tpu.memory_space<vmem>>
      %dma_start3A_3311 = tpu.memref_squeeze %dma_start3A_3310 : memref<1x128xi32, #tpu.memory_space<vmem>> -> memref<128xi32, #tpu.memory_space<vmem>>
      %dma_start3A_3312 = arith.constant 0 : i32
      %dma_start3A_3313 = arith.constant 0 : i32
      %dma_start3A_3314 = tpu.memref_slice %arg3[%dma_start3A_3312, %dma_start3A_3313] : memref<800x64xf32, #tpu.memory_space<hbm>> -> memref<800x64xf32, #tpu.memory_space<hbm>>
      tpu.enqueue_indirect_dma source(%dma_start3A_3314 : memref<800x64xf32, #tpu.memory_space<hbm>>) target(%dma_start3A_3308 : memref<128x64xf32, #tpu.memory_space<vmem>>) offsets(%dma_start3A_3311 : memref<128xi32, #tpu.memory_space<vmem>>) semaphore(%arg17 : memref<!tpu.dma_semaphore, #tpu.memory_space<semaphore_mem>>)
      %dma_start3A_3315 = arith.constant 1 : i32
      %dma_start3A_3316 = arith.constant 128 : i32
      %dma_start3A_3317 = arith.constant 0 : i32
      %dma_start3A_3318 = tpu.memref_slice %arg11[%dma_start3A_3316, %dma_start3A_3317] : memref<256x64xf32, #tpu.memory_space<vmem>> -> memref<128x64xf32, #tpu.memory_space<vmem>>
      %dma_start3A_3319 = arith.constant 0 : i32
      %dma_start3A_3320 = tpu.memref_slice %arg7[%dma_start3A_3315, %dma_start3A_3319] : memref<2x128xi32, #tpu.memory_space<vmem>> -> memref<1x128xi32, #tpu.memory_space<vmem>>
      %dma_start3A_3321 = tpu.memref_squeeze %dma_start3A_3320 : memref<1x128xi32, #tpu.memory_space<vmem>> -> memref<128xi32, #tpu.memory_space<vmem>>
      %dma_start3A_3322 = arith.constant 0 : i32
      %dma_start3A_3323 = arith.constant 0 : i32
      %dma_start3A_3324 = tpu.memref_slice %arg2[%dma_start3A_3322, %dma_start3A_3323] : memref<100001x64xf32, #tpu.memory_space<hbm>> -> memref<100001x64xf32, #tpu.memory_space<hbm>>
      tpu.enqueue_indirect_dma source(%dma_start3A_3324 : memref<100001x64xf32, #tpu.memory_space<hbm>>) target(%dma_start3A_3318 : memref<128x64xf32, #tpu.memory_space<vmem>>) offsets(%dma_start3A_3321 : memref<128xi32, #tpu.memory_space<vmem>>) semaphore(%arg17 : memref<!tpu.dma_semaphore, #tpu.memory_space<semaphore_mem>>)
      %dma_start3A_3325 = arith.constant 1 : i32
      %dma_start3A_3326 = arith.constant 128 : i32
      %dma_start3A_3327 = arith.constant 0 : i32
      %dma_start3A_3328 = tpu.memref_slice %arg13[%dma_start3A_3326, %dma_start3A_3327] : memref<256x64xf32, #tpu.memory_space<vmem>> -> memref<128x64xf32, #tpu.memory_space<vmem>>
      %dma_start3A_3329 = arith.constant 0 : i32
      %dma_start3A_3330 = tpu.memref_slice %arg9[%dma_start3A_3325, %dma_start3A_3329] : memref<2x128xi32, #tpu.memory_space<vmem>> -> memref<1x128xi32, #tpu.memory_space<vmem>>
      %dma_start3A_3331 = tpu.memref_squeeze %dma_start3A_3330 : memref<1x128xi32, #tpu.memory_space<vmem>> -> memref<128xi32, #tpu.memory_space<vmem>>
      %dma_start3A_3332 = arith.constant 0 : i32
      %dma_start3A_3333 = arith.constant 0 : i32
      %dma_start3A_3334 = tpu.memref_slice %arg3[%dma_start3A_3332, %dma_start3A_3333] : memref<800x64xf32, #tpu.memory_space<hbm>> -> memref<800x64xf32, #tpu.memory_space<hbm>>
      tpu.enqueue_indirect_dma source(%dma_start3A_3334 : memref<800x64xf32, #tpu.memory_space<hbm>>) target(%dma_start3A_3328 : memref<128x64xf32, #tpu.memory_space<vmem>>) offsets(%dma_start3A_3331 : memref<128xi32, #tpu.memory_space<vmem>>) semaphore(%arg17 : memref<!tpu.dma_semaphore, #tpu.memory_space<semaphore_mem>>)
      %scan3A_3335 = arith.constant 0 : i32
      %scan3A_3336 = arith.constant 0 : i32
      %scan3A_3337 = arith.constant 256 : i32
      %scan3A_3338 = arith.addi %scan3A_3336, %scan3A_3337 : i32
      %scan3A_3339 = arith.constant 1 : i32
      scf.for %scan3A_3348 = %scan3A_3336 to %scan3A_3338 step %scan3A_3339  : i32 {
        %get3A_3349 = arith.index_cast %scan3A_3348 : i32 to index
        %get3A_3350 = arith.constant 0 : index
        %get3A_3351 = tpu.vector_load %arg12[%get3A_3349, %get3A_3350] {strides = array<i32>} : memref<256x64xf32, #tpu.memory_space<vmem>>, vector<1x16xf32>,
        %get3A_3352 = vector.shape_cast %get3A_3351 : vector<1x16xf32> to vector<16xf32>
        %get3A_3353 = arith.index_cast %scan3A_3348 : i32 to index
        %get3A_3354 = arith.constant 0 : index
        %get3A_3355 = tpu.vector_load %arg14[%get3A_3353, %get3A_3354] {strides = array<i32>} : memref<256x64xf32, #tpu.memory_space<vmem>>, vector<1x16xf32>,
        %get3A_3356 = vector.shape_cast %get3A_3355 : vector<1x16xf32> to vector<16xf32>
        %add3A_3357 = arith.addf %get3A_3352, %get3A_3356 : vector<16xf32>
        %mul3A_3358 = arith.constant 0.333333343 : f32
        %mul3A_3359 = vector.broadcast %mul3A_3358 : f32 to vector<16xf32>
        %mul3A_3360 = arith.mulf %add3A_3357, %mul3A_3359 : vector<16xf32>
        %swap3A_3361 = arith.index_cast %scan3A_3348 : i32 to index
        %swap3A_3362 = arith.constant 0 : index
        %swap3A_3363 = tpu.vector_load %arg12[%swap3A_3361, %swap3A_3362] {strides = array<i32>} : memref<256x64xf32, #tpu.memory_space<vmem>>, vector<1x16xf32>,
        %swap3A_3364 = vector.shape_cast %swap3A_3363 : vector<1x16xf32> to vector<16xf32>
        %swap3A_3365 = vector.shape_cast %mul3A_3360 : vector<16xf32> to vector<1x16xf32>
        tpu.vector_store %arg12[%swap3A_3361, %swap3A_3362], %swap3A_3365 {strides = array<i32>} : memref<256x64xf32, #tpu.memory_space<vmem>>, vector<1x16xf32>,
        %get3A_3366 = arith.index_cast %scan3A_3348 : i32 to index
        %get3A_3367 = arith.constant 16 : index
        %get3A_3368 = tpu.vector_load %arg12[%get3A_3366, %get3A_3367] {strides = array<i32>} : memref<256x64xf32, #tpu.memory_space<vmem>>, vector<1x16xf32>,
        %get3A_3369 = vector.shape_cast %get3A_3368 : vector<1x16xf32> to vector<16xf32>
        %get3A_3370 = arith.index_cast %scan3A_3348 : i32 to index
        %get3A_3371 = arith.constant 16 : index
        %get3A_3372 = tpu.vector_load %arg14[%get3A_3370, %get3A_3371] {strides = array<i32>} : memref<256x64xf32, #tpu.memory_space<vmem>>, vector<1x16xf32>,
        %get3A_3373 = vector.shape_cast %get3A_3372 : vector<1x16xf32> to vector<16xf32>
        %add3A_3374 = arith.addf %get3A_3369, %get3A_3373 : vector<16xf32>
        %mul3A_3375 = arith.constant 0.333333343 : f32
        %mul3A_3376 = vector.broadcast %mul3A_3375 : f32 to vector<16xf32>
        %mul3A_3377 = arith.mulf %add3A_3374, %mul3A_3376 : vector<16xf32>
        %swap3A_3378 = arith.index_cast %scan3A_3348 : i32 to index
        %swap3A_3379 = arith.constant 16 : index
        %swap3A_3380 = tpu.vector_load %arg12[%swap3A_3378, %swap3A_3379] {strides = array<i32>} : memref<256x64xf32, #tpu.memory_space<vmem>>, vector<1x16xf32>,
        %swap3A_3381 = vector.shape_cast %swap3A_3380 : vector<1x16xf32> to vector<16xf32>
        %swap3A_3382 = vector.shape_cast %mul3A_3377 : vector<16xf32> to vector<1x16xf32>
        tpu.vector_store %arg12[%swap3A_3378, %swap3A_3379], %swap3A_3382 {strides = array<i32>} : memref<256x64xf32, #tpu.memory_space<vmem>>, vector<1x16xf32>,
        %get3A_3383 = arith.index_cast %scan3A_3348 : i32 to index
        %get3A_3384 = arith.constant 32 : index
        %get3A_3385 = tpu.vector_load %arg12[%get3A_3383, %get3A_3384] {strides = array<i32>} : memref<256x64xf32, #tpu.memory_space<vmem>>, vector<1x16xf32>,
        %get3A_3386 = vector.shape_cast %get3A_3385 : vector<1x16xf32> to vector<16xf32>
        %get3A_3387 = arith.index_cast %scan3A_3348 : i32 to index
        %get3A_3388 = arith.constant 32 : index
        %get3A_3389 = tpu.vector_load %arg14[%get3A_3387, %get3A_3388] {strides = array<i32>} : memref<256x64xf32, #tpu.memory_space<vmem>>, vector<1x16xf32>,
        %get3A_3390 = vector.shape_cast %get3A_3389 : vector<1x16xf32> to vector<16xf32>
        %add3A_3391 = arith.addf %get3A_3386, %get3A_3390 : vector<16xf32>
        %mul3A_3392 = arith.constant 0.333333343 : f32
        %mul3A_3393 = vector.broadcast %mul3A_3392 : f32 to vector<16xf32>
        %mul3A_3394 = arith.mulf %add3A_3391, %mul3A_3393 : vector<16xf32>
        %swap3A_3395 = arith.index_cast %scan3A_3348 : i32 to index
        %swap3A_3396 = arith.constant 32 : index
        %swap3A_3397 = tpu.vector_load %arg12[%swap3A_3395, %swap3A_3396] {strides = array<i32>} : memref<256x64xf32, #tpu.memory_space<vmem>>, vector<1x16xf32>,
        %swap3A_3398 = vector.shape_cast %swap3A_3397 : vector<1x16xf32> to vector<16xf32>
        %swap3A_3399 = vector.shape_cast %mul3A_3394 : vector<16xf32> to vector<1x16xf32>
        tpu.vector_store %arg12[%swap3A_3395, %swap3A_3396], %swap3A_3399 {strides = array<i32>} : memref<256x64xf32, #tpu.memory_space<vmem>>, vector<1x16xf32>,
        %get3A_3400 = arith.index_cast %scan3A_3348 : i32 to index
        %get3A_3401 = arith.constant 48 : index
        %get3A_3402 = tpu.vector_load %arg12[%get3A_3400, %get3A_3401] {strides = array<i32>} : memref<256x64xf32, #tpu.memory_space<vmem>>, vector<1x16xf32>,
        %get3A_3403 = vector.shape_cast %get3A_3402 : vector<1x16xf32> to vector<16xf32>
        %get3A_3404 = arith.index_cast %scan3A_3348 : i32 to index
        %get3A_3405 = arith.constant 48 : index
        %get3A_3406 = tpu.vector_load %arg14[%get3A_3404, %get3A_3405] {strides = array<i32>} : memref<256x64xf32, #tpu.memory_space<vmem>>, vector<1x16xf32>,
        %get3A_3407 = vector.shape_cast %get3A_3406 : vector<1x16xf32> to vector<16xf32>
        %add3A_3408 = arith.addf %get3A_3403, %get3A_3407 : vector<16xf32>
        %mul3A_3409 = arith.constant 0.333333343 : f32
        %mul3A_3410 = vector.broadcast %mul3A_3409 : f32 to vector<16xf32>
        %mul3A_3411 = arith.mulf %add3A_3408, %mul3A_3410 : vector<16xf32>
        %swap3A_3412 = arith.index_cast %scan3A_3348 : i32 to index
        %swap3A_3413 = arith.constant 48 : index
        %swap3A_3414 = tpu.vector_load %arg12[%swap3A_3412, %swap3A_3413] {strides = array<i32>} : memref<256x64xf32, #tpu.memory_space<vmem>>, vector<1x16xf32>,
        %swap3A_3415 = vector.shape_cast %swap3A_3414 : vector<1x16xf32> to vector<16xf32>
        %swap3A_3416 = vector.shape_cast %mul3A_3411 : vector<16xf32> to vector<1x16xf32>
        tpu.vector_store %arg12[%swap3A_3412, %swap3A_3413], %swap3A_3416 {strides = array<i32>} : memref<256x64xf32, #tpu.memory_space<vmem>>, vector<1x16xf32>,
      }
      %scan3A_3340 = arith.constant 256 : i32
      %mul3A_3341 = arith.constant 256 : i32
      %mul3A_3342 = arith.muli %add3A_2506, %mul3A_3341 : i32
      %add3A_3343 = arith.addi %mul3A_4, %mul3A_3342 : i32
      %dma_start3A_3344 = arith.constant 0 : i32
      %dma_start3A_3345 = tpu.memref_slice %arg6[%add3A_3343, %dma_start3A_3344] : memref<819200x128xf32, #tpu.memory_space<hbm>> -> memref<256x64xf32, #tpu.memory_space<hbm>>
      %dma_start3A_3346 = arith.constant 0 : i32
      %dma_start3A_3347 = tpu.memref_slice %arg6[%add3A_3343, %dma_start3A_3346] : memref<819200x128xf32, #tpu.memory_space<hbm>> -> memref<256x64xf32, #tpu.memory_space<hbm>>
      tpu.enqueue_dma source(%arg12 : memref<256x64xf32, #tpu.memory_space<vmem>>) target(%dma_start3A_3347 : memref<256x64xf32, #tpu.memory_space<hbm>>) target_semaphore(%arg20 : memref<!tpu.dma_semaphore, #tpu.memory_space<semaphore_mem>>)
    }
    %scan3A_779 = arith.constant 49 : i32
    %dma_wait3A_780 = arith.constant 0 : i32
    %dma_wait3A_781 = arith.constant 0 : i32
    %dma_wait3A_782 = arith.constant 0 : i32
    %dma_wait3A_783 = tpu.memref_slice %arg11[%dma_wait3A_781, %dma_wait3A_782] : memref<256x64xf32, #tpu.memory_space<vmem>> -> memref<128x64xf32, #tpu.memory_space<vmem>>
    %dma_wait3A_784 = arith.constant 0 : i32
    %dma_wait3A_785 = tpu.memref_slice %arg7[%dma_wait3A_780, %dma_wait3A_784] : memref<2x128xi32, #tpu.memory_space<vmem>> -> memref<1x128xi32, #tpu.memory_space<vmem>>
    %dma_wait3A_786 = tpu.memref_squeeze %dma_wait3A_785 : memref<1x128xi32, #tpu.memory_space<vmem>> -> memref<128xi32, #tpu.memory_space<vmem>>
    %dma_wait3A_787 = arith.constant 0 : i32
    %dma_wait3A_788 = arith.constant 0 : i32
    %dma_wait3A_789 = tpu.memref_slice %arg2[%dma_wait3A_787, %dma_wait3A_788] : memref<100001x64xf32, #tpu.memory_space<hbm>> -> memref<100001x64xf32, #tpu.memory_space<hbm>>
    tpu.wait_indirect_dma semaphore(%arg17 : memref<!tpu.dma_semaphore, #tpu.memory_space<semaphore_mem>>) src(%dma_wait3A_789 : memref<100001x64xf32, #tpu.memory_space<hbm>>) dst(%dma_wait3A_783 : memref<128x64xf32, #tpu.memory_space<vmem>>)
    %dma_wait3A_790 = arith.constant 0 : i32
    %dma_wait3A_791 = arith.constant 0 : i32
    %dma_wait3A_792 = arith.constant 0 : i32
    %dma_wait3A_793 = tpu.memref_slice %arg13[%dma_wait3A_791, %dma_wait3A_792] : memref<256x64xf32, #tpu.memory_space<vmem>> -> memref<128x64xf32, #tpu.memory_space<vmem>>
    %dma_wait3A_794 = arith.constant 0 : i32
    %dma_wait3A_795 = tpu.memref_slice %arg9[%dma_wait3A_790, %dma_wait3A_794] : memref<2x128xi32, #tpu.memory_space<vmem>> -> memref<1x128xi32, #tpu.memory_space<vmem>>
    %dma_wait3A_796 = tpu.memref_squeeze %dma_wait3A_795 : memref<1x128xi32, #tpu.memory_space<vmem>> -> memref<128xi32, #tpu.memory_space<vmem>>
    %dma_wait3A_797 = arith.constant 0 : i32
    %dma_wait3A_798 = arith.constant 0 : i32
    %dma_wait3A_799 = tpu.memref_slice %arg3[%dma_wait3A_797, %dma_wait3A_798] : memref<800x64xf32, #tpu.memory_space<hbm>> -> memref<800x64xf32, #tpu.memory_space<hbm>>
    tpu.wait_indirect_dma semaphore(%arg17 : memref<!tpu.dma_semaphore, #tpu.memory_space<semaphore_mem>>) src(%dma_wait3A_799 : memref<800x64xf32, #tpu.memory_space<hbm>>) dst(%dma_wait3A_793 : memref<128x64xf32, #tpu.memory_space<vmem>>)
    %dma_wait3A_800 = arith.constant 1 : i32
    %dma_wait3A_801 = arith.constant 128 : i32
    %dma_wait3A_802 = arith.constant 0 : i32
    %dma_wait3A_803 = tpu.memref_slice %arg11[%dma_wait3A_801, %dma_wait3A_802] : memref<256x64xf32, #tpu.memory_space<vmem>> -> memref<128x64xf32, #tpu.memory_space<vmem>>
    %dma_wait3A_804 = arith.constant 0 : i32
    %dma_wait3A_805 = tpu.memref_slice %arg7[%dma_wait3A_800, %dma_wait3A_804] : memref<2x128xi32, #tpu.memory_space<vmem>> -> memref<1x128xi32, #tpu.memory_space<vmem>>
    %dma_wait3A_806 = tpu.memref_squeeze %dma_wait3A_805 : memref<1x128xi32, #tpu.memory_space<vmem>> -> memref<128xi32, #tpu.memory_space<vmem>>
    %dma_wait3A_807 = arith.constant 0 : i32
    %dma_wait3A_808 = arith.constant 0 : i32
    %dma_wait3A_809 = tpu.memref_slice %arg2[%dma_wait3A_807, %dma_wait3A_808] : memref<100001x64xf32, #tpu.memory_space<hbm>> -> memref<100001x64xf32, #tpu.memory_space<hbm>>
    tpu.wait_indirect_dma semaphore(%arg17 : memref<!tpu.dma_semaphore, #tpu.memory_space<semaphore_mem>>) src(%dma_wait3A_809 : memref<100001x64xf32, #tpu.memory_space<hbm>>) dst(%dma_wait3A_803 : memref<128x64xf32, #tpu.memory_space<vmem>>)
    %dma_wait3A_810 = arith.constant 1 : i32
    %dma_wait3A_811 = arith.constant 128 : i32
    %dma_wait3A_812 = arith.constant 0 : i32
    %dma_wait3A_813 = tpu.memref_slice %arg13[%dma_wait3A_811, %dma_wait3A_812] : memref<256x64xf32, #tpu.memory_space<vmem>> -> memref<128x64xf32, #tpu.memory_space<vmem>>
    %dma_wait3A_814 = arith.constant 0 : i32
    %dma_wait3A_815 = tpu.memref_slice %arg9[%dma_wait3A_810, %dma_wait3A_814] : memref<2x128xi32, #tpu.memory_space<vmem>> -> memref<1x128xi32, #tpu.memory_space<vmem>>
    %dma_wait3A_816 = tpu.memref_squeeze %dma_wait3A_815 : memref<1x128xi32, #tpu.memory_space<vmem>> -> memref<128xi32, #tpu.memory_space<vmem>>
    %dma_wait3A_817 = arith.constant 0 : i32
    %dma_wait3A_818 = arith.constant 0 : i32
    %dma_wait3A_819 = tpu.memref_slice %arg3[%dma_wait3A_817, %dma_wait3A_818] : memref<800x64xf32, #tpu.memory_space<hbm>> -> memref<800x64xf32, #tpu.memory_space<hbm>>
    tpu.wait_indirect_dma semaphore(%arg17 : memref<!tpu.dma_semaphore, #tpu.memory_space<semaphore_mem>>) src(%dma_wait3A_819 : memref<800x64xf32, #tpu.memory_space<hbm>>) dst(%dma_wait3A_813 : memref<128x64xf32, #tpu.memory_space<vmem>>)
    %add3A_820 = arith.constant 198 : i32
    %add3A_821 = arith.addi %mul3A_2, %add3A_820 : i32
    %dma_wait3A_822 = arith.constant 0 : i32
    %dma_wait3A_823 = tpu.memref_slice %arg4[%add3A_821, %dma_wait3A_822] : memref<6400x128xi32, #tpu.memory_space<hbm>> -> memref<2x128xi32, #tpu.memory_space<hbm>>
    %dma_wait3A_824 = arith.constant 0 : i32
    %dma_wait3A_825 = tpu.memref_slice %arg4[%add3A_821, %dma_wait3A_824] : memref<6400x128xi32, #tpu.memory_space<hbm>> -> memref<2x128xi32, #tpu.memory_space<hbm>>
    tpu.wait_dma2 semaphore(%arg16 : memref<!tpu.dma_semaphore, #tpu.memory_space<semaphore_mem>>) src(%dma_wait3A_825 : memref<2x128xi32, #tpu.memory_space<hbm>>) dst(%arg8 : memref<2x128xi32, #tpu.memory_space<vmem>>)
    %add3A_826 = arith.constant 198 : i32
    %add3A_827 = arith.addi %mul3A_2, %add3A_826 : i32
    %dma_wait3A_828 = arith.constant 0 : i32
    %dma_wait3A_829 = tpu.memref_slice %arg5[%add3A_827, %dma_wait3A_828] : memref<6400x128xi32, #tpu.memory_space<hbm>> -> memref<2x128xi32, #tpu.memory_space<hbm>>
    %dma_wait3A_830 = arith.constant 0 : i32
    %dma_wait3A_831 = tpu.memref_slice %arg5[%add3A_827, %dma_wait3A_830] : memref<6400x128xi32, #tpu.memory_space<hbm>> -> memref<2x128xi32, #tpu.memory_space<hbm>>
    tpu.wait_dma2 semaphore(%arg16 : memref<!tpu.dma_semaphore, #tpu.memory_space<semaphore_mem>>) src(%dma_wait3A_831 : memref<2x128xi32, #tpu.memory_space<hbm>>) dst(%arg10 : memref<2x128xi32, #tpu.memory_space<vmem>>)
    %add3A_832 = arith.constant 25344 : i32
    %add3A_833 = arith.addi %mul3A_4, %add3A_832 : i32
    %add3A_834 = arith.constant 0 : i32
    %add3A_835 = arith.addi %add3A_833, %add3A_834 : i32
    %add3A_836 = arith.constant 0 : i32
    %add3A_837 = arith.addi %add3A_835, %add3A_836 : i32
    %iota3A_838 = tpu.iota {dimensions = array<i32: 0>} : vector<16xi32>
    %add3A_839 = vector.broadcast %add3A_837 : i32 to vector<16xi32>
    %add3A_840 = arith.addi %iota3A_838, %add3A_839 : vector<16xi32>
    %jit3A_841 = arith.constant 200 : i32
    %eq3A_842 = arith.constant 0 : i32
    %eq3A_843 = arith.cmpi eq, %jit3A_841, %eq3A_842 : i32
    %jit3A_844 = arith.constant 1 : i32
    %select_n3A_845 = arith.select %eq3A_843, %jit3A_844, %jit3A_841 : i32
    %rem3A_846 = vector.broadcast %select_n3A_845 : i32 to vector<16xi32>
    %rem3A_847 = arith.remsi %add3A_840, %rem3A_846 : vector<16xi32>
    %ne3A_848 = arith.constant 0 : i32
    %ne3A_849 = vector.broadcast %ne3A_848 : i32 to vector<16xi32>
    %ne3A_850 = arith.cmpi ne, %rem3A_847, %ne3A_849 : vector<16xi32>
    %lt3A_851 = arith.constant 0 : i32
    %lt3A_852 = vector.broadcast %lt3A_851 : i32 to vector<16xi32>
    %lt3A_853 = arith.cmpi slt, %rem3A_847, %lt3A_852 : vector<16xi32>
    %lt3A_854 = arith.constant 0 : i32
    %lt3A_855 = arith.cmpi slt, %select_n3A_845, %lt3A_854 : i32
    %ne3A_856 = vector.broadcast %lt3A_855 : i1 to vector<16xi1>
    %ne3A_857 = vector.broadcast %ne3A_856 : vector<16xi1> to vector<16xi1>
    %ne3A_858 = arith.xori %lt3A_853, %ne3A_857 : vector<16xi1>
    %and3A_859 = arith.andi %ne3A_858, %ne3A_850 : vector<16xi1>
    %add3A_860 = vector.broadcast %select_n3A_845 : i32 to vector<16xi32>
    %add3A_861 = arith.addi %rem3A_847, %add3A_860 : vector<16xi32>
    %select_n3A_862 = arith.select %and3A_859, %add3A_861, %rem3A_847 : vector<16xi1>, vector<16xi32>
    %get3A_863 = arith.constant 0 : i32
    %get3A_864 = arith.index_cast %get3A_863 : i32 to index
    %get3A_865 = arith.constant 0 : index
    %get3A_866 = tpu.vector_load %arg10[%get3A_864, %get3A_865] {strides = array<i32>} : memref<2x128xi32, #tpu.memory_space<vmem>>, vector<1x16xi32>,
    %get3A_867 = vector.shape_cast %get3A_866 : vector<1x16xi32> to vector<16xi32>
    %mul3A_868 = arith.constant 200 : i32
    %mul3A_869 = vector.broadcast %mul3A_868 : i32 to vector<16xi32>
    %mul3A_870 = arith.muli %get3A_867, %mul3A_869 : vector<16xi32>
    %add3A_871 = arith.addi %mul3A_870, %select_n3A_862 : vector<16xi32>
    %swap3A_872 = arith.constant 0 : i32
    %swap3A_873 = arith.index_cast %swap3A_872 : i32 to index
    %swap3A_874 = arith.constant 0 : index
    %swap3A_875 = tpu.vector_load %arg10[%swap3A_873, %swap3A_874] {strides = array<i32>} : memref<2x128xi32, #tpu.memory_space<vmem>>, vector<1x16xi32>,
    %swap3A_876 = vector.shape_cast %swap3A_875 : vector<1x16xi32> to vector<16xi32>
    %swap3A_877 = vector.shape_cast %add3A_871 : vector<16xi32> to vector<1x16xi32>
    tpu.vector_store %arg10[%swap3A_873, %swap3A_874], %swap3A_877 {strides = array<i32>} : memref<2x128xi32, #tpu.memory_space<vmem>>, vector<1x16xi32>,
    %add3A_878 = arith.constant 0 : i32
    %add3A_879 = arith.addi %add3A_833, %add3A_878 : i32
    %add3A_880 = arith.constant 16 : i32
    %add3A_881 = arith.addi %add3A_879, %add3A_880 : i32
    %iota3A_882 = tpu.iota {dimensions = array<i32: 0>} : vector<16xi32>
    %add3A_883 = vector.broadcast %add3A_881 : i32 to vector<16xi32>
    %add3A_884 = arith.addi %iota3A_882, %add3A_883 : vector<16xi32>
    %jit3A_885 = arith.constant 200 : i32
    %eq3A_886 = arith.constant 0 : i32
    %eq3A_887 = arith.cmpi eq, %jit3A_885, %eq3A_886 : i32
    %jit3A_888 = arith.constant 1 : i32
    %select_n3A_889 = arith.select %eq3A_887, %jit3A_888, %jit3A_885 : i32
    %rem3A_890 = vector.broadcast %select_n3A_889 : i32 to vector<16xi32>
    %rem3A_891 = arith.remsi %add3A_884, %rem3A_890 : vector<16xi32>
    %ne3A_892 = arith.constant 0 : i32
    %ne3A_893 = vector.broadcast %ne3A_892 : i32 to vector<16xi32>
    %ne3A_894 = arith.cmpi ne, %rem3A_891, %ne3A_893 : vector<16xi32>
    %lt3A_895 = arith.constant 0 : i32
    %lt3A_896 = vector.broadcast %lt3A_895 : i32 to vector<16xi32>
    %lt3A_897 = arith.cmpi slt, %rem3A_891, %lt3A_896 : vector<16xi32>
    %lt3A_898 = arith.constant 0 : i32
    %lt3A_899 = arith.cmpi slt, %select_n3A_889, %lt3A_898 : i32
    %ne3A_900 = vector.broadcast %lt3A_899 : i1 to vector<16xi1>
    %ne3A_901 = vector.broadcast %ne3A_900 : vector<16xi1> to vector<16xi1>
    %ne3A_902 = arith.xori %lt3A_897, %ne3A_901 : vector<16xi1>
    %and3A_903 = arith.andi %ne3A_902, %ne3A_894 : vector<16xi1>
    %add3A_904 = vector.broadcast %select_n3A_889 : i32 to vector<16xi32>
    %add3A_905 = arith.addi %rem3A_891, %add3A_904 : vector<16xi32>
    %select_n3A_906 = arith.select %and3A_903, %add3A_905, %rem3A_891 : vector<16xi1>, vector<16xi32>
    %get3A_907 = arith.constant 0 : i32
    %get3A_908 = arith.index_cast %get3A_907 : i32 to index
    %get3A_909 = arith.constant 16 : index
    %get3A_910 = tpu.vector_load %arg10[%get3A_908, %get3A_909] {strides = array<i32>} : memref<2x128xi32, #tpu.memory_space<vmem>>, vector<1x16xi32>,
    %get3A_911 = vector.shape_cast %get3A_910 : vector<1x16xi32> to vector<16xi32>
    %mul3A_912 = arith.constant 200 : i32
    %mul3A_913 = vector.broadcast %mul3A_912 : i32 to vector<16xi32>
    %mul3A_914 = arith.muli %get3A_911, %mul3A_913 : vector<16xi32>
    %add3A_915 = arith.addi %mul3A_914, %select_n3A_906 : vector<16xi32>
    %swap3A_916 = arith.constant 0 : i32
    %swap3A_917 = arith.index_cast %swap3A_916 : i32 to index
    %swap3A_918 = arith.constant 16 : index
    %swap3A_919 = tpu.vector_load %arg10[%swap3A_917, %swap3A_918] {strides = array<i32>} : memref<2x128xi32, #tpu.memory_space<vmem>>, vector<1x16xi32>,
    %swap3A_920 = vector.shape_cast %swap3A_919 : vector<1x16xi32> to vector<16xi32>
    %swap3A_921 = vector.shape_cast %add3A_915 : vector<16xi32> to vector<1x16xi32>
    tpu.vector_store %arg10[%swap3A_917, %swap3A_918], %swap3A_921 {strides = array<i32>} : memref<2x128xi32, #tpu.memory_space<vmem>>, vector<1x16xi32>,
    %add3A_922 = arith.constant 0 : i32
    %add3A_923 = arith.addi %add3A_833, %add3A_922 : i32
    %add3A_924 = arith.constant 32 : i32
    %add3A_925 = arith.addi %add3A_923, %add3A_924 : i32
    %iota3A_926 = tpu.iota {dimensions = array<i32: 0>} : vector<16xi32>
    %add3A_927 = vector.broadcast %add3A_925 : i32 to vector<16xi32>
    %add3A_928 = arith.addi %iota3A_926, %add3A_927 : vector<16xi32>
    %jit3A_929 = arith.constant 200 : i32
    %eq3A_930 = arith.constant 0 : i32
    %eq3A_931 = arith.cmpi eq, %jit3A_929, %eq3A_930 : i32
    %jit3A_932 = arith.constant 1 : i32
    %select_n3A_933 = arith.select %eq3A_931, %jit3A_932, %jit3A_929 : i32
    %rem3A_934 = vector.broadcast %select_n3A_933 : i32 to vector<16xi32>
    %rem3A_935 = arith.remsi %add3A_928, %rem3A_934 : vector<16xi32>
    %ne3A_936 = arith.constant 0 : i32
    %ne3A_937 = vector.broadcast %ne3A_936 : i32 to vector<16xi32>
    %ne3A_938 = arith.cmpi ne, %rem3A_935, %ne3A_937 : vector<16xi32>
    %lt3A_939 = arith.constant 0 : i32
    %lt3A_940 = vector.broadcast %lt3A_939 : i32 to vector<16xi32>
    %lt3A_941 = arith.cmpi slt, %rem3A_935, %lt3A_940 : vector<16xi32>
    %lt3A_942 = arith.constant 0 : i32
    %lt3A_943 = arith.cmpi slt, %select_n3A_933, %lt3A_942 : i32
    %ne3A_944 = vector.broadcast %lt3A_943 : i1 to vector<16xi1>
    %ne3A_945 = vector.broadcast %ne3A_944 : vector<16xi1> to vector<16xi1>
    %ne3A_946 = arith.xori %lt3A_941, %ne3A_945 : vector<16xi1>
    %and3A_947 = arith.andi %ne3A_946, %ne3A_938 : vector<16xi1>
    %add3A_948 = vector.broadcast %select_n3A_933 : i32 to vector<16xi32>
    %add3A_949 = arith.addi %rem3A_935, %add3A_948 : vector<16xi32>
    %select_n3A_950 = arith.select %and3A_947, %add3A_949, %rem3A_935 : vector<16xi1>, vector<16xi32>
    %get3A_951 = arith.constant 0 : i32
    %get3A_952 = arith.index_cast %get3A_951 : i32 to index
    %get3A_953 = arith.constant 32 : index
    %get3A_954 = tpu.vector_load %arg10[%get3A_952, %get3A_953] {strides = array<i32>} : memref<2x128xi32, #tpu.memory_space<vmem>>, vector<1x16xi32>,
    %get3A_955 = vector.shape_cast %get3A_954 : vector<1x16xi32> to vector<16xi32>
    %mul3A_956 = arith.constant 200 : i32
    %mul3A_957 = vector.broadcast %mul3A_956 : i32 to vector<16xi32>
    %mul3A_958 = arith.muli %get3A_955, %mul3A_957 : vector<16xi32>
    %add3A_959 = arith.addi %mul3A_958, %select_n3A_950 : vector<16xi32>
    %swap3A_960 = arith.constant 0 : i32
    %swap3A_961 = arith.index_cast %swap3A_960 : i32 to index
    %swap3A_962 = arith.constant 32 : index
    %swap3A_963 = tpu.vector_load %arg10[%swap3A_961, %swap3A_962] {strides = array<i32>} : memref<2x128xi32, #tpu.memory_space<vmem>>, vector<1x16xi32>,
    %swap3A_964 = vector.shape_cast %swap3A_963 : vector<1x16xi32> to vector<16xi32>
    %swap3A_965 = vector.shape_cast %add3A_959 : vector<16xi32> to vector<1x16xi32>
    tpu.vector_store %arg10[%swap3A_961, %swap3A_962], %swap3A_965 {strides = array<i32>} : memref<2x128xi32, #tpu.memory_space<vmem>>, vector<1x16xi32>,
    %add3A_966 = arith.constant 0 : i32
    %add3A_967 = arith.addi %add3A_833, %add3A_966 : i32
    %add3A_968 = arith.constant 48 : i32
    %add3A_969 = arith.addi %add3A_967, %add3A_968 : i32
    %iota3A_970 = tpu.iota {dimensions = array<i32: 0>} : vector<16xi32>
    %add3A_971 = vector.broadcast %add3A_969 : i32 to vector<16xi32>
    %add3A_972 = arith.addi %iota3A_970, %add3A_971 : vector<16xi32>
    %jit3A_973 = arith.constant 200 : i32
    %eq3A_974 = arith.constant 0 : i32
    %eq3A_975 = arith.cmpi eq, %jit3A_973, %eq3A_974 : i32
    %jit3A_976 = arith.constant 1 : i32
    %select_n3A_977 = arith.select %eq3A_975, %jit3A_976, %jit3A_973 : i32
    %rem3A_978 = vector.broadcast %select_n3A_977 : i32 to vector<16xi32>
    %rem3A_979 = arith.remsi %add3A_972, %rem3A_978 : vector<16xi32>
    %ne3A_980 = arith.constant 0 : i32
    %ne3A_981 = vector.broadcast %ne3A_980 : i32 to vector<16xi32>
    %ne3A_982 = arith.cmpi ne, %rem3A_979, %ne3A_981 : vector<16xi32>
    %lt3A_983 = arith.constant 0 : i32
    %lt3A_984 = vector.broadcast %lt3A_983 : i32 to vector<16xi32>
    %lt3A_985 = arith.cmpi slt, %rem3A_979, %lt3A_984 : vector<16xi32>
    %lt3A_986 = arith.constant 0 : i32
    %lt3A_987 = arith.cmpi slt, %select_n3A_977, %lt3A_986 : i32
    %ne3A_988 = vector.broadcast %lt3A_987 : i1 to vector<16xi1>
    %ne3A_989 = vector.broadcast %ne3A_988 : vector<16xi1> to vector<16xi1>
    %ne3A_990 = arith.xori %lt3A_985, %ne3A_989 : vector<16xi1>
    %and3A_991 = arith.andi %ne3A_990, %ne3A_982 : vector<16xi1>
    %add3A_992 = vector.broadcast %select_n3A_977 : i32 to vector<16xi32>
    %add3A_993 = arith.addi %rem3A_979, %add3A_992 : vector<16xi32>
    %select_n3A_994 = arith.select %and3A_991, %add3A_993, %rem3A_979 : vector<16xi1>, vector<16xi32>
    %get3A_995 = arith.constant 0 : i32
    %get3A_996 = arith.index_cast %get3A_995 : i32 to index
    %get3A_997 = arith.constant 48 : index
    %get3A_998 = tpu.vector_load %arg10[%get3A_996, %get3A_997] {strides = array<i32>} : memref<2x128xi32, #tpu.memory_space<vmem>>, vector<1x16xi32>,
    %get3A_999 = vector.shape_cast %get3A_998 : vector<1x16xi32> to vector<16xi32>
    %mul3A_1000 = arith.constant 200 : i32
    %mul3A_1001 = vector.broadcast %mul3A_1000 : i32 to vector<16xi32>
    %mul3A_1002 = arith.muli %get3A_999, %mul3A_1001 : vector<16xi32>
    %add3A_1003 = arith.addi %mul3A_1002, %select_n3A_994 : vector<16xi32>
    %swap3A_1004 = arith.constant 0 : i32
    %swap3A_1005 = arith.index_cast %swap3A_1004 : i32 to index
    %swap3A_1006 = arith.constant 48 : index
    %swap3A_1007 = tpu.vector_load %arg10[%swap3A_1005, %swap3A_1006] {strides = array<i32>} : memref<2x128xi32, #tpu.memory_space<vmem>>, vector<1x16xi32>,
    %swap3A_1008 = vector.shape_cast %swap3A_1007 : vector<1x16xi32> to vector<16xi32>
    %swap3A_1009 = vector.shape_cast %add3A_1003 : vector<16xi32> to vector<1x16xi32>
    tpu.vector_store %arg10[%swap3A_1005, %swap3A_1006], %swap3A_1009 {strides = array<i32>} : memref<2x128xi32, #tpu.memory_space<vmem>>, vector<1x16xi32>,
    %add3A_1010 = arith.constant 0 : i32
    %add3A_1011 = arith.addi %add3A_833, %add3A_1010 : i32
    %add3A_1012 = arith.constant 64 : i32
    %add3A_1013 = arith.addi %add3A_1011, %add3A_1012 : i32
    %iota3A_1014 = tpu.iota {dimensions = array<i32: 0>} : vector<16xi32>
    %add3A_1015 = vector.broadcast %add3A_1013 : i32 to vector<16xi32>
    %add3A_1016 = arith.addi %iota3A_1014, %add3A_1015 : vector<16xi32>
    %jit3A_1017 = arith.constant 200 : i32
    %eq3A_1018 = arith.constant 0 : i32
    %eq3A_1019 = arith.cmpi eq, %jit3A_1017, %eq3A_1018 : i32
    %jit3A_1020 = arith.constant 1 : i32
    %select_n3A_1021 = arith.select %eq3A_1019, %jit3A_1020, %jit3A_1017 : i32
    %rem3A_1022 = vector.broadcast %select_n3A_1021 : i32 to vector<16xi32>
    %rem3A_1023 = arith.remsi %add3A_1016, %rem3A_1022 : vector<16xi32>
    %ne3A_1024 = arith.constant 0 : i32
    %ne3A_1025 = vector.broadcast %ne3A_1024 : i32 to vector<16xi32>
    %ne3A_1026 = arith.cmpi ne, %rem3A_1023, %ne3A_1025 : vector<16xi32>
    %lt3A_1027 = arith.constant 0 : i32
    %lt3A_1028 = vector.broadcast %lt3A_1027 : i32 to vector<16xi32>
    %lt3A_1029 = arith.cmpi slt, %rem3A_1023, %lt3A_1028 : vector<16xi32>
    %lt3A_1030 = arith.constant 0 : i32
    %lt3A_1031 = arith.cmpi slt, %select_n3A_1021, %lt3A_1030 : i32
    %ne3A_1032 = vector.broadcast %lt3A_1031 : i1 to vector<16xi1>
    %ne3A_1033 = vector.broadcast %ne3A_1032 : vector<16xi1> to vector<16xi1>
    %ne3A_1034 = arith.xori %lt3A_1029, %ne3A_1033 : vector<16xi1>
    %and3A_1035 = arith.andi %ne3A_1034, %ne3A_1026 : vector<16xi1>
    %add3A_1036 = vector.broadcast %select_n3A_1021 : i32 to vector<16xi32>
    %add3A_1037 = arith.addi %rem3A_1023, %add3A_1036 : vector<16xi32>
    %select_n3A_1038 = arith.select %and3A_1035, %add3A_1037, %rem3A_1023 : vector<16xi1>, vector<16xi32>
    %get3A_1039 = arith.constant 0 : i32
    %get3A_1040 = arith.index_cast %get3A_1039 : i32 to index
    %get3A_1041 = arith.constant 64 : index
    %get3A_1042 = tpu.vector_load %arg10[%get3A_1040, %get3A_1041] {strides = array<i32>} : memref<2x128xi32, #tpu.memory_space<vmem>>, vector<1x16xi32>,
    %get3A_1043 = vector.shape_cast %get3A_1042 : vector<1x16xi32> to vector<16xi32>
    %mul3A_1044 = arith.constant 200 : i32
    %mul3A_1045 = vector.broadcast %mul3A_1044 : i32 to vector<16xi32>
    %mul3A_1046 = arith.muli %get3A_1043, %mul3A_1045 : vector<16xi32>
    %add3A_1047 = arith.addi %mul3A_1046, %select_n3A_1038 : vector<16xi32>
    %swap3A_1048 = arith.constant 0 : i32
    %swap3A_1049 = arith.index_cast %swap3A_1048 : i32 to index
    %swap3A_1050 = arith.constant 64 : index
    %swap3A_1051 = tpu.vector_load %arg10[%swap3A_1049, %swap3A_1050] {strides = array<i32>} : memref<2x128xi32, #tpu.memory_space<vmem>>, vector<1x16xi32>,
    %swap3A_1052 = vector.shape_cast %swap3A_1051 : vector<1x16xi32> to vector<16xi32>
    %swap3A_1053 = vector.shape_cast %add3A_1047 : vector<16xi32> to vector<1x16xi32>
    tpu.vector_store %arg10[%swap3A_1049, %swap3A_1050], %swap3A_1053 {strides = array<i32>} : memref<2x128xi32, #tpu.memory_space<vmem>>, vector<1x16xi32>,
    %add3A_1054 = arith.constant 0 : i32
    %add3A_1055 = arith.addi %add3A_833, %add3A_1054 : i32
    %add3A_1056 = arith.constant 80 : i32
    %add3A_1057 = arith.addi %add3A_1055, %add3A_1056 : i32
    %iota3A_1058 = tpu.iota {dimensions = array<i32: 0>} : vector<16xi32>
    %add3A_1059 = vector.broadcast %add3A_1057 : i32 to vector<16xi32>
    %add3A_1060 = arith.addi %iota3A_1058, %add3A_1059 : vector<16xi32>
    %jit3A_1061 = arith.constant 200 : i32
    %eq3A_1062 = arith.constant 0 : i32
    %eq3A_1063 = arith.cmpi eq, %jit3A_1061, %eq3A_1062 : i32
    %jit3A_1064 = arith.constant 1 : i32
    %select_n3A_1065 = arith.select %eq3A_1063, %jit3A_1064, %jit3A_1061 : i32
    %rem3A_1066 = vector.broadcast %select_n3A_1065 : i32 to vector<16xi32>
    %rem3A_1067 = arith.remsi %add3A_1060, %rem3A_1066 : vector<16xi32>
    %ne3A_1068 = arith.constant 0 : i32
    %ne3A_1069 = vector.broadcast %ne3A_1068 : i32 to vector<16xi32>
    %ne3A_1070 = arith.cmpi ne, %rem3A_1067, %ne3A_1069 : vector<16xi32>
    %lt3A_1071 = arith.constant 0 : i32
    %lt3A_1072 = vector.broadcast %lt3A_1071 : i32 to vector<16xi32>
    %lt3A_1073 = arith.cmpi slt, %rem3A_1067, %lt3A_1072 : vector<16xi32>
    %lt3A_1074 = arith.constant 0 : i32
    %lt3A_1075 = arith.cmpi slt, %select_n3A_1065, %lt3A_1074 : i32
    %ne3A_1076 = vector.broadcast %lt3A_1075 : i1 to vector<16xi1>
    %ne3A_1077 = vector.broadcast %ne3A_1076 : vector<16xi1> to vector<16xi1>
    %ne3A_1078 = arith.xori %lt3A_1073, %ne3A_1077 : vector<16xi1>
    %and3A_1079 = arith.andi %ne3A_1078, %ne3A_1070 : vector<16xi1>
    %add3A_1080 = vector.broadcast %select_n3A_1065 : i32 to vector<16xi32>
    %add3A_1081 = arith.addi %rem3A_1067, %add3A_1080 : vector<16xi32>
    %select_n3A_1082 = arith.select %and3A_1079, %add3A_1081, %rem3A_1067 : vector<16xi1>, vector<16xi32>
    %get3A_1083 = arith.constant 0 : i32
    %get3A_1084 = arith.index_cast %get3A_1083 : i32 to index
    %get3A_1085 = arith.constant 80 : index
    %get3A_1086 = tpu.vector_load %arg10[%get3A_1084, %get3A_1085] {strides = array<i32>} : memref<2x128xi32, #tpu.memory_space<vmem>>, vector<1x16xi32>,
    %get3A_1087 = vector.shape_cast %get3A_1086 : vector<1x16xi32> to vector<16xi32>
    %mul3A_1088 = arith.constant 200 : i32
    %mul3A_1089 = vector.broadcast %mul3A_1088 : i32 to vector<16xi32>
    %mul3A_1090 = arith.muli %get3A_1087, %mul3A_1089 : vector<16xi32>
    %add3A_1091 = arith.addi %mul3A_1090, %select_n3A_1082 : vector<16xi32>
    %swap3A_1092 = arith.constant 0 : i32
    %swap3A_1093 = arith.index_cast %swap3A_1092 : i32 to index
    %swap3A_1094 = arith.constant 80 : index
    %swap3A_1095 = tpu.vector_load %arg10[%swap3A_1093, %swap3A_1094] {strides = array<i32>} : memref<2x128xi32, #tpu.memory_space<vmem>>, vector<1x16xi32>,
    %swap3A_1096 = vector.shape_cast %swap3A_1095 : vector<1x16xi32> to vector<16xi32>
    %swap3A_1097 = vector.shape_cast %add3A_1091 : vector<16xi32> to vector<1x16xi32>
    tpu.vector_store %arg10[%swap3A_1093, %swap3A_1094], %swap3A_1097 {strides = array<i32>} : memref<2x128xi32, #tpu.memory_space<vmem>>, vector<1x16xi32>,
    %add3A_1098 = arith.constant 0 : i32
    %add3A_1099 = arith.addi %add3A_833, %add3A_1098 : i32
    %add3A_1100 = arith.constant 96 : i32
    %add3A_1101 = arith.addi %add3A_1099, %add3A_1100 : i32
    %iota3A_1102 = tpu.iota {dimensions = array<i32: 0>} : vector<16xi32>
    %add3A_1103 = vector.broadcast %add3A_1101 : i32 to vector<16xi32>
    %add3A_1104 = arith.addi %iota3A_1102, %add3A_1103 : vector<16xi32>
    %jit3A_1105 = arith.constant 200 : i32
    %eq3A_1106 = arith.constant 0 : i32
    %eq3A_1107 = arith.cmpi eq, %jit3A_1105, %eq3A_1106 : i32
    %jit3A_1108 = arith.constant 1 : i32
    %select_n3A_1109 = arith.select %eq3A_1107, %jit3A_1108, %jit3A_1105 : i32
    %rem3A_1110 = vector.broadcast %select_n3A_1109 : i32 to vector<16xi32>
    %rem3A_1111 = arith.remsi %add3A_1104, %rem3A_1110 : vector<16xi32>
    %ne3A_1112 = arith.constant 0 : i32
    %ne3A_1113 = vector.broadcast %ne3A_1112 : i32 to vector<16xi32>
    %ne3A_1114 = arith.cmpi ne, %rem3A_1111, %ne3A_1113 : vector<16xi32>
    %lt3A_1115 = arith.constant 0 : i32
    %lt3A_1116 = vector.broadcast %lt3A_1115 : i32 to vector<16xi32>
    %lt3A_1117 = arith.cmpi slt, %rem3A_1111, %lt3A_1116 : vector<16xi32>
    %lt3A_1118 = arith.constant 0 : i32
    %lt3A_1119 = arith.cmpi slt, %select_n3A_1109, %lt3A_1118 : i32
    %ne3A_1120 = vector.broadcast %lt3A_1119 : i1 to vector<16xi1>
    %ne3A_1121 = vector.broadcast %ne3A_1120 : vector<16xi1> to vector<16xi1>
    %ne3A_1122 = arith.xori %lt3A_1117, %ne3A_1121 : vector<16xi1>
    %and3A_1123 = arith.andi %ne3A_1122, %ne3A_1114 : vector<16xi1>
    %add3A_1124 = vector.broadcast %select_n3A_1109 : i32 to vector<16xi32>
    %add3A_1125 = arith.addi %rem3A_1111, %add3A_1124 : vector<16xi32>
    %select_n3A_1126 = arith.select %and3A_1123, %add3A_1125, %rem3A_1111 : vector<16xi1>, vector<16xi32>
    %get3A_1127 = arith.constant 0 : i32
    %get3A_1128 = arith.index_cast %get3A_1127 : i32 to index
    %get3A_1129 = arith.constant 96 : index
    %get3A_1130 = tpu.vector_load %arg10[%get3A_1128, %get3A_1129] {strides = array<i32>} : memref<2x128xi32, #tpu.memory_space<vmem>>, vector<1x16xi32>,
    %get3A_1131 = vector.shape_cast %get3A_1130 : vector<1x16xi32> to vector<16xi32>
    %mul3A_1132 = arith.constant 200 : i32
    %mul3A_1133 = vector.broadcast %mul3A_1132 : i32 to vector<16xi32>
    %mul3A_1134 = arith.muli %get3A_1131, %mul3A_1133 : vector<16xi32>
    %add3A_1135 = arith.addi %mul3A_1134, %select_n3A_1126 : vector<16xi32>
    %swap3A_1136 = arith.constant 0 : i32
    %swap3A_1137 = arith.index_cast %swap3A_1136 : i32 to index
    %swap3A_1138 = arith.constant 96 : index
    %swap3A_1139 = tpu.vector_load %arg10[%swap3A_1137, %swap3A_1138] {strides = array<i32>} : memref<2x128xi32, #tpu.memory_space<vmem>>, vector<1x16xi32>,
    %swap3A_1140 = vector.shape_cast %swap3A_1139 : vector<1x16xi32> to vector<16xi32>
    %swap3A_1141 = vector.shape_cast %add3A_1135 : vector<16xi32> to vector<1x16xi32>
    tpu.vector_store %arg10[%swap3A_1137, %swap3A_1138], %swap3A_1141 {strides = array<i32>} : memref<2x128xi32, #tpu.memory_space<vmem>>, vector<1x16xi32>,
    %add3A_1142 = arith.constant 0 : i32
    %add3A_1143 = arith.addi %add3A_833, %add3A_1142 : i32
    %add3A_1144 = arith.constant 112 : i32
    %add3A_1145 = arith.addi %add3A_1143, %add3A_1144 : i32
    %iota3A_1146 = tpu.iota {dimensions = array<i32: 0>} : vector<16xi32>
    %add3A_1147 = vector.broadcast %add3A_1145 : i32 to vector<16xi32>
    %add3A_1148 = arith.addi %iota3A_1146, %add3A_1147 : vector<16xi32>
    %jit3A_1149 = arith.constant 200 : i32
    %eq3A_1150 = arith.constant 0 : i32
    %eq3A_1151 = arith.cmpi eq, %jit3A_1149, %eq3A_1150 : i32
    %jit3A_1152 = arith.constant 1 : i32
    %select_n3A_1153 = arith.select %eq3A_1151, %jit3A_1152, %jit3A_1149 : i32
    %rem3A_1154 = vector.broadcast %select_n3A_1153 : i32 to vector<16xi32>
    %rem3A_1155 = arith.remsi %add3A_1148, %rem3A_1154 : vector<16xi32>
    %ne3A_1156 = arith.constant 0 : i32
    %ne3A_1157 = vector.broadcast %ne3A_1156 : i32 to vector<16xi32>
    %ne3A_1158 = arith.cmpi ne, %rem3A_1155, %ne3A_1157 : vector<16xi32>
    %lt3A_1159 = arith.constant 0 : i32
    %lt3A_1160 = vector.broadcast %lt3A_1159 : i32 to vector<16xi32>
    %lt3A_1161 = arith.cmpi slt, %rem3A_1155, %lt3A_1160 : vector<16xi32>
    %lt3A_1162 = arith.constant 0 : i32
    %lt3A_1163 = arith.cmpi slt, %select_n3A_1153, %lt3A_1162 : i32
    %ne3A_1164 = vector.broadcast %lt3A_1163 : i1 to vector<16xi1>
    %ne3A_1165 = vector.broadcast %ne3A_1164 : vector<16xi1> to vector<16xi1>
    %ne3A_1166 = arith.xori %lt3A_1161, %ne3A_1165 : vector<16xi1>
    %and3A_1167 = arith.andi %ne3A_1166, %ne3A_1158 : vector<16xi1>
    %add3A_1168 = vector.broadcast %select_n3A_1153 : i32 to vector<16xi32>
    %add3A_1169 = arith.addi %rem3A_1155, %add3A_1168 : vector<16xi32>
    %select_n3A_1170 = arith.select %and3A_1167, %add3A_1169, %rem3A_1155 : vector<16xi1>, vector<16xi32>
    %get3A_1171 = arith.constant 0 : i32
    %get3A_1172 = arith.index_cast %get3A_1171 : i32 to index
    %get3A_1173 = arith.constant 112 : index
    %get3A_1174 = tpu.vector_load %arg10[%get3A_1172, %get3A_1173] {strides = array<i32>} : memref<2x128xi32, #tpu.memory_space<vmem>>, vector<1x16xi32>,
    %get3A_1175 = vector.shape_cast %get3A_1174 : vector<1x16xi32> to vector<16xi32>
    %mul3A_1176 = arith.constant 200 : i32
    %mul3A_1177 = vector.broadcast %mul3A_1176 : i32 to vector<16xi32>
    %mul3A_1178 = arith.muli %get3A_1175, %mul3A_1177 : vector<16xi32>
    %add3A_1179 = arith.addi %mul3A_1178, %select_n3A_1170 : vector<16xi32>
    %swap3A_1180 = arith.constant 0 : i32
    %swap3A_1181 = arith.index_cast %swap3A_1180 : i32 to index
    %swap3A_1182 = arith.constant 112 : index
    %swap3A_1183 = tpu.vector_load %arg10[%swap3A_1181, %swap3A_1182] {strides = array<i32>} : memref<2x128xi32, #tpu.memory_space<vmem>>, vector<1x16xi32>,
    %swap3A_1184 = vector.shape_cast %swap3A_1183 : vector<1x16xi32> to vector<16xi32>
    %swap3A_1185 = vector.shape_cast %add3A_1179 : vector<16xi32> to vector<1x16xi32>
    tpu.vector_store %arg10[%swap3A_1181, %swap3A_1182], %swap3A_1185 {strides = array<i32>} : memref<2x128xi32, #tpu.memory_space<vmem>>, vector<1x16xi32>,
    %add3A_1186 = arith.constant 128 : i32
    %add3A_1187 = arith.addi %add3A_833, %add3A_1186 : i32
    %add3A_1188 = arith.constant 0 : i32
    %add3A_1189 = arith.addi %add3A_1187, %add3A_1188 : i32
    %iota3A_1190 = tpu.iota {dimensions = array<i32: 0>} : vector<16xi32>
    %add3A_1191 = vector.broadcast %add3A_1189 : i32 to vector<16xi32>
    %add3A_1192 = arith.addi %iota3A_1190, %add3A_1191 : vector<16xi32>
    %jit3A_1193 = arith.constant 200 : i32
    %eq3A_1194 = arith.constant 0 : i32
    %eq3A_1195 = arith.cmpi eq, %jit3A_1193, %eq3A_1194 : i32
    %jit3A_1196 = arith.constant 1 : i32
    %select_n3A_1197 = arith.select %eq3A_1195, %jit3A_1196, %jit3A_1193 : i32
    %rem3A_1198 = vector.broadcast %select_n3A_1197 : i32 to vector<16xi32>
    %rem3A_1199 = arith.remsi %add3A_1192, %rem3A_1198 : vector<16xi32>
    %ne3A_1200 = arith.constant 0 : i32
    %ne3A_1201 = vector.broadcast %ne3A_1200 : i32 to vector<16xi32>
    %ne3A_1202 = arith.cmpi ne, %rem3A_1199, %ne3A_1201 : vector<16xi32>
    %lt3A_1203 = arith.constant 0 : i32
    %lt3A_1204 = vector.broadcast %lt3A_1203 : i32 to vector<16xi32>
    %lt3A_1205 = arith.cmpi slt, %rem3A_1199, %lt3A_1204 : vector<16xi32>
    %lt3A_1206 = arith.constant 0 : i32
    %lt3A_1207 = arith.cmpi slt, %select_n3A_1197, %lt3A_1206 : i32
    %ne3A_1208 = vector.broadcast %lt3A_1207 : i1 to vector<16xi1>
    %ne3A_1209 = vector.broadcast %ne3A_1208 : vector<16xi1> to vector<16xi1>
    %ne3A_1210 = arith.xori %lt3A_1205, %ne3A_1209 : vector<16xi1>
    %and3A_1211 = arith.andi %ne3A_1210, %ne3A_1202 : vector<16xi1>
    %add3A_1212 = vector.broadcast %select_n3A_1197 : i32 to vector<16xi32>
    %add3A_1213 = arith.addi %rem3A_1199, %add3A_1212 : vector<16xi32>
    %select_n3A_1214 = arith.select %and3A_1211, %add3A_1213, %rem3A_1199 : vector<16xi1>, vector<16xi32>
    %get3A_1215 = arith.constant 1 : i32
    %get3A_1216 = arith.index_cast %get3A_1215 : i32 to index
    %get3A_1217 = arith.constant 0 : index
    %get3A_1218 = tpu.vector_load %arg10[%get3A_1216, %get3A_1217] {strides = array<i32>} : memref<2x128xi32, #tpu.memory_space<vmem>>, vector<1x16xi32>,
    %get3A_1219 = vector.shape_cast %get3A_1218 : vector<1x16xi32> to vector<16xi32>
    %mul3A_1220 = arith.constant 200 : i32
    %mul3A_1221 = vector.broadcast %mul3A_1220 : i32 to vector<16xi32>
    %mul3A_1222 = arith.muli %get3A_1219, %mul3A_1221 : vector<16xi32>
    %add3A_1223 = arith.addi %mul3A_1222, %select_n3A_1214 : vector<16xi32>
    %swap3A_1224 = arith.constant 1 : i32
    %swap3A_1225 = arith.index_cast %swap3A_1224 : i32 to index
    %swap3A_1226 = arith.constant 0 : index
    %swap3A_1227 = tpu.vector_load %arg10[%swap3A_1225, %swap3A_1226] {strides = array<i32>} : memref<2x128xi32, #tpu.memory_space<vmem>>, vector<1x16xi32>,
    %swap3A_1228 = vector.shape_cast %swap3A_1227 : vector<1x16xi32> to vector<16xi32>
    %swap3A_1229 = vector.shape_cast %add3A_1223 : vector<16xi32> to vector<1x16xi32>
    tpu.vector_store %arg10[%swap3A_1225, %swap3A_1226], %swap3A_1229 {strides = array<i32>} : memref<2x128xi32, #tpu.memory_space<vmem>>, vector<1x16xi32>,
    %add3A_1230 = arith.constant 128 : i32
    %add3A_1231 = arith.addi %add3A_833, %add3A_1230 : i32
    %add3A_1232 = arith.constant 16 : i32
    %add3A_1233 = arith.addi %add3A_1231, %add3A_1232 : i32
    %iota3A_1234 = tpu.iota {dimensions = array<i32: 0>} : vector<16xi32>
    %add3A_1235 = vector.broadcast %add3A_1233 : i32 to vector<16xi32>
    %add3A_1236 = arith.addi %iota3A_1234, %add3A_1235 : vector<16xi32>
    %jit3A_1237 = arith.constant 200 : i32
    %eq3A_1238 = arith.constant 0 : i32
    %eq3A_1239 = arith.cmpi eq, %jit3A_1237, %eq3A_1238 : i32
    %jit3A_1240 = arith.constant 1 : i32
    %select_n3A_1241 = arith.select %eq3A_1239, %jit3A_1240, %jit3A_1237 : i32
    %rem3A_1242 = vector.broadcast %select_n3A_1241 : i32 to vector<16xi32>
    %rem3A_1243 = arith.remsi %add3A_1236, %rem3A_1242 : vector<16xi32>
    %ne3A_1244 = arith.constant 0 : i32
    %ne3A_1245 = vector.broadcast %ne3A_1244 : i32 to vector<16xi32>
    %ne3A_1246 = arith.cmpi ne, %rem3A_1243, %ne3A_1245 : vector<16xi32>
    %lt3A_1247 = arith.constant 0 : i32
    %lt3A_1248 = vector.broadcast %lt3A_1247 : i32 to vector<16xi32>
    %lt3A_1249 = arith.cmpi slt, %rem3A_1243, %lt3A_1248 : vector<16xi32>
    %lt3A_1250 = arith.constant 0 : i32
    %lt3A_1251 = arith.cmpi slt, %select_n3A_1241, %lt3A_1250 : i32
    %ne3A_1252 = vector.broadcast %lt3A_1251 : i1 to vector<16xi1>
    %ne3A_1253 = vector.broadcast %ne3A_1252 : vector<16xi1> to vector<16xi1>
    %ne3A_1254 = arith.xori %lt3A_1249, %ne3A_1253 : vector<16xi1>
    %and3A_1255 = arith.andi %ne3A_1254, %ne3A_1246 : vector<16xi1>
    %add3A_1256 = vector.broadcast %select_n3A_1241 : i32 to vector<16xi32>
    %add3A_1257 = arith.addi %rem3A_1243, %add3A_1256 : vector<16xi32>
    %select_n3A_1258 = arith.select %and3A_1255, %add3A_1257, %rem3A_1243 : vector<16xi1>, vector<16xi32>
    %get3A_1259 = arith.constant 1 : i32
    %get3A_1260 = arith.index_cast %get3A_1259 : i32 to index
    %get3A_1261 = arith.constant 16 : index
    %get3A_1262 = tpu.vector_load %arg10[%get3A_1260, %get3A_1261] {strides = array<i32>} : memref<2x128xi32, #tpu.memory_space<vmem>>, vector<1x16xi32>,
    %get3A_1263 = vector.shape_cast %get3A_1262 : vector<1x16xi32> to vector<16xi32>
    %mul3A_1264 = arith.constant 200 : i32
    %mul3A_1265 = vector.broadcast %mul3A_1264 : i32 to vector<16xi32>
    %mul3A_1266 = arith.muli %get3A_1263, %mul3A_1265 : vector<16xi32>
    %add3A_1267 = arith.addi %mul3A_1266, %select_n3A_1258 : vector<16xi32>
    %swap3A_1268 = arith.constant 1 : i32
    %swap3A_1269 = arith.index_cast %swap3A_1268 : i32 to index
    %swap3A_1270 = arith.constant 16 : index
    %swap3A_1271 = tpu.vector_load %arg10[%swap3A_1269, %swap3A_1270] {strides = array<i32>} : memref<2x128xi32, #tpu.memory_space<vmem>>, vector<1x16xi32>,
    %swap3A_1272 = vector.shape_cast %swap3A_1271 : vector<1x16xi32> to vector<16xi32>
    %swap3A_1273 = vector.shape_cast %add3A_1267 : vector<16xi32> to vector<1x16xi32>
    tpu.vector_store %arg10[%swap3A_1269, %swap3A_1270], %swap3A_1273 {strides = array<i32>} : memref<2x128xi32, #tpu.memory_space<vmem>>, vector<1x16xi32>,
    %add3A_1274 = arith.constant 128 : i32
    %add3A_1275 = arith.addi %add3A_833, %add3A_1274 : i32
    %add3A_1276 = arith.constant 32 : i32
    %add3A_1277 = arith.addi %add3A_1275, %add3A_1276 : i32
    %iota3A_1278 = tpu.iota {dimensions = array<i32: 0>} : vector<16xi32>
    %add3A_1279 = vector.broadcast %add3A_1277 : i32 to vector<16xi32>
    %add3A_1280 = arith.addi %iota3A_1278, %add3A_1279 : vector<16xi32>
    %jit3A_1281 = arith.constant 200 : i32
    %eq3A_1282 = arith.constant 0 : i32
    %eq3A_1283 = arith.cmpi eq, %jit3A_1281, %eq3A_1282 : i32
    %jit3A_1284 = arith.constant 1 : i32
    %select_n3A_1285 = arith.select %eq3A_1283, %jit3A_1284, %jit3A_1281 : i32
    %rem3A_1286 = vector.broadcast %select_n3A_1285 : i32 to vector<16xi32>
    %rem3A_1287 = arith.remsi %add3A_1280, %rem3A_1286 : vector<16xi32>
    %ne3A_1288 = arith.constant 0 : i32
    %ne3A_1289 = vector.broadcast %ne3A_1288 : i32 to vector<16xi32>
    %ne3A_1290 = arith.cmpi ne, %rem3A_1287, %ne3A_1289 : vector<16xi32>
    %lt3A_1291 = arith.constant 0 : i32
    %lt3A_1292 = vector.broadcast %lt3A_1291 : i32 to vector<16xi32>
    %lt3A_1293 = arith.cmpi slt, %rem3A_1287, %lt3A_1292 : vector<16xi32>
    %lt3A_1294 = arith.constant 0 : i32
    %lt3A_1295 = arith.cmpi slt, %select_n3A_1285, %lt3A_1294 : i32
    %ne3A_1296 = vector.broadcast %lt3A_1295 : i1 to vector<16xi1>
    %ne3A_1297 = vector.broadcast %ne3A_1296 : vector<16xi1> to vector<16xi1>
    %ne3A_1298 = arith.xori %lt3A_1293, %ne3A_1297 : vector<16xi1>
    %and3A_1299 = arith.andi %ne3A_1298, %ne3A_1290 : vector<16xi1>
    %add3A_1300 = vector.broadcast %select_n3A_1285 : i32 to vector<16xi32>
    %add3A_1301 = arith.addi %rem3A_1287, %add3A_1300 : vector<16xi32>
    %select_n3A_1302 = arith.select %and3A_1299, %add3A_1301, %rem3A_1287 : vector<16xi1>, vector<16xi32>
    %get3A_1303 = arith.constant 1 : i32
    %get3A_1304 = arith.index_cast %get3A_1303 : i32 to index
    %get3A_1305 = arith.constant 32 : index
    %get3A_1306 = tpu.vector_load %arg10[%get3A_1304, %get3A_1305] {strides = array<i32>} : memref<2x128xi32, #tpu.memory_space<vmem>>, vector<1x16xi32>,
    %get3A_1307 = vector.shape_cast %get3A_1306 : vector<1x16xi32> to vector<16xi32>
    %mul3A_1308 = arith.constant 200 : i32
    %mul3A_1309 = vector.broadcast %mul3A_1308 : i32 to vector<16xi32>
    %mul3A_1310 = arith.muli %get3A_1307, %mul3A_1309 : vector<16xi32>
    %add3A_1311 = arith.addi %mul3A_1310, %select_n3A_1302 : vector<16xi32>
    %swap3A_1312 = arith.constant 1 : i32
    %swap3A_1313 = arith.index_cast %swap3A_1312 : i32 to index
    %swap3A_1314 = arith.constant 32 : index
    %swap3A_1315 = tpu.vector_load %arg10[%swap3A_1313, %swap3A_1314] {strides = array<i32>} : memref<2x128xi32, #tpu.memory_space<vmem>>, vector<1x16xi32>,
    %swap3A_1316 = vector.shape_cast %swap3A_1315 : vector<1x16xi32> to vector<16xi32>
    %swap3A_1317 = vector.shape_cast %add3A_1311 : vector<16xi32> to vector<1x16xi32>
    tpu.vector_store %arg10[%swap3A_1313, %swap3A_1314], %swap3A_1317 {strides = array<i32>} : memref<2x128xi32, #tpu.memory_space<vmem>>, vector<1x16xi32>,
    %add3A_1318 = arith.constant 128 : i32
    %add3A_1319 = arith.addi %add3A_833, %add3A_1318 : i32
    %add3A_1320 = arith.constant 48 : i32
    %add3A_1321 = arith.addi %add3A_1319, %add3A_1320 : i32
    %iota3A_1322 = tpu.iota {dimensions = array<i32: 0>} : vector<16xi32>
    %add3A_1323 = vector.broadcast %add3A_1321 : i32 to vector<16xi32>
    %add3A_1324 = arith.addi %iota3A_1322, %add3A_1323 : vector<16xi32>
    %jit3A_1325 = arith.constant 200 : i32
    %eq3A_1326 = arith.constant 0 : i32
    %eq3A_1327 = arith.cmpi eq, %jit3A_1325, %eq3A_1326 : i32
    %jit3A_1328 = arith.constant 1 : i32
    %select_n3A_1329 = arith.select %eq3A_1327, %jit3A_1328, %jit3A_1325 : i32
    %rem3A_1330 = vector.broadcast %select_n3A_1329 : i32 to vector<16xi32>
    %rem3A_1331 = arith.remsi %add3A_1324, %rem3A_1330 : vector<16xi32>
    %ne3A_1332 = arith.constant 0 : i32
    %ne3A_1333 = vector.broadcast %ne3A_1332 : i32 to vector<16xi32>
    %ne3A_1334 = arith.cmpi ne, %rem3A_1331, %ne3A_1333 : vector<16xi32>
    %lt3A_1335 = arith.constant 0 : i32
    %lt3A_1336 = vector.broadcast %lt3A_1335 : i32 to vector<16xi32>
    %lt3A_1337 = arith.cmpi slt, %rem3A_1331, %lt3A_1336 : vector<16xi32>
    %lt3A_1338 = arith.constant 0 : i32
    %lt3A_1339 = arith.cmpi slt, %select_n3A_1329, %lt3A_1338 : i32
    %ne3A_1340 = vector.broadcast %lt3A_1339 : i1 to vector<16xi1>
    %ne3A_1341 = vector.broadcast %ne3A_1340 : vector<16xi1> to vector<16xi1>
    %ne3A_1342 = arith.xori %lt3A_1337, %ne3A_1341 : vector<16xi1>
    %and3A_1343 = arith.andi %ne3A_1342, %ne3A_1334 : vector<16xi1>
    %add3A_1344 = vector.broadcast %select_n3A_1329 : i32 to vector<16xi32>
    %add3A_1345 = arith.addi %rem3A_1331, %add3A_1344 : vector<16xi32>
    %select_n3A_1346 = arith.select %and3A_1343, %add3A_1345, %rem3A_1331 : vector<16xi1>, vector<16xi32>
    %get3A_1347 = arith.constant 1 : i32
    %get3A_1348 = arith.index_cast %get3A_1347 : i32 to index
    %get3A_1349 = arith.constant 48 : index
    %get3A_1350 = tpu.vector_load %arg10[%get3A_1348, %get3A_1349] {strides = array<i32>} : memref<2x128xi32, #tpu.memory_space<vmem>>, vector<1x16xi32>,
    %get3A_1351 = vector.shape_cast %get3A_1350 : vector<1x16xi32> to vector<16xi32>
    %mul3A_1352 = arith.constant 200 : i32
    %mul3A_1353 = vector.broadcast %mul3A_1352 : i32 to vector<16xi32>
    %mul3A_1354 = arith.muli %get3A_1351, %mul3A_1353 : vector<16xi32>
    %add3A_1355 = arith.addi %mul3A_1354, %select_n3A_1346 : vector<16xi32>
    %swap3A_1356 = arith.constant 1 : i32
    %swap3A_1357 = arith.index_cast %swap3A_1356 : i32 to index
    %swap3A_1358 = arith.constant 48 : index
    %swap3A_1359 = tpu.vector_load %arg10[%swap3A_1357, %swap3A_1358] {strides = array<i32>} : memref<2x128xi32, #tpu.memory_space<vmem>>, vector<1x16xi32>,
    %swap3A_1360 = vector.shape_cast %swap3A_1359 : vector<1x16xi32> to vector<16xi32>
    %swap3A_1361 = vector.shape_cast %add3A_1355 : vector<16xi32> to vector<1x16xi32>
    tpu.vector_store %arg10[%swap3A_1357, %swap3A_1358], %swap3A_1361 {strides = array<i32>} : memref<2x128xi32, #tpu.memory_space<vmem>>, vector<1x16xi32>,
    %add3A_1362 = arith.constant 128 : i32
    %add3A_1363 = arith.addi %add3A_833, %add3A_1362 : i32
    %add3A_1364 = arith.constant 64 : i32
    %add3A_1365 = arith.addi %add3A_1363, %add3A_1364 : i32
    %iota3A_1366 = tpu.iota {dimensions = array<i32: 0>} : vector<16xi32>
    %add3A_1367 = vector.broadcast %add3A_1365 : i32 to vector<16xi32>
    %add3A_1368 = arith.addi %iota3A_1366, %add3A_1367 : vector<16xi32>
    %jit3A_1369 = arith.constant 200 : i32
    %eq3A_1370 = arith.constant 0 : i32
    %eq3A_1371 = arith.cmpi eq, %jit3A_1369, %eq3A_1370 : i32
    %jit3A_1372 = arith.constant 1 : i32
    %select_n3A_1373 = arith.select %eq3A_1371, %jit3A_1372, %jit3A_1369 : i32
    %rem3A_1374 = vector.broadcast %select_n3A_1373 : i32 to vector<16xi32>
    %rem3A_1375 = arith.remsi %add3A_1368, %rem3A_1374 : vector<16xi32>
    %ne3A_1376 = arith.constant 0 : i32
    %ne3A_1377 = vector.broadcast %ne3A_1376 : i32 to vector<16xi32>
    %ne3A_1378 = arith.cmpi ne, %rem3A_1375, %ne3A_1377 : vector<16xi32>
    %lt3A_1379 = arith.constant 0 : i32
    %lt3A_1380 = vector.broadcast %lt3A_1379 : i32 to vector<16xi32>
    %lt3A_1381 = arith.cmpi slt, %rem3A_1375, %lt3A_1380 : vector<16xi32>
    %lt3A_1382 = arith.constant 0 : i32
    %lt3A_1383 = arith.cmpi slt, %select_n3A_1373, %lt3A_1382 : i32
    %ne3A_1384 = vector.broadcast %lt3A_1383 : i1 to vector<16xi1>
    %ne3A_1385 = vector.broadcast %ne3A_1384 : vector<16xi1> to vector<16xi1>
    %ne3A_1386 = arith.xori %lt3A_1381, %ne3A_1385 : vector<16xi1>
    %and3A_1387 = arith.andi %ne3A_1386, %ne3A_1378 : vector<16xi1>
    %add3A_1388 = vector.broadcast %select_n3A_1373 : i32 to vector<16xi32>
    %add3A_1389 = arith.addi %rem3A_1375, %add3A_1388 : vector<16xi32>
    %select_n3A_1390 = arith.select %and3A_1387, %add3A_1389, %rem3A_1375 : vector<16xi1>, vector<16xi32>
    %get3A_1391 = arith.constant 1 : i32
    %get3A_1392 = arith.index_cast %get3A_1391 : i32 to index
    %get3A_1393 = arith.constant 64 : index
    %get3A_1394 = tpu.vector_load %arg10[%get3A_1392, %get3A_1393] {strides = array<i32>} : memref<2x128xi32, #tpu.memory_space<vmem>>, vector<1x16xi32>,
    %get3A_1395 = vector.shape_cast %get3A_1394 : vector<1x16xi32> to vector<16xi32>
    %mul3A_1396 = arith.constant 200 : i32
    %mul3A_1397 = vector.broadcast %mul3A_1396 : i32 to vector<16xi32>
    %mul3A_1398 = arith.muli %get3A_1395, %mul3A_1397 : vector<16xi32>
    %add3A_1399 = arith.addi %mul3A_1398, %select_n3A_1390 : vector<16xi32>
    %swap3A_1400 = arith.constant 1 : i32
    %swap3A_1401 = arith.index_cast %swap3A_1400 : i32 to index
    %swap3A_1402 = arith.constant 64 : index
    %swap3A_1403 = tpu.vector_load %arg10[%swap3A_1401, %swap3A_1402] {strides = array<i32>} : memref<2x128xi32, #tpu.memory_space<vmem>>, vector<1x16xi32>,
    %swap3A_1404 = vector.shape_cast %swap3A_1403 : vector<1x16xi32> to vector<16xi32>
    %swap3A_1405 = vector.shape_cast %add3A_1399 : vector<16xi32> to vector<1x16xi32>
    tpu.vector_store %arg10[%swap3A_1401, %swap3A_1402], %swap3A_1405 {strides = array<i32>} : memref<2x128xi32, #tpu.memory_space<vmem>>, vector<1x16xi32>,
    %add3A_1406 = arith.constant 128 : i32
    %add3A_1407 = arith.addi %add3A_833, %add3A_1406 : i32
    %add3A_1408 = arith.constant 80 : i32
    %add3A_1409 = arith.addi %add3A_1407, %add3A_1408 : i32
    %iota3A_1410 = tpu.iota {dimensions = array<i32: 0>} : vector<16xi32>
    %add3A_1411 = vector.broadcast %add3A_1409 : i32 to vector<16xi32>
    %add3A_1412 = arith.addi %iota3A_1410, %add3A_1411 : vector<16xi32>
    %jit3A_1413 = arith.constant 200 : i32
    %eq3A_1414 = arith.constant 0 : i32
    %eq3A_1415 = arith.cmpi eq, %jit3A_1413, %eq3A_1414 : i32
    %jit3A_1416 = arith.constant 1 : i32
    %select_n3A_1417 = arith.select %eq3A_1415, %jit3A_1416, %jit3A_1413 : i32
    %rem3A_1418 = vector.broadcast %select_n3A_1417 : i32 to vector<16xi32>
    %rem3A_1419 = arith.remsi %add3A_1412, %rem3A_1418 : vector<16xi32>
    %ne3A_1420 = arith.constant 0 : i32
    %ne3A_1421 = vector.broadcast %ne3A_1420 : i32 to vector<16xi32>
    %ne3A_1422 = arith.cmpi ne, %rem3A_1419, %ne3A_1421 : vector<16xi32>
    %lt3A_1423 = arith.constant 0 : i32
    %lt3A_1424 = vector.broadcast %lt3A_1423 : i32 to vector<16xi32>
    %lt3A_1425 = arith.cmpi slt, %rem3A_1419, %lt3A_1424 : vector<16xi32>
    %lt3A_1426 = arith.constant 0 : i32
    %lt3A_1427 = arith.cmpi slt, %select_n3A_1417, %lt3A_1426 : i32
    %ne3A_1428 = vector.broadcast %lt3A_1427 : i1 to vector<16xi1>
    %ne3A_1429 = vector.broadcast %ne3A_1428 : vector<16xi1> to vector<16xi1>
    %ne3A_1430 = arith.xori %lt3A_1425, %ne3A_1429 : vector<16xi1>
    %and3A_1431 = arith.andi %ne3A_1430, %ne3A_1422 : vector<16xi1>
    %add3A_1432 = vector.broadcast %select_n3A_1417 : i32 to vector<16xi32>
    %add3A_1433 = arith.addi %rem3A_1419, %add3A_1432 : vector<16xi32>
    %select_n3A_1434 = arith.select %and3A_1431, %add3A_1433, %rem3A_1419 : vector<16xi1>, vector<16xi32>
    %get3A_1435 = arith.constant 1 : i32
    %get3A_1436 = arith.index_cast %get3A_1435 : i32 to index
    %get3A_1437 = arith.constant 80 : index
    %get3A_1438 = tpu.vector_load %arg10[%get3A_1436, %get3A_1437] {strides = array<i32>} : memref<2x128xi32, #tpu.memory_space<vmem>>, vector<1x16xi32>,
    %get3A_1439 = vector.shape_cast %get3A_1438 : vector<1x16xi32> to vector<16xi32>
    %mul3A_1440 = arith.constant 200 : i32
    %mul3A_1441 = vector.broadcast %mul3A_1440 : i32 to vector<16xi32>
    %mul3A_1442 = arith.muli %get3A_1439, %mul3A_1441 : vector<16xi32>
    %add3A_1443 = arith.addi %mul3A_1442, %select_n3A_1434 : vector<16xi32>
    %swap3A_1444 = arith.constant 1 : i32
    %swap3A_1445 = arith.index_cast %swap3A_1444 : i32 to index
    %swap3A_1446 = arith.constant 80 : index
    %swap3A_1447 = tpu.vector_load %arg10[%swap3A_1445, %swap3A_1446] {strides = array<i32>} : memref<2x128xi32, #tpu.memory_space<vmem>>, vector<1x16xi32>,
    %swap3A_1448 = vector.shape_cast %swap3A_1447 : vector<1x16xi32> to vector<16xi32>
    %swap3A_1449 = vector.shape_cast %add3A_1443 : vector<16xi32> to vector<1x16xi32>
    tpu.vector_store %arg10[%swap3A_1445, %swap3A_1446], %swap3A_1449 {strides = array<i32>} : memref<2x128xi32, #tpu.memory_space<vmem>>, vector<1x16xi32>,
    %add3A_1450 = arith.constant 128 : i32
    %add3A_1451 = arith.addi %add3A_833, %add3A_1450 : i32
    %add3A_1452 = arith.constant 96 : i32
    %add3A_1453 = arith.addi %add3A_1451, %add3A_1452 : i32
    %iota3A_1454 = tpu.iota {dimensions = array<i32: 0>} : vector<16xi32>
    %add3A_1455 = vector.broadcast %add3A_1453 : i32 to vector<16xi32>
    %add3A_1456 = arith.addi %iota3A_1454, %add3A_1455 : vector<16xi32>
    %jit3A_1457 = arith.constant 200 : i32
    %eq3A_1458 = arith.constant 0 : i32
    %eq3A_1459 = arith.cmpi eq, %jit3A_1457, %eq3A_1458 : i32
    %jit3A_1460 = arith.constant 1 : i32
    %select_n3A_1461 = arith.select %eq3A_1459, %jit3A_1460, %jit3A_1457 : i32
    %rem3A_1462 = vector.broadcast %select_n3A_1461 : i32 to vector<16xi32>
    %rem3A_1463 = arith.remsi %add3A_1456, %rem3A_1462 : vector<16xi32>
    %ne3A_1464 = arith.constant 0 : i32
    %ne3A_1465 = vector.broadcast %ne3A_1464 : i32 to vector<16xi32>
    %ne3A_1466 = arith.cmpi ne, %rem3A_1463, %ne3A_1465 : vector<16xi32>
    %lt3A_1467 = arith.constant 0 : i32
    %lt3A_1468 = vector.broadcast %lt3A_1467 : i32 to vector<16xi32>
    %lt3A_1469 = arith.cmpi slt, %rem3A_1463, %lt3A_1468 : vector<16xi32>
    %lt3A_1470 = arith.constant 0 : i32
    %lt3A_1471 = arith.cmpi slt, %select_n3A_1461, %lt3A_1470 : i32
    %ne3A_1472 = vector.broadcast %lt3A_1471 : i1 to vector<16xi1>
    %ne3A_1473 = vector.broadcast %ne3A_1472 : vector<16xi1> to vector<16xi1>
    %ne3A_1474 = arith.xori %lt3A_1469, %ne3A_1473 : vector<16xi1>
    %and3A_1475 = arith.andi %ne3A_1474, %ne3A_1466 : vector<16xi1>
    %add3A_1476 = vector.broadcast %select_n3A_1461 : i32 to vector<16xi32>
    %add3A_1477 = arith.addi %rem3A_1463, %add3A_1476 : vector<16xi32>
    %select_n3A_1478 = arith.select %and3A_1475, %add3A_1477, %rem3A_1463 : vector<16xi1>, vector<16xi32>
    %get3A_1479 = arith.constant 1 : i32
    %get3A_1480 = arith.index_cast %get3A_1479 : i32 to index
    %get3A_1481 = arith.constant 96 : index
    %get3A_1482 = tpu.vector_load %arg10[%get3A_1480, %get3A_1481] {strides = array<i32>} : memref<2x128xi32, #tpu.memory_space<vmem>>, vector<1x16xi32>,
    %get3A_1483 = vector.shape_cast %get3A_1482 : vector<1x16xi32> to vector<16xi32>
    %mul3A_1484 = arith.constant 200 : i32
    %mul3A_1485 = vector.broadcast %mul3A_1484 : i32 to vector<16xi32>
    %mul3A_1486 = arith.muli %get3A_1483, %mul3A_1485 : vector<16xi32>
    %add3A_1487 = arith.addi %mul3A_1486, %select_n3A_1478 : vector<16xi32>
    %swap3A_1488 = arith.constant 1 : i32
    %swap3A_1489 = arith.index_cast %swap3A_1488 : i32 to index
    %swap3A_1490 = arith.constant 96 : index
    %swap3A_1491 = tpu.vector_load %arg10[%swap3A_1489, %swap3A_1490] {strides = array<i32>} : memref<2x128xi32, #tpu.memory_space<vmem>>, vector<1x16xi32>,
    %swap3A_1492 = vector.shape_cast %swap3A_1491 : vector<1x16xi32> to vector<16xi32>
    %swap3A_1493 = vector.shape_cast %add3A_1487 : vector<16xi32> to vector<1x16xi32>
    tpu.vector_store %arg10[%swap3A_1489, %swap3A_1490], %swap3A_1493 {strides = array<i32>} : memref<2x128xi32, #tpu.memory_space<vmem>>, vector<1x16xi32>,
    %add3A_1494 = arith.constant 128 : i32
    %add3A_1495 = arith.addi %add3A_833, %add3A_1494 : i32
    %add3A_1496 = arith.constant 112 : i32
    %add3A_1497 = arith.addi %add3A_1495, %add3A_1496 : i32
    %iota3A_1498 = tpu.iota {dimensions = array<i32: 0>} : vector<16xi32>
    %add3A_1499 = vector.broadcast %add3A_1497 : i32 to vector<16xi32>
    %add3A_1500 = arith.addi %iota3A_1498, %add3A_1499 : vector<16xi32>
    %jit3A_1501 = arith.constant 200 : i32
    %eq3A_1502 = arith.constant 0 : i32
    %eq3A_1503 = arith.cmpi eq, %jit3A_1501, %eq3A_1502 : i32
    %jit3A_1504 = arith.constant 1 : i32
    %select_n3A_1505 = arith.select %eq3A_1503, %jit3A_1504, %jit3A_1501 : i32
    %rem3A_1506 = vector.broadcast %select_n3A_1505 : i32 to vector<16xi32>
    %rem3A_1507 = arith.remsi %add3A_1500, %rem3A_1506 : vector<16xi32>
    %ne3A_1508 = arith.constant 0 : i32
    %ne3A_1509 = vector.broadcast %ne3A_1508 : i32 to vector<16xi32>
    %ne3A_1510 = arith.cmpi ne, %rem3A_1507, %ne3A_1509 : vector<16xi32>
    %lt3A_1511 = arith.constant 0 : i32
    %lt3A_1512 = vector.broadcast %lt3A_1511 : i32 to vector<16xi32>
    %lt3A_1513 = arith.cmpi slt, %rem3A_1507, %lt3A_1512 : vector<16xi32>
    %lt3A_1514 = arith.constant 0 : i32
    %lt3A_1515 = arith.cmpi slt, %select_n3A_1505, %lt3A_1514 : i32
    %ne3A_1516 = vector.broadcast %lt3A_1515 : i1 to vector<16xi1>
    %ne3A_1517 = vector.broadcast %ne3A_1516 : vector<16xi1> to vector<16xi1>
    %ne3A_1518 = arith.xori %lt3A_1513, %ne3A_1517 : vector<16xi1>
    %and3A_1519 = arith.andi %ne3A_1518, %ne3A_1510 : vector<16xi1>
    %add3A_1520 = vector.broadcast %select_n3A_1505 : i32 to vector<16xi32>
    %add3A_1521 = arith.addi %rem3A_1507, %add3A_1520 : vector<16xi32>
    %select_n3A_1522 = arith.select %and3A_1519, %add3A_1521, %rem3A_1507 : vector<16xi1>, vector<16xi32>
    %get3A_1523 = arith.constant 1 : i32
    %get3A_1524 = arith.index_cast %get3A_1523 : i32 to index
    %get3A_1525 = arith.constant 112 : index
    %get3A_1526 = tpu.vector_load %arg10[%get3A_1524, %get3A_1525] {strides = array<i32>} : memref<2x128xi32, #tpu.memory_space<vmem>>, vector<1x16xi32>,
    %get3A_1527 = vector.shape_cast %get3A_1526 : vector<1x16xi32> to vector<16xi32>
    %mul3A_1528 = arith.constant 200 : i32
    %mul3A_1529 = vector.broadcast %mul3A_1528 : i32 to vector<16xi32>
    %mul3A_1530 = arith.muli %get3A_1527, %mul3A_1529 : vector<16xi32>
    %add3A_1531 = arith.addi %mul3A_1530, %select_n3A_1522 : vector<16xi32>
    %swap3A_1532 = arith.constant 1 : i32
    %swap3A_1533 = arith.index_cast %swap3A_1532 : i32 to index
    %swap3A_1534 = arith.constant 112 : index
    %swap3A_1535 = tpu.vector_load %arg10[%swap3A_1533, %swap3A_1534] {strides = array<i32>} : memref<2x128xi32, #tpu.memory_space<vmem>>, vector<1x16xi32>,
    %swap3A_1536 = vector.shape_cast %swap3A_1535 : vector<1x16xi32> to vector<16xi32>
    %swap3A_1537 = vector.shape_cast %add3A_1531 : vector<16xi32> to vector<1x16xi32>
    tpu.vector_store %arg10[%swap3A_1533, %swap3A_1534], %swap3A_1537 {strides = array<i32>} : memref<2x128xi32, #tpu.memory_space<vmem>>, vector<1x16xi32>,
    %add3A_1538 = arith.constant 24832 : i32
    %add3A_1539 = arith.addi %mul3A_4, %add3A_1538 : i32
    %dma_wait3A_1540 = arith.constant 0 : i32
    %dma_wait3A_1541 = tpu.memref_slice %arg6[%add3A_1539, %dma_wait3A_1540] : memref<819200x128xf32, #tpu.memory_space<hbm>> -> memref<256x64xf32, #tpu.memory_space<hbm>>
    %dma_wait3A_1542 = arith.constant 0 : i32
    %dma_wait3A_1543 = tpu.memref_slice %arg6[%add3A_1539, %dma_wait3A_1542] : memref<819200x128xf32, #tpu.memory_space<hbm>> -> memref<256x64xf32, #tpu.memory_space<hbm>>
    tpu.wait_dma2 semaphore(%arg20 : memref<!tpu.dma_semaphore, #tpu.memory_space<semaphore_mem>>) src(%arg12 : memref<256x64xf32, #tpu.memory_space<vmem>>) dst(%dma_wait3A_1543 : memref<256x64xf32, #tpu.memory_space<hbm>>)
    %dma_start3A_1544 = arith.constant 0 : i32
    %dma_start3A_1545 = arith.constant 0 : i32
    %dma_start3A_1546 = arith.constant 0 : i32
    %dma_start3A_1547 = tpu.memref_slice %arg12[%dma_start3A_1545, %dma_start3A_1546] : memref<256x64xf32, #tpu.memory_space<vmem>> -> memref<128x64xf32, #tpu.memory_space<vmem>>
    %dma_start3A_1548 = arith.constant 0 : i32
    %dma_start3A_1549 = tpu.memref_slice %arg8[%dma_start3A_1544, %dma_start3A_1548] : memref<2x128xi32, #tpu.memory_space<vmem>> -> memref<1x128xi32, #tpu.memory_space<vmem>>
    %dma_start3A_1550 = tpu.memref_squeeze %dma_start3A_1549 : memref<1x128xi32, #tpu.memory_space<vmem>> -> memref<128xi32, #tpu.memory_space<vmem>>
    %dma_start3A_1551 = arith.constant 0 : i32
    %dma_start3A_1552 = arith.constant 0 : i32
    %dma_start3A_1553 = tpu.memref_slice %arg2[%dma_start3A_1551, %dma_start3A_1552] : memref<100001x64xf32, #tpu.memory_space<hbm>> -> memref<100001x64xf32, #tpu.memory_space<hbm>>
    tpu.enqueue_indirect_dma source(%dma_start3A_1553 : memref<100001x64xf32, #tpu.memory_space<hbm>>) target(%dma_start3A_1547 : memref<128x64xf32, #tpu.memory_space<vmem>>) offsets(%dma_start3A_1550 : memref<128xi32, #tpu.memory_space<vmem>>) semaphore(%arg18 : memref<!tpu.dma_semaphore, #tpu.memory_space<semaphore_mem>>)
    %dma_start3A_1554 = arith.constant 0 : i32
    %dma_start3A_1555 = arith.constant 0 : i32
    %dma_start3A_1556 = arith.constant 0 : i32
    %dma_start3A_1557 = tpu.memref_slice %arg14[%dma_start3A_1555, %dma_start3A_1556] : memref<256x64xf32, #tpu.memory_space<vmem>> -> memref<128x64xf32, #tpu.memory_space<vmem>>
    %dma_start3A_1558 = arith.constant 0 : i32
    %dma_start3A_1559 = tpu.memref_slice %arg10[%dma_start3A_1554, %dma_start3A_1558] : memref<2x128xi32, #tpu.memory_space<vmem>> -> memref<1x128xi32, #tpu.memory_space<vmem>>
    %dma_start3A_1560 = tpu.memref_squeeze %dma_start3A_1559 : memref<1x128xi32, #tpu.memory_space<vmem>> -> memref<128xi32, #tpu.memory_space<vmem>>
    %dma_start3A_1561 = arith.constant 0 : i32
    %dma_start3A_1562 = arith.constant 0 : i32
    %dma_start3A_1563 = tpu.memref_slice %arg3[%dma_start3A_1561, %dma_start3A_1562] : memref<800x64xf32, #tpu.memory_space<hbm>> -> memref<800x64xf32, #tpu.memory_space<hbm>>
    tpu.enqueue_indirect_dma source(%dma_start3A_1563 : memref<800x64xf32, #tpu.memory_space<hbm>>) target(%dma_start3A_1557 : memref<128x64xf32, #tpu.memory_space<vmem>>) offsets(%dma_start3A_1560 : memref<128xi32, #tpu.memory_space<vmem>>) semaphore(%arg18 : memref<!tpu.dma_semaphore, #tpu.memory_space<semaphore_mem>>)
    %dma_start3A_1564 = arith.constant 1 : i32
    %dma_start3A_1565 = arith.constant 128 : i32
    %dma_start3A_1566 = arith.constant 0 : i32
    %dma_start3A_1567 = tpu.memref_slice %arg12[%dma_start3A_1565, %dma_start3A_1566] : memref<256x64xf32, #tpu.memory_space<vmem>> -> memref<128x64xf32, #tpu.memory_space<vmem>>
    %dma_start3A_1568 = arith.constant 0 : i32
    %dma_start3A_1569 = tpu.memref_slice %arg8[%dma_start3A_1564, %dma_start3A_1568] : memref<2x128xi32, #tpu.memory_space<vmem>> -> memref<1x128xi32, #tpu.memory_space<vmem>>
    %dma_start3A_1570 = tpu.memref_squeeze %dma_start3A_1569 : memref<1x128xi32, #tpu.memory_space<vmem>> -> memref<128xi32, #tpu.memory_space<vmem>>
    %dma_start3A_1571 = arith.constant 0 : i32
    %dma_start3A_1572 = arith.constant 0 : i32
    %dma_start3A_1573 = tpu.memref_slice %arg2[%dma_start3A_1571, %dma_start3A_1572] : memref<100001x64xf32, #tpu.memory_space<hbm>> -> memref<100001x64xf32, #tpu.memory_space<hbm>>
    tpu.enqueue_indirect_dma source(%dma_start3A_1573 : memref<100001x64xf32, #tpu.memory_space<hbm>>) target(%dma_start3A_1567 : memref<128x64xf32, #tpu.memory_space<vmem>>) offsets(%dma_start3A_1570 : memref<128xi32, #tpu.memory_space<vmem>>) semaphore(%arg18 : memref<!tpu.dma_semaphore, #tpu.memory_space<semaphore_mem>>)
    %dma_start3A_1574 = arith.constant 1 : i32
    %dma_start3A_1575 = arith.constant 128 : i32
    %dma_start3A_1576 = arith.constant 0 : i32
    %dma_start3A_1577 = tpu.memref_slice %arg14[%dma_start3A_1575, %dma_start3A_1576] : memref<256x64xf32, #tpu.memory_space<vmem>> -> memref<128x64xf32, #tpu.memory_space<vmem>>
    %dma_start3A_1578 = arith.constant 0 : i32
    %dma_start3A_1579 = tpu.memref_slice %arg10[%dma_start3A_1574, %dma_start3A_1578] : memref<2x128xi32, #tpu.memory_space<vmem>> -> memref<1x128xi32, #tpu.memory_space<vmem>>
    %dma_start3A_1580 = tpu.memref_squeeze %dma_start3A_1579 : memref<1x128xi32, #tpu.memory_space<vmem>> -> memref<128xi32, #tpu.memory_space<vmem>>
    %dma_start3A_1581 = arith.constant 0 : i32
    %dma_start3A_1582 = arith.constant 0 : i32
    %dma_start3A_1583 = tpu.memref_slice %arg3[%dma_start3A_1581, %dma_start3A_1582] : memref<800x64xf32, #tpu.memory_space<hbm>> -> memref<800x64xf32, #tpu.memory_space<hbm>>
    tpu.enqueue_indirect_dma source(%dma_start3A_1583 : memref<800x64xf32, #tpu.memory_space<hbm>>) target(%dma_start3A_1577 : memref<128x64xf32, #tpu.memory_space<vmem>>) offsets(%dma_start3A_1580 : memref<128xi32, #tpu.memory_space<vmem>>) semaphore(%arg18 : memref<!tpu.dma_semaphore, #tpu.memory_space<semaphore_mem>>)
    %scan3A_1584 = arith.constant 0 : i32
    %scan3A_1585 = arith.constant 0 : i32
    %scan3A_1586 = arith.constant 256 : i32
    %scan3A_1587 = arith.addi %scan3A_1585, %scan3A_1586 : i32
    %scan3A_1588 = arith.constant 1 : i32
    scf.for %scan3A_1660 = %scan3A_1585 to %scan3A_1587 step %scan3A_1588  : i32 {
      %get3A_1661 = arith.index_cast %scan3A_1660 : i32 to index
      %get3A_1662 = arith.constant 0 : index
      %get3A_1663 = tpu.vector_load %arg11[%get3A_1661, %get3A_1662] {strides = array<i32>} : memref<256x64xf32, #tpu.memory_space<vmem>>, vector<1x16xf32>,
      %get3A_1664 = vector.shape_cast %get3A_1663 : vector<1x16xf32> to vector<16xf32>
      %get3A_1665 = arith.index_cast %scan3A_1660 : i32 to index
      %get3A_1666 = arith.constant 0 : index
      %get3A_1667 = tpu.vector_load %arg13[%get3A_1665, %get3A_1666] {strides = array<i32>} : memref<256x64xf32, #tpu.memory_space<vmem>>, vector<1x16xf32>,
      %get3A_1668 = vector.shape_cast %get3A_1667 : vector<1x16xf32> to vector<16xf32>
      %add3A_1669 = arith.addf %get3A_1664, %get3A_1668 : vector<16xf32>
      %mul3A_1670 = arith.constant 0.333333343 : f32
      %mul3A_1671 = vector.broadcast %mul3A_1670 : f32 to vector<16xf32>
      %mul3A_1672 = arith.mulf %add3A_1669, %mul3A_1671 : vector<16xf32>
      %swap3A_1673 = arith.index_cast %scan3A_1660 : i32 to index
      %swap3A_1674 = arith.constant 0 : index
      %swap3A_1675 = tpu.vector_load %arg11[%swap3A_1673, %swap3A_1674] {strides = array<i32>} : memref<256x64xf32, #tpu.memory_space<vmem>>, vector<1x16xf32>,
      %swap3A_1676 = vector.shape_cast %swap3A_1675 : vector<1x16xf32> to vector<16xf32>
      %swap3A_1677 = vector.shape_cast %mul3A_1672 : vector<16xf32> to vector<1x16xf32>
      tpu.vector_store %arg11[%swap3A_1673, %swap3A_1674], %swap3A_1677 {strides = array<i32>} : memref<256x64xf32, #tpu.memory_space<vmem>>, vector<1x16xf32>,
      %get3A_1678 = arith.index_cast %scan3A_1660 : i32 to index
      %get3A_1679 = arith.constant 16 : index
      %get3A_1680 = tpu.vector_load %arg11[%get3A_1678, %get3A_1679] {strides = array<i32>} : memref<256x64xf32, #tpu.memory_space<vmem>>, vector<1x16xf32>,
      %get3A_1681 = vector.shape_cast %get3A_1680 : vector<1x16xf32> to vector<16xf32>
      %get3A_1682 = arith.index_cast %scan3A_1660 : i32 to index
      %get3A_1683 = arith.constant 16 : index
      %get3A_1684 = tpu.vector_load %arg13[%get3A_1682, %get3A_1683] {strides = array<i32>} : memref<256x64xf32, #tpu.memory_space<vmem>>, vector<1x16xf32>,
      %get3A_1685 = vector.shape_cast %get3A_1684 : vector<1x16xf32> to vector<16xf32>
      %add3A_1686 = arith.addf %get3A_1681, %get3A_1685 : vector<16xf32>
      %mul3A_1687 = arith.constant 0.333333343 : f32
      %mul3A_1688 = vector.broadcast %mul3A_1687 : f32 to vector<16xf32>
      %mul3A_1689 = arith.mulf %add3A_1686, %mul3A_1688 : vector<16xf32>
      %swap3A_1690 = arith.index_cast %scan3A_1660 : i32 to index
      %swap3A_1691 = arith.constant 16 : index
      %swap3A_1692 = tpu.vector_load %arg11[%swap3A_1690, %swap3A_1691] {strides = array<i32>} : memref<256x64xf32, #tpu.memory_space<vmem>>, vector<1x16xf32>,
      %swap3A_1693 = vector.shape_cast %swap3A_1692 : vector<1x16xf32> to vector<16xf32>
      %swap3A_1694 = vector.shape_cast %mul3A_1689 : vector<16xf32> to vector<1x16xf32>
      tpu.vector_store %arg11[%swap3A_1690, %swap3A_1691], %swap3A_1694 {strides = array<i32>} : memref<256x64xf32, #tpu.memory_space<vmem>>, vector<1x16xf32>,
      %get3A_1695 = arith.index_cast %scan3A_1660 : i32 to index
      %get3A_1696 = arith.constant 32 : index
      %get3A_1697 = tpu.vector_load %arg11[%get3A_1695, %get3A_1696] {strides = array<i32>} : memref<256x64xf32, #tpu.memory_space<vmem>>, vector<1x16xf32>,
      %get3A_1698 = vector.shape_cast %get3A_1697 : vector<1x16xf32> to vector<16xf32>
      %get3A_1699 = arith.index_cast %scan3A_1660 : i32 to index
      %get3A_1700 = arith.constant 32 : index
      %get3A_1701 = tpu.vector_load %arg13[%get3A_1699, %get3A_1700] {strides = array<i32>} : memref<256x64xf32, #tpu.memory_space<vmem>>, vector<1x16xf32>,
      %get3A_1702 = vector.shape_cast %get3A_1701 : vector<1x16xf32> to vector<16xf32>
      %add3A_1703 = arith.addf %get3A_1698, %get3A_1702 : vector<16xf32>
      %mul3A_1704 = arith.constant 0.333333343 : f32
      %mul3A_1705 = vector.broadcast %mul3A_1704 : f32 to vector<16xf32>
      %mul3A_1706 = arith.mulf %add3A_1703, %mul3A_1705 : vector<16xf32>
      %swap3A_1707 = arith.index_cast %scan3A_1660 : i32 to index
      %swap3A_1708 = arith.constant 32 : index
      %swap3A_1709 = tpu.vector_load %arg11[%swap3A_1707, %swap3A_1708] {strides = array<i32>} : memref<256x64xf32, #tpu.memory_space<vmem>>, vector<1x16xf32>,
      %swap3A_1710 = vector.shape_cast %swap3A_1709 : vector<1x16xf32> to vector<16xf32>
      %swap3A_1711 = vector.shape_cast %mul3A_1706 : vector<16xf32> to vector<1x16xf32>
      tpu.vector_store %arg11[%swap3A_1707, %swap3A_1708], %swap3A_1711 {strides = array<i32>} : memref<256x64xf32, #tpu.memory_space<vmem>>, vector<1x16xf32>,
      %get3A_1712 = arith.index_cast %scan3A_1660 : i32 to index
      %get3A_1713 = arith.constant 48 : index
      %get3A_1714 = tpu.vector_load %arg11[%get3A_1712, %get3A_1713] {strides = array<i32>} : memref<256x64xf32, #tpu.memory_space<vmem>>, vector<1x16xf32>,
      %get3A_1715 = vector.shape_cast %get3A_1714 : vector<1x16xf32> to vector<16xf32>
      %get3A_1716 = arith.index_cast %scan3A_1660 : i32 to index
      %get3A_1717 = arith.constant 48 : index
      %get3A_1718 = tpu.vector_load %arg13[%get3A_1716, %get3A_1717] {strides = array<i32>} : memref<256x64xf32, #tpu.memory_space<vmem>>, vector<1x16xf32>,
      %get3A_1719 = vector.shape_cast %get3A_1718 : vector<1x16xf32> to vector<16xf32>
      %add3A_1720 = arith.addf %get3A_1715, %get3A_1719 : vector<16xf32>
      %mul3A_1721 = arith.constant 0.333333343 : f32
      %mul3A_1722 = vector.broadcast %mul3A_1721 : f32 to vector<16xf32>
      %mul3A_1723 = arith.mulf %add3A_1720, %mul3A_1722 : vector<16xf32>
      %swap3A_1724 = arith.index_cast %scan3A_1660 : i32 to index
      %swap3A_1725 = arith.constant 48 : index
      %swap3A_1726 = tpu.vector_load %arg11[%swap3A_1724, %swap3A_1725] {strides = array<i32>} : memref<256x64xf32, #tpu.memory_space<vmem>>, vector<1x16xf32>,
      %swap3A_1727 = vector.shape_cast %swap3A_1726 : vector<1x16xf32> to vector<16xf32>
      %swap3A_1728 = vector.shape_cast %mul3A_1723 : vector<16xf32> to vector<1x16xf32>
      tpu.vector_store %arg11[%swap3A_1724, %swap3A_1725], %swap3A_1728 {strides = array<i32>} : memref<256x64xf32, #tpu.memory_space<vmem>>, vector<1x16xf32>,
    }
    %scan3A_1589 = arith.constant 256 : i32
    %add3A_1590 = arith.constant 25088 : i32
    %add3A_1591 = arith.addi %mul3A_4, %add3A_1590 : i32
    %dma_start3A_1592 = arith.constant 0 : i32
    %dma_start3A_1593 = tpu.memref_slice %arg6[%add3A_1591, %dma_start3A_1592] : memref<819200x128xf32, #tpu.memory_space<hbm>> -> memref<256x64xf32, #tpu.memory_space<hbm>>
    %dma_start3A_1594 = arith.constant 0 : i32
    %dma_start3A_1595 = tpu.memref_slice %arg6[%add3A_1591, %dma_start3A_1594] : memref<819200x128xf32, #tpu.memory_space<hbm>> -> memref<256x64xf32, #tpu.memory_space<hbm>>
    tpu.enqueue_dma source(%arg11 : memref<256x64xf32, #tpu.memory_space<vmem>>) target(%dma_start3A_1595 : memref<256x64xf32, #tpu.memory_space<hbm>>) target_semaphore(%arg19 : memref<!tpu.dma_semaphore, #tpu.memory_space<semaphore_mem>>)
    %dma_wait3A_1596 = arith.constant 0 : i32
    %dma_wait3A_1597 = arith.constant 0 : i32
    %dma_wait3A_1598 = arith.constant 0 : i32
    %dma_wait3A_1599 = tpu.memref_slice %arg12[%dma_wait3A_1597, %dma_wait3A_1598] : memref<256x64xf32, #tpu.memory_space<vmem>> -> memref<128x64xf32, #tpu.memory_space<vmem>>
    %dma_wait3A_1600 = arith.constant 0 : i32
    %dma_wait3A_1601 = tpu.memref_slice %arg8[%dma_wait3A_1596, %dma_wait3A_1600] : memref<2x128xi32, #tpu.memory_space<vmem>> -> memref<1x128xi32, #tpu.memory_space<vmem>>
    %dma_wait3A_1602 = tpu.memref_squeeze %dma_wait3A_1601 : memref<1x128xi32, #tpu.memory_space<vmem>> -> memref<128xi32, #tpu.memory_space<vmem>>
    %dma_wait3A_1603 = arith.constant 0 : i32
    %dma_wait3A_1604 = arith.constant 0 : i32
    %dma_wait3A_1605 = tpu.memref_slice %arg2[%dma_wait3A_1603, %dma_wait3A_1604] : memref<100001x64xf32, #tpu.memory_space<hbm>> -> memref<100001x64xf32, #tpu.memory_space<hbm>>
    tpu.wait_indirect_dma semaphore(%arg18 : memref<!tpu.dma_semaphore, #tpu.memory_space<semaphore_mem>>) src(%dma_wait3A_1605 : memref<100001x64xf32, #tpu.memory_space<hbm>>) dst(%dma_wait3A_1599 : memref<128x64xf32, #tpu.memory_space<vmem>>)
    %dma_wait3A_1606 = arith.constant 0 : i32
    %dma_wait3A_1607 = arith.constant 0 : i32
    %dma_wait3A_1608 = arith.constant 0 : i32
    %dma_wait3A_1609 = tpu.memref_slice %arg14[%dma_wait3A_1607, %dma_wait3A_1608] : memref<256x64xf32, #tpu.memory_space<vmem>> -> memref<128x64xf32, #tpu.memory_space<vmem>>
    %dma_wait3A_1610 = arith.constant 0 : i32
    %dma_wait3A_1611 = tpu.memref_slice %arg10[%dma_wait3A_1606, %dma_wait3A_1610] : memref<2x128xi32, #tpu.memory_space<vmem>> -> memref<1x128xi32, #tpu.memory_space<vmem>>
    %dma_wait3A_1612 = tpu.memref_squeeze %dma_wait3A_1611 : memref<1x128xi32, #tpu.memory_space<vmem>> -> memref<128xi32, #tpu.memory_space<vmem>>
    %dma_wait3A_1613 = arith.constant 0 : i32
    %dma_wait3A_1614 = arith.constant 0 : i32
    %dma_wait3A_1615 = tpu.memref_slice %arg3[%dma_wait3A_1613, %dma_wait3A_1614] : memref<800x64xf32, #tpu.memory_space<hbm>> -> memref<800x64xf32, #tpu.memory_space<hbm>>
    tpu.wait_indirect_dma semaphore(%arg18 : memref<!tpu.dma_semaphore, #tpu.memory_space<semaphore_mem>>) src(%dma_wait3A_1615 : memref<800x64xf32, #tpu.memory_space<hbm>>) dst(%dma_wait3A_1609 : memref<128x64xf32, #tpu.memory_space<vmem>>)
    %dma_wait3A_1616 = arith.constant 1 : i32
    %dma_wait3A_1617 = arith.constant 128 : i32
    %dma_wait3A_1618 = arith.constant 0 : i32
    %dma_wait3A_1619 = tpu.memref_slice %arg12[%dma_wait3A_1617, %dma_wait3A_1618] : memref<256x64xf32, #tpu.memory_space<vmem>> -> memref<128x64xf32, #tpu.memory_space<vmem>>
    %dma_wait3A_1620 = arith.constant 0 : i32
    %dma_wait3A_1621 = tpu.memref_slice %arg8[%dma_wait3A_1616, %dma_wait3A_1620] : memref<2x128xi32, #tpu.memory_space<vmem>> -> memref<1x128xi32, #tpu.memory_space<vmem>>
    %dma_wait3A_1622 = tpu.memref_squeeze %dma_wait3A_1621 : memref<1x128xi32, #tpu.memory_space<vmem>> -> memref<128xi32, #tpu.memory_space<vmem>>
    %dma_wait3A_1623 = arith.constant 0 : i32
    %dma_wait3A_1624 = arith.constant 0 : i32
    %dma_wait3A_1625 = tpu.memref_slice %arg2[%dma_wait3A_1623, %dma_wait3A_1624] : memref<100001x64xf32, #tpu.memory_space<hbm>> -> memref<100001x64xf32, #tpu.memory_space<hbm>>
    tpu.wait_indirect_dma semaphore(%arg18 : memref<!tpu.dma_semaphore, #tpu.memory_space<semaphore_mem>>) src(%dma_wait3A_1625 : memref<100001x64xf32, #tpu.memory_space<hbm>>) dst(%dma_wait3A_1619 : memref<128x64xf32, #tpu.memory_space<vmem>>)
    %dma_wait3A_1626 = arith.constant 1 : i32
    %dma_wait3A_1627 = arith.constant 128 : i32
    %dma_wait3A_1628 = arith.constant 0 : i32
    %dma_wait3A_1629 = tpu.memref_slice %arg14[%dma_wait3A_1627, %dma_wait3A_1628] : memref<256x64xf32, #tpu.memory_space<vmem>> -> memref<128x64xf32, #tpu.memory_space<vmem>>
    %dma_wait3A_1630 = arith.constant 0 : i32
    %dma_wait3A_1631 = tpu.memref_slice %arg10[%dma_wait3A_1626, %dma_wait3A_1630] : memref<2x128xi32, #tpu.memory_space<vmem>> -> memref<1x128xi32, #tpu.memory_space<vmem>>
    %dma_wait3A_1632 = tpu.memref_squeeze %dma_wait3A_1631 : memref<1x128xi32, #tpu.memory_space<vmem>> -> memref<128xi32, #tpu.memory_space<vmem>>
    %dma_wait3A_1633 = arith.constant 0 : i32
    %dma_wait3A_1634 = arith.constant 0 : i32
    %dma_wait3A_1635 = tpu.memref_slice %arg3[%dma_wait3A_1633, %dma_wait3A_1634] : memref<800x64xf32, #tpu.memory_space<hbm>> -> memref<800x64xf32, #tpu.memory_space<hbm>>
    tpu.wait_indirect_dma semaphore(%arg18 : memref<!tpu.dma_semaphore, #tpu.memory_space<semaphore_mem>>) src(%dma_wait3A_1635 : memref<800x64xf32, #tpu.memory_space<hbm>>) dst(%dma_wait3A_1629 : memref<128x64xf32, #tpu.memory_space<vmem>>)
    %scan3A_1636 = arith.constant 0 : i32
    %scan3A_1637 = arith.constant 0 : i32
    %scan3A_1638 = arith.constant 256 : i32
    %scan3A_1639 = arith.addi %scan3A_1637, %scan3A_1638 : i32
    %scan3A_1640 = arith.constant 1 : i32
    scf.for %scan3A_1660 = %scan3A_1637 to %scan3A_1639 step %scan3A_1640  : i32 {
      %get3A_1661 = arith.index_cast %scan3A_1660 : i32 to index
      %get3A_1662 = arith.constant 0 : index
      %get3A_1663 = tpu.vector_load %arg12[%get3A_1661, %get3A_1662] {strides = array<i32>} : memref<256x64xf32, #tpu.memory_space<vmem>>, vector<1x16xf32>,
      %get3A_1664 = vector.shape_cast %get3A_1663 : vector<1x16xf32> to vector<16xf32>
      %get3A_1665 = arith.index_cast %scan3A_1660 : i32 to index
      %get3A_1666 = arith.constant 0 : index
      %get3A_1667 = tpu.vector_load %arg14[%get3A_1665, %get3A_1666] {strides = array<i32>} : memref<256x64xf32, #tpu.memory_space<vmem>>, vector<1x16xf32>,
      %get3A_1668 = vector.shape_cast %get3A_1667 : vector<1x16xf32> to vector<16xf32>
      %add3A_1669 = arith.addf %get3A_1664, %get3A_1668 : vector<16xf32>
      %mul3A_1670 = arith.constant 0.333333343 : f32
      %mul3A_1671 = vector.broadcast %mul3A_1670 : f32 to vector<16xf32>
      %mul3A_1672 = arith.mulf %add3A_1669, %mul3A_1671 : vector<16xf32>
      %swap3A_1673 = arith.index_cast %scan3A_1660 : i32 to index
      %swap3A_1674 = arith.constant 0 : index
      %swap3A_1675 = tpu.vector_load %arg12[%swap3A_1673, %swap3A_1674] {strides = array<i32>} : memref<256x64xf32, #tpu.memory_space<vmem>>, vector<1x16xf32>,
      %swap3A_1676 = vector.shape_cast %swap3A_1675 : vector<1x16xf32> to vector<16xf32>
      %swap3A_1677 = vector.shape_cast %mul3A_1672 : vector<16xf32> to vector<1x16xf32>
      tpu.vector_store %arg12[%swap3A_1673, %swap3A_1674], %swap3A_1677 {strides = array<i32>} : memref<256x64xf32, #tpu.memory_space<vmem>>, vector<1x16xf32>,
      %get3A_1678 = arith.index_cast %scan3A_1660 : i32 to index
      %get3A_1679 = arith.constant 16 : index
      %get3A_1680 = tpu.vector_load %arg12[%get3A_1678, %get3A_1679] {strides = array<i32>} : memref<256x64xf32, #tpu.memory_space<vmem>>, vector<1x16xf32>,
      %get3A_1681 = vector.shape_cast %get3A_1680 : vector<1x16xf32> to vector<16xf32>
      %get3A_1682 = arith.index_cast %scan3A_1660 : i32 to index
      %get3A_1683 = arith.constant 16 : index
      %get3A_1684 = tpu.vector_load %arg14[%get3A_1682, %get3A_1683] {strides = array<i32>} : memref<256x64xf32, #tpu.memory_space<vmem>>, vector<1x16xf32>,
      %get3A_1685 = vector.shape_cast %get3A_1684 : vector<1x16xf32> to vector<16xf32>
      %add3A_1686 = arith.addf %get3A_1681, %get3A_1685 : vector<16xf32>
      %mul3A_1687 = arith.constant 0.333333343 : f32
      %mul3A_1688 = vector.broadcast %mul3A_1687 : f32 to vector<16xf32>
      %mul3A_1689 = arith.mulf %add3A_1686, %mul3A_1688 : vector<16xf32>
      %swap3A_1690 = arith.index_cast %scan3A_1660 : i32 to index
      %swap3A_1691 = arith.constant 16 : index
      %swap3A_1692 = tpu.vector_load %arg12[%swap3A_1690, %swap3A_1691] {strides = array<i32>} : memref<256x64xf32, #tpu.memory_space<vmem>>, vector<1x16xf32>,
      %swap3A_1693 = vector.shape_cast %swap3A_1692 : vector<1x16xf32> to vector<16xf32>
      %swap3A_1694 = vector.shape_cast %mul3A_1689 : vector<16xf32> to vector<1x16xf32>
      tpu.vector_store %arg12[%swap3A_1690, %swap3A_1691], %swap3A_1694 {strides = array<i32>} : memref<256x64xf32, #tpu.memory_space<vmem>>, vector<1x16xf32>,
      %get3A_1695 = arith.index_cast %scan3A_1660 : i32 to index
      %get3A_1696 = arith.constant 32 : index
      %get3A_1697 = tpu.vector_load %arg12[%get3A_1695, %get3A_1696] {strides = array<i32>} : memref<256x64xf32, #tpu.memory_space<vmem>>, vector<1x16xf32>,
      %get3A_1698 = vector.shape_cast %get3A_1697 : vector<1x16xf32> to vector<16xf32>
      %get3A_1699 = arith.index_cast %scan3A_1660 : i32 to index
      %get3A_1700 = arith.constant 32 : index
      %get3A_1701 = tpu.vector_load %arg14[%get3A_1699, %get3A_1700] {strides = array<i32>} : memref<256x64xf32, #tpu.memory_space<vmem>>, vector<1x16xf32>,
      %get3A_1702 = vector.shape_cast %get3A_1701 : vector<1x16xf32> to vector<16xf32>
      %add3A_1703 = arith.addf %get3A_1698, %get3A_1702 : vector<16xf32>
      %mul3A_1704 = arith.constant 0.333333343 : f32
      %mul3A_1705 = vector.broadcast %mul3A_1704 : f32 to vector<16xf32>
      %mul3A_1706 = arith.mulf %add3A_1703, %mul3A_1705 : vector<16xf32>
      %swap3A_1707 = arith.index_cast %scan3A_1660 : i32 to index
      %swap3A_1708 = arith.constant 32 : index
      %swap3A_1709 = tpu.vector_load %arg12[%swap3A_1707, %swap3A_1708] {strides = array<i32>} : memref<256x64xf32, #tpu.memory_space<vmem>>, vector<1x16xf32>,
      %swap3A_1710 = vector.shape_cast %swap3A_1709 : vector<1x16xf32> to vector<16xf32>
      %swap3A_1711 = vector.shape_cast %mul3A_1706 : vector<16xf32> to vector<1x16xf32>
      tpu.vector_store %arg12[%swap3A_1707, %swap3A_1708], %swap3A_1711 {strides = array<i32>} : memref<256x64xf32, #tpu.memory_space<vmem>>, vector<1x16xf32>,
      %get3A_1712 = arith.index_cast %scan3A_1660 : i32 to index
      %get3A_1713 = arith.constant 48 : index
      %get3A_1714 = tpu.vector_load %arg12[%get3A_1712, %get3A_1713] {strides = array<i32>} : memref<256x64xf32, #tpu.memory_space<vmem>>, vector<1x16xf32>,
      %get3A_1715 = vector.shape_cast %get3A_1714 : vector<1x16xf32> to vector<16xf32>
      %get3A_1716 = arith.index_cast %scan3A_1660 : i32 to index
      %get3A_1717 = arith.constant 48 : index
      %get3A_1718 = tpu.vector_load %arg14[%get3A_1716, %get3A_1717] {strides = array<i32>} : memref<256x64xf32, #tpu.memory_space<vmem>>, vector<1x16xf32>,
      %get3A_1719 = vector.shape_cast %get3A_1718 : vector<1x16xf32> to vector<16xf32>
      %add3A_1720 = arith.addf %get3A_1715, %get3A_1719 : vector<16xf32>
      %mul3A_1721 = arith.constant 0.333333343 : f32
      %mul3A_1722 = vector.broadcast %mul3A_1721 : f32 to vector<16xf32>
      %mul3A_1723 = arith.mulf %add3A_1720, %mul3A_1722 : vector<16xf32>
      %swap3A_1724 = arith.index_cast %scan3A_1660 : i32 to index
      %swap3A_1725 = arith.constant 48 : index
      %swap3A_1726 = tpu.vector_load %arg12[%swap3A_1724, %swap3A_1725] {strides = array<i32>} : memref<256x64xf32, #tpu.memory_space<vmem>>, vector<1x16xf32>,
      %swap3A_1727 = vector.shape_cast %swap3A_1726 : vector<1x16xf32> to vector<16xf32>
      %swap3A_1728 = vector.shape_cast %mul3A_1723 : vector<16xf32> to vector<1x16xf32>
      tpu.vector_store %arg12[%swap3A_1724, %swap3A_1725], %swap3A_1728 {strides = array<i32>} : memref<256x64xf32, #tpu.memory_space<vmem>>, vector<1x16xf32>,
    }
    %scan3A_1641 = arith.constant 256 : i32
    %add3A_1642 = arith.constant 25344 : i32
    %add3A_1643 = arith.addi %mul3A_4, %add3A_1642 : i32
    %dma_start3A_1644 = arith.constant 0 : i32
    %dma_start3A_1645 = tpu.memref_slice %arg6[%add3A_1643, %dma_start3A_1644] : memref<819200x128xf32, #tpu.memory_space<hbm>> -> memref<256x64xf32, #tpu.memory_space<hbm>>
    %dma_start3A_1646 = arith.constant 0 : i32
    %dma_start3A_1647 = tpu.memref_slice %arg6[%add3A_1643, %dma_start3A_1646] : memref<819200x128xf32, #tpu.memory_space<hbm>> -> memref<256x64xf32, #tpu.memory_space<hbm>>
    tpu.enqueue_dma source(%arg12 : memref<256x64xf32, #tpu.memory_space<vmem>>) target(%dma_start3A_1647 : memref<256x64xf32, #tpu.memory_space<hbm>>) target_semaphore(%arg20 : memref<!tpu.dma_semaphore, #tpu.memory_space<semaphore_mem>>)
    %add3A_1648 = arith.constant 25088 : i32
    %add3A_1649 = arith.addi %mul3A_4, %add3A_1648 : i32
    %dma_wait3A_1650 = arith.constant 0 : i32
    %dma_wait3A_1651 = tpu.memref_slice %arg6[%add3A_1649, %dma_wait3A_1650] : memref<819200x128xf32, #tpu.memory_space<hbm>> -> memref<256x64xf32, #tpu.memory_space<hbm>>
    %dma_wait3A_1652 = arith.constant 0 : i32
    %dma_wait3A_1653 = tpu.memref_slice %arg6[%add3A_1649, %dma_wait3A_1652] : memref<819200x128xf32, #tpu.memory_space<hbm>> -> memref<256x64xf32, #tpu.memory_space<hbm>>
    tpu.wait_dma2 semaphore(%arg19 : memref<!tpu.dma_semaphore, #tpu.memory_space<semaphore_mem>>) src(%arg11 : memref<256x64xf32, #tpu.memory_space<vmem>>) dst(%dma_wait3A_1653 : memref<256x64xf32, #tpu.memory_space<hbm>>)
    %add3A_1654 = arith.constant 25344 : i32
    %add3A_1655 = arith.addi %mul3A_4, %add3A_1654 : i32
    %dma_wait3A_1656 = arith.constant 0 : i32
    %dma_wait3A_1657 = tpu.memref_slice %arg6[%add3A_1655, %dma_wait3A_1656] : memref<819200x128xf32, #tpu.memory_space<hbm>> -> memref<256x64xf32, #tpu.memory_space<hbm>>
    %dma_wait3A_1658 = arith.constant 0 : i32
    %dma_wait3A_1659 = tpu.memref_slice %arg6[%add3A_1655, %dma_wait3A_1658] : memref<819200x128xf32, #tpu.memory_space<hbm>> -> memref<256x64xf32, #tpu.memory_space<hbm>>
    tpu.wait_dma2 semaphore(%arg20 : memref<!tpu.dma_semaphore, #tpu.memory_space<semaphore_mem>>) src(%arg12 : memref<256x64xf32, #tpu.memory_space<vmem>>) dst(%dma_wait3A_1659 : memref<256x64xf32, #tpu.memory_space<hbm>>)
    return
  }
}

module attributes {stable_mosaic.version = 14 : i64} {
  func.func @_combo_body(%arg0: memref<4x64xf32, #tpu.memory_space<vmem>>, %arg1: memref<200x64xf32, #tpu.memory_space<vmem>>, %arg2: memref<800x64xf32, #tpu.memory_space<vmem>>) attributes {dimension_semantics = [], scalar_prefetch = 0 : i64, scratch_operands = 0 : i64, tpu.core_type = #tpu.core_type<tc>} {
    %get3A = arith.constant 0 : index
    %get3A_0 = arith.constant 0 : index
    %get3A_1 = vector.load %arg1[%get3A, %get3A_0] : memref<200x64xf32, #tpu.memory_space<vmem>>, vector<200x64xf32>
    %get3A_2 = arith.constant 0 : index
    %get3A_3 = arith.constant 0 : index
    %get3A_4 = vector.load %arg0[%get3A_2, %get3A_3] : memref<4x64xf32, #tpu.memory_space<vmem>>, vector<1x64xf32>
    %get3A_5 = vector.shape_cast %get3A_4 : vector<1x64xf32> to vector<64xf32>
    %broadcast_in_dim3A = vector.shape_cast %get3A_5 : vector<64xf32> to vector<1x64xf32>
    %add3A = vector.broadcast %broadcast_in_dim3A : vector<1x64xf32> to vector<200x64xf32>
    %add3A_6 = arith.addf %get3A_1, %add3A : vector<200x64xf32>
    %get3A_7 = arith.constant 1 : index
    %get3A_8 = arith.constant 0 : index
    %get3A_9 = vector.load %arg0[%get3A_7, %get3A_8] : memref<4x64xf32, #tpu.memory_space<vmem>>, vector<1x64xf32>
    %get3A_10 = vector.shape_cast %get3A_9 : vector<1x64xf32> to vector<64xf32>
    %broadcast_in_dim3A_11 = vector.shape_cast %get3A_10 : vector<64xf32> to vector<1x64xf32>
    %add3A_12 = vector.broadcast %broadcast_in_dim3A_11 : vector<1x64xf32> to vector<200x64xf32>
    %add3A_13 = arith.addf %get3A_1, %add3A_12 : vector<200x64xf32>
    %get3A_14 = arith.constant 2 : index
    %get3A_15 = arith.constant 0 : index
    %get3A_16 = vector.load %arg0[%get3A_14, %get3A_15] : memref<4x64xf32, #tpu.memory_space<vmem>>, vector<1x64xf32>
    %get3A_17 = vector.shape_cast %get3A_16 : vector<1x64xf32> to vector<64xf32>
    %broadcast_in_dim3A_18 = vector.shape_cast %get3A_17 : vector<64xf32> to vector<1x64xf32>
    %add3A_19 = vector.broadcast %broadcast_in_dim3A_18 : vector<1x64xf32> to vector<200x64xf32>
    %add3A_20 = arith.addf %get3A_1, %add3A_19 : vector<200x64xf32>
    %get3A_21 = arith.constant 3 : index
    %get3A_22 = arith.constant 0 : index
    %get3A_23 = vector.load %arg0[%get3A_21, %get3A_22] : memref<4x64xf32, #tpu.memory_space<vmem>>, vector<1x64xf32>
    %get3A_24 = vector.shape_cast %get3A_23 : vector<1x64xf32> to vector<64xf32>
    %broadcast_in_dim3A_25 = vector.shape_cast %get3A_24 : vector<64xf32> to vector<1x64xf32>
    %add3A_26 = vector.broadcast %broadcast_in_dim3A_25 : vector<1x64xf32> to vector<200x64xf32>
    %add3A_27 = arith.addf %get3A_1, %add3A_26 : vector<200x64xf32>
    %concatenate3A = tpu.concatenate %add3A_6, %add3A_13, %add3A_20, %add3A_27 in 0 : vector<200x64xf32>, vector<200x64xf32>, vector<200x64xf32>, vector<200x64xf32> -> vector<800x64xf32>
    %swap3A = arith.constant 0 : index
    %swap3A_28 = arith.constant 0 : index
    %swap3A_29 = vector.load %arg2[%swap3A, %swap3A_28] : memref<800x64xf32, #tpu.memory_space<vmem>>, vector<800x64xf32>
    tpu.vector_store %arg2[%swap3A, %swap3A_28], %concatenate3A {strides = array<i32>} : memref<800x64xf32, #tpu.memory_space<vmem>>, vector<800x64xf32>,
    return
  }
}

</mosaic_0001>

<sc_bundles>
// kernel: kernel.4.cloned.1.call-start
scs
__scs_entry_jumppad:
0x0: {  	(pc) =	sbr.rel $0x88, $3  }
0x1: {  	(tag) =	ssettag $0x0;
	lr =	simm.s32 $0x1  }
0x2: {  	[smem:$0x3F9C] =	sst lr;
	_ =	strace $0xD0000000  }
0x3: {  	_ = 	snop  }
0x4: {  	_ = 	snop  }
0x5: {  	_ = 	snop  }
0x6: {  	_ = 	snop  }
0x7: {  	_ = 	snop  }
__scs_overlays_trampoline_lowered:
0x8: {  	[smem:$0x3FAB] =	sst s0  }
0x9: {  	[smem:$0x3FAC] =	sst s1  }
0xa: {  	[smem:$0x3FAD] =	sst s2  }
0xb: {  	[smem:$0x3FAE] =	sst s3  }
0xc: {  	[smem:$0x3FAF] =	sst s4  }
0xd: {  	[smem:$0x3FB0] =	sst s5  }
0xe: {  	[smem:$0x3FB1] =	sst s6  }
0xf: {  	[smem:$0x3FB2] =	sst s7  }
0x10: {  	[smem:$0x3FB3] =	sst s8  }
0x11: {  	[smem:$0x3FB4] =	sst s9;
	s0 =	simm.s32 @!p0 $0x0  }
0x12: {  	s1 =	sld [smem:$0x3F9A];
	s0 =	simm.s32 @p0 $0x1  }
0x13: {  	[smem:$0x3FB5] =	sst s0;
	s0 =	simm.s32 @!p1 $0x0  }
0x14: {  	s2 =	sld [smem:$0x3F99];
	s0 =	simm.s32 @p1 $0x1  }
0x15: {  	[smem:$0x3FB6] =	sst s0;
	s0 =	simm.s32 @!p2 $0x0  }
0x16: {  	s3 =	sld [smem:$0x3FDB];
	s0 =	simm.s32 @p2 $0x1  }
0x17: {  	s4 =	simm.s32 $0x1BF5;
	[smem:$0x3FB8] =	sst s0  }
0x18: {  	s0 =	sld [smem:$0x3F9B];
	_ =	swait.ge [sflag:s4], $0x0  }
0x19: {  	s7 =	sld [smem:$0x3F9C]  }
0x1a: {  	s8 =	sadd.s32 $0xFFFFE003, lr  }
0x1b: {  	s9 =	sadd.s32 $0xFFFFFEF7, lr;
	s5 =	simm.s32 $0xFFFFFFFF;
	p2 =	slt.u32 s8, $0xFFFFF086  }
0x1c: {  	p1 =	slt.u32 s9, $0xF7A;
	s5 =	simm.s32 @!p2 $0x0  }
0x1d: {  	s5 =	simm.s32 @p1 $0x1;
	p0 =	seq.s32 s7, s2  }
0x1e: {  	s7 =	smul.u32 @!p0 $0xF7A, s2;
	p2 =	seq.s32 @!p0 s5, $0x0  }
0x1f: {  	s9 =	smul.u32 $0xF7A, s1;
	s8 =	simm.s32 @!p0 $0x1BF5;
	p2 =	por !p2, p0  }
0x20: {  	[sflag:s8] =	ssyncset.s32 @!p0 $0xFFFFF086;
	s6 =	sadd.s32 @!p0 s3, s7;
	s7 =	simm.s32 @!p0 $0x108  }
0x21: {  	s3 =	sadd.s32 s3, s9;
	s6 =	sadd.s32 @!p0 $0x88, s6;
	s7 =	simm.s32 @p2 $0x1082  }
0x22: {  	[simem:s7], [sflag:s8] =	dma.local @!p0 [hbm:s6], $0xF7A  }
0x23: {  	s9 =	sor.u32 $0xD0000000, s2;
	s6 =	simm.s32 $0x108;
	_ =	swait.ge @!p0 [sflag:s8], $0x0  }
0x24: {  	s3 =	sadd.s32 $0x88, s3;
	s6 =	simm.s32 @!p1 $0x1082;
	[sflag:s4] =	ssyncset.s32 $0xFFFFF086  }
0x25: {  	[simem:s6], [sflag:s4] =	dma.local [hbm:s3], $0xF7A  }
0x26: {  	[smem:$0x3F9C] =	sst s1;
	(tag) =	ssettag s2;
	_ =	strace s9  }
0x27: {  	s1 =	sld [smem:$0x3FAC]  }
0x28: {  	s2 =	sld [smem:$0x3FAD]  }
0x29: {  	s4 =	sld [smem:$0x3FAF]  }
0x2a: {  	p0 =	seq.s32 s5, $0x0;
	s5 =	sld [smem:$0x3FB0]  }
0x2b: {  	s6 =	sld [smem:$0x3FB1]  }
0x2c: {  	s7 =	sld [smem:$0x3FB2]  }
0x2d: {  	s3 =	simm.s32 $0x108;
	s8 =	sld [smem:$0x3FB3]  }
0x2e: {  	s3 =	simm.s32 @!p0 $0x1082;
	s9 =	sld [smem:$0x3FB4]  }
0x2f: {  	lr =	sadd.s32 s0, s3;
	s0 =	sld [smem:$0x3FAB]  }
0x30: {  	s3 =	sld [smem:$0x3FAE]  }
0x31: {  	[smem:$0x3FB7] =	sst s10  }
0x32: {  	s10 =	sld [smem:$0x3FB5];
	_ =	sdelay $0x3  }
0x33: {  	p0 =	seq.s32 s10, $0x1;
	s10 =	sld [smem:$0x3FB7];
	_ =	sdelay $0x3  }
0x34: {  	[smem:$0x3FB7] =	sst s10  }
0x35: {  	s10 =	sld [smem:$0x3FB6];
	_ =	sdelay $0x3  }
0x36: {  	p1 =	seq.s32 s10, $0x1;
	s10 =	sld [smem:$0x3FB7];
	_ =	sdelay $0x3  }
0x37: {  	[smem:$0x3FB7] =	sst s10  }
0x38: {  	s10 =	sld [smem:$0x3FB8]  }
0x39: {  	_ = 	snop;
	(pc) =	sbr.ind lr, $3  }
0x3a: {  	_ = 	snop  }
0x3b: {  	_ = 	snop  }
0x3c: {  	p2 =	seq.s32 s10, $0x1;
	s10 =	sld [smem:$0x3FB7]  }
0x3d: {  	_ =	shalt  }
0x3e: {  	_ =	shalt  }
0x3f: {  	_ =	shalt  }
0x40: {  	_ =	shalt  }
0x41: {  	_ =	shalt  }
0x42: {  	_ =	shalt  }
0x43: {  	_ =	shalt  }
0x44: {  	_ =	shalt  }
0x45: {  	_ =	shalt  }
0x46: {  	_ =	shalt  }
0x47: {  	_ =	shalt  }
0x48: {  	_ =	shalt  }
0x49: {  	_ =	shalt  }
0x4a: {  	_ =	shalt  }
0x4b: {  	_ =	shalt  }
0x4c: {  	_ =	shalt  }
0x4d: {  	_ =	shalt  }
0x4e: {  	_ =	shalt  }
0x4f: {  	_ =	shalt  }
0x50: {  	_ =	shalt  }
0x51: {  	_ =	shalt  }
0x52: {  	_ =	shalt  }
0x53: {  	_ =	shalt  }
0x54: {  	_ =	shalt  }
0x55: {  	_ =	shalt  }
0x56: {  	_ =	shalt  }
0x57: {  	_ =	shalt  }
0x58: {  	_ =	shalt  }
0x59: {  	_ =	shalt  }
0x5a: {  	_ =	shalt  }
0x5b: {  	_ =	shalt  }
0x5c: {  	_ =	shalt  }
0x5d: {  	_ =	shalt  }
0x5e: {  	_ =	shalt  }
0x5f: {  	_ =	shalt  }
0x60: {  	_ =	shalt  }
0x61: {  	_ =	shalt  }
0x62: {  	_ =	shalt  }
0x63: {  	_ =	shalt  }
0x64: {  	_ =	shalt  }
0x65: {  	_ =	shalt  }
0x66: {  	_ =	shalt  }
0x67: {  	_ =	shalt  }
0x68: {  	_ =	shalt  }
0x69: {  	_ =	shalt  }
0x6a: {  	_ =	shalt  }
0x6b: {  	_ =	shalt  }
0x6c: {  	_ =	shalt  }
0x6d: {  	_ =	shalt  }
0x6e: {  	_ =	shalt  }
0x6f: {  	_ =	shalt  }
0x70: {  	_ =	shalt  }
0x71: {  	_ =	shalt  }
0x72: {  	_ =	shalt  }
0x73: {  	_ =	shalt  }
0x74: {  	_ =	shalt  }
0x75: {  	_ =	shalt  }
0x76: {  	_ =	shalt  }
0x77: {  	_ =	shalt  }
0x78: {  	_ =	shalt  }
0x79: {  	_ =	shalt  }
0x7a: {  	_ =	shalt  }
0x7b: {  	_ =	shalt  }
0x7c: {  	_ =	shalt  }
0x7d: {  	_ =	shalt  }
0x7e: {  	_ =	shalt  }
0x7f: {  	_ =	shalt  }
0x80: {  	_ =	shalt  }
0x81: {  	_ =	shalt  }
0x82: {  	_ =	shalt  }
0x83: {  	_ =	shalt  }
0x84: {  	_ =	shalt  }
0x85: {  	_ =	shalt  }
0x86: {  	_ =	shalt  }
0x87: {  	_ =	shalt  }
.Lfunc_end0:
.L_simem_size_0:
called_computation.1_lowered:
.L_overlay_start_0:
0x88: {  	s2 =	sld [smem:$0x3FD9]  }
0x89: {  	s3 =	sld [smem:$0x3FFE];
	_ =	sdelay $0x1  }
0x8a: {  	s1 =	srdreg.scid  }
0x8b: {  	s0 =	sand.u32 $0x1, s1  }
0x8c: {  	s16 =	sshll.u32 s0, $0xA;
	s2 =	sadd.s32 s3, s2  }
0x8d: {  	s2 =	sadd.s32 s2, s16  }
0x8e: {  	[smem:$0x3FC3] =	sst s2  }
0x8f: {  	_ = 	snop  }
0x90: {  	(tm) =	ssettm $0x1  }
0x91: {  	s17 =	sld [smem:$0x3FFB];
	_ =	sdelay $0x3  }
0x92: {  	_ =	strace s17  }
0x93: {  	s2 =	sld [smem:$0x3FFC];
	_ =	sdelay $0x3  }
0x94: {  	_ =	strace s2  }
0x95: {  	s2 =	sld [smem:$0x3FFD];
	_ =	sdelay $0x3  }
0x96: {  	_ =	strace s2  }
0x97: {  	_ =	strace $0x8FFFFFFF  }
0x98: {  	s18 =	sld [smem:$0x3FDB];
	_ =	sdelay $0x1  }
0x99: {  	s19 =	simm.s32 $_scs_section_size  }
0x9a: {  	s4 =	simm.s32 $_size__tile_overlayer_lowered;
	s5 =	simm.s32 $_tile_overlayer_lowered  }
0x9b: {  	s22 =	simm.s32 $0x1BFF;
	s21 =	sshll.u32 s5, $0x1;
	s2 =	sadd.s32 s19, s18  }
0x9c: {  	s6 =	simm.s32 $0x0;
	s20 =	sshll.u32 s4, $0x1;
	s4 =	sadd.s32 s21, s2  }
0x9d: {  	[timem:s6], [sflag:s22] =	dma.local [hbm:s4], s20  }
0x9e: {  	_ =	swait.ge [sflag:s22], s20  }
0x9f: {  	s3 =	ssub.s32 $0x0, s20;
	[sflag:s22] =	ssyncset.done $0x0  }
0xa0: {  	[sflag:s22] =	ssyncadd.s32 s3;
	_ =	sdelay $0x1  }
0xa1: {  	s23 =	simm.s32 $0x1B8B  }
0xa2: {  	_ =	swait.ge [sflag:s23], $0x1  }
0xa3: {  	[sflag:s23] =	ssyncset.done $0x0  }
0xa4: {  	s25 =	simm.s32 $0x1B8E;
	s24 =	sld [smem:$0x3FFE];
	[sflag:s23] =	ssyncadd.s32 $0xFFFFFFFF  }
0xa5: {  	s26 =	simm.s32 $execute0_lowered;
	[smem:$0x3FD2] =	sst s25  }
0xa6: {  	s4 =	sshll.u32 s26, $0x1;
	_ =	strace $0x80000046;
	[dreg:$0x1] =	wrdreg $0xFFFFFFFF  }
0xa7: {  	s28 =	simm.s32 $_size_execute0_lowered;
	s2 =	sadd.s32 s2, s4;
	[dreg:$0x0] =	wrdreg $0x0  }
0xa8: {  	s4 =	sshll.u32 s28, $0x1;
	[dreg:$0x2] =	wrdreg s2  }
0xa9: {  	[dreg:$0x3] =	wrdreg s4  }
0xaa: {  	[dreg:$0x4] =	wrdreg $0xC0  }
0xab: {  	_ =	task [dreg:s6], $0x5FFFF  }
0xac: {  	[dreg:$0x1] =	wrdreg $0xFFFFFFFF  }
0xad: {  	[dreg:$0x0] =	wrdreg $0x60  }
0xae: {  	[dreg:$0x2] =	wrdreg s24  }
0xaf: {  	[dreg:$0x3] =	wrdreg $0x9  }
0xb0: {  	_ =	task.clear_ibuf [dreg:s6], $0x4FFFF;
	_ =	strace $0x90000046  }
0xb1: {  	s29 =	simm.s32 $0x9;
	_ =	strace $0x80000048  }
0xb2: {  	_ =	swait.ge [sflag:s29], $0x1  }
0xb3: {  	[sflag:s29] =	ssyncadd.s32 $0xFFFFFFFF  }
0xb4: {  	_ =	strace $0x90000048  }
0xb5: {  	_ =	sfence  }
0xb6: {  	s30 =	sld [smem:$0x0];
	_ =	sdelay $0x2  }
0xb7: {  	s31 =	sshll.u32 s1, $0xD;
	s1 =	sshrl.u32 s1, $0x2  }
0xb8: {  	s3 =	sand.u32 $0x4000, s31;
	s1 =	sadd.s32 s1, s30  }
0xb9: {  	s0 =	sor.u32 s3, s0;
	s1 =	sshll.u32 s1, $0x11  }
0xba: {  	s0 =	sor.u32 s1, s0  }
0xbb: {  	s0 =	sadd.s32 $0x8F2B, s0  }
0xbc: {  	[sflag:s0] =	ssyncadd.remote.s32 $0x1  }
0xbd: {  	_ =	sfence.sel $0xFFFF  }
0xbe: {  	[dreg:$0x0] =	wrdreg $0xFFFFFFFF;
	(pc) =	sbr.abs _section_cstart, $3  }
0xbf: {  	[dreg:$0x1] =	wrdreg $0xFFFFFFFF  }
0xc0: {  	_ =	task.clear_ibuf [dreg:s6], $0x2FFFF;
	_ =	strace $0x9FFFFFFF  }
0xc1: {  	(tm) =	ssettm $0x7FFFFFFF  }
tec
execute0_lowered:
.L_overlay_start_1:
0x0: {  	(tag) =	ssettag $0x1  }
0x1: {  	s0 =	srdreg.scid;
	s1 =	stileid.u32  }
0x2: {  	s6 =	sand.u32 $0x1, s0;
	s22 =	sshll.u32 s1, $0x1  }
0x3: {  	s1 =	sor.u32 s6, s22  }
0x4: {  	s0 =	smul.u32 $0x6400, s1  }
0x5: {  	v0 =	vlaneseq.u32  }
0x6: {  	v1 =	vor.u32 s0, v0;
	s2 =	sor.u32 $0x10, s0  }
0x7: {  	s23 =	sor.u32 $0x20, s0;
	v2 =	vmulhi.u32 $0x51EB851F, v1;
	v3 =	vor.u32 s2, v0  }
0x8: {  	s25 =	sor.u32 $0x40, s0;
	v5 =	vor.u32 s23, v0;
	v4 =	vmulhi.u32 $0x51EB851F, v3  }
0x9: {  	s14 =	sadd.s32 $0x6330, s0;
	v8 =	vor.u32 s25, v0;
	v6 =	vmulhi.u32 $0x51EB851F, v5  }
0xa: {  	s22 =	sadd.s32 $0x63B0, s0;
	v24 =	vor.u32 s14, v0;
	v9 =	vmulhi.u32 $0x51EB851F, v8;
	v2 =	vshrl.u32 v2, $0x6  }
0xb: {  	s26 =	sor.u32 $0x50, s0;
	v31 =	vor.u32 s22, v0;
	v25 =	vmulhi.u32 $0x51EB851F, v24;
	v2 =	vmul.u32 $0xC8, v2  }
0xc: {  	v10 =	vor.u32 s26, v0;
	v32 =	vmulhi.u32 $0x51EB851F, v31  }
0xd: {  	s24 =	sor.u32 $0x30, s0;
	v1 =	vsub.s32 v1, v2;
	v2 =	vshrl.u32 v4, $0x6;
	v4 =	vshrl.u32 v6, $0x6  }
0xe: {  	s28 =	sor.u32 $0x60, s0;
	s3 =	sor.u32 $0x80, s0;
	v6 =	vor.u32 s24, v0;
	v2 =	vmul.u32 $0xC8, v2;
	v4 =	vmul.u32 $0xC8, v4  }
0xf: {  	v11 =	vor.u32 s28, v0;
	v15 =	vor.u32 s3, v0;
	v7 =	vmulhi.u32 $0x51EB851F, v6  }
0x10: {  	v2 =	vsub.s32 v3, v2;
	v3 =	vsub.s32 v5, v4;
	v4 =	vmulhi.u32 $0x51EB851F, v10  }
0x11: {  	v5 =	vshrl.u32 v7, $0x6;
	v7 =	vshrl.u32 v9, $0x6;
	v9 =	vmulhi.u32 $0x51EB851F, v11  }
0x12: {  	s29 =	sor.u32 $0x70, s0;
	v5 =	vmul.u32 $0xC8, v5;
	v7 =	vmul.u32 $0xC8, v7;
	v4 =	vshrl.u32 v4, $0x6  }
0x13: {  	s7 =	sor.u32 $0xB0, s0;
	v12 =	vmul.u32 $0xC8, v4;
	v4 =	vshrl.u32 v9, $0x6;
	v9 =	vor.u32 s29, v0  }
0x14: {  	v16 =	vor.u32 s7, v0;
	v13 =	vmul.u32 $0xC8, v4;
	v14 =	vmulhi.u32 $0x51EB851F, v9  }
0x15: {  	v4 =	vsub.s32 v6, v5;
	v5 =	vsub.s32 v8, v7;
	v8 =	vmulhi.u32 $0x51EB851F, v15  }
0x16: {  	s4 =	sor.u32 $0x90, s0;
	v6 =	vsub.s32 v10, v12;
	v7 =	vsub.s32 v11, v13;
	v10 =	vshrl.u32 v14, $0x6  }
0x17: {  	s5 =	sor.u32 $0xA0, s0;
	v8 =	vshrl.u32 v8, $0x6;
	v11 =	vor.u32 s4, v0;
	v10 =	vmul.u32 $0xC8, v10  }
0x18: {  	s10 =	sor.u32 $0xE0, s0;
	v14 =	vor.u32 s5, v0;
	v12 =	vmul.u32 $0xC8, v8;
	v13 =	vmulhi.u32 $0x51EB851F, v11  }
0x19: {  	s8 =	sor.u32 $0xC0, s0;
	v21 =	vor.u32 s10, v0;
	v8 =	vsub.s32 v9, v10;
	v10 =	vmulhi.u32 $0x51EB851F, v14  }
0x1a: {  	v9 =	vsub.s32 v15, v12;
	v12 =	vmulhi.u32 $0x51EB851F, v16;
	v15 =	vor.u32 s8, v0  }
0x1b: {  	v13 =	vshrl.u32 v13, $0x6;
	v17 =	vmulhi.u32 $0x51EB851F, v15;
	v10 =	vshrl.u32 v10, $0x6  }
0x1c: {  	s9 =	sor.u32 $0xD0, s0;
	v13 =	vmul.u32 $0xC8, v13;
	v18 =	vmul.u32 $0xC8, v10;
	v10 =	vshrl.u32 v12, $0x6  }
0x1d: {  	s12 =	sadd.s32 $0x6310, s0;
	v12 =	vmul.u32 $0xC8, v10;
	v10 =	vshrl.u32 v17, $0x6;
	v17 =	vor.u32 s9, v0  }
0x1e: {  	v22 =	vor.u32 s12, v0;
	v19 =	vmul.u32 $0xC8, v10;
	v20 =	vmulhi.u32 $0x51EB851F, v17  }
0x1f: {  	v10 =	vsub.s32 v11, v13;
	v11 =	vsub.s32 v14, v18;
	v14 =	vmulhi.u32 $0x51EB851F, v21  }
0x20: {  	s11 =	sor.u32 $0xF0, s0;
	v12 =	vsub.s32 v16, v12;
	v13 =	vsub.s32 v15, v19;
	v15 =	vshrl.u32 v20, $0x6  }
0x21: {  	s8 =	sadd.s32 $0x6300, s0;
	v16 =	vor.u32 s11, v0;
	v14 =	vshrl.u32 v14, $0x6;
	v15 =	vmul.u32 $0xC8, v15  }
0x22: {  	s15 =	sadd.s32 $0x6340, s0;
	v19 =	vmulhi.u32 $0x51EB851F, v16;
	v20 =	vor.u32 s8, v0;
	v18 =	vmul.u32 $0xC8, v14  }
0x23: {  	s13 =	sadd.s32 $0x6320, s0;
	v26 =	vor.u32 s15, v0;
	v14 =	vsub.s32 v17, v15;
	v17 =	vmulhi.u32 $0x51EB851F, v20  }
0x24: {  	s19 =	sadd.s32 $0x6390, s0;
	v15 =	vsub.s32 v21, v18;
	v18 =	vmulhi.u32 $0x51EB851F, v22;
	v21 =	vor.u32 s13, v0  }
0x25: {  	v30 =	vor.u32 s19, v0;
	s23 =	sadd.s32 $0x63C0, s0;
	v19 =	vshrl.u32 v19, $0x6;
	v23 =	vmulhi.u32 $0x51EB851F, v21  }
0x26: {  	v33 =	vor.u32 s23, v0;
	v19 =	vmul.u32 $0xC8, v19;
	v17 =	vshrl.u32 v17, $0x6  }
0x27: {  	s15 =	sadd.s32 $0x63E0, s0;
	v18 =	vshrl.u32 v18, $0x6;
	v17 =	vmul.u32 $0xC8, v17;
	v23 =	vshrl.u32 v23, $0x6  }
0x28: {  	v36 =	vor.u32 s15, v0;
	v18 =	vmul.u32 $0xC8, v18;
	v23 =	vmul.u32 $0xC8, v23  }
0x29: {  	v16 =	vsub.s32 v16, v19;
	v17 =	vsub.s32 v20, v17;
	v20 =	vmulhi.u32 $0x51EB851F, v26  }
0x2a: {  	s3 =	sadd.s32 $0x6350, s0;
	v18 =	vsub.s32 v22, v18;
	v19 =	vsub.s32 v21, v23;
	v21 =	vshrl.u32 v25, $0x6  }
0x2b: {  	s30 =	simm.s32 $0x2;
	s31 =	simm.s32 $0x3;
	s4 =	sadd.s32 $0x6360, s0;
	v22 =	vor.u32 s3, v0;
	v21 =	vmul.u32 $0xC8, v21;
	v20 =	vshrl.u32 v20, $0x6  }
0x2c: {  	s21 =	sadd.s32 $0x63A0, s0;
	s7 =	rddreg [dreg:$0x0];
	v27 =	vor.u32 s4, v0;
	s9 =	sadd.s32 $0x6370, s0;
	v25 =	vmulhi.u32 $0x51EB851F, v22;
	v23 =	vmul.u32 $0xC8, v20  }
0x2d: {  	s2 =	simm.s32 $0x0;
	s10 =	ssub.s32 $0x2, s6;
	s12 =	sadd.s32 $0x6380, s0;
	v28 =	vor.u32 s9, v0;
	v20 =	vsub.s32 v24, v21;
	v24 =	vmulhi.u32 $0x51EB851F, v27  }
0x2e: {  	s14 =	sor.u32 $0x200, s0;
	s19 =	simm.s32 $0x200;
	s22 =	simm.s32 $0x1;
	v21 =	vsub.s32 v26, v23;
	v23 =	vshrl.u32 v25, $0x6;
	v25 =	vmulhi.u32 $0x51EB851F, v28  }
0x2f: {  	[smem:$0x7FF] =	sst s2;
	s16 =	sshrl.u32 s10, $0x1;
	s6 =	sadd.s32 $0x2800, s7;
	v26 =	vor.u32 s12, v0;
	v23 =	vmul.u32 $0xC8, v23;
	v24 =	vshrl.u32 v24, $0x6  }
0x30: {  	s23 =	simm.s32 $0x80;
	s15 =	simm.s32 $0x40;
	s24 =	sadd.s32 $0x63D0, s0;
	v29 =	vmulhi.u32 $0x51EB851F, v26;
	v24 =	vmul.u32 $0xC8, v24;
	v25 =	vshrl.u32 v25, $0x6  }
0x31: {  	_ =	strace $0x80000047;
	v35 =	vor.u32 s24, v0;
	s24 =	simm.s32 $0x400;
	s9 =	ssub.s32 s10, s16;
	v22 =	vsub.s32 v22, v23;
	v25 =	vmul.u32 $0xC8, v25  }
0x32: {  	s11 =	smul.u32 $0xC80, s1;
	s12 =	sor.u32 $0x100, s0;
	s0 =	sadd.s32 $0x63F0, s0;
	v23 =	vsub.s32 v27, v24;
	v27 =	vshrl.u32 v29, $0x6;
	v29 =	vmulhi.u32 $0x51EB851F, v30  }
0x33: {  	v34 =	vmulhi.u32 $0x51EB851F, v33;
	s5 =	sadd.s32 $0x1B800, s7;
	s4 =	sadd.s32 $0xE00, s7;
	s29 =	smax.u32 s9, $0x1;
	v37 =	vor.u32 s0, v0  }
0x34: {  	[dreg:$0x8] =	wrdreg s29;
	s17 =	sadd.s32 s5, s11;
	s18 =	sor.u32 $0x20, s11;
	v38 =	vmulhi.u32 $0x51EB851F, v37;
	v24 =	vsub.s32 v28, v25;
	v28 =	vshrl.u32 v29, $0x6  }
0x35: {  	s9 =	simm.s32 $0x6400;
	[dreg:$0x2] =	wrdreg s17;
	s20 =	sadd.s32 s5, s18;
	v25 =	vmul.u32 $0xC8, v27;
	v27 =	vor.u32 s21, v0;
	v28 =	vmul.u32 $0xC8, v28  }
0x36: {  	v32 =	vshrl.u32 v32, $0x6;
	s8 =	sshll.u32 s8, $0x4;
	s10 =	sadd.s32 s6, s18;
	[dreg:$0x4] =	wrdreg s20;
	v29 =	vmulhi.u32 $0x51EB851F, v27  }
0x37: {  	s18 =	sor.u32 $0x60, s11;
	s13 =	sadd.s32 s6, s11;
	[dreg:$0x5] =	wrdreg s10;
	v25 =	vsub.s32 v26, v25;
	v26 =	vsub.s32 v30, v28;
	v28 =	vmulhi.u32 $0x51EB851F, v35  }
0x38: {  	v34 =	vshrl.u32 v34, $0x6;
	v32 =	vmul.u32 $0xC8, v32;
	s17 =	simm.s32 $0x5;
	[dreg:$0x3] =	wrdreg s13;
	s13 =	smul.u32 $0x320000, s1;
	v30 =	vmulhi.u32 $0x51EB851F, v36  }
0x39: {  	v34 =	vmul.u32 $0xC8, v34;
	s20 =	simm.s32 $0x100;
	s10 =	simm.s32 $0x380;
	s11 =	simm.s32 $0xE400;
	v38 =	vshrl.u32 v38, $0x6;
	v29 =	vshrl.u32 v29, $0x6  }
0x3a: {  	s16 =	sshrl.u32 s13, $0x3;
	s3 =	sadd.s32 $0x34800, s7;
	s7 =	sadd.s32 $0xF7E00, s7;
	v29 =	vmul.u32 $0xC8, v29;
	v28 =	vshrl.u32 v28, $0x6;
	v30 =	vshrl.u32 v30, $0x6  }
0x3b: {  	s1 =	simm.s32 $0x4400;
	s25 =	sadd.s32 s7, s16;
	s28 =	sadd.s32 s7, s8;
	v38 =	vmul.u32 $0xC8, v38;
	v39 =	vmul.u32 $0xC8, v28;
	v40 =	vmul.u32 $0xC8, v30  }
0x3c: {  	s16 =	simm.s32 $0x4;
	s26 =	sadd.s32 $0x62000, s25;
	[dreg:$0x7] =	wrdreg s28;
	v27 =	vsub.s32 v27, v29;
	v29 =	vsub.s32 v33, v34;
	v28 =	vsub.s32 v31, v32  }
0x3d: {  	s8 =	simm.s32 $0x0;
	[dreg:$0x6] =	wrdreg s26;
	s21 =	simm.s32 $0x300;
	v32 =	vsub.s32 v37, v38;
	v30 =	vsub.s32 v35, v39;
	v31 =	vsub.s32 v36, v40  }
.LBB2_1:
0x3e: {  	[dreg:$0x9] =	wrdreg s8  }
0x3f: {  	s0 =	rddreg [dreg:$0x2]  }
0x40: {  	[tilespmem:s2], [sflag:$0x1] =	stream.linear.gather [hbm4b:s0+s2], $0x100, $0x38;
	[tilespmem:$0x10400] =	vst v63  }
0x41: {  	s28 =	rddreg [dreg:$0x3]  }
0x42: {  	[tilespmem:s19], [sflag:$0x1] =	stream.linear.gather [hbm4b:s28+s2], $0x100, $0x38;
	[tilespmem:$0x10400] =	vst v63  }
0x43: {  	s29 =	rddreg [dreg:$0x4]  }
0x44: {  	[tilespmem:s20], [sflag:$0x2] =	stream.linear.gather [hbm4b:s29+s2], $0x100, $0x38;
	[tilespmem:$0x10400] =	vst v63  }
0x45: {  	s8 =	rddreg [dreg:$0x5]  }
0x46: {  	[tilespmem:s21], [sflag:$0x2] =	stream.linear.gather [hbm4b:s8+s2], $0x100, $0x38;
	[tilespmem:$0x10400] =	vst v63  }
0x47: {  	_ =	swait.ge [sflag:s22], $0x100  }
0x48: {  	[sflag:s22] =	ssyncset.done $0x0  }
0x49: {  	[sflag:s22] =	ssyncadd.s32 $0xFFFFFF00  }
0x4a: {  	_ =	swait.ge [sflag:s22], $0x100  }
0x4b: {  	[sflag:s22] =	ssyncset.done $0x0  }
0x4c: {  	[sflag:s22] =	ssyncadd.s32 $0xFFFFFF00  }
0x4d: {  	v33 =	vld [tilespmem:$0x200]  }
0x4e: {  	v34 =	vld [tilespmem:$0x210]  }
0x4f: {  	v35 =	vld [tilespmem:$0x220]  }
0x50: {  	v36 =	vld [tilespmem:$0x230]  }
0x51: {  	v37 =	vld [tilespmem:$0x240]  }
0x52: {  	v38 =	vld [tilespmem:$0x250];
	v33 =	vmul.u32 $0xC8, v33  }
0x53: {  	v39 =	vld [tilespmem:$0x260];
	v34 =	vmul.u32 $0xC8, v34  }
0x54: {  	v40 =	vld [tilespmem:$0x270];
	v35 =	vmul.u32 $0xC8, v35;
	v33 =	vadd.s32 v1, v33  }
0x55: {  	v51 =	vld [tilespmem:$0x280];
	v50 =	vmul.u32 $0xC8, v36;
	v49 =	vadd.s32 v2, v34;
	[tilespmem:$0x200] =	vst v33  }
0x56: {  	v54 =	vld [tilespmem:$0x290];
	v53 =	vmul.u32 $0xC8, v37;
	v52 =	vadd.s32 v3, v35;
	[tilespmem:$0x210] =	vst v49  }
0x57: {  	v57 =	vld [tilespmem:$0x2A0];
	v56 =	vmul.u32 $0xC8, v38;
	v55 =	vadd.s32 v4, v50;
	[tilespmem:$0x220] =	vst v52  }
0x58: {  	v60 =	vld [tilespmem:$0x2B0];
	v59 =	vmul.u32 $0xC8, v39;
	v58 =	vadd.s32 v5, v53;
	[tilespmem:$0x230] =	vst v55  }
0x59: {  	v45 =	vld [tilespmem:$0x2D0];
	v62 =	vmul.u32 $0xC8, v40;
	v61 =	vadd.s32 v6, v56;
	[tilespmem:$0x240] =	vst v58  }
0x5a: {  	v48 =	vld [tilespmem:$0x2E0];
	v44 =	vmul.u32 $0xC8, v51;
	v43 =	vadd.s32 v7, v59;
	[tilespmem:$0x250] =	vst v61  }
0x5b: {  	v63 =	vld [tilespmem:$0x2C0];
	v47 =	vmul.u32 $0xC8, v54;
	v46 =	vadd.s32 v8, v62;
	[tilespmem:$0x260] =	vst v43  }
0x5c: {  	v51 =	vld [tilespmem:$0x2F0];
	v50 =	vmul.u32 $0xC8, v57;
	[tilespmem:$0x270] =	vst v46;
	v49 =	vadd.s32 v9, v44  }
0x5d: {  	v53 =	vmul.u32 $0xC8, v60;
	v52 =	vadd.s32 v10, v47;
	[tilespmem:$0x280] =	vst v49  }
0x5e: {  	v57 =	vmul.u32 $0xC8, v45;
	[tilespmem:$0x290] =	vst v52;
	v54 =	vadd.s32 v11, v50  }
0x5f: {  	v59 =	vmul.u32 $0xC8, v48;
	v56 =	vadd.s32 v12, v53;
	[tilespmem:$0x2A0] =	vst v54  }
0x60: {  	v55 =	vmul.u32 $0xC8, v63;
	v60 =	vadd.s32 v14, v57;
	[tilespmem:$0x2B0] =	vst v56  }
0x61: {  	v62 =	vadd.s32 v15, v59;
	v61 =	vmul.u32 $0xC8, v51;
	[tilespmem:$0x2D0] =	vst v60  }
0x62: {  	v58 =	vadd.s32 v13, v55;
	[tilespmem:$0x2E0] =	vst v62  }
0x63: {  	[tilespmem:$0x2C0] =	vst v58;
	v63 =	vadd.s32 v16, v61  }
0x64: {  	[tilespmem:$0x2F0] =	vst v63  }
0x65: {  	[tilespmem:s24], [sflag:$0x3] =	stream.indirect.gather [hbm4b:s3+s23], $0x40, s2, s23, $0xb8;
	[tilespmem:$0x10400] =	vst v63  }
0x66: {  	s25 =	simm.s32 $0x8400  }
0x67: {  	[tilespmem:s25], [sflag:$0x3] =	stream.indirect.gather [hbm4b:s4+s23], $0x40, s19, s23, $0xb8;
	[tilespmem:$0x10400] =	vst v63  }
0x68: {  	s26 =	simm.s32 $0x2400  }
0x69: {  	[tilespmem:s26], [sflag:$0x3] =	stream.indirect.gather [hbm4b:s3+s23], $0x40, s23, s23, $0xb8;
	[tilespmem:$0x10400] =	vst v63  }
0x6a: {  	s28 =	simm.s32 $0x280;
	s29 =	simm.s32 $0xA400;
	s25 =	simm.s32 $0x0  }
0x6b: {  	[tilespmem:s29], [sflag:$0x3] =	stream.indirect.gather [hbm4b:s4+s23], $0x40, s28, s23, $0xb8;
	[tilespmem:$0x10400] =	vst v63  }
.LBB2_2:
0x6c: {  	_ =	swait.ge [sflag:s30], $0x100  }
0x6d: {  	[sflag:s30] =	ssyncset.done $0x0  }
0x6e: {  	s28 =	sshll.u32 s25, $0x9;
	[sflag:s30] =	ssyncadd.s32 $0xFFFFFF00  }
0x6f: {  	s26 =	sadd.s32 s28, s12;
	_ =	swait.ge [sflag:s30], $0x100  }
0x70: {  	v33 =	vor.u32 s26, v0;
	s0 =	sor.u32 $0x10, s26;
	[sflag:s30] =	ssyncset.done $0x0  }
0x71: {  	s8 =	sor.u32 $0x20, s26;
	v34 =	vmulhi.u32 $0x51EB851F, v33;
	v36 =	vor.u32 s0, v0;
	[sflag:s30] =	ssyncadd.s32 $0xFFFFFF00  }
0x72: {  	v39 =	vor.u32 s8, v0;
	s8 =	sor.u32 $0x30, s26;
	v38 =	vmulhi.u32 $0x51EB851F, v36;
	v35 =	vld [tilespmem:$0x300]  }
0x73: {  	v60 =	vmulhi.u32 $0x51EB851F, v39;
	v41 =	vor.u32 s8, v0;
	s8 =	sor.u32 $0x40, s26;
	v37 =	vld [tilespmem:$0x310]  }
0x74: {  	v34 =	vshrl.u32 v34, $0x6;
	v43 =	vmulhi.u32 $0x51EB851F, v41;
	v63 =	vor.u32 s8, v0;
	v40 =	vld [tilespmem:$0x320]  }
0x75: {  	s8 =	sor.u32 $0x50, s26;
	v34 =	vmul.u32 $0xC8, v34;
	v59 =	vshrl.u32 v38, $0x6;
	v42 =	vld [tilespmem:$0x330];
	v38 =	vshrl.u32 v60, $0x6  }
0x76: {  	v48 =	vld [tilespmem:$0x340];
	v49 =	vmulhi.u32 $0x51EB851F, v63;
	v50 =	vor.u32 s8, v0;
	s8 =	sor.u32 $0x60, s26;
	v61 =	vmul.u32 $0xC8, v38  }
0x77: {  	v44 =	vld [tilespmem:$0x350];
	v51 =	vmulhi.u32 $0x51EB851F, v50;
	v53 =	vor.u32 s8, v0;
	s8 =	sor.u32 $0x70, s26;
	v33 =	vsub.s32 v33, v34  }
0x78: {  	v46 =	vld [tilespmem:$0x380];
	v34 =	vmul.u32 $0xC8, v59;
	v56 =	vmulhi.u32 $0x51EB851F, v53;
	v58 =	vor.u32 s8, v0  }
0x79: {  	v62 =	vshrl.u32 v43, $0x6;
	v52 =	vshrl.u32 v51, $0x6;
	v59 =	vmulhi.u32 $0x51EB851F, v58  }
0x7a: {  	v34 =	vsub.s32 v36, v34;
	v36 =	vmul.u32 $0xC8, v62;
	v55 =	vmul.u32 $0xC8, v52  }
0x7b: {  	v54 =	vld [tilespmem:$0x360];
	v35 =	vmul.u32 $0xC8, v35;
	v37 =	vmul.u32 $0xC8, v37;
	v40 =	vmul.u32 $0xC8, v40  }
0x7c: {  	v42 =	vmul.u32 $0xC8, v42;
	v38 =	vmul.u32 $0xC8, v48;
	v57 =	vmul.u32 $0xC8, v44  }
0x7d: {  	v43 =	vshrl.u32 v59, $0x6;
	v46 =	vmul.u32 $0xC8, v46;
	v36 =	vsub.s32 v41, v36  }
0x7e: {  	v62 =	vmul.u32 $0xC8, v43;
	v33 =	vadd.s32 v33, v35;
	v34 =	vadd.s32 v34, v37  }
0x7f: {  	s8 =	sor.u32 $0x80, s26;
	v35 =	vsub.s32 v39, v61;
	v39 =	vshrl.u32 v49, $0x6;
	v36 =	vadd.s32 v36, v42  }
0x80: {  	v45 =	vld [tilespmem:$0x370];
	v61 =	vor.u32 s8, v0;
	v42 =	vmul.u32 $0xC8, v54;
	v39 =	vmul.u32 $0xC8, v39  }
0x81: {  	v52 =	vld [tilespmem:$0x3B0];
	v35 =	vadd.s32 v35, v40;
	v40 =	vshrl.u32 v56, $0x6;
	v47 =	vmulhi.u32 $0x51EB851F, v61  }
0x82: {  	s8 =	sor.u32 $0x90, s26;
	v41 =	vsub.s32 v58, v62;
	v60 =	vmul.u32 $0xC8, v40;
	v37 =	vsub.s32 v63, v39  }
0x83: {  	v58 =	vld [tilespmem:$0x390];
	v39 =	vsub.s32 v50, v55;
	v63 =	vor.u32 s8, v0;
	v55 =	vshrl.u32 v47, $0x6  }
0x84: {  	s8 =	sor.u32 $0xA0, s26;
	v37 =	vadd.s32 v37, v38;
	v38 =	vadd.s32 v39, v57;
	v39 =	vsub.s32 v53, v60  }
0x85: {  	v56 =	vmulhi.u32 $0x51EB851F, v63;
	v57 =	vmul.u32 $0xC8, v45;
	v48 =	vor.u32 s8, v0  }
0x86: {  	v49 =	vld [tilespmem:$0x3A0];
	s8 =	sor.u32 $0xB0, s26;
	v53 =	vmul.u32 $0xC8, v52;
	v39 =	vadd.s32 v39, v42;
	v42 =	vmul.u32 $0xC8, v55  }
0x87: {  	v50 =	vmulhi.u32 $0x51EB851F, v48;
	v51 =	vor.u32 s8, v0;
	v47 =	vshrl.u32 v56, $0x6  }
0x88: {  	s8 =	sor.u32 $0xC0, s26;
	v41 =	vadd.s32 v41, v57;
	v59 =	vmulhi.u32 $0x51EB851F, v51;
	v62 =	vmul.u32 $0xC8, v58  }
0x89: {  	[tilespmem:$0x300] =	vst v33;
	v44 =	vor.u32 s8, v0;
	s8 =	sor.u32 $0xD0, s26;
	v47 =	vmul.u32 $0xC8, v47;
	v40 =	vsub.s32 v61, v42  }
0x8a: {  	[tilespmem:$0x310] =	vst v34;
	v61 =	vshrl.u32 v50, $0x6;
	v54 =	vmulhi.u32 $0x51EB851F, v44;
	v57 =	vor.u32 s8, v0  }
0x8b: {  	[tilespmem:$0x330] =	vst v36;
	v43 =	vmul.u32 $0xC8, v61;
	v60 =	vsub.s32 v63, v47;
	v63 =	vmul.u32 $0xC8, v49;
	v49 =	vld [tilespmem:$0x3C0]  }
0x8c: {  	[tilespmem:$0x320] =	vst v35;
	v33 =	vadd.s32 v40, v46;
	v42 =	vshrl.u32 v59, $0x6;
	v59 =	vmulhi.u32 $0x51EB851F, v57  }
0x8d: {  	[tilespmem:$0x340] =	vst v37;
	v58 =	vld [tilespmem:$0x3D0];
	s8 =	sor.u32 $0xE0, s26;
	v42 =	vmul.u32 $0xC8, v42;
	v56 =	vshrl.u32 v54, $0x6;
	v50 =	vsub.s32 v48, v43  }
0x8e: {  	[tilespmem:$0x350] =	vst v38;
	v34 =	vadd.s32 v60, v62;
	v37 =	vmul.u32 $0xC8, v56;
	v60 =	vor.u32 s8, v0  }
0x8f: {  	[tilespmem:$0x360] =	vst v39;
	v61 =	vld [tilespmem:$0x3E0];
	s8 =	sor.u32 $0xF0, s26;
	v35 =	vadd.s32 v50, v63;
	v55 =	vsub.s32 v51, v42;
	v63 =	vmulhi.u32 $0x51EB851F, v60  }
0x90: {  	[tilespmem:$0x370] =	vst v41;
	v48 =	vor.u32 s8, v0;
	v51 =	vshrl.u32 v59, $0x6;
	v62 =	vmul.u32 $0xC8, v49;
	v49 =	vld [tilespmem:$0x3F0]  }
0x91: {  	[tilespmem:$0x380] =	vst v33;
	v36 =	vadd.s32 v55, v53;
	v52 =	vmulhi.u32 $0x51EB851F, v48;
	v53 =	vmul.u32 $0xC8, v51  }
0x92: {  	[tilespmem:$0x390] =	vst v34;
	v50 =	vsub.s32 v44, v37;
	v55 =	vmul.u32 $0xC8, v58;
	v54 =	vshrl.u32 v63, $0x6  }
0x93: {  	[tilespmem:$0x3A0] =	vst v35;
	v37 =	vmul.u32 $0xC8, v54;
	v39 =	vshrl.u32 v52, $0x6;
	v34 =	vsub.s32 v57, v53  }
0x94: {  	[tilespmem:$0x3B0] =	vst v36;
	v56 =	vmul.u32 $0xC8, v61;
	v57 =	vmul.u32 $0xC8, v39;
	v58 =	vadd.s32 v34, v55  }
0x95: {  	v33 =	vadd.s32 v50, v62;
	v59 =	vsub.s32 v60, v37;
	[tilespmem:$0x3D0] =	vst v58;
	v60 =	vmul.u32 $0xC8, v49  }
0x96: {  	[tilespmem:$0x3C0] =	vst v33;
	v61 =	vadd.s32 v59, v56;
	v62 =	vsub.s32 v48, v57  }
0x97: {  	[tilespmem:$0x3E0] =	vst v61;
	v63 =	vadd.s32 v62, v60  }
0x98: {  	[tilespmem:$0x3F0] =	vst v63  }
0x99: {  	_ =	swait.ge [sflag:s31], $0x2000  }
0x9a: {  	[sflag:s31] =	ssyncset.done $0x0  }
0x9b: {  	[sflag:s31] =	ssyncadd.s32 $0xFFFFE000  }
0x9c: {  	_ =	swait.ge [sflag:s31], $0x2000  }
0x9d: {  	[sflag:s31] =	ssyncset.done $0x0  }
0x9e: {  	[sflag:s31] =	ssyncadd.s32 $0xFFFFE000  }
0x9f: {  	_ =	swait.ge [sflag:s31], $0x2000  }
0xa0: {  	[sflag:s31] =	ssyncset.done $0x0  }
0xa1: {  	[sflag:s31] =	ssyncadd.s32 $0xFFFFE000  }
0xa2: {  	s28 =	sadd.s32 s28, s14;
	_ =	swait.ge [sflag:s31], $0x2000  }
0xa3: {  	s8 =	sshrl.u32 s28, $0x3;
	[sflag:s31] =	ssyncset.done $0x0  }
0xa4: {  	s29 =	sadd.s32 s5, s8;
	[sflag:s31] =	ssyncadd.s32 $0xFFFFE000  }
0xa5: {  	[tilespmem:s2], [sflag:$0x1] =	stream.linear.gather [hbm4b:s29+s2], $0x100, $0x38;
	[tilespmem:$0x10400] =	vst v63  }
0xa6: {  	p0 =	seq.s32 s25, $0x0;
	s0 =	sadd.s32 s6, s8  }
0xa7: {  	[tilespmem:s19], [sflag:$0x1] =	stream.linear.gather [hbm4b:s0+s2], $0x100, $0x38;
	[tilespmem:$0x10400] =	vst v63  }
0xa8: {  	s0 =	simm.s32 @!p0 $0x6  }
0xa9: {  	_ =	swait.ge @!p0 [sflag:s0], $0x4000  }
0xaa: {  	[sflag:s0] =	ssyncset.done @!p0 $0x0  }
0xab: {  	[sflag:s0] =	ssyncadd.s32 @!p0 $0xFFFFC000  }
0xac: {  	[tilespmem:s1], [sflag:$0x4] =	stream.indirect.gather [hbm4b:s3+s23], $0x40, s20, s23, $0xb8;
	[tilespmem:$0x10400] =	vst v63  }
0xad: {  	s8 =	simm.s32 $0xC400  }
0xae: {  	[tilespmem:s8], [sflag:$0x4] =	stream.indirect.gather [hbm4b:s4+s23], $0x40, s21, s23, $0xb8;
	[tilespmem:$0x10400] =	vst v63  }
0xaf: {  	s8 =	simm.s32 $0x180  }
0xb0: {  	[tilespmem:s9], [sflag:$0x4] =	stream.indirect.gather [hbm4b:s3+s23], $0x40, s8, s23, $0xb8;
	[tilespmem:$0x10400] =	vst v63  }
0xb1: {  	s29 =	simm.s32 $0x0  }
0xb2: {  	[tilespmem:s11], [sflag:$0x4] =	stream.indirect.gather [hbm4b:s4+s23], $0x40, s10, s23, $0xb8;
	[tilespmem:$0x10400] =	vst v63  }
0xb3: {  	v35 =	vld [tilespmem:s29+$0x8400]  }
0xb4: {  	v36 =	vld [tilespmem:s29+$0x8410]  }
0xb5: {  	v34 =	vld [tilespmem:s29+$0x8420]  }
0xb6: {  	v33 =	vld [tilespmem:s29+$0x8430]  }
0xb7: {  	v38 =	vld [tilespmem:s29+$0x400]  }
0xb8: {  	v39 =	vld [tilespmem:s29+$0x410]  }
0xb9: {  	s0 =	simm.s32 $0x100;
	v37 =	vld [tilespmem:s29+$0x420]  }
.LBB2_3:
0xba: {  	p0 =	sne.s32 s0, $0xFF00;
	v40 =	vld [tilespmem:s29+$0x430];
	_ =	sdelay $0x1  }
0xbb: {  	s8 =	sshra.s32 s0, $0x2;
	v38 =	vadd.f32 v35, v38  }
0xbc: {  	v35 =	vld [tilespmem:s8+$0x8400];
	v39 =	vadd.f32 v36, v39  }
0xbd: {  	v36 =	vld [tilespmem:s8+$0x8410];
	v38 =	vmul.f32 $3.333333430e-01, v38;
	v37 =	vadd.f32 v34, v37  }
.Ltmp0:
0xbe: {  	v34 =	vld [tilespmem:s8+$0x8420];
	v39 =	vmul.f32 $3.333333430e-01, v39;
	v40 =	vadd.f32 v33, v40;
	(pc) =	sbr.rel @p0 .LBB2_3-.Ltmp0, $4  }
0xbf: {  	v33 =	vld [tilespmem:s8+$0x8430];
	[tilespmem:s29+$0x400] =	vst v38;
	v37 =	vmul.f32 $3.333333430e-01, v37  }
0xc0: {  	v38 =	vld [tilespmem:s8+$0x400];
	[tilespmem:s29+$0x410] =	vst v39;
	v40 =	vmul.f32 $3.333333430e-01, v40  }
0xc1: {  	v39 =	vld [tilespmem:s8+$0x410];
	[tilespmem:s29+$0x420] =	vst v37  }
0xc2: {  	s0 =	sadd.s32 $0x100, s0;
	v37 =	vld [tilespmem:s8+$0x420];
	[tilespmem:s29+$0x430] =	vst v40;
	s29 =	smov.u32 s8  }
0xc3: {  	v40 =	vld [tilespmem:s29+$0x430];
	_ =	sdelay $0x1  }
0xc4: {  	v35 =	vadd.f32 v35, v38  }
0xc5: {  	v36 =	vadd.f32 v36, v39  }
0xc6: {  	v35 =	vmul.f32 $3.333333430e-01, v35;
	v34 =	vadd.f32 v34, v37  }
0xc7: {  	v36 =	vmul.f32 $3.333333430e-01, v36;
	v33 =	vadd.f32 v33, v40  }
0xc8: {  	s0 =	sshll.u32 s25, $0x10;
	[tilespmem:s29+$0x400] =	vst v35;
	v34 =	vmul.f32 $3.333333430e-01, v34  }
0xc9: {  	s0 =	sadd.s32 s13, s0;
	[tilespmem:s29+$0x410] =	vst v36;
	v33 =	vmul.f32 $3.333333430e-01, v33  }
0xca: {  	s0 =	sshrl.u32 s0, $0x3;
	[tilespmem:s29+$0x420] =	vst v34  }
0xcb: {  	s0 =	sadd.s32 s7, s0;
	[tilespmem:s29+$0x430] =	vst v33  }
0xcc: {  	[hbm4b:s0+s15] =	stream.strided.scatter [tilespmem:s24], [sflag:$0x5], $0x4000, s23, s15, $0x38;
	[tilespmem:$0x10400] =	vst v63  }
0xcd: {  	v51 =	vor.u32 s28, v0;
	_ =	swait.ge [sflag:s22], $0x100  }
0xce: {  	s8 =	sor.u32 $0x10, s28;
	v52 =	vmulhi.u32 $0x51EB851F, v51;
	[sflag:s22] =	ssyncset.done $0x0  }
0xcf: {  	v54 =	vor.u32 s8, v0;
	s8 =	sor.u32 $0x30, s28;
	[sflag:s22] =	ssyncadd.s32 $0xFFFFFF00  }
0xd0: {  	v56 =	vmulhi.u32 $0x51EB851F, v54;
	v41 =	vor.u32 s8, v0;
	v34 =	vshrl.u32 v52, $0x6;
	s29 =	sor.u32 $0x20, s28;
	_ =	swait.ge [sflag:s22], $0x100  }
0xd1: {  	s8 =	sor.u32 $0x50, s28;
	v43 =	vmulhi.u32 $0x51EB851F, v41;
	v34 =	vmul.u32 $0xC8, v34;
	v57 =	vor.u32 s29, v0;
	[sflag:s22] =	ssyncset.done $0x0  }
0xd2: {  	v50 =	vor.u32 s8, v0;
	s8 =	sor.u32 $0x70, s28;
	v58 =	vshrl.u32 v56, $0x6;
	v59 =	vmulhi.u32 $0x51EB851F, v57;
	[sflag:s22] =	ssyncadd.s32 $0xFFFFFF00  }
0xd3: {  	v33 =	vsub.s32 v51, v34;
	v34 =	vmul.u32 $0xC8, v58;
	v58 =	vor.u32 s8, v0;
	v53 =	vld [tilespmem:$0x200]  }
0xd4: {  	v38 =	vshrl.u32 v59, $0x6;
	v59 =	vmulhi.u32 $0x51EB851F, v58;
	v55 =	vld [tilespmem:$0x210]  }
0xd5: {  	v62 =	vshrl.u32 v43, $0x6;
	s29 =	sor.u32 $0x40, s28;
	v60 =	vld [tilespmem:$0x220]  }
0xd6: {  	v36 =	vmul.u32 $0xC8, v62;
	v63 =	vor.u32 s29, v0;
	v43 =	vshrl.u32 v59, $0x6;
	v42 =	vld [tilespmem:$0x230]  }
0xd7: {  	v49 =	vmulhi.u32 $0x51EB851F, v63;
	v62 =	vmul.u32 $0xC8, v43;
	v48 =	vld [tilespmem:$0x240]  }
0xd8: {  	v36 =	vsub.s32 v41, v36;
	v51 =	vmulhi.u32 $0x51EB851F, v50;
	v46 =	vld [tilespmem:$0x280]  }
0xd9: {  	v34 =	vsub.s32 v54, v34;
	v39 =	vshrl.u32 v49, $0x6;
	v41 =	vsub.s32 v58, v62;
	v58 =	vld [tilespmem:$0x290]  }
0xda: {  	v52 =	vshrl.u32 v51, $0x6;
	v61 =	vmul.u32 $0xC8, v38;
	v39 =	vmul.u32 $0xC8, v39  }
0xdb: {  	s29 =	sor.u32 $0x60, s28;
	v44 =	vld [tilespmem:$0x250];
	v35 =	vmul.u32 $0xC8, v53;
	v37 =	vmul.u32 $0xC8, v55;
	v40 =	vmul.u32 $0xC8, v60  }
0xdc: {  	v54 =	vld [tilespmem:$0x260];
	v42 =	vmul.u32 $0xC8, v42;
	v38 =	vmul.u32 $0xC8, v48;
	v53 =	vor.u32 s29, v0  }
0xdd: {  	v55 =	vmul.u32 $0xC8, v52;
	v46 =	vmul.u32 $0xC8, v46;
	v56 =	vmulhi.u32 $0x51EB851F, v53  }
0xde: {  	v62 =	vmul.u32 $0xC8, v58;
	v33 =	vadd.s32 v33, v35;
	v34 =	vadd.s32 v34, v37  }
0xdf: {  	s29 =	sor.u32 $0x80, s28;
	v35 =	vsub.s32 v57, v61;
	v36 =	vadd.s32 v36, v42;
	v37 =	vsub.s32 v63, v39  }
0xe0: {  	s8 =	sor.u32 $0x90, s28;
	v45 =	vld [tilespmem:$0x270];
	v57 =	vmul.u32 $0xC8, v44;
	v39 =	vsub.s32 v50, v55;
	v61 =	vor.u32 s29, v0  }
0xe1: {  	v42 =	vmul.u32 $0xC8, v54;
	v63 =	vor.u32 s8, v0;
	v35 =	vadd.s32 v35, v40  }
0xe2: {  	s29 =	sor.u32 $0xA0, s28;
	s8 =	sor.u32 $0xB0, s28;
	v37 =	vadd.s32 v37, v38;
	v40 =	vshrl.u32 v56, $0x6;
	v47 =	vmulhi.u32 $0x51EB851F, v61  }
0xe3: {  	v52 =	vld [tilespmem:$0x2B0];
	v56 =	vmulhi.u32 $0x51EB851F, v63;
	v48 =	vor.u32 s29, v0;
	v51 =	vor.u32 s8, v0  }
0xe4: {  	s29 =	sor.u32 $0xC0, s28;
	v38 =	vadd.s32 v39, v57;
	v60 =	vmul.u32 $0xC8, v40;
	v50 =	vmulhi.u32 $0x51EB851F, v48  }
0xe5: {  	v49 =	vld [tilespmem:$0x2A0];
	v57 =	vmul.u32 $0xC8, v45;
	v59 =	vmulhi.u32 $0x51EB851F, v51;
	v44 =	vor.u32 s29, v0  }
0xe6: {  	v55 =	vshrl.u32 v47, $0x6;
	v47 =	vshrl.u32 v56, $0x6;
	v54 =	vmulhi.u32 $0x51EB851F, v44  }
0xe7: {  	v39 =	vsub.s32 v53, v60;
	v47 =	vmul.u32 $0xC8, v47;
	v41 =	vadd.s32 v41, v57  }
0xe8: {  	[tilespmem:$0x200] =	vst v33;
	s8 =	sor.u32 $0xD0, s28;
	v53 =	vmul.u32 $0xC8, v52;
	v39 =	vadd.s32 v39, v42;
	v42 =	vmul.u32 $0xC8, v55  }
0xe9: {  	[tilespmem:$0x210] =	vst v34;
	v57 =	vor.u32 s8, v0;
	v56 =	vshrl.u32 v54, $0x6;
	v60 =	vsub.s32 v63, v47  }
0xea: {  	[tilespmem:$0x230] =	vst v36;
	v63 =	vmul.u32 $0xC8, v49;
	v49 =	vld [tilespmem:$0x2C0];
	v40 =	vsub.s32 v61, v42;
	v61 =	vshrl.u32 v50, $0x6  }
0xeb: {  	[tilespmem:$0x240] =	vst v37;
	v37 =	vmul.u32 $0xC8, v56;
	v42 =	vshrl.u32 v59, $0x6;
	v43 =	vmul.u32 $0xC8, v61  }
0xec: {  	v58 =	vld [tilespmem:$0x2D0];
	[tilespmem:$0x220] =	vst v35;
	s29 =	sor.u32 $0xE0, s28;
	v34 =	vadd.s32 v60, v62;
	v59 =	vmulhi.u32 $0x51EB851F, v57;
	v42 =	vmul.u32 $0xC8, v42  }
0xed: {  	[tilespmem:$0x250] =	vst v38;
	s8 =	sor.u32 $0xF0, s28;
	v60 =	vor.u32 s29, v0;
	v33 =	vadd.s32 v40, v46;
	v50 =	vsub.s32 v48, v43  }
0xee: {  	[tilespmem:$0x270] =	vst v41;
	v61 =	vld [tilespmem:$0x2E0];
	v55 =	vsub.s32 v51, v42;
	v48 =	vor.u32 s8, v0;
	v51 =	vshrl.u32 v59, $0x6  }
0xef: {  	[tilespmem:$0x260] =	vst v39;
	v35 =	vadd.s32 v50, v63;
	v62 =	vmul.u32 $0xC8, v49;
	v63 =	vmulhi.u32 $0x51EB851F, v60;
	v49 =	vld [tilespmem:$0x2F0]  }
0xf0: {  	[tilespmem:$0x290] =	vst v34;
	v36 =	vadd.s32 v55, v53;
	v50 =	vsub.s32 v44, v37;
	v52 =	vmulhi.u32 $0x51EB851F, v48  }
0xf1: {  	[tilespmem:$0x280] =	vst v33;
	v53 =	vmul.u32 $0xC8, v51;
	v55 =	vmul.u32 $0xC8, v58;
	v54 =	vshrl.u32 v63, $0x6  }
0xf2: {  	[tilespmem:$0x2A0] =	vst v35;
	v33 =	vadd.s32 v50, v62;
	v39 =	vshrl.u32 v52, $0x6;
	v37 =	vmul.u32 $0xC8, v54  }
0xf3: {  	[tilespmem:$0x2B0] =	vst v36;
	v34 =	vsub.s32 v57, v53;
	v56 =	vmul.u32 $0xC8, v61;
	v57 =	vmul.u32 $0xC8, v39  }
0xf4: {  	[tilespmem:$0x2C0] =	vst v33;
	v58 =	vadd.s32 v34, v55;
	v59 =	vsub.s32 v60, v37;
	v60 =	vmul.u32 $0xC8, v49  }
0xf5: {  	[tilespmem:$0x2D0] =	vst v58;
	v62 =	vsub.s32 v48, v57;
	v61 =	vadd.s32 v59, v56  }
0xf6: {  	[tilespmem:$0x2E0] =	vst v61;
	v63 =	vadd.s32 v62, v60  }
0xf7: {  	[tilespmem:$0x2F0] =	vst v63  }
0xf8: {  	_ =	swait.ge [sflag:s16], $0x2000  }
0xf9: {  	[sflag:s16] =	ssyncset.done $0x0  }
0xfa: {  	[sflag:s16] =	ssyncadd.s32 $0xFFFFE000  }
0xfb: {  	_ =	swait.ge [sflag:s16], $0x2000  }
0xfc: {  	[sflag:s16] =	ssyncset.done $0x0  }
0xfd: {  	[sflag:s16] =	ssyncadd.s32 $0xFFFFE000  }
0xfe: {  	_ =	swait.ge [sflag:s16], $0x2000  }
0xff: {  	[sflag:s16] =	ssyncset.done $0x0  }
0x100: {  	[sflag:s16] =	ssyncadd.s32 $0xFFFFE000  }
0x101: {  	s29 =	sshll.u32 s25, $0x6;
	_ =	swait.ge [sflag:s16], $0x2000  }
0x102: {  	s0 =	sadd.s32 s18, s29;
	[sflag:s16] =	ssyncset.done $0x0  }
0x103: {  	s28 =	simm.s32 $0x0;
	s8 =	sadd.s32 s5, s0;
	[sflag:s16] =	ssyncadd.s32 $0xFFFFE000  }
0x104: {  	[tilespmem:s20], [sflag:$0x2] =	stream.linear.gather [hbm4b:s8+s28], $0x100, $0x38;
	[tilespmem:$0x10400] =	vst v63  }
0x105: {  	s0 =	sadd.s32 s6, s0  }
0x106: {  	[tilespmem:s21], [sflag:$0x2] =	stream.linear.gather [hbm4b:s0+s28], $0x100, $0x38;
	[tilespmem:$0x10400] =	vst v63  }
0x107: {  	_ =	swait.ge [sflag:s17], $0x4000  }
0x108: {  	[sflag:s17] =	ssyncset.done $0x0  }
0x109: {  	[sflag:s17] =	ssyncadd.s32 $0xFFFFC000  }
0x10a: {  	[tilespmem:s24], [sflag:$0x3] =	stream.indirect.gather [hbm4b:s3+s23], $0x40, s28, s23, $0xb8;
	[tilespmem:$0x10400] =	vst v63  }
0x10b: {  	s8 =	simm.s32 $0x8400  }
0x10c: {  	[tilespmem:s8], [sflag:$0x3] =	stream.indirect.gather [hbm4b:s4+s23], $0x40, s19, s23, $0xb8;
	[tilespmem:$0x10400] =	vst v63  }
0x10d: {  	s29 =	simm.s32 $0x2400  }
0x10e: {  	[tilespmem:s29], [sflag:$0x3] =	stream.indirect.gather [hbm4b:s3+s23], $0x40, s23, s23, $0xb8;
	[tilespmem:$0x10400] =	vst v63  }
0x10f: {  	s28 =	simm.s32 $0x0;
	s8 =	simm.s32 $0x280;
	s29 =	simm.s32 $0xA400  }
0x110: {  	[tilespmem:s29], [sflag:$0x3] =	stream.indirect.gather [hbm4b:s4+s23], $0x40, s8, s23, $0xb8;
	[tilespmem:$0x10400] =	vst v63  }
0x111: {  	v35 =	vld [tilespmem:s28+$0xC400]  }
0x112: {  	v36 =	vld [tilespmem:s28+$0xC410]  }
0x113: {  	v34 =	vld [tilespmem:s28+$0xC420]  }
0x114: {  	v33 =	vld [tilespmem:s28+$0xC430]  }
0x115: {  	v38 =	vld [tilespmem:s28+$0x4400]  }
0x116: {  	v39 =	vld [tilespmem:s28+$0x4410]  }
0x117: {  	s0 =	simm.s32 $0x100;
	v37 =	vld [tilespmem:s28+$0x4420]  }
.LBB2_5:
0x118: {  	p0 =	sne.s32 s0, $0xFF00;
	v40 =	vld [tilespmem:s28+$0x4430];
	_ =	sdelay $0x1  }
0x119: {  	s8 =	sshra.s32 s0, $0x2;
	v38 =	vadd.f32 v35, v38  }
0x11a: {  	v35 =	vld [tilespmem:s8+$0xC400];
	v39 =	vadd.f32 v36, v39  }
0x11b: {  	v36 =	vld [tilespmem:s8+$0xC410];
	v38 =	vmul.f32 $3.333333430e-01, v38;
	v37 =	vadd.f32 v34, v37  }
.Ltmp1:
0x11c: {  	v34 =	vld [tilespmem:s8+$0xC420];
	v39 =	vmul.f32 $3.333333430e-01, v39;
	v40 =	vadd.f32 v33, v40;
	(pc) =	sbr.rel @p0 .LBB2_5-.Ltmp1, $4  }
0x11d: {  	v33 =	vld [tilespmem:s8+$0xC430];
	[tilespmem:s28+$0x4400] =	vst v38;
	v37 =	vmul.f32 $3.333333430e-01, v37  }
0x11e: {  	v38 =	vld [tilespmem:s8+$0x4400];
	[tilespmem:s28+$0x4410] =	vst v39;
	v40 =	vmul.f32 $3.333333430e-01, v40  }
0x11f: {  	v39 =	vld [tilespmem:s8+$0x4410];
	[tilespmem:s28+$0x4420] =	vst v37  }
0x120: {  	s0 =	sadd.s32 $0x100, s0;
	v37 =	vld [tilespmem:s8+$0x4420];
	[tilespmem:s28+$0x4430] =	vst v40;
	s28 =	smov.u32 s8  }
0x121: {  	v40 =	vld [tilespmem:s28+$0x4430];
	_ =	sdelay $0x1  }
0x122: {  	v35 =	vadd.f32 v35, v38  }
0x123: {  	v36 =	vadd.f32 v36, v39  }
0x124: {  	s25 =	sadd.s32 $0x1, s25;
	v35 =	vmul.f32 $3.333333430e-01, v35;
	v34 =	vadd.f32 v34, v37  }
0x125: {  	p0 =	sne.s32 s25, $0x31;
	v36 =	vmul.f32 $3.333333430e-01, v36;
	v33 =	vadd.f32 v33, v40  }
.Ltmp2:
0x126: {  	[tilespmem:s28+$0x4400] =	vst v35;
	v34 =	vmul.f32 $3.333333430e-01, v34;
	(pc) =	sbr.rel @p0 .LBB2_2-.Ltmp2, $4  }
0x127: {  	s0 =	sshll.u32 s26, $0x4;
	[tilespmem:s28+$0x4410] =	vst v36;
	v33 =	vmul.f32 $3.333333430e-01, v33  }
0x128: {  	s0 =	sand.u32 $0x1FFFF000, s0;
	[tilespmem:s28+$0x4420] =	vst v34  }
0x129: {  	s0 =	sadd.s32 s7, s0;
	[tilespmem:s28+$0x4430] =	vst v33  }
0x12a: {  	[hbm4b:s0+s15] =	stream.strided.scatter [tilespmem:s1], [sflag:$0x6], $0x4000, s23, s15, $0x38;
	[tilespmem:$0x10400] =	vst v63  }
0x12b: {  	_ =	swait.ge [sflag:s31], $0x2000  }
0x12c: {  	[sflag:s31] =	ssyncset.done $0x0  }
0x12d: {  	[sflag:s31] =	ssyncadd.s32 $0xFFFFE000  }
0x12e: {  	_ =	swait.ge [sflag:s31], $0x2000  }
0x12f: {  	[sflag:s31] =	ssyncset.done $0x0  }
0x130: {  	[sflag:s31] =	ssyncadd.s32 $0xFFFFE000  }
0x131: {  	_ =	swait.ge [sflag:s31], $0x2000  }
0x132: {  	[sflag:s31] =	ssyncset.done $0x0  }
0x133: {  	[sflag:s31] =	ssyncadd.s32 $0xFFFFE000  }
0x134: {  	_ =	swait.ge [sflag:s31], $0x2000  }
0x135: {  	[sflag:s31] =	ssyncset.done $0x0  }
0x136: {  	[sflag:s31] =	ssyncadd.s32 $0xFFFFE000  }
0x137: {  	_ =	swait.ge [sflag:s30], $0x100  }
0x138: {  	[sflag:s30] =	ssyncset.done $0x0  }
0x139: {  	[sflag:s30] =	ssyncadd.s32 $0xFFFFFF00  }
0x13a: {  	_ =	swait.ge [sflag:s30], $0x100  }
0x13b: {  	[sflag:s30] =	ssyncset.done $0x0  }
0x13c: {  	[sflag:s30] =	ssyncadd.s32 $0xFFFFFF00  }
0x13d: {  	v33 =	vld [tilespmem:$0x300]  }
0x13e: {  	v34 =	vld [tilespmem:$0x310]  }
0x13f: {  	v35 =	vld [tilespmem:$0x320]  }
0x140: {  	v36 =	vld [tilespmem:$0x330]  }
0x141: {  	v37 =	vld [tilespmem:$0x340]  }
0x142: {  	v38 =	vld [tilespmem:$0x350];
	v33 =	vmul.u32 $0xC8, v33  }
0x143: {  	v39 =	vld [tilespmem:$0x360];
	v34 =	vmul.u32 $0xC8, v34  }
0x144: {  	v40 =	vld [tilespmem:$0x370];
	v35 =	vmul.u32 $0xC8, v35;
	v33 =	vadd.s32 v17, v33  }
0x145: {  	v51 =	vld [tilespmem:$0x380];
	v50 =	vmul.u32 $0xC8, v36;
	v49 =	vadd.s32 v18, v34;
	[tilespmem:$0x300] =	vst v33  }
0x146: {  	v54 =	vld [tilespmem:$0x390];
	v53 =	vmul.u32 $0xC8, v37;
	v52 =	vadd.s32 v19, v35;
	[tilespmem:$0x310] =	vst v49  }
0x147: {  	v57 =	vld [tilespmem:$0x3A0];
	v56 =	vmul.u32 $0xC8, v38;
	v55 =	vadd.s32 v20, v50;
	[tilespmem:$0x320] =	vst v52  }
0x148: {  	v60 =	vld [tilespmem:$0x3B0];
	v59 =	vmul.u32 $0xC8, v39;
	v58 =	vadd.s32 v21, v53;
	[tilespmem:$0x330] =	vst v55  }
0x149: {  	v45 =	vld [tilespmem:$0x3D0];
	v62 =	vmul.u32 $0xC8, v40;
	v61 =	vadd.s32 v22, v56;
	[tilespmem:$0x340] =	vst v58  }
0x14a: {  	v48 =	vld [tilespmem:$0x3E0];
	v44 =	vmul.u32 $0xC8, v51;
	v43 =	vadd.s32 v23, v59;
	[tilespmem:$0x350] =	vst v61  }
0x14b: {  	v63 =	vld [tilespmem:$0x3C0];
	v47 =	vmul.u32 $0xC8, v54;
	v46 =	vadd.s32 v24, v62;
	[tilespmem:$0x360] =	vst v43  }
0x14c: {  	v51 =	vld [tilespmem:$0x3F0];
	v50 =	vmul.u32 $0xC8, v57;
	[tilespmem:$0x370] =	vst v46;
	v49 =	vadd.s32 v25, v44  }
0x14d: {  	v53 =	vmul.u32 $0xC8, v60;
	v52 =	vadd.s32 v26, v47;
	[tilespmem:$0x380] =	vst v49  }
0x14e: {  	v57 =	vmul.u32 $0xC8, v45;
	[tilespmem:$0x390] =	vst v52;
	v54 =	vadd.s32 v27, v50  }
0x14f: {  	v59 =	vmul.u32 $0xC8, v48;
	v56 =	vadd.s32 v28, v53;
	[tilespmem:$0x3A0] =	vst v54  }
0x150: {  	v55 =	vmul.u32 $0xC8, v63;
	v60 =	vadd.s32 v30, v57;
	[tilespmem:$0x3B0] =	vst v56  }
0x151: {  	v62 =	vadd.s32 v31, v59;
	v61 =	vmul.u32 $0xC8, v51;
	[tilespmem:$0x3D0] =	vst v60  }
0x152: {  	v58 =	vadd.s32 v29, v55;
	[tilespmem:$0x3E0] =	vst v62  }
0x153: {  	[tilespmem:$0x3C0] =	vst v58;
	v63 =	vadd.s32 v32, v61  }
0x154: {  	s26 =	simm.s32 $0x6;
	[tilespmem:$0x3F0] =	vst v63  }
0x155: {  	_ =	swait.ge [sflag:s26], $0x4000  }
0x156: {  	[sflag:s26] =	ssyncset.done $0x0  }
0x157: {  	[sflag:s26] =	ssyncadd.s32 $0xFFFFC000  }
0x158: {  	[tilespmem:s1], [sflag:$0x4] =	stream.indirect.gather [hbm4b:s3+s23], $0x40, s20, s23, $0xb8;
	[tilespmem:$0x10400] =	vst v63  }
0x159: {  	s0 =	simm.s32 $0xC400  }
0x15a: {  	[tilespmem:s0], [sflag:$0x4] =	stream.indirect.gather [hbm4b:s4+s23], $0x40, s21, s23, $0xb8;
	[tilespmem:$0x10400] =	vst v63  }
0x15b: {  	s29 =	simm.s32 $0x180  }
0x15c: {  	[tilespmem:s9], [sflag:$0x4] =	stream.indirect.gather [hbm4b:s3+s23], $0x40, s29, s23, $0xb8;
	[tilespmem:$0x10400] =	vst v63  }
0x15d: {  	s25 =	simm.s32 $0x0  }
0x15e: {  	[tilespmem:s11], [sflag:$0x4] =	stream.indirect.gather [hbm4b:s4+s23], $0x40, s10, s23, $0xb8;
	[tilespmem:$0x10400] =	vst v63  }
0x15f: {  	v35 =	vld [tilespmem:s25+$0x8400]  }
0x160: {  	v36 =	vld [tilespmem:s25+$0x8410]  }
0x161: {  	v34 =	vld [tilespmem:s25+$0x8420]  }
0x162: {  	v33 =	vld [tilespmem:s25+$0x8430]  }
0x163: {  	v38 =	vld [tilespmem:s25+$0x400]  }
0x164: {  	v39 =	vld [tilespmem:s25+$0x410]  }
0x165: {  	s0 =	simm.s32 $0x100;
	v37 =	vld [tilespmem:s25+$0x420]  }
.LBB2_8:
0x166: {  	p0 =	sne.s32 s0, $0xFF00;
	v40 =	vld [tilespmem:s25+$0x430];
	_ =	sdelay $0x1  }
0x167: {  	s8 =	sshra.s32 s0, $0x2;
	v38 =	vadd.f32 v35, v38  }
0x168: {  	v35 =	vld [tilespmem:s8+$0x8400];
	v39 =	vadd.f32 v36, v39  }
0x169: {  	v36 =	vld [tilespmem:s8+$0x8410];
	v38 =	vmul.f32 $3.333333430e-01, v38;
	v37 =	vadd.f32 v34, v37  }
.Ltmp3:
0x16a: {  	v34 =	vld [tilespmem:s8+$0x8420];
	v39 =	vmul.f32 $3.333333430e-01, v39;
	v40 =	vadd.f32 v33, v40;
	(pc) =	sbr.rel @p0 .LBB2_8-.Ltmp3, $4  }
0x16b: {  	v33 =	vld [tilespmem:s8+$0x8430];
	[tilespmem:s25+$0x400] =	vst v38;
	v37 =	vmul.f32 $3.333333430e-01, v37  }
0x16c: {  	v38 =	vld [tilespmem:s8+$0x400];
	[tilespmem:s25+$0x410] =	vst v39;
	v40 =	vmul.f32 $3.333333430e-01, v40  }
0x16d: {  	v39 =	vld [tilespmem:s8+$0x410];
	[tilespmem:s25+$0x420] =	vst v37  }
0x16e: {  	s0 =	sadd.s32 $0x100, s0;
	v37 =	vld [tilespmem:s8+$0x420];
	[tilespmem:s25+$0x430] =	vst v40;
	s25 =	smov.u32 s8  }
0x16f: {  	v40 =	vld [tilespmem:s25+$0x430];
	_ =	sdelay $0x1  }
0x170: {  	v35 =	vadd.f32 v35, v38  }
0x171: {  	v36 =	vadd.f32 v36, v39  }
0x172: {  	v35 =	vmul.f32 $3.333333430e-01, v35;
	v34 =	vadd.f32 v34, v37  }
0x173: {  	v36 =	vmul.f32 $3.333333430e-01, v36;
	v33 =	vadd.f32 v33, v40  }
0x174: {  	[tilespmem:s25+$0x400] =	vst v35;
	v34 =	vmul.f32 $3.333333430e-01, v34  }
0x175: {  	[tilespmem:s25+$0x410] =	vst v36;
	v33 =	vmul.f32 $3.333333430e-01, v33  }
0x176: {  	[tilespmem:s25+$0x420] =	vst v34  }
0x177: {  	s0 =	rddreg [dreg:$0x6];
	[tilespmem:s25+$0x430] =	vst v33  }
0x178: {  	[hbm4b:s0+s15] =	stream.strided.scatter [tilespmem:s24], [sflag:$0x5], $0x4000, s23, s15, $0x38;
	[tilespmem:$0x10400] =	vst v63  }
0x179: {  	_ =	swait.ge [sflag:s16], $0x2000  }
0x17a: {  	[sflag:s16] =	ssyncset.done $0x0  }
0x17b: {  	[sflag:s16] =	ssyncadd.s32 $0xFFFFE000  }
0x17c: {  	_ =	swait.ge [sflag:s16], $0x2000  }
0x17d: {  	[sflag:s16] =	ssyncset.done $0x0  }
0x17e: {  	[sflag:s16] =	ssyncadd.s32 $0xFFFFE000  }
0x17f: {  	_ =	swait.ge [sflag:s16], $0x2000  }
0x180: {  	[sflag:s16] =	ssyncset.done $0x0  }
0x181: {  	[sflag:s16] =	ssyncadd.s32 $0xFFFFE000  }
0x182: {  	_ =	swait.ge [sflag:s16], $0x2000  }
0x183: {  	[sflag:s16] =	ssyncset.done $0x0  }
0x184: {  	s25 =	simm.s32 $0x0;
	[sflag:s16] =	ssyncadd.s32 $0xFFFFE000  }
0x185: {  	v35 =	vld [tilespmem:s25+$0xC400]  }
0x186: {  	v36 =	vld [tilespmem:s25+$0xC410]  }
0x187: {  	v34 =	vld [tilespmem:s25+$0xC420]  }
0x188: {  	v33 =	vld [tilespmem:s25+$0xC430]  }
0x189: {  	v38 =	vld [tilespmem:s25+$0x4400]  }
0x18a: {  	v39 =	vld [tilespmem:s25+$0x4410]  }
0x18b: {  	s0 =	simm.s32 $0x100;
	v37 =	vld [tilespmem:s25+$0x4420]  }
.LBB2_10:
0x18c: {  	p0 =	sne.s32 s0, $0xFF00;
	v40 =	vld [tilespmem:s25+$0x4430];
	_ =	sdelay $0x1  }
0x18d: {  	s8 =	sshra.s32 s0, $0x2;
	v38 =	vadd.f32 v35, v38  }
0x18e: {  	v35 =	vld [tilespmem:s8+$0xC400];
	v39 =	vadd.f32 v36, v39  }
0x18f: {  	v36 =	vld [tilespmem:s8+$0xC410];
	v38 =	vmul.f32 $3.333333430e-01, v38;
	v37 =	vadd.f32 v34, v37  }
.Ltmp4:
0x190: {  	v34 =	vld [tilespmem:s8+$0xC420];
	v39 =	vmul.f32 $3.333333430e-01, v39;
	v40 =	vadd.f32 v33, v40;
	(pc) =	sbr.rel @p0 .LBB2_10-.Ltmp4, $4  }
0x191: {  	v33 =	vld [tilespmem:s8+$0xC430];
	[tilespmem:s25+$0x4400] =	vst v38;
	v37 =	vmul.f32 $3.333333430e-01, v37  }
0x192: {  	v38 =	vld [tilespmem:s8+$0x4400];
	[tilespmem:s25+$0x4410] =	vst v39;
	v40 =	vmul.f32 $3.333333430e-01, v40  }
0x193: {  	v39 =	vld [tilespmem:s8+$0x4410];
	[tilespmem:s25+$0x4420] =	vst v37  }
0x194: {  	s0 =	sadd.s32 $0x100, s0;
	v37 =	vld [tilespmem:s8+$0x4420];
	[tilespmem:s25+$0x4430] =	vst v40;
	s25 =	smov.u32 s8  }
0x195: {  	v40 =	vld [tilespmem:s25+$0x4430];
	_ =	sdelay $0x1  }
0x196: {  	v35 =	vadd.f32 v35, v38  }
0x197: {  	v36 =	vadd.f32 v36, v39  }
0x198: {  	v35 =	vmul.f32 $3.333333430e-01, v35;
	v34 =	vadd.f32 v34, v37  }
0x199: {  	v36 =	vmul.f32 $3.333333430e-01, v36;
	v33 =	vadd.f32 v33, v40  }
0x19a: {  	[tilespmem:s25+$0x4400] =	vst v35;
	v34 =	vmul.f32 $3.333333430e-01, v34  }
0x19b: {  	[tilespmem:s25+$0x4410] =	vst v36;
	v33 =	vmul.f32 $3.333333430e-01, v33  }
0x19c: {  	[tilespmem:s25+$0x4420] =	vst v34  }
0x19d: {  	s0 =	rddreg [dreg:$0x7];
	[tilespmem:s25+$0x4430] =	vst v33  }
0x19e: {  	[hbm4b:s0+s15] =	stream.strided.scatter [tilespmem:s1], [sflag:$0x6], $0x4000, s23, s15, $0x38;
	[tilespmem:$0x10400] =	vst v63  }
0x19f: {  	_ =	swait.ge [sflag:s17], $0x4000  }
0x1a0: {  	[sflag:s17] =	ssyncset.done $0x0  }
0x1a1: {  	[sflag:s17] =	ssyncadd.s32 $0xFFFFC000  }
0x1a2: {  	_ =	swait.ge [sflag:s26], $0x4000  }
0x1a3: {  	s8 =	rddreg [dreg:$0x9]  }
0x1a4: {  	s29 =	rddreg [dreg:$0x8];
	s8 =	sadd.s32 $0x1, s8  }
0x1a5: {  	p0 =	sne.s32 s8, s29  }
.Ltmp5:
0x1a6: {  	_ = 	snop;
	(pc) =	sbr.rel @p0 .LBB2_1-.Ltmp5, $3  }
0x1a7: {  	_ =	sdelay $0x1  }
0x1a8: {  	[sflag:s26] =	ssyncset.done $0x0  }
0x1a9: {  	[sflag:s26] =	ssyncadd.s32 $0xFFFFC000  }
0x1aa: {  	_ =	sfence.sel $0x180000  }
0x1ab: {  	[bflag:$0x0] =	sbarrier.arrive $0xFFFF  }
0x1ac: {  	_ =	strace $0x90000047  }
0x1ad: {  	s0 =	stileid.u32;
	[bflag:$0x2] =	sbarrier.arrive $0xFFFF  }
0x1ae: {  	p0 =	sne.s32 s0, $0x0;
	s0 =	rddreg [dreg:$0x1]  }
0x1af: {  	s0 =	sadd.s32 @!p0 $0x100000, s0  }
0x1b0: {  	[sflag:s0] =	ssyncadd.tile.s32 @!p0 $0x1;
	_ =	shalt  }
.Lfunc_end2:
_tile_overlayer_lowered:
.L_overlay_start_2:
0x1b1: {  	(tag) =	ssettag $0x2  }
0x1b2: {  	s0 =	rddreg [dreg:$0x0];
	s2 =	stileid.u32  }
0x1b3: {  	s1 =	rddreg [dreg:$0x1];
	p0 =	sne.s32 s2, $0x0  }
0x1b4: {  	s3 =	rddreg [dreg:$0x2];
	[bflag:$0x3] =	sbarrier.arrive $0xFFFF;
	s2 =	simm.s32 @!p0 $0x1C07  }
0x1b5: {  	[timem:s3], [sflag:s2] =	dma.local @!p0 [hbm:s0], s1  }
0x1b6: {  	s0 =	simm.s32 @!p0 $0x7  }
0x1b7: {  	_ =	swait.ge @!p0 [sflag:s0], s1  }
0x1b8: {  	s1 =	ssub.s32 @!p0 $0x0, s1;
	[sflag:s0] =	ssyncset.done @!p0 $0x0  }
0x1b9: {  	[sflag:s0] =	ssyncadd.s32 @!p0 s1  }
0x1ba: {  	[bflag:$0x3] =	sbarrier.arrive $0xFFFF  }
0x1bb: {  	_ =	shalt  }

// kernel: sparse-core-data-format-call.cloned.1.call-start
scs
called_computation_lowered:
.L_overlay_start_0:
0x0: {  	s2 =	sld [smem:$0x3FD9]  }
0x1: {  	s3 =	sld [smem:$0x3FFE];
	_ =	sdelay $0x1  }
0x2: {  	s1 =	srdreg.scid  }
0x3: {  	s0 =	sand.u32 $0x1, s1  }
0x4: {  	s18 =	sshll.u32 s0, $0xA;
	s2 =	sadd.s32 s3, s2  }
0x5: {  	s2 =	sadd.s32 s2, s18  }
0x6: {  	[smem:$0x3FC3] =	sst s2  }
0x7: {  	_ = 	snop  }
0x8: {  	s2 =	sld [smem:$0x3FD0];
	(tm) =	ssettm $0x1  }
0x9: {  	s19 =	sld [smem:$0x3FFB];
	_ =	sdelay $0x3  }
0xa: {  	_ =	strace s19  }
0xb: {  	s3 =	sld [smem:$0x3FFC];
	_ =	sdelay $0x3  }
0xc: {  	_ =	strace s3  }
0xd: {  	s3 =	sld [smem:$0x3FFD];
	_ =	sdelay $0x3  }
0xe: {  	_ =	strace s3  }
0xf: {  	_ =	strace $0x8FFFFFFF  }
0x10: {  	s20 =	sld [smem:$0x3FDB];
	_ =	sdelay $0x1  }
0x11: {  	s4 =	simm.s32 $_scs_section_size  }
0x12: {  	s5 =	simm.s32 $_size__tile_overlayer_lowered;
	s6 =	simm.s32 $_tile_overlayer_lowered  }
0x13: {  	s23 =	simm.s32 $0x1BFF;
	s22 =	sshll.u32 s6, $0x1;
	s3 =	sadd.s32 s4, s20  }
0x14: {  	s7 =	simm.s32 $0x0;
	s21 =	sshll.u32 s5, $0x1;
	s5 =	sadd.s32 s22, s3  }
0x15: {  	[timem:s7], [sflag:s23] =	dma.local [hbm:s5], s21  }
0x16: {  	_ =	swait.ge [sflag:s23], s21  }
0x17: {  	s4 =	ssub.s32 $0x0, s21;
	[sflag:s23] =	ssyncset.done $0x0  }
0x18: {  	[sflag:s23] =	ssyncadd.s32 s4;
	_ =	sdelay $0x1  }
0x19: {  	s24 =	simm.s32 $0x1B8B  }
0x1a: {  	_ =	swait.ge [sflag:s24], $0x1  }
0x1b: {  	[sflag:s24] =	ssyncset.done $0x0  }
0x1c: {  	s26 =	simm.s32 $0x1B8E;
	s25 =	sld [smem:$0x3FFE];
	[sflag:s24] =	ssyncadd.s32 $0xFFFFFFFF  }
0x1d: {  	s27 =	simm.s32 $execute0_lowered;
	[smem:$0x3FD2] =	sst s26  }
0x1e: {  	s5 =	sshll.u32 s27, $0x1;
	_ =	strace $0x80000049;
	[dreg:$0x1] =	wrdreg $0xFFFFFFFF  }
0x1f: {  	s28 =	simm.s32 $_size_execute0_lowered;
	s3 =	sadd.s32 s3, s5;
	[dreg:$0x0] =	wrdreg $0x0  }
0x20: {  	s5 =	sshll.u32 s28, $0x1;
	[dreg:$0x2] =	wrdreg s3  }
0x21: {  	[dreg:$0x3] =	wrdreg s5  }
0x22: {  	[dreg:$0x4] =	wrdreg $0xC0  }
0x23: {  	_ =	task [dreg:s7], $0x5FFFF  }
0x24: {  	[dreg:$0x1] =	wrdreg $0xFFFFFFFF  }
0x25: {  	[dreg:$0x0] =	wrdreg $0x60  }
0x26: {  	[dreg:$0x2] =	wrdreg s25  }
0x27: {  	[dreg:$0x3] =	wrdreg s2  }
0x28: {  	[dreg:$0x4] =	wrdreg $0x9  }
0x29: {  	_ =	task.clear_ibuf [dreg:s7], $0x5FFFF;
	_ =	strace $0x90000049  }
0x2a: {  	s29 =	simm.s32 $0x9;
	_ =	strace $0x8000004B  }
0x2b: {  	_ =	swait.ge [sflag:s29], $0x1  }
0x2c: {  	[sflag:s29] =	ssyncadd.s32 $0xFFFFFFFF  }
0x2d: {  	_ =	strace $0x9000004B  }
0x2e: {  	_ =	sfence  }
0x2f: {  	s30 =	sld [smem:$0x0];
	_ =	sdelay $0x2  }
0x30: {  	s31 =	sshll.u32 s1, $0xD;
	s1 =	sshrl.u32 s1, $0x2  }
0x31: {  	s3 =	sand.u32 $0x4000, s31;
	s1 =	sadd.s32 s1, s30  }
0x32: {  	s0 =	sor.u32 s3, s0;
	s1 =	sshll.u32 s1, $0x11  }
0x33: {  	s0 =	sor.u32 s1, s0  }
0x34: {  	s0 =	sadd.s32 $0x8F2B, s0  }
0x35: {  	[sflag:s0] =	ssyncadd.remote.s32 $0x1  }
0x36: {  	_ =	sfence.sel $0xFFFF  }
0x37: {  	[dreg:$0x0] =	wrdreg $0xFFFFFFFF;
	(pc) =	sbr.abs _section_cstart, $3  }
0x38: {  	[dreg:$0x1] =	wrdreg $0xFFFFFFFF  }
0x39: {  	_ =	task.clear_ibuf [dreg:s7], $0x2FFFF;
	_ =	strace $0x9FFFFFFF  }
0x3a: {  	(tm) =	ssettm $0x7FFFFFFF  }
0x3b: {  	_ =	shalt  }
tec
execute0_lowered:
.L_overlay_start_1:
0x0: {  	(tag) =	ssettag $0x1  }
0x1: {  	s0 =	srdreg.scid  }
0x2: {  	s1 =	sshll.u32 s0, $0x4  }
0x3: {  	s0 =	stileid.u32;
	s1 =	sand.u32 $0x10, s1  }
0x4: {  	s1 =	sor.u32 s0, s1  }
0x5: {  	s6 =	rddreg [dreg:$0x0];
	s4 =	simm.s32 $0x1;
	s2 =	sshll.u32 s1, $0x7  }
0x6: {  	s7 =	simm.s32 $0x2;
	s12 =	simm.s32 $0x0;
	s1 =	ssub.s32 $0x1000, s2  }
0x7: {  	s8 =	simm.s32 $0x8000;
	s13 =	simm.s32 $0x0;
	s3 =	sand.u32 $0xF80, s1  }
0x8: {  	s9 =	simm.s32 $0x0;
	s5 =	sshrl.u32 s1, $0xC;
	p0 =	sne.s32 s3, $0x0  }
.Ltmp0:
0x9: {  	s1 =	rddreg [dreg:$0x2];
	s4 =	simm.s32 @!p0 $0x0;
	(pc) =	sbr.rel .LBB1_1-.Ltmp0, $4  }
0xa: {  	s11 =	simm.s32 $0x0;
	s3 =	rddreg [dreg:$0x1];
	s5 =	sadd.s32 s4, s5  }
0xb: {  	_ =	strace $0x8000004A;
	s4 =	simm.s32 $0x1;
	s5 =	smul.u32 $0xC8, s5  }
0xc: {  	s6 =	sadd.s32 $0xF7E00, s6;
	s10 =	smov.u32 s2;
	[sflag:s4] =	ssyncpa.u1 $0x0  }
0xd: {  	p0 =	por $0x0, $0x0;
	[sflag:s7] =	ssyncpa.u1 $0x0;
	s7 =	sor.u32 $0x1, s5  }
.LBB1_4:
0xe: {  	s16 =	sshll.u32 s13, $0x3;
	s17 =	sand.u32 $0x78, s13  }
0xf: {  	s30 =	sand.u32 $0x7E00, s13;
	s12 =	sshll.u32 s12, $0xF;
	s16 =	sand.u32 $0xC00, s16  }
0x10: {  	[tilespmem:s15+$0x810 ss:$0x81] =	vst.msk $0xffff, v2;
	s31 =	sand.u32 $0x7, s13;
	s16 =	sor.u32 s17, s16;
	s17 =	sadd.s32 s3, s30  }
0x11: {  	[tilespmem:s15+$0x1020 ss:$0x81] =	vst.msk $0xffff, v0;
	s13 =	sshll.u32 s31, $0x12;
	s12 =	sadd.s32 s12, s17;
	s16 =	sshrl.u32 s16, $0x3  }
0x12: {  	[tilespmem:s15+$0x0 ss:$0x81] =	vst.msk $0xffff, v1;
	s13 =	sor.u32 $0x400, s13;
	s12 =	sadd.s32 s16, s12  }
0x13: {  	[hbm4b:s12+s13] =	stream.strided.scatter [tilespmem:s14], [sflag:$0x2], $0x2000, s8, s13, $0x20;
	[tilespmem:$0x8080] =	vst v63  }
.LBB1_5:
0x14: {  	s14 =	sadd.s32 $0x1, s9  }
0x15: {  	s12 =	sadd.s32 $0x1000, s10;
	s16 =	smov.u32 s10;
	p2 =	sgt.s32 s14, $0xC7  }
0x16: {  	s16 =	smov.u32 @p2 s12  }
0x17: {  	s14 =	simm.s32 @p2 $0x0;
	p2 =	sgt.s32 s16, $0xFFF  }
0x18: {  	s16 =	smov.u32 @p2 s2;
	p2 =	sne.s32 s11, s7  }
.Ltmp1:
0x19: {  	p1 =	slt.u32 s11, $0x2;
	(pc) =	sbr.rel @!p2 .LBB1_6-.Ltmp1, $4  }
0x1a: {  	s15 =	simm.s32 @!p1 $0x2  }
0x1b: {  	s13 =	smov.u32 s10;
	p0 =	por !p0, !p0;
	_ =	swait.ge @!p1 [sflag:s15], $0x2000  }
0x1c: {  	s12 =	smov.u32 s9;
	[sflag:s15] =	ssyncset.done @!p1 $0x0;
	s9 =	smov.u32 s14  }
0x1d: {  	s11 =	sadd.s32 $0x1, s11;
	[sflag:s15] =	ssyncadd.s32 @!p1 $0xFFFFE000;
	s10 =	smov.u32 s16  }
.LBB1_1:
0x1e: {  	p1 =	sge.u32 s11, s5  }
0x1f: {  	s14 =	sand.u32 @!p1 $0x1FFFFFF, s9  }
0x20: {  	s15 =	smulhi.u32 @!p1 $0x147AE15, s14;
	_ =	sdelay $0x1  }
0x21: {  	s15 =	smul.u32 @!p1 $0xC8, s15  }
0x22: {  	s16 =	sxor.u32 @!p1 $0xFFFFFFFF, s11;
	s17 =	smul.u32 @!p1 $0xC80, s10  }
0x23: {  	s31 =	sadd.s32 $0xFFFFFFFF, s11;
	s16 =	sshll.u32 @!p1 s16, $0xD;
	s14 =	ssub.s32 @!p1 s14, s15  }
0x24: {  	s15 =	sand.u32 @!p1 $0x2000, s16;
	s16 =	sadd.s32 @!p1 s6, s17;
	s14 =	sshll.u32 @!p1 s14, $0x4  }
0x25: {  	s17 =	simm.s32 @!p1 $0x6400;
	s14 =	sadd.s32 @!p1 s14, s16;
	s16 =	simm.s32 @!p1 $0x40  }
0x26: {  	[tilespmem:s15], [sflag:$0x1] =	stream.strided.gather @!p1 [hbm4b:s14+s16], $0x2000, s17, s16, $0x38;
	[tilespmem:$0x8080] =	vst v63  }
0x27: {  	p1 =	sge.u32 s31, s5  }
.Ltmp2:
0x28: {  	_ = 	snop;
	(pc) =	sbr.rel @p1 .LBB1_5-.Ltmp2, $1  }
0x29: {  	_ =	sdelay $0x3  }
0x2a: {  	s14 =	simm.s32 $0x1  }
0x2b: {  	_ =	swait.ge [sflag:s4], $0x2000;
	s14 =	simm.s32 @!p0 $0x0  }
0x2c: {  	[sflag:s4] =	ssyncset.done $0x0;
	s15 =	sshll.u32 s14, $0xD  }
0x2d: {  	[sflag:s4] =	ssyncadd.s32 $0xFFFFE000;
	s18 =	sor.u32 $0x20, s15  }
0x2e: {  	s14 =	smul.u32 $0x8100, s14;
	v3 =	vld [tilespmem:s18+$0x10]  }
0x2f: {  	s30 =	sand.u32 $0x1, s11;
	v2 =	vld [tilespmem:s18+$0xFFFFFFF0]  }
0x30: {  	s15 =	smul.u32 $0x8100, s30;
	s14 =	sshrl.u32 s14, $0x2;
	v0 =	vld [tilespmem:s18+$0x0]  }
0x31: {  	v1 =	vld [tilespmem:s18+$0xFFFFFFE0];
	s16 =	sor.u32 $0x4000, s14  }
0x32: {  	s31 =	sshrl.u32 s15, $0x2;
	s15 =	sadd.s32 $0x0, s16  }
0x33: {  	s17 =	simm.s32 $0x4;
	s18 =	sadd.s32 $0x40, s18;
	s14 =	sor.u32 $0x4000, s31;
	[tilespmem:s15+$0x1830 ss:$0x81] =	vst.msk $0xffff, v3  }
.LBB1_3:
0x34: {  	v3 =	vld [tilespmem:s18+$0x10];
	p1 =	sne.s32 s17, $0x1FC;
	[tilespmem:s15+$0x810 ss:$0x81] =	vst.msk $0xffff, v2;
	s19 =	smov.u32 s17;
	s17 =	sadd.s32 $0x4, s17  }
.Ltmp3:
0x35: {  	v2 =	vld [tilespmem:s18+$0xFFFFFFF0];
	[tilespmem:s15+$0x1020 ss:$0x81] =	vst.msk $0xffff, v0;
	(pc) =	sbr.rel @p1 .LBB1_3-.Ltmp3, $4  }
0x36: {  	v0 =	vld [tilespmem:s18+$0x0];
	[tilespmem:s15+$0x0 ss:$0x81] =	vst.msk $0xffff, v1  }
0x37: {  	s15 =	sshra.s32 s19, $0x2;
	v1 =	vld [tilespmem:s18+$0xFFFFFFE0]  }
0x38: {  	s15 =	sadd.s32 s15, s16  }
0x39: {  	s18 =	sadd.s32 $0x40, s18;
	[tilespmem:s15+$0x1830 ss:$0x81] =	vst.msk $0xffff, v3  }
.Ltmp4:
0x3a: {  	_ = 	snop;
	(pc) =	sbr.rel .LBB1_4-.Ltmp4, $1  }
0x3b: {  	_ =	sdelay $0x3  }
.LBB1_6:
0x3c: {  	_ =	sfence.sel $0x180000  }
0x3d: {  	s2 =	simm.s32 $0x1;
	[bflag:$0x0] =	sbarrier.arrive $0xFFFF  }
0x3e: {  	s31 =	simm.s32 $0x2;
	[sflag:s2] =	ssyncpa.u1 $0x1  }
0x3f: {  	[sflag:s31] =	ssyncpa.u1 $0x1  }
0x40: {  	p0 =	sne.s32 s0, $0x0;
	_ =	strace $0x9000004A  }
0x41: {  	s0 =	sadd.s32 @!p0 $0x100000, s1;
	[bflag:$0x2] =	sbarrier.arrive $0xFFFF  }
0x42: {  	[sflag:s0] =	ssyncadd.tile.s32 @!p0 $0x1;
	_ =	shalt  }
.Lfunc_end1:
_tile_overlayer_lowered:
.L_overlay_start_2:
0x43: {  	(tag) =	ssettag $0x2  }
0x44: {  	s0 =	rddreg [dreg:$0x0];
	s2 =	stileid.u32  }
0x45: {  	s1 =	rddreg [dreg:$0x1];
	p0 =	sne.s32 s2, $0x0  }
0x46: {  	s3 =	rddreg [dreg:$0x2];
	[bflag:$0x3] =	sbarrier.arrive $0xFFFF;
	s2 =	simm.s32 @!p0 $0x1C01  }
0x47: {  	[timem:s3], [sflag:s2] =	dma.local @!p0 [hbm:s0], s1  }
0x48: {  	s0 =	simm.s32 @!p0 $0x1  }
0x49: {  	_ =	swait.ge @!p0 [sflag:s0], s1  }
0x4a: {  	s1 =	ssub.s32 @!p0 $0x0, s1;
	[sflag:s0] =	ssyncset.done @!p0 $0x0  }
0x4b: {  	[sflag:s0] =	ssyncadd.s32 @!p0 s1  }
0x4c: {  	[bflag:$0x3] =	sbarrier.arrive $0xFFFF  }
0x4d: {  	_ =	shalt  }

</sc_bundles>
